<compile_context>
chip_gen: v7x
topology: tpu7x:2x2x1
jax: 0.10.2.dev20260603
libtpu: 0.0.44.dev20260713+nightly
codegen_flags: <defaults>
</compile_context>

<pallas_src>
import functools

import jax
import jax.numpy as jnp
from jax import lax
from jax.experimental import pallas as pl
from jax.experimental.pallas import tpu as pltpu
from jax.experimental.pallas import tpu_sc as plsc

NC = 2
NS = 16
NW = NC * NS
LANES = 16
B = 128


def _sc_mesh():
    return plsc.VectorSubcoreMesh(
        core_axis_name="c", subcore_axis_name="s",
        num_cores=NC, num_subcores=NS)


def _make_degree_kernel(n_acc, rows_per_tile):
    per_tile = n_acc // NS

    @functools.partial(
        pl.kernel,
        out_type=jax.ShapeDtypeStruct((NC, 2, n_acc), jnp.float32),
        mesh=_sc_mesh(),
        scratch_types=[
            pltpu.VMEM((2 * rows_per_tile, B), jnp.int32),
            pltpu.VMEM((B,), jnp.float32),
            pltpu.VMEM((B,), jnp.float32),
            pltpu.VMEM_SHARED((n_acc,), jnp.float32),
            pltpu.VMEM_SHARED((n_acc,), jnp.float32),
            pltpu.SemaphoreType.DMA,
        ],
    )
    def deg_kernel(dst0_hbm, dst1_hbm, ones_hbm, out_hbm, didx_v,
                   ones_v, z_v, acc0_sh, acc1_sh, sem):
        cid = lax.axis_index("c")
        sid = lax.axis_index("s")
        wid = cid * NS + sid
        pltpu.async_copy(
            dst0_hbm.at[pl.ds(wid * rows_per_tile, rows_per_tile)],
            didx_v.at[pl.ds(0, rows_per_tile)], sem)
        pltpu.async_copy(
            dst1_hbm.at[pl.ds(wid * rows_per_tile, rows_per_tile)],
            didx_v.at[pl.ds(rows_per_tile, rows_per_tile)], sem)
        zf = jnp.zeros((LANES,), jnp.float32)
        for i in range(B // LANES):
            z_v[pl.ds(i * LANES, LANES)] = zf
        for acc_sh in (acc0_sh, acc1_sh):
            @pl.loop(0, per_tile // B)
            def _zero(t, acc_sh=acc_sh):
                pltpu.sync_copy(
                    z_v, acc_sh.at[pl.ds(sid * per_tile + t * B, B)])
        pltpu.sync_copy(ones_hbm, ones_v)
        pltpu.make_async_copy(
            dst0_hbm.at[pl.ds(0, rows_per_tile)],
            didx_v.at[pl.ds(0, rows_per_tile)], sem).wait()
        pltpu.make_async_copy(
            dst0_hbm.at[pl.ds(0, rows_per_tile)],
            didx_v.at[pl.ds(0, rows_per_tile)], sem).wait()
        plsc.subcore_barrier()

        for step, acc_sh in ((0, acc0_sh), (1, acc1_sh)):
            @pl.loop(0, rows_per_tile)
            def _scatter(j, step=step, acc_sh=acc_sh):
                pltpu.async_copy(
                    ones_v,
                    acc_sh.at[didx_v.at[step * rows_per_tile + j]],
                    sem, add=True)

                @pl.when(j >= 16)
                def _():
                    pltpu.make_async_copy(
                        ones_v, acc_sh.at[didx_v.at[0]], sem).wait()

            @pl.loop(0, 16)
            def _drain(j, acc_sh=acc_sh):
                pltpu.make_async_copy(ones_v, acc_sh.at[didx_v.at[0]],
                                      sem).wait()

        plsc.subcore_barrier()
        pltpu.sync_copy(acc0_sh.at[pl.ds(sid * per_tile, per_tile)],
                        out_hbm.at[cid, 0, pl.ds(sid * per_tile,
                                                 per_tile)])
        pltpu.sync_copy(acc1_sh.at[pl.ds(sid * per_tile, per_tile)],
                        out_hbm.at[cid, 1, pl.ds(sid * per_tile,
                                                 per_tile)])

    return deg_kernel


def _make_edge_kernel(n, d, n_acc, rows_per_tile):
    acc_rows = n_acc // NS
    assert rows_per_tile % 2 == 0
    win = rows_per_tile // 2

    @functools.partial(
        pl.kernel,
        out_type=jax.ShapeDtypeStruct((NC, n_acc, d), jnp.float32),
        mesh=_sc_mesh(),
        scratch_types=[
            pltpu.VMEM((win, B), jnp.int32),
            pltpu.VMEM((win, B), jnp.int32),
            pltpu.VMEM((2, B, d), jnp.float32),
            pltpu.VMEM_SHARED((n_acc, d), jnp.float32),
            pltpu.SemaphoreType.DMA,
            pltpu.SemaphoreType.DMA,
            pltpu.SemaphoreType.DMA,
            pltpu.SemaphoreType.DMA,
        ],
    )
    def edge_kernel(src_hbm, dst_hbm, y_hbm, out_hbm, sidx_v, didx_v,
                    rows_v, acc_sh, gsem0, gsem1, ssem0, ssem1):
        cid = lax.axis_index("c")
        sid = lax.axis_index("s")
        wid = cid * NS + sid
        zf = jnp.zeros((LANES,), jnp.float32)
        for r in range(LANES):
            for i in range(d // LANES):
                rows_v[0, r, pl.ds(i * LANES, LANES)] = zf

        @pl.loop(0, acc_rows // LANES)
        def _zero(t):
            pltpu.sync_copy(
                rows_v.at[0, pl.ds(0, LANES)],
                acc_sh.at[pl.ds(sid * acc_rows + t * LANES, LANES)])

        plsc.subcore_barrier()

        gsems = (gsem0, gsem1)
        ssems = (ssem0, ssem1)
        for half in range(2):
            base = wid * rows_per_tile + half * win
            pltpu.async_copy(src_hbm.at[pl.ds(base, win)], sidx_v,
                             gsem0).wait()
            pltpu.async_copy(dst_hbm.at[pl.ds(base, win)], didx_v,
                             gsem0).wait()
            pltpu.async_copy(y_hbm.at[sidx_v.at[0]], rows_v.at[0],
                             gsem0)

            @pl.loop(0, win)
            def _edges(j):
                b = lax.rem(j, 2)
                for k in range(2):
                    @pl.when(b == k)
                    def _(k=k):
                        ko = 1 - k

                        @pl.when(j >= 1)
                        def _():
                            pltpu.make_async_copy(
                                rows_v.at[ko],
                                acc_sh.at[didx_v.at[j - 1]],
                                ssems[ko]).wait()

                        @pl.when(j + 1 < win)
                        def _():
                            pltpu.async_copy(y_hbm.at[sidx_v.at[j + 1]],
                                             rows_v.at[ko], gsems[ko])
                        pltpu.make_async_copy(
                            y_hbm.at[sidx_v.at[j]], rows_v.at[k],
                            gsems[k]).wait()
                        pltpu.async_copy(rows_v.at[k],
                                         acc_sh.at[didx_v.at[j]],
                                         ssems[k], add=True)

            lk = (win - 1) % 2
            pltpu.make_async_copy(rows_v.at[lk],
                                  acc_sh.at[didx_v.at[win - 1]],
                                  ssems[lk]).wait()
        plsc.subcore_barrier()
        pltpu.sync_copy(acc_sh.at[pl.ds(sid * acc_rows, acc_rows)],
                        out_hbm.at[cid, pl.ds(sid * acc_rows, acc_rows)])

    return edge_kernel


def _tc_matmul_scale(h, w, dp0, dp1, block_rows):
    n, d = h.shape

    def body(h_ref, w_ref, dp0_ref, dp1_ref, y_ref):
        dis = lax.rsqrt(1.0 + dp0_ref[...] + dp1_ref[...])
        xw = jnp.dot(h_ref[...], w_ref[...],
                     preferred_element_type=jnp.float32)
        y_ref[...] = xw * dis

    return pl.pallas_call(
        body,
        grid=(n // block_rows,),
        in_specs=[
            pl.BlockSpec((block_rows, d), lambda i: (i, 0)),
            pl.BlockSpec((d, d), lambda i: (0, 0)),
            pl.BlockSpec((block_rows, 1), lambda i: (i, 0)),
            pl.BlockSpec((block_rows, 1), lambda i: (i, 0)),
        ],
        out_specs=pl.BlockSpec((block_rows, d), lambda i: (i, 0)),
        out_shape=jax.ShapeDtypeStruct((n, d), jnp.float32),
    )(h, w, dp0, dp1)


def _tc_finalize_matmul(parts, y, dp0, dp1, b2d, w_next, dpn0, dpn1,
                        block_rows):
    n, d = y.shape

    def body(p0_ref, p1_ref, y_ref, dp0_ref, dp1_ref, b_ref, w_ref,
             dpn0_ref, dpn1_ref, o_ref):
        dis = lax.rsqrt(1.0 + dp0_ref[...] + dp1_ref[...])
        t = (p0_ref[0] + p1_ref[0] + y_ref[...]) * dis + b_ref[...]
        t = jnp.maximum(t, 0.0)
        nrm = jnp.sqrt(jnp.sum(t * t, axis=1, keepdims=True))
        h = t / jnp.maximum(nrm, 1e-12)
        disn = lax.rsqrt(1.0 + dpn0_ref[...] + dpn1_ref[...])
        o_ref[...] = jnp.dot(h, w_ref[...],
                             preferred_element_type=jnp.float32) * disn

    row_spec = pl.BlockSpec((block_rows, d), lambda i: (i, 0))
    col_spec = pl.BlockSpec((block_rows, 1), lambda i: (i, 0))
    part0_spec = pl.BlockSpec((1, block_rows, d), lambda i: (0, i, 0))
    part1_spec = pl.BlockSpec((1, block_rows, d), lambda i: (1, i, 0))
    return pl.pallas_call(
        body,
        grid=(n // block_rows,),
        in_specs=[
            part0_spec, part1_spec, row_spec, col_spec, col_spec,
            pl.BlockSpec((1, d), lambda i: (0, 0)),
            pl.BlockSpec((d, d), lambda i: (0, 0)),
            col_spec, col_spec,
        ],
        out_specs=row_spec,
        out_shape=jax.ShapeDtypeStruct((n, d), jnp.float32),
    )(parts, parts, y, dp0, dp1, b2d, w_next, dpn0, dpn1)


def _tc_finalize(parts, y, dp0, dp1, b2d, relu, block_rows):
    n, d = y.shape

    def body(p0_ref, p1_ref, y_ref, dp0_ref, dp1_ref, b_ref, o_ref):
        dis = lax.rsqrt(1.0 + dp0_ref[...] + dp1_ref[...])
        t = (p0_ref[0] + p1_ref[0] + y_ref[...]) * dis + b_ref[...]
        if relu:
            t = jnp.maximum(t, 0.0)
        nrm = jnp.sqrt(jnp.sum(t * t, axis=1, keepdims=True))
        o_ref[...] = t / jnp.maximum(nrm, 1e-12)

    return pl.pallas_call(
        body,
        grid=(n // block_rows,),
        in_specs=[
            pl.BlockSpec((1, block_rows, d), lambda i: (0, i, 0)),
            pl.BlockSpec((1, block_rows, d), lambda i: (1, i, 0)),
            pl.BlockSpec((block_rows, d), lambda i: (i, 0)),
            pl.BlockSpec((block_rows, 1), lambda i: (i, 0)),
            pl.BlockSpec((block_rows, 1), lambda i: (i, 0)),
            pl.BlockSpec((1, d), lambda i: (0, 0)),
        ],
        out_specs=pl.BlockSpec((block_rows, d), lambda i: (i, 0)),
        out_shape=jax.ShapeDtypeStruct((n, d), jnp.float32),
    )(parts, parts, y, dp0, dp1, b2d)


def kernel(x, edge_index_list, W0, b0, W1, b1):
    n, d = x.shape
    num_steps = edge_index_list.shape[0]
    e = edge_index_list.shape[2]

    n_acc = ((n + B) + 1023) // 1024 * 1024
    ept = -(-e // (NW * 1024)) * 1024
    e_pad = NW * ept
    pad_len = e_pad - e

    idx_dtype = edge_index_list.dtype
    pad_cycle = jnp.arange(pad_len, dtype=idx_dtype) % B
    pad_src = pad_cycle
    pad_dst = n + pad_cycle

    src2d = []
    dst2d = []
    for s in range(num_steps):
        src_s = jnp.concatenate([edge_index_list[s, 0], pad_src])
        dst_s = jnp.concatenate([edge_index_list[s, 1], pad_dst])
        src2d.append(src_s.reshape(e_pad // B, B))
        dst2d.append(dst_s.reshape(e_pad // B, B))

    ones_row = jnp.ones((B,), jnp.float32)
    deg_kernel = _make_degree_kernel(n_acc, ept // B)
    degp = deg_kernel(dst2d[0], dst2d[1], ones_row)

    edge_kernel = _make_edge_kernel(n, d, n_acc, ept // B)
    block_rows = 2000

    dps = [(degp[0, s, :n].reshape(n, 1), degp[1, s, :n].reshape(n, 1))
           for s in range(num_steps)]

    y = _tc_matmul_scale(x, W0, dps[0][0], dps[0][1], block_rows)
    parts = edge_kernel(src2d[0], dst2d[0], y)
    y = _tc_finalize_matmul(parts, y, dps[0][0], dps[0][1],
                            b0.reshape(1, d), W1, dps[1][0], dps[1][1],
                            block_rows)
    parts = edge_kernel(src2d[1], dst2d[1], y)
    return _tc_finalize(parts, y, dps[1][0], dps[1][1],
                        b1.reshape(1, d), False, block_rows)

# --- scband reference (transcript-rebuilt; emitter-appended) ---
"""Pipeline reference for scband-peabase-channel-50302656971244 (READ-ONLY COPY).

The authoritative reference and input builder live on the scoring server;
editing this copy changes nothing except your own understanding.
"""

import jax, jax.numpy as jnp
import numpy as np

N = 10000
E = 320000
D = 128
NUM_STEPS = 2


def _l2_normalize(x, eps=1e-12):
    n = jnp.sqrt(jnp.sum(x * x, axis=1, keepdims=True))
    return x / jnp.maximum(n, eps)


def _gcn_conv(x, edge_index, W, b):
    # PyG-style GCNConv: add self loops, symmetric normalization D^-1/2 A_hat D^-1/2 x W + b
    n = x.shape[0]
    loop = jnp.arange(n, dtype=edge_index.dtype)
    src = jnp.concatenate([edge_index[0], loop])
    dst = jnp.concatenate([edge_index[1], loop])
    deg = jnp.zeros((n,), dtype=x.dtype).at[dst].add(1.0)
    dis = jnp.where(deg > 0, 1.0 / jnp.sqrt(deg), 0.0)
    norm = dis[src] * dis[dst]
    xw = x @ W
    msg = xw[src] * norm[:, None]
    out = jnp.zeros((n, W.shape[1]), dtype=x.dtype).at[dst].add(msg)
    return out + b


def setup_inputs(seed: int = 0) -> dict:
    key = jax.random.key(seed)
    k1, k2, k3, k4 = jax.random.split(key, 4)
    x = jax.random.normal(k1, (N, D), dtype=jnp.float32)
    edge_index_list = jax.random.randint(k2, (NUM_STEPS, 2, E), 0, N, dtype=jnp.int32)
    W0 = jax.random.normal(k3, (D, D), dtype=jnp.float32) * (1.0 / np.sqrt(D))
    b0 = jnp.zeros((D,), dtype=jnp.float32)
    W1 = jax.random.normal(k4, (D, D), dtype=jnp.float32) * (1.0 / np.sqrt(D))
    b1 = jnp.zeros((D,), dtype=jnp.float32)
    return {"x": x, "edge_index_list": edge_index_list, "W0": W0, "b0": b0, "W1": W1, "b1": b1}


def reference(x, edge_index_list, W0, b0, W1, b1):
    # PEABaseChannel.forward with num_steps=2; dropout is identity (eval mode)
    Ws = [W0, W1]
    bs = [b0, b1]
    h = x
    for step_idx in range(NUM_STEPS - 1):
        h = jax.nn.relu(_gcn_conv(h, edge_index_list[step_idx], Ws[step_idx], bs[step_idx]))
        # message dropout -> identity at eval
        h = _l2_normalize(h)
    h = _gcn_conv(h, edge_index_list[NUM_STEPS - 1], Ws[-1], bs[-1])
    h = _l2_normalize(h)
    return h

if __name__ == "__main__":
    import jax
    _d = setup_inputs()
    print(jax.jit(kernel)(*tuple(_d.values())))

</pallas_src>

<mosaic_0001>
#map = affine_map<(d0, d1) -> (0, 0)>
#map1 = affine_map<(d0, d1) -> (0, 0, 0)>
module attributes {stable_mosaic.version = 14 : i64} {
  func.func @edge_kernel(%arg0: i32, %arg1: i32, %arg2: memref<2560x128xi32, #tpu.memory_space<hbm>>, %arg3: memref<2560x128xi32, #tpu.memory_space<hbm>>, %arg4: memref<10000x128xf32, #tpu.memory_space<hbm>>, %arg5: memref<2x10240x128xf32, #tpu.memory_space<hbm>>, %arg6: memref<40x128xi32, #tpu.memory_space<vmem>>, %arg7: memref<40x128xi32, #tpu.memory_space<vmem>>, %arg8: memref<2x128x128xf32, #tpu.memory_space<vmem>>, %arg9: memref<10240x128xf32, #tpu.memory_space<vmem_shared>>, %arg10: memref<!tpu.dma_semaphore, #tpu.memory_space<semaphore_mem>>, %arg11: memref<!tpu.dma_semaphore, #tpu.memory_space<semaphore_mem>>, %arg12: memref<!tpu.dma_semaphore, #tpu.memory_space<semaphore_mem>>, %arg13: memref<!tpu.dma_semaphore, #tpu.memory_space<semaphore_mem>>) attributes {dimension_semantics = [#tpu.dimension_semantics<core_parallel>, #tpu.dimension_semantics<subcore_parallel>], iteration_bounds = array<i64: 2, 16>, scalar_prefetch = 0 : i64, scratch_operands = 8 : i64, tpu.core_type = #tpu.core_type<sc_vector_subcore>, window_params = [{transform_indices = #map}, {transform_indices = #map}, {transform_indices = #map}, {transform_indices = #map1}]} {
    %mul3A = arith.constant 16 : i32
    %mul3A_0 = arith.muli %arg0, %mul3A : i32
    %add3A = arith.addi %mul3A_0, %arg1 : i32
    %broadcast_in_dim3A = arith.constant 0.000000e+00 : f32
    %broadcast_in_dim3A_1 = vector.broadcast %broadcast_in_dim3A : f32 to vector<16xf32>
    %swap3A = arith.constant 0 : i32
    %swap3A_2 = arith.constant 0 : i32
    %swap3A_3 = arith.index_cast %swap3A : i32 to index
    %swap3A_4 = arith.index_cast %swap3A_2 : i32 to index
    %swap3A_5 = arith.constant 0 : index
    %swap3A_6 = tpu.vector_load %arg8[%swap3A_3, %swap3A_4, %swap3A_5] {strides = array<i32>} : memref<2x128x128xf32, #tpu.memory_space<vmem>>, vector<1x1x16xf32>,
    %swap3A_7 = vector.shape_cast %swap3A_6 : vector<1x1x16xf32> to vector<16xf32>
    %swap3A_8 = vector.shape_cast %broadcast_in_dim3A_1 : vector<16xf32> to vector<1x1x16xf32>
    tpu.vector_store %arg8[%swap3A_3, %swap3A_4, %swap3A_5], %swap3A_8 {strides = array<i32>} : memref<2x128x128xf32, #tpu.memory_space<vmem>>, vector<1x1x16xf32>,
    %swap3A_9 = arith.constant 0 : i32
    %swap3A_10 = arith.constant 0 : i32
    %swap3A_11 = arith.index_cast %swap3A_9 : i32 to index
    %swap3A_12 = arith.index_cast %swap3A_10 : i32 to index
    %swap3A_13 = arith.constant 16 : index
    %swap3A_14 = tpu.vector_load %arg8[%swap3A_11, %swap3A_12, %swap3A_13] {strides = array<i32>} : memref<2x128x128xf32, #tpu.memory_space<vmem>>, vector<1x1x16xf32>,
    %swap3A_15 = vector.shape_cast %swap3A_14 : vector<1x1x16xf32> to vector<16xf32>
    %swap3A_16 = vector.shape_cast %broadcast_in_dim3A_1 : vector<16xf32> to vector<1x1x16xf32>
    tpu.vector_store %arg8[%swap3A_11, %swap3A_12, %swap3A_13], %swap3A_16 {strides = array<i32>} : memref<2x128x128xf32, #tpu.memory_space<vmem>>, vector<1x1x16xf32>,
    %swap3A_17 = arith.constant 0 : i32
    %swap3A_18 = arith.constant 0 : i32
    %swap3A_19 = arith.index_cast %swap3A_17 : i32 to index
    %swap3A_20 = arith.index_cast %swap3A_18 : i32 to index
    %swap3A_21 = arith.constant 32 : index
    %swap3A_22 = tpu.vector_load %arg8[%swap3A_19, %swap3A_20, %swap3A_21] {strides = array<i32>} : memref<2x128x128xf32, #tpu.memory_space<vmem>>, vector<1x1x16xf32>,
    %swap3A_23 = vector.shape_cast %swap3A_22 : vector<1x1x16xf32> to vector<16xf32>
    %swap3A_24 = vector.shape_cast %broadcast_in_dim3A_1 : vector<16xf32> to vector<1x1x16xf32>
    tpu.vector_store %arg8[%swap3A_19, %swap3A_20, %swap3A_21], %swap3A_24 {strides = array<i32>} : memref<2x128x128xf32, #tpu.memory_space<vmem>>, vector<1x1x16xf32>,
    %swap3A_25 = arith.constant 0 : i32
    %swap3A_26 = arith.constant 0 : i32
    %swap3A_27 = arith.index_cast %swap3A_25 : i32 to index
    %swap3A_28 = arith.index_cast %swap3A_26 : i32 to index
    %swap3A_29 = arith.constant 48 : index
    %swap3A_30 = tpu.vector_load %arg8[%swap3A_27, %swap3A_28, %swap3A_29] {strides = array<i32>} : memref<2x128x128xf32, #tpu.memory_space<vmem>>, vector<1x1x16xf32>,
    %swap3A_31 = vector.shape_cast %swap3A_30 : vector<1x1x16xf32> to vector<16xf32>
    %swap3A_32 = vector.shape_cast %broadcast_in_dim3A_1 : vector<16xf32> to vector<1x1x16xf32>
    tpu.vector_store %arg8[%swap3A_27, %swap3A_28, %swap3A_29], %swap3A_32 {strides = array<i32>} : memref<2x128x128xf32, #tpu.memory_space<vmem>>, vector<1x1x16xf32>,
    %swap3A_33 = arith.constant 0 : i32
    %swap3A_34 = arith.constant 0 : i32
    %swap3A_35 = arith.index_cast %swap3A_33 : i32 to index
    %swap3A_36 = arith.index_cast %swap3A_34 : i32 to index
    %swap3A_37 = arith.constant 64 : index
    %swap3A_38 = tpu.vector_load %arg8[%swap3A_35, %swap3A_36, %swap3A_37] {strides = array<i32>} : memref<2x128x128xf32, #tpu.memory_space<vmem>>, vector<1x1x16xf32>,
    %swap3A_39 = vector.shape_cast %swap3A_38 : vector<1x1x16xf32> to vector<16xf32>
    %swap3A_40 = vector.shape_cast %broadcast_in_dim3A_1 : vector<16xf32> to vector<1x1x16xf32>
    tpu.vector_store %arg8[%swap3A_35, %swap3A_36, %swap3A_37], %swap3A_40 {strides = array<i32>} : memref<2x128x128xf32, #tpu.memory_space<vmem>>, vector<1x1x16xf32>,
    %swap3A_41 = arith.constant 0 : i32
    %swap3A_42 = arith.constant 0 : i32
    %swap3A_43 = arith.index_cast %swap3A_41 : i32 to index
    %swap3A_44 = arith.index_cast %swap3A_42 : i32 to index
    %swap3A_45 = arith.constant 80 : index
    %swap3A_46 = tpu.vector_load %arg8[%swap3A_43, %swap3A_44, %swap3A_45] {strides = array<i32>} : memref<2x128x128xf32, #tpu.memory_space<vmem>>, vector<1x1x16xf32>,
    %swap3A_47 = vector.shape_cast %swap3A_46 : vector<1x1x16xf32> to vector<16xf32>
    %swap3A_48 = vector.shape_cast %broadcast_in_dim3A_1 : vector<16xf32> to vector<1x1x16xf32>
    tpu.vector_store %arg8[%swap3A_43, %swap3A_44, %swap3A_45], %swap3A_48 {strides = array<i32>} : memref<2x128x128xf32, #tpu.memory_space<vmem>>, vector<1x1x16xf32>,
    %swap3A_49 = arith.constant 0 : i32
    %swap3A_50 = arith.constant 0 : i32
    %swap3A_51 = arith.index_cast %swap3A_49 : i32 to index
    %swap3A_52 = arith.index_cast %swap3A_50 : i32 to index
    %swap3A_53 = arith.constant 96 : index
    %swap3A_54 = tpu.vector_load %arg8[%swap3A_51, %swap3A_52, %swap3A_53] {strides = array<i32>} : memref<2x128x128xf32, #tpu.memory_space<vmem>>, vector<1x1x16xf32>,
    %swap3A_55 = vector.shape_cast %swap3A_54 : vector<1x1x16xf32> to vector<16xf32>
    %swap3A_56 = vector.shape_cast %broadcast_in_dim3A_1 : vector<16xf32> to vector<1x1x16xf32>
    tpu.vector_store %arg8[%swap3A_51, %swap3A_52, %swap3A_53], %swap3A_56 {strides = array<i32>} : memref<2x128x128xf32, #tpu.memory_space<vmem>>, vector<1x1x16xf32>,
    %swap3A_57 = arith.constant 0 : i32
    %swap3A_58 = arith.constant 0 : i32
    %swap3A_59 = arith.index_cast %swap3A_57 : i32 to index
    %swap3A_60 = arith.index_cast %swap3A_58 : i32 to index
    %swap3A_61 = arith.constant 112 : index
    %swap3A_62 = tpu.vector_load %arg8[%swap3A_59, %swap3A_60, %swap3A_61] {strides = array<i32>} : memref<2x128x128xf32, #tpu.memory_space<vmem>>, vector<1x1x16xf32>,
    %swap3A_63 = vector.shape_cast %swap3A_62 : vector<1x1x16xf32> to vector<16xf32>
    %swap3A_64 = vector.shape_cast %broadcast_in_dim3A_1 : vector<16xf32> to vector<1x1x16xf32>
    tpu.vector_store %arg8[%swap3A_59, %swap3A_60, %swap3A_61], %swap3A_64 {strides = array<i32>} : memref<2x128x128xf32, #tpu.memory_space<vmem>>, vector<1x1x16xf32>,
    %swap3A_65 = arith.constant 0 : i32
    %swap3A_66 = arith.constant 1 : i32
    %swap3A_67 = arith.index_cast %swap3A_65 : i32 to index
    %swap3A_68 = arith.index_cast %swap3A_66 : i32 to index
    %swap3A_69 = arith.constant 0 : index
    %swap3A_70 = tpu.vector_load %arg8[%swap3A_67, %swap3A_68, %swap3A_69] {strides = array<i32>} : memref<2x128x128xf32, #tpu.memory_space<vmem>>, vector<1x1x16xf32>,
    %swap3A_71 = vector.shape_cast %swap3A_70 : vector<1x1x16xf32> to vector<16xf32>
    %swap3A_72 = vector.shape_cast %broadcast_in_dim3A_1 : vector<16xf32> to vector<1x1x16xf32>
    tpu.vector_store %arg8[%swap3A_67, %swap3A_68, %swap3A_69], %swap3A_72 {strides = array<i32>} : memref<2x128x128xf32, #tpu.memory_space<vmem>>, vector<1x1x16xf32>,
    %swap3A_73 = arith.constant 0 : i32
    %swap3A_74 = arith.constant 1 : i32
    %swap3A_75 = arith.index_cast %swap3A_73 : i32 to index
    %swap3A_76 = arith.index_cast %swap3A_74 : i32 to index
    %swap3A_77 = arith.constant 16 : index
    %swap3A_78 = tpu.vector_load %arg8[%swap3A_75, %swap3A_76, %swap3A_77] {strides = array<i32>} : memref<2x128x128xf32, #tpu.memory_space<vmem>>, vector<1x1x16xf32>,
    %swap3A_79 = vector.shape_cast %swap3A_78 : vector<1x1x16xf32> to vector<16xf32>
    %swap3A_80 = vector.shape_cast %broadcast_in_dim3A_1 : vector<16xf32> to vector<1x1x16xf32>
    tpu.vector_store %arg8[%swap3A_75, %swap3A_76, %swap3A_77], %swap3A_80 {strides = array<i32>} : memref<2x128x128xf32, #tpu.memory_space<vmem>>, vector<1x1x16xf32>,
    %swap3A_81 = arith.constant 0 : i32
    %swap3A_82 = arith.constant 1 : i32
    %swap3A_83 = arith.index_cast %swap3A_81 : i32 to index
    %swap3A_84 = arith.index_cast %swap3A_82 : i32 to index
    %swap3A_85 = arith.constant 32 : index
    %swap3A_86 = tpu.vector_load %arg8[%swap3A_83, %swap3A_84, %swap3A_85] {strides = array<i32>} : memref<2x128x128xf32, #tpu.memory_space<vmem>>, vector<1x1x16xf32>,
    %swap3A_87 = vector.shape_cast %swap3A_86 : vector<1x1x16xf32> to vector<16xf32>
    %swap3A_88 = vector.shape_cast %broadcast_in_dim3A_1 : vector<16xf32> to vector<1x1x16xf32>
    tpu.vector_store %arg8[%swap3A_83, %swap3A_84, %swap3A_85], %swap3A_88 {strides = array<i32>} : memref<2x128x128xf32, #tpu.memory_space<vmem>>, vector<1x1x16xf32>,
    %swap3A_89 = arith.constant 0 : i32
    %swap3A_90 = arith.constant 1 : i32
    %swap3A_91 = arith.index_cast %swap3A_89 : i32 to index
    %swap3A_92 = arith.index_cast %swap3A_90 : i32 to index
    %swap3A_93 = arith.constant 48 : index
    %swap3A_94 = tpu.vector_load %arg8[%swap3A_91, %swap3A_92, %swap3A_93] {strides = array<i32>} : memref<2x128x128xf32, #tpu.memory_space<vmem>>, vector<1x1x16xf32>,
    %swap3A_95 = vector.shape_cast %swap3A_94 : vector<1x1x16xf32> to vector<16xf32>
    %swap3A_96 = vector.shape_cast %broadcast_in_dim3A_1 : vector<16xf32> to vector<1x1x16xf32>
    tpu.vector_store %arg8[%swap3A_91, %swap3A_92, %swap3A_93], %swap3A_96 {strides = array<i32>} : memref<2x128x128xf32, #tpu.memory_space<vmem>>, vector<1x1x16xf32>,
    %swap3A_97 = arith.constant 0 : i32
    %swap3A_98 = arith.constant 1 : i32
    %swap3A_99 = arith.index_cast %swap3A_97 : i32 to index
    %swap3A_100 = arith.index_cast %swap3A_98 : i32 to index
    %swap3A_101 = arith.constant 64 : index
    %swap3A_102 = tpu.vector_load %arg8[%swap3A_99, %swap3A_100, %swap3A_101] {strides = array<i32>} : memref<2x128x128xf32, #tpu.memory_space<vmem>>, vector<1x1x16xf32>,
    %swap3A_103 = vector.shape_cast %swap3A_102 : vector<1x1x16xf32> to vector<16xf32>
    %swap3A_104 = vector.shape_cast %broadcast_in_dim3A_1 : vector<16xf32> to vector<1x1x16xf32>
    tpu.vector_store %arg8[%swap3A_99, %swap3A_100, %swap3A_101], %swap3A_104 {strides = array<i32>} : memref<2x128x128xf32, #tpu.memory_space<vmem>>, vector<1x1x16xf32>,
    %swap3A_105 = arith.constant 0 : i32
    %swap3A_106 = arith.constant 1 : i32
    %swap3A_107 = arith.index_cast %swap3A_105 : i32 to index
    %swap3A_108 = arith.index_cast %swap3A_106 : i32 to index
    %swap3A_109 = arith.constant 80 : index
    %swap3A_110 = tpu.vector_load %arg8[%swap3A_107, %swap3A_108, %swap3A_109] {strides = array<i32>} : memref<2x128x128xf32, #tpu.memory_space<vmem>>, vector<1x1x16xf32>,
    %swap3A_111 = vector.shape_cast %swap3A_110 : vector<1x1x16xf32> to vector<16xf32>
    %swap3A_112 = vector.shape_cast %broadcast_in_dim3A_1 : vector<16xf32> to vector<1x1x16xf32>
    tpu.vector_store %arg8[%swap3A_107, %swap3A_108, %swap3A_109], %swap3A_112 {strides = array<i32>} : memref<2x128x128xf32, #tpu.memory_space<vmem>>, vector<1x1x16xf32>,
    %swap3A_113 = arith.constant 0 : i32
    %swap3A_114 = arith.constant 1 : i32
    %swap3A_115 = arith.index_cast %swap3A_113 : i32 to index
    %swap3A_116 = arith.index_cast %swap3A_114 : i32 to index
    %swap3A_117 = arith.constant 96 : index
    %swap3A_118 = tpu.vector_load %arg8[%swap3A_115, %swap3A_116, %swap3A_117] {strides = array<i32>} : memref<2x128x128xf32, #tpu.memory_space<vmem>>, vector<1x1x16xf32>,
    %swap3A_119 = vector.shape_cast %swap3A_118 : vector<1x1x16xf32> to vector<16xf32>
    %swap3A_120 = vector.shape_cast %broadcast_in_dim3A_1 : vector<16xf32> to vector<1x1x16xf32>
    tpu.vector_store %arg8[%swap3A_115, %swap3A_116, %swap3A_117], %swap3A_120 {strides = array<i32>} : memref<2x128x128xf32, #tpu.memory_space<vmem>>, vector<1x1x16xf32>,
    %swap3A_121 = arith.constant 0 : i32
    %swap3A_122 = arith.constant 1 : i32
    %swap3A_123 = arith.index_cast %swap3A_121 : i32 to index
    %swap3A_124 = arith.index_cast %swap3A_122 : i32 to index
    %swap3A_125 = arith.constant 112 : index
    %swap3A_126 = tpu.vector_load %arg8[%swap3A_123, %swap3A_124, %swap3A_125] {strides = array<i32>} : memref<2x128x128xf32, #tpu.memory_space<vmem>>, vector<1x1x16xf32>,
    %swap3A_127 = vector.shape_cast %swap3A_126 : vector<1x1x16xf32> to vector<16xf32>
    %swap3A_128 = vector.shape_cast %broadcast_in_dim3A_1 : vector<16xf32> to vector<1x1x16xf32>
    tpu.vector_store %arg8[%swap3A_123, %swap3A_124, %swap3A_125], %swap3A_128 {strides = array<i32>} : memref<2x128x128xf32, #tpu.memory_space<vmem>>, vector<1x1x16xf32>,
    %swap3A_129 = arith.constant 0 : i32
    %swap3A_130 = arith.constant 2 : i32
    %swap3A_131 = arith.index_cast %swap3A_129 : i32 to index
    %swap3A_132 = arith.index_cast %swap3A_130 : i32 to index
    %swap3A_133 = arith.constant 0 : index
    %swap3A_134 = tpu.vector_load %arg8[%swap3A_131, %swap3A_132, %swap3A_133] {strides = array<i32>} : memref<2x128x128xf32, #tpu.memory_space<vmem>>, vector<1x1x16xf32>,
    %swap3A_135 = vector.shape_cast %swap3A_134 : vector<1x1x16xf32> to vector<16xf32>
    %swap3A_136 = vector.shape_cast %broadcast_in_dim3A_1 : vector<16xf32> to vector<1x1x16xf32>
    tpu.vector_store %arg8[%swap3A_131, %swap3A_132, %swap3A_133], %swap3A_136 {strides = array<i32>} : memref<2x128x128xf32, #tpu.memory_space<vmem>>, vector<1x1x16xf32>,
    %swap3A_137 = arith.constant 0 : i32
    %swap3A_138 = arith.constant 2 : i32
    %swap3A_139 = arith.index_cast %swap3A_137 : i32 to index
    %swap3A_140 = arith.index_cast %swap3A_138 : i32 to index
    %swap3A_141 = arith.constant 16 : index
    %swap3A_142 = tpu.vector_load %arg8[%swap3A_139, %swap3A_140, %swap3A_141] {strides = array<i32>} : memref<2x128x128xf32, #tpu.memory_space<vmem>>, vector<1x1x16xf32>,
    %swap3A_143 = vector.shape_cast %swap3A_142 : vector<1x1x16xf32> to vector<16xf32>
    %swap3A_144 = vector.shape_cast %broadcast_in_dim3A_1 : vector<16xf32> to vector<1x1x16xf32>
    tpu.vector_store %arg8[%swap3A_139, %swap3A_140, %swap3A_141], %swap3A_144 {strides = array<i32>} : memref<2x128x128xf32, #tpu.memory_space<vmem>>, vector<1x1x16xf32>,
    %swap3A_145 = arith.constant 0 : i32
    %swap3A_146 = arith.constant 2 : i32
    %swap3A_147 = arith.index_cast %swap3A_145 : i32 to index
    %swap3A_148 = arith.index_cast %swap3A_146 : i32 to index
    %swap3A_149 = arith.constant 32 : index
    %swap3A_150 = tpu.vector_load %arg8[%swap3A_147, %swap3A_148, %swap3A_149] {strides = array<i32>} : memref<2x128x128xf32, #tpu.memory_space<vmem>>, vector<1x1x16xf32>,
    %swap3A_151 = vector.shape_cast %swap3A_150 : vector<1x1x16xf32> to vector<16xf32>
    %swap3A_152 = vector.shape_cast %broadcast_in_dim3A_1 : vector<16xf32> to vector<1x1x16xf32>
    tpu.vector_store %arg8[%swap3A_147, %swap3A_148, %swap3A_149], %swap3A_152 {strides = array<i32>} : memref<2x128x128xf32, #tpu.memory_space<vmem>>, vector<1x1x16xf32>,
    %swap3A_153 = arith.constant 0 : i32
    %swap3A_154 = arith.constant 2 : i32
    %swap3A_155 = arith.index_cast %swap3A_153 : i32 to index
    %swap3A_156 = arith.index_cast %swap3A_154 : i32 to index
    %swap3A_157 = arith.constant 48 : index
    %swap3A_158 = tpu.vector_load %arg8[%swap3A_155, %swap3A_156, %swap3A_157] {strides = array<i32>} : memref<2x128x128xf32, #tpu.memory_space<vmem>>, vector<1x1x16xf32>,
    %swap3A_159 = vector.shape_cast %swap3A_158 : vector<1x1x16xf32> to vector<16xf32>
    %swap3A_160 = vector.shape_cast %broadcast_in_dim3A_1 : vector<16xf32> to vector<1x1x16xf32>
    tpu.vector_store %arg8[%swap3A_155, %swap3A_156, %swap3A_157], %swap3A_160 {strides = array<i32>} : memref<2x128x128xf32, #tpu.memory_space<vmem>>, vector<1x1x16xf32>,
    %swap3A_161 = arith.constant 0 : i32
    %swap3A_162 = arith.constant 2 : i32
    %swap3A_163 = arith.index_cast %swap3A_161 : i32 to index
    %swap3A_164 = arith.index_cast %swap3A_162 : i32 to index
    %swap3A_165 = arith.constant 64 : index
    %swap3A_166 = tpu.vector_load %arg8[%swap3A_163, %swap3A_164, %swap3A_165] {strides = array<i32>} : memref<2x128x128xf32, #tpu.memory_space<vmem>>, vector<1x1x16xf32>,
    %swap3A_167 = vector.shape_cast %swap3A_166 : vector<1x1x16xf32> to vector<16xf32>
    %swap3A_168 = vector.shape_cast %broadcast_in_dim3A_1 : vector<16xf32> to vector<1x1x16xf32>
    tpu.vector_store %arg8[%swap3A_163, %swap3A_164, %swap3A_165], %swap3A_168 {strides = array<i32>} : memref<2x128x128xf32, #tpu.memory_space<vmem>>, vector<1x1x16xf32>,
    %swap3A_169 = arith.constant 0 : i32
    %swap3A_170 = arith.constant 2 : i32
    %swap3A_171 = arith.index_cast %swap3A_169 : i32 to index
    %swap3A_172 = arith.index_cast %swap3A_170 : i32 to index
    %swap3A_173 = arith.constant 80 : index
    %swap3A_174 = tpu.vector_load %arg8[%swap3A_171, %swap3A_172, %swap3A_173] {strides = array<i32>} : memref<2x128x128xf32, #tpu.memory_space<vmem>>, vector<1x1x16xf32>,
    %swap3A_175 = vector.shape_cast %swap3A_174 : vector<1x1x16xf32> to vector<16xf32>
    %swap3A_176 = vector.shape_cast %broadcast_in_dim3A_1 : vector<16xf32> to vector<1x1x16xf32>
    tpu.vector_store %arg8[%swap3A_171, %swap3A_172, %swap3A_173], %swap3A_176 {strides = array<i32>} : memref<2x128x128xf32, #tpu.memory_space<vmem>>, vector<1x1x16xf32>,
    %swap3A_177 = arith.constant 0 : i32
    %swap3A_178 = arith.constant 2 : i32
    %swap3A_179 = arith.index_cast %swap3A_177 : i32 to index
    %swap3A_180 = arith.index_cast %swap3A_178 : i32 to index
    %swap3A_181 = arith.constant 96 : index
    %swap3A_182 = tpu.vector_load %arg8[%swap3A_179, %swap3A_180, %swap3A_181] {strides = array<i32>} : memref<2x128x128xf32, #tpu.memory_space<vmem>>, vector<1x1x16xf32>,
    %swap3A_183 = vector.shape_cast %swap3A_182 : vector<1x1x16xf32> to vector<16xf32>
    %swap3A_184 = vector.shape_cast %broadcast_in_dim3A_1 : vector<16xf32> to vector<1x1x16xf32>
    tpu.vector_store %arg8[%swap3A_179, %swap3A_180, %swap3A_181], %swap3A_184 {strides = array<i32>} : memref<2x128x128xf32, #tpu.memory_space<vmem>>, vector<1x1x16xf32>,
    %swap3A_185 = arith.constant 0 : i32
    %swap3A_186 = arith.constant 2 : i32
    %swap3A_187 = arith.index_cast %swap3A_185 : i32 to index
    %swap3A_188 = arith.index_cast %swap3A_186 : i32 to index
    %swap3A_189 = arith.constant 112 : index
    %swap3A_190 = tpu.vector_load %arg8[%swap3A_187, %swap3A_188, %swap3A_189] {strides = array<i32>} : memref<2x128x128xf32, #tpu.memory_space<vmem>>, vector<1x1x16xf32>,
    %swap3A_191 = vector.shape_cast %swap3A_190 : vector<1x1x16xf32> to vector<16xf32>
    %swap3A_192 = vector.shape_cast %broadcast_in_dim3A_1 : vector<16xf32> to vector<1x1x16xf32>
    tpu.vector_store %arg8[%swap3A_187, %swap3A_188, %swap3A_189], %swap3A_192 {strides = array<i32>} : memref<2x128x128xf32, #tpu.memory_space<vmem>>, vector<1x1x16xf32>,
    %swap3A_193 = arith.constant 0 : i32
    %swap3A_194 = arith.constant 3 : i32
    %swap3A_195 = arith.index_cast %swap3A_193 : i32 to index
    %swap3A_196 = arith.index_cast %swap3A_194 : i32 to index
    %swap3A_197 = arith.constant 0 : index
    %swap3A_198 = tpu.vector_load %arg8[%swap3A_195, %swap3A_196, %swap3A_197] {strides = array<i32>} : memref<2x128x128xf32, #tpu.memory_space<vmem>>, vector<1x1x16xf32>,
    %swap3A_199 = vector.shape_cast %swap3A_198 : vector<1x1x16xf32> to vector<16xf32>
    %swap3A_200 = vector.shape_cast %broadcast_in_dim3A_1 : vector<16xf32> to vector<1x1x16xf32>
    tpu.vector_store %arg8[%swap3A_195, %swap3A_196, %swap3A_197], %swap3A_200 {strides = array<i32>} : memref<2x128x128xf32, #tpu.memory_space<vmem>>, vector<1x1x16xf32>,
    %swap3A_201 = arith.constant 0 : i32
    %swap3A_202 = arith.constant 3 : i32
    %swap3A_203 = arith.index_cast %swap3A_201 : i32 to index
    %swap3A_204 = arith.index_cast %swap3A_202 : i32 to index
    %swap3A_205 = arith.constant 16 : index
    %swap3A_206 = tpu.vector_load %arg8[%swap3A_203, %swap3A_204, %swap3A_205] {strides = array<i32>} : memref<2x128x128xf32, #tpu.memory_space<vmem>>, vector<1x1x16xf32>,
    %swap3A_207 = vector.shape_cast %swap3A_206 : vector<1x1x16xf32> to vector<16xf32>
    %swap3A_208 = vector.shape_cast %broadcast_in_dim3A_1 : vector<16xf32> to vector<1x1x16xf32>
    tpu.vector_store %arg8[%swap3A_203, %swap3A_204, %swap3A_205], %swap3A_208 {strides = array<i32>} : memref<2x128x128xf32, #tpu.memory_space<vmem>>, vector<1x1x16xf32>,
    %swap3A_209 = arith.constant 0 : i32
    %swap3A_210 = arith.constant 3 : i32
    %swap3A_211 = arith.index_cast %swap3A_209 : i32 to index
    %swap3A_212 = arith.index_cast %swap3A_210 : i32 to index
    %swap3A_213 = arith.constant 32 : index
    %swap3A_214 = tpu.vector_load %arg8[%swap3A_211, %swap3A_212, %swap3A_213] {strides = array<i32>} : memref<2x128x128xf32, #tpu.memory_space<vmem>>, vector<1x1x16xf32>,
    %swap3A_215 = vector.shape_cast %swap3A_214 : vector<1x1x16xf32> to vector<16xf32>
    %swap3A_216 = vector.shape_cast %broadcast_in_dim3A_1 : vector<16xf32> to vector<1x1x16xf32>
    tpu.vector_store %arg8[%swap3A_211, %swap3A_212, %swap3A_213], %swap3A_216 {strides = array<i32>} : memref<2x128x128xf32, #tpu.memory_space<vmem>>, vector<1x1x16xf32>,
    %swap3A_217 = arith.constant 0 : i32
    %swap3A_218 = arith.constant 3 : i32
    %swap3A_219 = arith.index_cast %swap3A_217 : i32 to index
    %swap3A_220 = arith.index_cast %swap3A_218 : i32 to index
    %swap3A_221 = arith.constant 48 : index
    %swap3A_222 = tpu.vector_load %arg8[%swap3A_219, %swap3A_220, %swap3A_221] {strides = array<i32>} : memref<2x128x128xf32, #tpu.memory_space<vmem>>, vector<1x1x16xf32>,
    %swap3A_223 = vector.shape_cast %swap3A_222 : vector<1x1x16xf32> to vector<16xf32>
    %swap3A_224 = vector.shape_cast %broadcast_in_dim3A_1 : vector<16xf32> to vector<1x1x16xf32>
    tpu.vector_store %arg8[%swap3A_219, %swap3A_220, %swap3A_221], %swap3A_224 {strides = array<i32>} : memref<2x128x128xf32, #tpu.memory_space<vmem>>, vector<1x1x16xf32>,
    %swap3A_225 = arith.constant 0 : i32
    %swap3A_226 = arith.constant 3 : i32
    %swap3A_227 = arith.index_cast %swap3A_225 : i32 to index
    %swap3A_228 = arith.index_cast %swap3A_226 : i32 to index
    %swap3A_229 = arith.constant 64 : index
    %swap3A_230 = tpu.vector_load %arg8[%swap3A_227, %swap3A_228, %swap3A_229] {strides = array<i32>} : memref<2x128x128xf32, #tpu.memory_space<vmem>>, vector<1x1x16xf32>,
    %swap3A_231 = vector.shape_cast %swap3A_230 : vector<1x1x16xf32> to vector<16xf32>
    %swap3A_232 = vector.shape_cast %broadcast_in_dim3A_1 : vector<16xf32> to vector<1x1x16xf32>
    tpu.vector_store %arg8[%swap3A_227, %swap3A_228, %swap3A_229], %swap3A_232 {strides = array<i32>} : memref<2x128x128xf32, #tpu.memory_space<vmem>>, vector<1x1x16xf32>,
    %swap3A_233 = arith.constant 0 : i32
    %swap3A_234 = arith.constant 3 : i32
    %swap3A_235 = arith.index_cast %swap3A_233 : i32 to index
    %swap3A_236 = arith.index_cast %swap3A_234 : i32 to index
    %swap3A_237 = arith.constant 80 : index
    %swap3A_238 = tpu.vector_load %arg8[%swap3A_235, %swap3A_236, %swap3A_237] {strides = array<i32>} : memref<2x128x128xf32, #tpu.memory_space<vmem>>, vector<1x1x16xf32>,
    %swap3A_239 = vector.shape_cast %swap3A_238 : vector<1x1x16xf32> to vector<16xf32>
    %swap3A_240 = vector.shape_cast %broadcast_in_dim3A_1 : vector<16xf32> to vector<1x1x16xf32>
    tpu.vector_store %arg8[%swap3A_235, %swap3A_236, %swap3A_237], %swap3A_240 {strides = array<i32>} : memref<2x128x128xf32, #tpu.memory_space<vmem>>, vector<1x1x16xf32>,
    %swap3A_241 = arith.constant 0 : i32
    %swap3A_242 = arith.constant 3 : i32
    %swap3A_243 = arith.index_cast %swap3A_241 : i32 to index
    %swap3A_244 = arith.index_cast %swap3A_242 : i32 to index
    %swap3A_245 = arith.constant 96 : index
    %swap3A_246 = tpu.vector_load %arg8[%swap3A_243, %swap3A_244, %swap3A_245] {strides = array<i32>} : memref<2x128x128xf32, #tpu.memory_space<vmem>>, vector<1x1x16xf32>,
    %swap3A_247 = vector.shape_cast %swap3A_246 : vector<1x1x16xf32> to vector<16xf32>
    %swap3A_248 = vector.shape_cast %broadcast_in_dim3A_1 : vector<16xf32> to vector<1x1x16xf32>
    tpu.vector_store %arg8[%swap3A_243, %swap3A_244, %swap3A_245], %swap3A_248 {strides = array<i32>} : memref<2x128x128xf32, #tpu.memory_space<vmem>>, vector<1x1x16xf32>,
    %swap3A_249 = arith.constant 0 : i32
    %swap3A_250 = arith.constant 3 : i32
    %swap3A_251 = arith.index_cast %swap3A_249 : i32 to index
    %swap3A_252 = arith.index_cast %swap3A_250 : i32 to index
    %swap3A_253 = arith.constant 112 : index
    %swap3A_254 = tpu.vector_load %arg8[%swap3A_251, %swap3A_252, %swap3A_253] {strides = array<i32>} : memref<2x128x128xf32, #tpu.memory_space<vmem>>, vector<1x1x16xf32>,
    %swap3A_255 = vector.shape_cast %swap3A_254 : vector<1x1x16xf32> to vector<16xf32>
    %swap3A_256 = vector.shape_cast %broadcast_in_dim3A_1 : vector<16xf32> to vector<1x1x16xf32>
    tpu.vector_store %arg8[%swap3A_251, %swap3A_252, %swap3A_253], %swap3A_256 {strides = array<i32>} : memref<2x128x128xf32, #tpu.memory_space<vmem>>, vector<1x1x16xf32>,
    %swap3A_257 = arith.constant 0 : i32
    %swap3A_258 = arith.constant 4 : i32
    %swap3A_259 = arith.index_cast %swap3A_257 : i32 to index
    %swap3A_260 = arith.index_cast %swap3A_258 : i32 to index
    %swap3A_261 = arith.constant 0 : index
    %swap3A_262 = tpu.vector_load %arg8[%swap3A_259, %swap3A_260, %swap3A_261] {strides = array<i32>} : memref<2x128x128xf32, #tpu.memory_space<vmem>>, vector<1x1x16xf32>,
    %swap3A_263 = vector.shape_cast %swap3A_262 : vector<1x1x16xf32> to vector<16xf32>
    %swap3A_264 = vector.shape_cast %broadcast_in_dim3A_1 : vector<16xf32> to vector<1x1x16xf32>
    tpu.vector_store %arg8[%swap3A_259, %swap3A_260, %swap3A_261], %swap3A_264 {strides = array<i32>} : memref<2x128x128xf32, #tpu.memory_space<vmem>>, vector<1x1x16xf32>,
    %swap3A_265 = arith.constant 0 : i32
    %swap3A_266 = arith.constant 4 : i32
    %swap3A_267 = arith.index_cast %swap3A_265 : i32 to index
    %swap3A_268 = arith.index_cast %swap3A_266 : i32 to index
    %swap3A_269 = arith.constant 16 : index
    %swap3A_270 = tpu.vector_load %arg8[%swap3A_267, %swap3A_268, %swap3A_269] {strides = array<i32>} : memref<2x128x128xf32, #tpu.memory_space<vmem>>, vector<1x1x16xf32>,
    %swap3A_271 = vector.shape_cast %swap3A_270 : vector<1x1x16xf32> to vector<16xf32>
    %swap3A_272 = vector.shape_cast %broadcast_in_dim3A_1 : vector<16xf32> to vector<1x1x16xf32>
    tpu.vector_store %arg8[%swap3A_267, %swap3A_268, %swap3A_269], %swap3A_272 {strides = array<i32>} : memref<2x128x128xf32, #tpu.memory_space<vmem>>, vector<1x1x16xf32>,
    %swap3A_273 = arith.constant 0 : i32
    %swap3A_274 = arith.constant 4 : i32
    %swap3A_275 = arith.index_cast %swap3A_273 : i32 to index
    %swap3A_276 = arith.index_cast %swap3A_274 : i32 to index
    %swap3A_277 = arith.constant 32 : index
    %swap3A_278 = tpu.vector_load %arg8[%swap3A_275, %swap3A_276, %swap3A_277] {strides = array<i32>} : memref<2x128x128xf32, #tpu.memory_space<vmem>>, vector<1x1x16xf32>,
    %swap3A_279 = vector.shape_cast %swap3A_278 : vector<1x1x16xf32> to vector<16xf32>
    %swap3A_280 = vector.shape_cast %broadcast_in_dim3A_1 : vector<16xf32> to vector<1x1x16xf32>
    tpu.vector_store %arg8[%swap3A_275, %swap3A_276, %swap3A_277], %swap3A_280 {strides = array<i32>} : memref<2x128x128xf32, #tpu.memory_space<vmem>>, vector<1x1x16xf32>,
    %swap3A_281 = arith.constant 0 : i32
    %swap3A_282 = arith.constant 4 : i32
    %swap3A_283 = arith.index_cast %swap3A_281 : i32 to index
    %swap3A_284 = arith.index_cast %swap3A_282 : i32 to index
    %swap3A_285 = arith.constant 48 : index
    %swap3A_286 = tpu.vector_load %arg8[%swap3A_283, %swap3A_284, %swap3A_285] {strides = array<i32>} : memref<2x128x128xf32, #tpu.memory_space<vmem>>, vector<1x1x16xf32>,
    %swap3A_287 = vector.shape_cast %swap3A_286 : vector<1x1x16xf32> to vector<16xf32>
    %swap3A_288 = vector.shape_cast %broadcast_in_dim3A_1 : vector<16xf32> to vector<1x1x16xf32>
    tpu.vector_store %arg8[%swap3A_283, %swap3A_284, %swap3A_285], %swap3A_288 {strides = array<i32>} : memref<2x128x128xf32, #tpu.memory_space<vmem>>, vector<1x1x16xf32>,
    %swap3A_289 = arith.constant 0 : i32
    %swap3A_290 = arith.constant 4 : i32
    %swap3A_291 = arith.index_cast %swap3A_289 : i32 to index
    %swap3A_292 = arith.index_cast %swap3A_290 : i32 to index
    %swap3A_293 = arith.constant 64 : index
    %swap3A_294 = tpu.vector_load %arg8[%swap3A_291, %swap3A_292, %swap3A_293] {strides = array<i32>} : memref<2x128x128xf32, #tpu.memory_space<vmem>>, vector<1x1x16xf32>,
    %swap3A_295 = vector.shape_cast %swap3A_294 : vector<1x1x16xf32> to vector<16xf32>
    %swap3A_296 = vector.shape_cast %broadcast_in_dim3A_1 : vector<16xf32> to vector<1x1x16xf32>
    tpu.vector_store %arg8[%swap3A_291, %swap3A_292, %swap3A_293], %swap3A_296 {strides = array<i32>} : memref<2x128x128xf32, #tpu.memory_space<vmem>>, vector<1x1x16xf32>,
    %swap3A_297 = arith.constant 0 : i32
    %swap3A_298 = arith.constant 4 : i32
    %swap3A_299 = arith.index_cast %swap3A_297 : i32 to index
    %swap3A_300 = arith.index_cast %swap3A_298 : i32 to index
    %swap3A_301 = arith.constant 80 : index
    %swap3A_302 = tpu.vector_load %arg8[%swap3A_299, %swap3A_300, %swap3A_301] {strides = array<i32>} : memref<2x128x128xf32, #tpu.memory_space<vmem>>, vector<1x1x16xf32>,
    %swap3A_303 = vector.shape_cast %swap3A_302 : vector<1x1x16xf32> to vector<16xf32>
    %swap3A_304 = vector.shape_cast %broadcast_in_dim3A_1 : vector<16xf32> to vector<1x1x16xf32>
    tpu.vector_store %arg8[%swap3A_299, %swap3A_300, %swap3A_301], %swap3A_304 {strides = array<i32>} : memref<2x128x128xf32, #tpu.memory_space<vmem>>, vector<1x1x16xf32>,
    %swap3A_305 = arith.constant 0 : i32
    %swap3A_306 = arith.constant 4 : i32
    %swap3A_307 = arith.index_cast %swap3A_305 : i32 to index
    %swap3A_308 = arith.index_cast %swap3A_306 : i32 to index
    %swap3A_309 = arith.constant 96 : index
    %swap3A_310 = tpu.vector_load %arg8[%swap3A_307, %swap3A_308, %swap3A_309] {strides = array<i32>} : memref<2x128x128xf32, #tpu.memory_space<vmem>>, vector<1x1x16xf32>,
    %swap3A_311 = vector.shape_cast %swap3A_310 : vector<1x1x16xf32> to vector<16xf32>
    %swap3A_312 = vector.shape_cast %broadcast_in_dim3A_1 : vector<16xf32> to vector<1x1x16xf32>
    tpu.vector_store %arg8[%swap3A_307, %swap3A_308, %swap3A_309], %swap3A_312 {strides = array<i32>} : memref<2x128x128xf32, #tpu.memory_space<vmem>>, vector<1x1x16xf32>,
    %swap3A_313 = arith.constant 0 : i32
    %swap3A_314 = arith.constant 4 : i32
    %swap3A_315 = arith.index_cast %swap3A_313 : i32 to index
    %swap3A_316 = arith.index_cast %swap3A_314 : i32 to index
    %swap3A_317 = arith.constant 112 : index
    %swap3A_318 = tpu.vector_load %arg8[%swap3A_315, %swap3A_316, %swap3A_317] {strides = array<i32>} : memref<2x128x128xf32, #tpu.memory_space<vmem>>, vector<1x1x16xf32>,
    %swap3A_319 = vector.shape_cast %swap3A_318 : vector<1x1x16xf32> to vector<16xf32>
    %swap3A_320 = vector.shape_cast %broadcast_in_dim3A_1 : vector<16xf32> to vector<1x1x16xf32>
    tpu.vector_store %arg8[%swap3A_315, %swap3A_316, %swap3A_317], %swap3A_320 {strides = array<i32>} : memref<2x128x128xf32, #tpu.memory_space<vmem>>, vector<1x1x16xf32>,
    %swap3A_321 = arith.constant 0 : i32
    %swap3A_322 = arith.constant 5 : i32
    %swap3A_323 = arith.index_cast %swap3A_321 : i32 to index
    %swap3A_324 = arith.index_cast %swap3A_322 : i32 to index
    %swap3A_325 = arith.constant 0 : index
    %swap3A_326 = tpu.vector_load %arg8[%swap3A_323, %swap3A_324, %swap3A_325] {strides = array<i32>} : memref<2x128x128xf32, #tpu.memory_space<vmem>>, vector<1x1x16xf32>,
    %swap3A_327 = vector.shape_cast %swap3A_326 : vector<1x1x16xf32> to vector<16xf32>
    %swap3A_328 = vector.shape_cast %broadcast_in_dim3A_1 : vector<16xf32> to vector<1x1x16xf32>
    tpu.vector_store %arg8[%swap3A_323, %swap3A_324, %swap3A_325], %swap3A_328 {strides = array<i32>} : memref<2x128x128xf32, #tpu.memory_space<vmem>>, vector<1x1x16xf32>,
    %swap3A_329 = arith.constant 0 : i32
    %swap3A_330 = arith.constant 5 : i32
    %swap3A_331 = arith.index_cast %swap3A_329 : i32 to index
    %swap3A_332 = arith.index_cast %swap3A_330 : i32 to index
    %swap3A_333 = arith.constant 16 : index
    %swap3A_334 = tpu.vector_load %arg8[%swap3A_331, %swap3A_332, %swap3A_333] {strides = array<i32>} : memref<2x128x128xf32, #tpu.memory_space<vmem>>, vector<1x1x16xf32>,
    %swap3A_335 = vector.shape_cast %swap3A_334 : vector<1x1x16xf32> to vector<16xf32>
    %swap3A_336 = vector.shape_cast %broadcast_in_dim3A_1 : vector<16xf32> to vector<1x1x16xf32>
    tpu.vector_store %arg8[%swap3A_331, %swap3A_332, %swap3A_333], %swap3A_336 {strides = array<i32>} : memref<2x128x128xf32, #tpu.memory_space<vmem>>, vector<1x1x16xf32>,
    %swap3A_337 = arith.constant 0 : i32
    %swap3A_338 = arith.constant 5 : i32
    %swap3A_339 = arith.index_cast %swap3A_337 : i32 to index
    %swap3A_340 = arith.index_cast %swap3A_338 : i32 to index
    %swap3A_341 = arith.constant 32 : index
    %swap3A_342 = tpu.vector_load %arg8[%swap3A_339, %swap3A_340, %swap3A_341] {strides = array<i32>} : memref<2x128x128xf32, #tpu.memory_space<vmem>>, vector<1x1x16xf32>,
    %swap3A_343 = vector.shape_cast %swap3A_342 : vector<1x1x16xf32> to vector<16xf32>
    %swap3A_344 = vector.shape_cast %broadcast_in_dim3A_1 : vector<16xf32> to vector<1x1x16xf32>
    tpu.vector_store %arg8[%swap3A_339, %swap3A_340, %swap3A_341], %swap3A_344 {strides = array<i32>} : memref<2x128x128xf32, #tpu.memory_space<vmem>>, vector<1x1x16xf32>,
    %swap3A_345 = arith.constant 0 : i32
    %swap3A_346 = arith.constant 5 : i32
    %swap3A_347 = arith.index_cast %swap3A_345 : i32 to index
    %swap3A_348 = arith.index_cast %swap3A_346 : i32 to index
    %swap3A_349 = arith.constant 48 : index
    %swap3A_350 = tpu.vector_load %arg8[%swap3A_347, %swap3A_348, %swap3A_349] {strides = array<i32>} : memref<2x128x128xf32, #tpu.memory_space<vmem>>, vector<1x1x16xf32>,
    %swap3A_351 = vector.shape_cast %swap3A_350 : vector<1x1x16xf32> to vector<16xf32>
    %swap3A_352 = vector.shape_cast %broadcast_in_dim3A_1 : vector<16xf32> to vector<1x1x16xf32>
    tpu.vector_store %arg8[%swap3A_347, %swap3A_348, %swap3A_349], %swap3A_352 {strides = array<i32>} : memref<2x128x128xf32, #tpu.memory_space<vmem>>, vector<1x1x16xf32>,
    %swap3A_353 = arith.constant 0 : i32
    %swap3A_354 = arith.constant 5 : i32
    %swap3A_355 = arith.index_cast %swap3A_353 : i32 to index
    %swap3A_356 = arith.index_cast %swap3A_354 : i32 to index
    %swap3A_357 = arith.constant 64 : index
    %swap3A_358 = tpu.vector_load %arg8[%swap3A_355, %swap3A_356, %swap3A_357] {strides = array<i32>} : memref<2x128x128xf32, #tpu.memory_space<vmem>>, vector<1x1x16xf32>,
    %swap3A_359 = vector.shape_cast %swap3A_358 : vector<1x1x16xf32> to vector<16xf32>
    %swap3A_360 = vector.shape_cast %broadcast_in_dim3A_1 : vector<16xf32> to vector<1x1x16xf32>
    tpu.vector_store %arg8[%swap3A_355, %swap3A_356, %swap3A_357], %swap3A_360 {strides = array<i32>} : memref<2x128x128xf32, #tpu.memory_space<vmem>>, vector<1x1x16xf32>,
    %swap3A_361 = arith.constant 0 : i32
    %swap3A_362 = arith.constant 5 : i32
    %swap3A_363 = arith.index_cast %swap3A_361 : i32 to index
    %swap3A_364 = arith.index_cast %swap3A_362 : i32 to index
    %swap3A_365 = arith.constant 80 : index
    %swap3A_366 = tpu.vector_load %arg8[%swap3A_363, %swap3A_364, %swap3A_365] {strides = array<i32>} : memref<2x128x128xf32, #tpu.memory_space<vmem>>, vector<1x1x16xf32>,
    %swap3A_367 = vector.shape_cast %swap3A_366 : vector<1x1x16xf32> to vector<16xf32>
    %swap3A_368 = vector.shape_cast %broadcast_in_dim3A_1 : vector<16xf32> to vector<1x1x16xf32>
    tpu.vector_store %arg8[%swap3A_363, %swap3A_364, %swap3A_365], %swap3A_368 {strides = array<i32>} : memref<2x128x128xf32, #tpu.memory_space<vmem>>, vector<1x1x16xf32>,
    %swap3A_369 = arith.constant 0 : i32
    %swap3A_370 = arith.constant 5 : i32
    %swap3A_371 = arith.index_cast %swap3A_369 : i32 to index
    %swap3A_372 = arith.index_cast %swap3A_370 : i32 to index
    %swap3A_373 = arith.constant 96 : index
    %swap3A_374 = tpu.vector_load %arg8[%swap3A_371, %swap3A_372, %swap3A_373] {strides = array<i32>} : memref<2x128x128xf32, #tpu.memory_space<vmem>>, vector<1x1x16xf32>,
    %swap3A_375 = vector.shape_cast %swap3A_374 : vector<1x1x16xf32> to vector<16xf32>
    %swap3A_376 = vector.shape_cast %broadcast_in_dim3A_1 : vector<16xf32> to vector<1x1x16xf32>
    tpu.vector_store %arg8[%swap3A_371, %swap3A_372, %swap3A_373], %swap3A_376 {strides = array<i32>} : memref<2x128x128xf32, #tpu.memory_space<vmem>>, vector<1x1x16xf32>,
    %swap3A_377 = arith.constant 0 : i32
    %swap3A_378 = arith.constant 5 : i32
    %swap3A_379 = arith.index_cast %swap3A_377 : i32 to index
    %swap3A_380 = arith.index_cast %swap3A_378 : i32 to index
    %swap3A_381 = arith.constant 112 : index
    %swap3A_382 = tpu.vector_load %arg8[%swap3A_379, %swap3A_380, %swap3A_381] {strides = array<i32>} : memref<2x128x128xf32, #tpu.memory_space<vmem>>, vector<1x1x16xf32>,
    %swap3A_383 = vector.shape_cast %swap3A_382 : vector<1x1x16xf32> to vector<16xf32>
    %swap3A_384 = vector.shape_cast %broadcast_in_dim3A_1 : vector<16xf32> to vector<1x1x16xf32>
    tpu.vector_store %arg8[%swap3A_379, %swap3A_380, %swap3A_381], %swap3A_384 {strides = array<i32>} : memref<2x128x128xf32, #tpu.memory_space<vmem>>, vector<1x1x16xf32>,
    %swap3A_385 = arith.constant 0 : i32
    %swap3A_386 = arith.constant 6 : i32
    %swap3A_387 = arith.index_cast %swap3A_385 : i32 to index
    %swap3A_388 = arith.index_cast %swap3A_386 : i32 to index
    %swap3A_389 = arith.constant 0 : index
    %swap3A_390 = tpu.vector_load %arg8[%swap3A_387, %swap3A_388, %swap3A_389] {strides = array<i32>} : memref<2x128x128xf32, #tpu.memory_space<vmem>>, vector<1x1x16xf32>,
    %swap3A_391 = vector.shape_cast %swap3A_390 : vector<1x1x16xf32> to vector<16xf32>
    %swap3A_392 = vector.shape_cast %broadcast_in_dim3A_1 : vector<16xf32> to vector<1x1x16xf32>
    tpu.vector_store %arg8[%swap3A_387, %swap3A_388, %swap3A_389], %swap3A_392 {strides = array<i32>} : memref<2x128x128xf32, #tpu.memory_space<vmem>>, vector<1x1x16xf32>,
    %swap3A_393 = arith.constant 0 : i32
    %swap3A_394 = arith.constant 6 : i32
    %swap3A_395 = arith.index_cast %swap3A_393 : i32 to index
    %swap3A_396 = arith.index_cast %swap3A_394 : i32 to index
    %swap3A_397 = arith.constant 16 : index
    %swap3A_398 = tpu.vector_load %arg8[%swap3A_395, %swap3A_396, %swap3A_397] {strides = array<i32>} : memref<2x128x128xf32, #tpu.memory_space<vmem>>, vector<1x1x16xf32>,
    %swap3A_399 = vector.shape_cast %swap3A_398 : vector<1x1x16xf32> to vector<16xf32>
    %swap3A_400 = vector.shape_cast %broadcast_in_dim3A_1 : vector<16xf32> to vector<1x1x16xf32>
    tpu.vector_store %arg8[%swap3A_395, %swap3A_396, %swap3A_397], %swap3A_400 {strides = array<i32>} : memref<2x128x128xf32, #tpu.memory_space<vmem>>, vector<1x1x16xf32>,
    %swap3A_401 = arith.constant 0 : i32
    %swap3A_402 = arith.constant 6 : i32
    %swap3A_403 = arith.index_cast %swap3A_401 : i32 to index
    %swap3A_404 = arith.index_cast %swap3A_402 : i32 to index
    %swap3A_405 = arith.constant 32 : index
    %swap3A_406 = tpu.vector_load %arg8[%swap3A_403, %swap3A_404, %swap3A_405] {strides = array<i32>} : memref<2x128x128xf32, #tpu.memory_space<vmem>>, vector<1x1x16xf32>,
    %swap3A_407 = vector.shape_cast %swap3A_406 : vector<1x1x16xf32> to vector<16xf32>
    %swap3A_408 = vector.shape_cast %broadcast_in_dim3A_1 : vector<16xf32> to vector<1x1x16xf32>
    tpu.vector_store %arg8[%swap3A_403, %swap3A_404, %swap3A_405], %swap3A_408 {strides = array<i32>} : memref<2x128x128xf32, #tpu.memory_space<vmem>>, vector<1x1x16xf32>,
    %swap3A_409 = arith.constant 0 : i32
    %swap3A_410 = arith.constant 6 : i32
    %swap3A_411 = arith.index_cast %swap3A_409 : i32 to index
    %swap3A_412 = arith.index_cast %swap3A_410 : i32 to index
    %swap3A_413 = arith.constant 48 : index
    %swap3A_414 = tpu.vector_load %arg8[%swap3A_411, %swap3A_412, %swap3A_413] {strides = array<i32>} : memref<2x128x128xf32, #tpu.memory_space<vmem>>, vector<1x1x16xf32>,
    %swap3A_415 = vector.shape_cast %swap3A_414 : vector<1x1x16xf32> to vector<16xf32>
    %swap3A_416 = vector.shape_cast %broadcast_in_dim3A_1 : vector<16xf32> to vector<1x1x16xf32>
    tpu.vector_store %arg8[%swap3A_411, %swap3A_412, %swap3A_413], %swap3A_416 {strides = array<i32>} : memref<2x128x128xf32, #tpu.memory_space<vmem>>, vector<1x1x16xf32>,
    %swap3A_417 = arith.constant 0 : i32
    %swap3A_418 = arith.constant 6 : i32
    %swap3A_419 = arith.index_cast %swap3A_417 : i32 to index
    %swap3A_420 = arith.index_cast %swap3A_418 : i32 to index
    %swap3A_421 = arith.constant 64 : index
    %swap3A_422 = tpu.vector_load %arg8[%swap3A_419, %swap3A_420, %swap3A_421] {strides = array<i32>} : memref<2x128x128xf32, #tpu.memory_space<vmem>>, vector<1x1x16xf32>,
    %swap3A_423 = vector.shape_cast %swap3A_422 : vector<1x1x16xf32> to vector<16xf32>
    %swap3A_424 = vector.shape_cast %broadcast_in_dim3A_1 : vector<16xf32> to vector<1x1x16xf32>
    tpu.vector_store %arg8[%swap3A_419, %swap3A_420, %swap3A_421], %swap3A_424 {strides = array<i32>} : memref<2x128x128xf32, #tpu.memory_space<vmem>>, vector<1x1x16xf32>,
    %swap3A_425 = arith.constant 0 : i32
    %swap3A_426 = arith.constant 6 : i32
    %swap3A_427 = arith.index_cast %swap3A_425 : i32 to index
    %swap3A_428 = arith.index_cast %swap3A_426 : i32 to index
    %swap3A_429 = arith.constant 80 : index
    %swap3A_430 = tpu.vector_load %arg8[%swap3A_427, %swap3A_428, %swap3A_429] {strides = array<i32>} : memref<2x128x128xf32, #tpu.memory_space<vmem>>, vector<1x1x16xf32>,
    %swap3A_431 = vector.shape_cast %swap3A_430 : vector<1x1x16xf32> to vector<16xf32>
    %swap3A_432 = vector.shape_cast %broadcast_in_dim3A_1 : vector<16xf32> to vector<1x1x16xf32>
    tpu.vector_store %arg8[%swap3A_427, %swap3A_428, %swap3A_429], %swap3A_432 {strides = array<i32>} : memref<2x128x128xf32, #tpu.memory_space<vmem>>, vector<1x1x16xf32>,
    %swap3A_433 = arith.constant 0 : i32
    %swap3A_434 = arith.constant 6 : i32
    %swap3A_435 = arith.index_cast %swap3A_433 : i32 to index
    %swap3A_436 = arith.index_cast %swap3A_434 : i32 to index
    %swap3A_437 = arith.constant 96 : index
    %swap3A_438 = tpu.vector_load %arg8[%swap3A_435, %swap3A_436, %swap3A_437] {strides = array<i32>} : memref<2x128x128xf32, #tpu.memory_space<vmem>>, vector<1x1x16xf32>,
    %swap3A_439 = vector.shape_cast %swap3A_438 : vector<1x1x16xf32> to vector<16xf32>
    %swap3A_440 = vector.shape_cast %broadcast_in_dim3A_1 : vector<16xf32> to vector<1x1x16xf32>
    tpu.vector_store %arg8[%swap3A_435, %swap3A_436, %swap3A_437], %swap3A_440 {strides = array<i32>} : memref<2x128x128xf32, #tpu.memory_space<vmem>>, vector<1x1x16xf32>,
    %swap3A_441 = arith.constant 0 : i32
    %swap3A_442 = arith.constant 6 : i32
    %swap3A_443 = arith.index_cast %swap3A_441 : i32 to index
    %swap3A_444 = arith.index_cast %swap3A_442 : i32 to index
    %swap3A_445 = arith.constant 112 : index
    %swap3A_446 = tpu.vector_load %arg8[%swap3A_443, %swap3A_444, %swap3A_445] {strides = array<i32>} : memref<2x128x128xf32, #tpu.memory_space<vmem>>, vector<1x1x16xf32>,
    %swap3A_447 = vector.shape_cast %swap3A_446 : vector<1x1x16xf32> to vector<16xf32>
    %swap3A_448 = vector.shape_cast %broadcast_in_dim3A_1 : vector<16xf32> to vector<1x1x16xf32>
    tpu.vector_store %arg8[%swap3A_443, %swap3A_444, %swap3A_445], %swap3A_448 {strides = array<i32>} : memref<2x128x128xf32, #tpu.memory_space<vmem>>, vector<1x1x16xf32>,
    %swap3A_449 = arith.constant 0 : i32
    %swap3A_450 = arith.constant 7 : i32
    %swap3A_451 = arith.index_cast %swap3A_449 : i32 to index
    %swap3A_452 = arith.index_cast %swap3A_450 : i32 to index
    %swap3A_453 = arith.constant 0 : index
    %swap3A_454 = tpu.vector_load %arg8[%swap3A_451, %swap3A_452, %swap3A_453] {strides = array<i32>} : memref<2x128x128xf32, #tpu.memory_space<vmem>>, vector<1x1x16xf32>,
    %swap3A_455 = vector.shape_cast %swap3A_454 : vector<1x1x16xf32> to vector<16xf32>
    %swap3A_456 = vector.shape_cast %broadcast_in_dim3A_1 : vector<16xf32> to vector<1x1x16xf32>
    tpu.vector_store %arg8[%swap3A_451, %swap3A_452, %swap3A_453], %swap3A_456 {strides = array<i32>} : memref<2x128x128xf32, #tpu.memory_space<vmem>>, vector<1x1x16xf32>,
    %swap3A_457 = arith.constant 0 : i32
    %swap3A_458 = arith.constant 7 : i32
    %swap3A_459 = arith.index_cast %swap3A_457 : i32 to index
    %swap3A_460 = arith.index_cast %swap3A_458 : i32 to index
    %swap3A_461 = arith.constant 16 : index
    %swap3A_462 = tpu.vector_load %arg8[%swap3A_459, %swap3A_460, %swap3A_461] {strides = array<i32>} : memref<2x128x128xf32, #tpu.memory_space<vmem>>, vector<1x1x16xf32>,
    %swap3A_463 = vector.shape_cast %swap3A_462 : vector<1x1x16xf32> to vector<16xf32>
    %swap3A_464 = vector.shape_cast %broadcast_in_dim3A_1 : vector<16xf32> to vector<1x1x16xf32>
    tpu.vector_store %arg8[%swap3A_459, %swap3A_460, %swap3A_461], %swap3A_464 {strides = array<i32>} : memref<2x128x128xf32, #tpu.memory_space<vmem>>, vector<1x1x16xf32>,
    %swap3A_465 = arith.constant 0 : i32
    %swap3A_466 = arith.constant 7 : i32
    %swap3A_467 = arith.index_cast %swap3A_465 : i32 to index
    %swap3A_468 = arith.index_cast %swap3A_466 : i32 to index
    %swap3A_469 = arith.constant 32 : index
    %swap3A_470 = tpu.vector_load %arg8[%swap3A_467, %swap3A_468, %swap3A_469] {strides = array<i32>} : memref<2x128x128xf32, #tpu.memory_space<vmem>>, vector<1x1x16xf32>,
    %swap3A_471 = vector.shape_cast %swap3A_470 : vector<1x1x16xf32> to vector<16xf32>
    %swap3A_472 = vector.shape_cast %broadcast_in_dim3A_1 : vector<16xf32> to vector<1x1x16xf32>
    tpu.vector_store %arg8[%swap3A_467, %swap3A_468, %swap3A_469], %swap3A_472 {strides = array<i32>} : memref<2x128x128xf32, #tpu.memory_space<vmem>>, vector<1x1x16xf32>,
    %swap3A_473 = arith.constant 0 : i32
    %swap3A_474 = arith.constant 7 : i32
    %swap3A_475 = arith.index_cast %swap3A_473 : i32 to index
    %swap3A_476 = arith.index_cast %swap3A_474 : i32 to index
    %swap3A_477 = arith.constant 48 : index
    %swap3A_478 = tpu.vector_load %arg8[%swap3A_475, %swap3A_476, %swap3A_477] {strides = array<i32>} : memref<2x128x128xf32, #tpu.memory_space<vmem>>, vector<1x1x16xf32>,
    %swap3A_479 = vector.shape_cast %swap3A_478 : vector<1x1x16xf32> to vector<16xf32>
    %swap3A_480 = vector.shape_cast %broadcast_in_dim3A_1 : vector<16xf32> to vector<1x1x16xf32>
    tpu.vector_store %arg8[%swap3A_475, %swap3A_476, %swap3A_477], %swap3A_480 {strides = array<i32>} : memref<2x128x128xf32, #tpu.memory_space<vmem>>, vector<1x1x16xf32>,
    %swap3A_481 = arith.constant 0 : i32
    %swap3A_482 = arith.constant 7 : i32
    %swap3A_483 = arith.index_cast %swap3A_481 : i32 to index
    %swap3A_484 = arith.index_cast %swap3A_482 : i32 to index
    %swap3A_485 = arith.constant 64 : index
    %swap3A_486 = tpu.vector_load %arg8[%swap3A_483, %swap3A_484, %swap3A_485] {strides = array<i32>} : memref<2x128x128xf32, #tpu.memory_space<vmem>>, vector<1x1x16xf32>,
    %swap3A_487 = vector.shape_cast %swap3A_486 : vector<1x1x16xf32> to vector<16xf32>
    %swap3A_488 = vector.shape_cast %broadcast_in_dim3A_1 : vector<16xf32> to vector<1x1x16xf32>
    tpu.vector_store %arg8[%swap3A_483, %swap3A_484, %swap3A_485], %swap3A_488 {strides = array<i32>} : memref<2x128x128xf32, #tpu.memory_space<vmem>>, vector<1x1x16xf32>,
    %swap3A_489 = arith.constant 0 : i32
    %swap3A_490 = arith.constant 7 : i32
    %swap3A_491 = arith.index_cast %swap3A_489 : i32 to index
    %swap3A_492 = arith.index_cast %swap3A_490 : i32 to index
    %swap3A_493 = arith.constant 80 : index
    %swap3A_494 = tpu.vector_load %arg8[%swap3A_491, %swap3A_492, %swap3A_493] {strides = array<i32>} : memref<2x128x128xf32, #tpu.memory_space<vmem>>, vector<1x1x16xf32>,
    %swap3A_495 = vector.shape_cast %swap3A_494 : vector<1x1x16xf32> to vector<16xf32>
    %swap3A_496 = vector.shape_cast %broadcast_in_dim3A_1 : vector<16xf32> to vector<1x1x16xf32>
    tpu.vector_store %arg8[%swap3A_491, %swap3A_492, %swap3A_493], %swap3A_496 {strides = array<i32>} : memref<2x128x128xf32, #tpu.memory_space<vmem>>, vector<1x1x16xf32>,
    %swap3A_497 = arith.constant 0 : i32
    %swap3A_498 = arith.constant 7 : i32
    %swap3A_499 = arith.index_cast %swap3A_497 : i32 to index
    %swap3A_500 = arith.index_cast %swap3A_498 : i32 to index
    %swap3A_501 = arith.constant 96 : index
    %swap3A_502 = tpu.vector_load %arg8[%swap3A_499, %swap3A_500, %swap3A_501] {strides = array<i32>} : memref<2x128x128xf32, #tpu.memory_space<vmem>>, vector<1x1x16xf32>,
    %swap3A_503 = vector.shape_cast %swap3A_502 : vector<1x1x16xf32> to vector<16xf32>
    %swap3A_504 = vector.shape_cast %broadcast_in_dim3A_1 : vector<16xf32> to vector<1x1x16xf32>
    tpu.vector_store %arg8[%swap3A_499, %swap3A_500, %swap3A_501], %swap3A_504 {strides = array<i32>} : memref<2x128x128xf32, #tpu.memory_space<vmem>>, vector<1x1x16xf32>,
    %swap3A_505 = arith.constant 0 : i32
    %swap3A_506 = arith.constant 7 : i32
    %swap3A_507 = arith.index_cast %swap3A_505 : i32 to index
    %swap3A_508 = arith.index_cast %swap3A_506 : i32 to index
    %swap3A_509 = arith.constant 112 : index
    %swap3A_510 = tpu.vector_load %arg8[%swap3A_507, %swap3A_508, %swap3A_509] {strides = array<i32>} : memref<2x128x128xf32, #tpu.memory_space<vmem>>, vector<1x1x16xf32>,
    %swap3A_511 = vector.shape_cast %swap3A_510 : vector<1x1x16xf32> to vector<16xf32>
    %swap3A_512 = vector.shape_cast %broadcast_in_dim3A_1 : vector<16xf32> to vector<1x1x16xf32>
    tpu.vector_store %arg8[%swap3A_507, %swap3A_508, %swap3A_509], %swap3A_512 {strides = array<i32>} : memref<2x128x128xf32, #tpu.memory_space<vmem>>, vector<1x1x16xf32>,
    %swap3A_513 = arith.constant 0 : i32
    %swap3A_514 = arith.constant 8 : i32
    %swap3A_515 = arith.index_cast %swap3A_513 : i32 to index
    %swap3A_516 = arith.index_cast %swap3A_514 : i32 to index
    %swap3A_517 = arith.constant 0 : index
    %swap3A_518 = tpu.vector_load %arg8[%swap3A_515, %swap3A_516, %swap3A_517] {strides = array<i32>} : memref<2x128x128xf32, #tpu.memory_space<vmem>>, vector<1x1x16xf32>,
    %swap3A_519 = vector.shape_cast %swap3A_518 : vector<1x1x16xf32> to vector<16xf32>
    %swap3A_520 = vector.shape_cast %broadcast_in_dim3A_1 : vector<16xf32> to vector<1x1x16xf32>
    tpu.vector_store %arg8[%swap3A_515, %swap3A_516, %swap3A_517], %swap3A_520 {strides = array<i32>} : memref<2x128x128xf32, #tpu.memory_space<vmem>>, vector<1x1x16xf32>,
    %swap3A_521 = arith.constant 0 : i32
    %swap3A_522 = arith.constant 8 : i32
    %swap3A_523 = arith.index_cast %swap3A_521 : i32 to index
    %swap3A_524 = arith.index_cast %swap3A_522 : i32 to index
    %swap3A_525 = arith.constant 16 : index
    %swap3A_526 = tpu.vector_load %arg8[%swap3A_523, %swap3A_524, %swap3A_525] {strides = array<i32>} : memref<2x128x128xf32, #tpu.memory_space<vmem>>, vector<1x1x16xf32>,
    %swap3A_527 = vector.shape_cast %swap3A_526 : vector<1x1x16xf32> to vector<16xf32>
    %swap3A_528 = vector.shape_cast %broadcast_in_dim3A_1 : vector<16xf32> to vector<1x1x16xf32>
    tpu.vector_store %arg8[%swap3A_523, %swap3A_524, %swap3A_525], %swap3A_528 {strides = array<i32>} : memref<2x128x128xf32, #tpu.memory_space<vmem>>, vector<1x1x16xf32>,
    %swap3A_529 = arith.constant 0 : i32
    %swap3A_530 = arith.constant 8 : i32
    %swap3A_531 = arith.index_cast %swap3A_529 : i32 to index
    %swap3A_532 = arith.index_cast %swap3A_530 : i32 to index
    %swap3A_533 = arith.constant 32 : index
    %swap3A_534 = tpu.vector_load %arg8[%swap3A_531, %swap3A_532, %swap3A_533] {strides = array<i32>} : memref<2x128x128xf32, #tpu.memory_space<vmem>>, vector<1x1x16xf32>,
    %swap3A_535 = vector.shape_cast %swap3A_534 : vector<1x1x16xf32> to vector<16xf32>
    %swap3A_536 = vector.shape_cast %broadcast_in_dim3A_1 : vector<16xf32> to vector<1x1x16xf32>
    tpu.vector_store %arg8[%swap3A_531, %swap3A_532, %swap3A_533], %swap3A_536 {strides = array<i32>} : memref<2x128x128xf32, #tpu.memory_space<vmem>>, vector<1x1x16xf32>,
    %swap3A_537 = arith.constant 0 : i32
    %swap3A_538 = arith.constant 8 : i32
    %swap3A_539 = arith.index_cast %swap3A_537 : i32 to index
    %swap3A_540 = arith.index_cast %swap3A_538 : i32 to index
    %swap3A_541 = arith.constant 48 : index
    %swap3A_542 = tpu.vector_load %arg8[%swap3A_539, %swap3A_540, %swap3A_541] {strides = array<i32>} : memref<2x128x128xf32, #tpu.memory_space<vmem>>, vector<1x1x16xf32>,
    %swap3A_543 = vector.shape_cast %swap3A_542 : vector<1x1x16xf32> to vector<16xf32>
    %swap3A_544 = vector.shape_cast %broadcast_in_dim3A_1 : vector<16xf32> to vector<1x1x16xf32>
    tpu.vector_store %arg8[%swap3A_539, %swap3A_540, %swap3A_541], %swap3A_544 {strides = array<i32>} : memref<2x128x128xf32, #tpu.memory_space<vmem>>, vector<1x1x16xf32>,
    %swap3A_545 = arith.constant 0 : i32
    %swap3A_546 = arith.constant 8 : i32
    %swap3A_547 = arith.index_cast %swap3A_545 : i32 to index
    %swap3A_548 = arith.index_cast %swap3A_546 : i32 to index
    %swap3A_549 = arith.constant 64 : index
    %swap3A_550 = tpu.vector_load %arg8[%swap3A_547, %swap3A_548, %swap3A_549] {strides = array<i32>} : memref<2x128x128xf32, #tpu.memory_space<vmem>>, vector<1x1x16xf32>,
    %swap3A_551 = vector.shape_cast %swap3A_550 : vector<1x1x16xf32> to vector<16xf32>
    %swap3A_552 = vector.shape_cast %broadcast_in_dim3A_1 : vector<16xf32> to vector<1x1x16xf32>
    tpu.vector_store %arg8[%swap3A_547, %swap3A_548, %swap3A_549], %swap3A_552 {strides = array<i32>} : memref<2x128x128xf32, #tpu.memory_space<vmem>>, vector<1x1x16xf32>,
    %swap3A_553 = arith.constant 0 : i32
    %swap3A_554 = arith.constant 8 : i32
    %swap3A_555 = arith.index_cast %swap3A_553 : i32 to index
    %swap3A_556 = arith.index_cast %swap3A_554 : i32 to index
    %swap3A_557 = arith.constant 80 : index
    %swap3A_558 = tpu.vector_load %arg8[%swap3A_555, %swap3A_556, %swap3A_557] {strides = array<i32>} : memref<2x128x128xf32, #tpu.memory_space<vmem>>, vector<1x1x16xf32>,
    %swap3A_559 = vector.shape_cast %swap3A_558 : vector<1x1x16xf32> to vector<16xf32>
    %swap3A_560 = vector.shape_cast %broadcast_in_dim3A_1 : vector<16xf32> to vector<1x1x16xf32>
    tpu.vector_store %arg8[%swap3A_555, %swap3A_556, %swap3A_557], %swap3A_560 {strides = array<i32>} : memref<2x128x128xf32, #tpu.memory_space<vmem>>, vector<1x1x16xf32>,
    %swap3A_561 = arith.constant 0 : i32
    %swap3A_562 = arith.constant 8 : i32
    %swap3A_563 = arith.index_cast %swap3A_561 : i32 to index
    %swap3A_564 = arith.index_cast %swap3A_562 : i32 to index
    %swap3A_565 = arith.constant 96 : index
    %swap3A_566 = tpu.vector_load %arg8[%swap3A_563, %swap3A_564, %swap3A_565] {strides = array<i32>} : memref<2x128x128xf32, #tpu.memory_space<vmem>>, vector<1x1x16xf32>,
    %swap3A_567 = vector.shape_cast %swap3A_566 : vector<1x1x16xf32> to vector<16xf32>
    %swap3A_568 = vector.shape_cast %broadcast_in_dim3A_1 : vector<16xf32> to vector<1x1x16xf32>
    tpu.vector_store %arg8[%swap3A_563, %swap3A_564, %swap3A_565], %swap3A_568 {strides = array<i32>} : memref<2x128x128xf32, #tpu.memory_space<vmem>>, vector<1x1x16xf32>,
    %swap3A_569 = arith.constant 0 : i32
    %swap3A_570 = arith.constant 8 : i32
    %swap3A_571 = arith.index_cast %swap3A_569 : i32 to index
    %swap3A_572 = arith.index_cast %swap3A_570 : i32 to index
    %swap3A_573 = arith.constant 112 : index
    %swap3A_574 = tpu.vector_load %arg8[%swap3A_571, %swap3A_572, %swap3A_573] {strides = array<i32>} : memref<2x128x128xf32, #tpu.memory_space<vmem>>, vector<1x1x16xf32>,
    %swap3A_575 = vector.shape_cast %swap3A_574 : vector<1x1x16xf32> to vector<16xf32>
    %swap3A_576 = vector.shape_cast %broadcast_in_dim3A_1 : vector<16xf32> to vector<1x1x16xf32>
    tpu.vector_store %arg8[%swap3A_571, %swap3A_572, %swap3A_573], %swap3A_576 {strides = array<i32>} : memref<2x128x128xf32, #tpu.memory_space<vmem>>, vector<1x1x16xf32>,
    %swap3A_577 = arith.constant 0 : i32
    %swap3A_578 = arith.constant 9 : i32
    %swap3A_579 = arith.index_cast %swap3A_577 : i32 to index
    %swap3A_580 = arith.index_cast %swap3A_578 : i32 to index
    %swap3A_581 = arith.constant 0 : index
    %swap3A_582 = tpu.vector_load %arg8[%swap3A_579, %swap3A_580, %swap3A_581] {strides = array<i32>} : memref<2x128x128xf32, #tpu.memory_space<vmem>>, vector<1x1x16xf32>,
    %swap3A_583 = vector.shape_cast %swap3A_582 : vector<1x1x16xf32> to vector<16xf32>
    %swap3A_584 = vector.shape_cast %broadcast_in_dim3A_1 : vector<16xf32> to vector<1x1x16xf32>
    tpu.vector_store %arg8[%swap3A_579, %swap3A_580, %swap3A_581], %swap3A_584 {strides = array<i32>} : memref<2x128x128xf32, #tpu.memory_space<vmem>>, vector<1x1x16xf32>,
    %swap3A_585 = arith.constant 0 : i32
    %swap3A_586 = arith.constant 9 : i32
    %swap3A_587 = arith.index_cast %swap3A_585 : i32 to index
    %swap3A_588 = arith.index_cast %swap3A_586 : i32 to index
    %swap3A_589 = arith.constant 16 : index
    %swap3A_590 = tpu.vector_load %arg8[%swap3A_587, %swap3A_588, %swap3A_589] {strides = array<i32>} : memref<2x128x128xf32, #tpu.memory_space<vmem>>, vector<1x1x16xf32>,
    %swap3A_591 = vector.shape_cast %swap3A_590 : vector<1x1x16xf32> to vector<16xf32>
    %swap3A_592 = vector.shape_cast %broadcast_in_dim3A_1 : vector<16xf32> to vector<1x1x16xf32>
    tpu.vector_store %arg8[%swap3A_587, %swap3A_588, %swap3A_589], %swap3A_592 {strides = array<i32>} : memref<2x128x128xf32, #tpu.memory_space<vmem>>, vector<1x1x16xf32>,
    %swap3A_593 = arith.constant 0 : i32
    %swap3A_594 = arith.constant 9 : i32
    %swap3A_595 = arith.index_cast %swap3A_593 : i32 to index
    %swap3A_596 = arith.index_cast %swap3A_594 : i32 to index
    %swap3A_597 = arith.constant 32 : index
    %swap3A_598 = tpu.vector_load %arg8[%swap3A_595, %swap3A_596, %swap3A_597] {strides = array<i32>} : memref<2x128x128xf32, #tpu.memory_space<vmem>>, vector<1x1x16xf32>,
    %swap3A_599 = vector.shape_cast %swap3A_598 : vector<1x1x16xf32> to vector<16xf32>
    %swap3A_600 = vector.shape_cast %broadcast_in_dim3A_1 : vector<16xf32> to vector<1x1x16xf32>
    tpu.vector_store %arg8[%swap3A_595, %swap3A_596, %swap3A_597], %swap3A_600 {strides = array<i32>} : memref<2x128x128xf32, #tpu.memory_space<vmem>>, vector<1x1x16xf32>,
    %swap3A_601 = arith.constant 0 : i32
    %swap3A_602 = arith.constant 9 : i32
    %swap3A_603 = arith.index_cast %swap3A_601 : i32 to index
    %swap3A_604 = arith.index_cast %swap3A_602 : i32 to index
    %swap3A_605 = arith.constant 48 : index
    %swap3A_606 = tpu.vector_load %arg8[%swap3A_603, %swap3A_604, %swap3A_605] {strides = array<i32>} : memref<2x128x128xf32, #tpu.memory_space<vmem>>, vector<1x1x16xf32>,
    %swap3A_607 = vector.shape_cast %swap3A_606 : vector<1x1x16xf32> to vector<16xf32>
    %swap3A_608 = vector.shape_cast %broadcast_in_dim3A_1 : vector<16xf32> to vector<1x1x16xf32>
    tpu.vector_store %arg8[%swap3A_603, %swap3A_604, %swap3A_605], %swap3A_608 {strides = array<i32>} : memref<2x128x128xf32, #tpu.memory_space<vmem>>, vector<1x1x16xf32>,
    %swap3A_609 = arith.constant 0 : i32
    %swap3A_610 = arith.constant 9 : i32
    %swap3A_611 = arith.index_cast %swap3A_609 : i32 to index
    %swap3A_612 = arith.index_cast %swap3A_610 : i32 to index
    %swap3A_613 = arith.constant 64 : index
    %swap3A_614 = tpu.vector_load %arg8[%swap3A_611, %swap3A_612, %swap3A_613] {strides = array<i32>} : memref<2x128x128xf32, #tpu.memory_space<vmem>>, vector<1x1x16xf32>,
    %swap3A_615 = vector.shape_cast %swap3A_614 : vector<1x1x16xf32> to vector<16xf32>
    %swap3A_616 = vector.shape_cast %broadcast_in_dim3A_1 : vector<16xf32> to vector<1x1x16xf32>
    tpu.vector_store %arg8[%swap3A_611, %swap3A_612, %swap3A_613], %swap3A_616 {strides = array<i32>} : memref<2x128x128xf32, #tpu.memory_space<vmem>>, vector<1x1x16xf32>,
    %swap3A_617 = arith.constant 0 : i32
    %swap3A_618 = arith.constant 9 : i32
    %swap3A_619 = arith.index_cast %swap3A_617 : i32 to index
    %swap3A_620 = arith.index_cast %swap3A_618 : i32 to index
    %swap3A_621 = arith.constant 80 : index
    %swap3A_622 = tpu.vector_load %arg8[%swap3A_619, %swap3A_620, %swap3A_621] {strides = array<i32>} : memref<2x128x128xf32, #tpu.memory_space<vmem>>, vector<1x1x16xf32>,
    %swap3A_623 = vector.shape_cast %swap3A_622 : vector<1x1x16xf32> to vector<16xf32>
    %swap3A_624 = vector.shape_cast %broadcast_in_dim3A_1 : vector<16xf32> to vector<1x1x16xf32>
    tpu.vector_store %arg8[%swap3A_619, %swap3A_620, %swap3A_621], %swap3A_624 {strides = array<i32>} : memref<2x128x128xf32, #tpu.memory_space<vmem>>, vector<1x1x16xf32>,
    %swap3A_625 = arith.constant 0 : i32
    %swap3A_626 = arith.constant 9 : i32
    %swap3A_627 = arith.index_cast %swap3A_625 : i32 to index
    %swap3A_628 = arith.index_cast %swap3A_626 : i32 to index
    %swap3A_629 = arith.constant 96 : index
    %swap3A_630 = tpu.vector_load %arg8[%swap3A_627, %swap3A_628, %swap3A_629] {strides = array<i32>} : memref<2x128x128xf32, #tpu.memory_space<vmem>>, vector<1x1x16xf32>,
    %swap3A_631 = vector.shape_cast %swap3A_630 : vector<1x1x16xf32> to vector<16xf32>
    %swap3A_632 = vector.shape_cast %broadcast_in_dim3A_1 : vector<16xf32> to vector<1x1x16xf32>
    tpu.vector_store %arg8[%swap3A_627, %swap3A_628, %swap3A_629], %swap3A_632 {strides = array<i32>} : memref<2x128x128xf32, #tpu.memory_space<vmem>>, vector<1x1x16xf32>,
    %swap3A_633 = arith.constant 0 : i32
    %swap3A_634 = arith.constant 9 : i32
    %swap3A_635 = arith.index_cast %swap3A_633 : i32 to index
    %swap3A_636 = arith.index_cast %swap3A_634 : i32 to index
    %swap3A_637 = arith.constant 112 : index
    %swap3A_638 = tpu.vector_load %arg8[%swap3A_635, %swap3A_636, %swap3A_637] {strides = array<i32>} : memref<2x128x128xf32, #tpu.memory_space<vmem>>, vector<1x1x16xf32>,
    %swap3A_639 = vector.shape_cast %swap3A_638 : vector<1x1x16xf32> to vector<16xf32>
    %swap3A_640 = vector.shape_cast %broadcast_in_dim3A_1 : vector<16xf32> to vector<1x1x16xf32>
    tpu.vector_store %arg8[%swap3A_635, %swap3A_636, %swap3A_637], %swap3A_640 {strides = array<i32>} : memref<2x128x128xf32, #tpu.memory_space<vmem>>, vector<1x1x16xf32>,
    %swap3A_641 = arith.constant 0 : i32
    %swap3A_642 = arith.constant 10 : i32
    %swap3A_643 = arith.index_cast %swap3A_641 : i32 to index
    %swap3A_644 = arith.index_cast %swap3A_642 : i32 to index
    %swap3A_645 = arith.constant 0 : index
    %swap3A_646 = tpu.vector_load %arg8[%swap3A_643, %swap3A_644, %swap3A_645] {strides = array<i32>} : memref<2x128x128xf32, #tpu.memory_space<vmem>>, vector<1x1x16xf32>,
    %swap3A_647 = vector.shape_cast %swap3A_646 : vector<1x1x16xf32> to vector<16xf32>
    %swap3A_648 = vector.shape_cast %broadcast_in_dim3A_1 : vector<16xf32> to vector<1x1x16xf32>
    tpu.vector_store %arg8[%swap3A_643, %swap3A_644, %swap3A_645], %swap3A_648 {strides = array<i32>} : memref<2x128x128xf32, #tpu.memory_space<vmem>>, vector<1x1x16xf32>,
    %swap3A_649 = arith.constant 0 : i32
    %swap3A_650 = arith.constant 10 : i32
    %swap3A_651 = arith.index_cast %swap3A_649 : i32 to index
    %swap3A_652 = arith.index_cast %swap3A_650 : i32 to index
    %swap3A_653 = arith.constant 16 : index
    %swap3A_654 = tpu.vector_load %arg8[%swap3A_651, %swap3A_652, %swap3A_653] {strides = array<i32>} : memref<2x128x128xf32, #tpu.memory_space<vmem>>, vector<1x1x16xf32>,
    %swap3A_655 = vector.shape_cast %swap3A_654 : vector<1x1x16xf32> to vector<16xf32>
    %swap3A_656 = vector.shape_cast %broadcast_in_dim3A_1 : vector<16xf32> to vector<1x1x16xf32>
    tpu.vector_store %arg8[%swap3A_651, %swap3A_652, %swap3A_653], %swap3A_656 {strides = array<i32>} : memref<2x128x128xf32, #tpu.memory_space<vmem>>, vector<1x1x16xf32>,
    %swap3A_657 = arith.constant 0 : i32
    %swap3A_658 = arith.constant 10 : i32
    %swap3A_659 = arith.index_cast %swap3A_657 : i32 to index
    %swap3A_660 = arith.index_cast %swap3A_658 : i32 to index
    %swap3A_661 = arith.constant 32 : index
    %swap3A_662 = tpu.vector_load %arg8[%swap3A_659, %swap3A_660, %swap3A_661] {strides = array<i32>} : memref<2x128x128xf32, #tpu.memory_space<vmem>>, vector<1x1x16xf32>,
    %swap3A_663 = vector.shape_cast %swap3A_662 : vector<1x1x16xf32> to vector<16xf32>
    %swap3A_664 = vector.shape_cast %broadcast_in_dim3A_1 : vector<16xf32> to vector<1x1x16xf32>
    tpu.vector_store %arg8[%swap3A_659, %swap3A_660, %swap3A_661], %swap3A_664 {strides = array<i32>} : memref<2x128x128xf32, #tpu.memory_space<vmem>>, vector<1x1x16xf32>,
    %swap3A_665 = arith.constant 0 : i32
    %swap3A_666 = arith.constant 10 : i32
    %swap3A_667 = arith.index_cast %swap3A_665 : i32 to index
    %swap3A_668 = arith.index_cast %swap3A_666 : i32 to index
    %swap3A_669 = arith.constant 48 : index
    %swap3A_670 = tpu.vector_load %arg8[%swap3A_667, %swap3A_668, %swap3A_669] {strides = array<i32>} : memref<2x128x128xf32, #tpu.memory_space<vmem>>, vector<1x1x16xf32>,
    %swap3A_671 = vector.shape_cast %swap3A_670 : vector<1x1x16xf32> to vector<16xf32>
    %swap3A_672 = vector.shape_cast %broadcast_in_dim3A_1 : vector<16xf32> to vector<1x1x16xf32>
    tpu.vector_store %arg8[%swap3A_667, %swap3A_668, %swap3A_669], %swap3A_672 {strides = array<i32>} : memref<2x128x128xf32, #tpu.memory_space<vmem>>, vector<1x1x16xf32>,
    %swap3A_673 = arith.constant 0 : i32
    %swap3A_674 = arith.constant 10 : i32
    %swap3A_675 = arith.index_cast %swap3A_673 : i32 to index
    %swap3A_676 = arith.index_cast %swap3A_674 : i32 to index
    %swap3A_677 = arith.constant 64 : index
    %swap3A_678 = tpu.vector_load %arg8[%swap3A_675, %swap3A_676, %swap3A_677] {strides = array<i32>} : memref<2x128x128xf32, #tpu.memory_space<vmem>>, vector<1x1x16xf32>,
    %swap3A_679 = vector.shape_cast %swap3A_678 : vector<1x1x16xf32> to vector<16xf32>
    %swap3A_680 = vector.shape_cast %broadcast_in_dim3A_1 : vector<16xf32> to vector<1x1x16xf32>
    tpu.vector_store %arg8[%swap3A_675, %swap3A_676, %swap3A_677], %swap3A_680 {strides = array<i32>} : memref<2x128x128xf32, #tpu.memory_space<vmem>>, vector<1x1x16xf32>,
    %swap3A_681 = arith.constant 0 : i32
    %swap3A_682 = arith.constant 10 : i32
    %swap3A_683 = arith.index_cast %swap3A_681 : i32 to index
    %swap3A_684 = arith.index_cast %swap3A_682 : i32 to index
    %swap3A_685 = arith.constant 80 : index
    %swap3A_686 = tpu.vector_load %arg8[%swap3A_683, %swap3A_684, %swap3A_685] {strides = array<i32>} : memref<2x128x128xf32, #tpu.memory_space<vmem>>, vector<1x1x16xf32>,
    %swap3A_687 = vector.shape_cast %swap3A_686 : vector<1x1x16xf32> to vector<16xf32>
    %swap3A_688 = vector.shape_cast %broadcast_in_dim3A_1 : vector<16xf32> to vector<1x1x16xf32>
    tpu.vector_store %arg8[%swap3A_683, %swap3A_684, %swap3A_685], %swap3A_688 {strides = array<i32>} : memref<2x128x128xf32, #tpu.memory_space<vmem>>, vector<1x1x16xf32>,
    %swap3A_689 = arith.constant 0 : i32
    %swap3A_690 = arith.constant 10 : i32
    %swap3A_691 = arith.index_cast %swap3A_689 : i32 to index
    %swap3A_692 = arith.index_cast %swap3A_690 : i32 to index
    %swap3A_693 = arith.constant 96 : index
    %swap3A_694 = tpu.vector_load %arg8[%swap3A_691, %swap3A_692, %swap3A_693] {strides = array<i32>} : memref<2x128x128xf32, #tpu.memory_space<vmem>>, vector<1x1x16xf32>,
    %swap3A_695 = vector.shape_cast %swap3A_694 : vector<1x1x16xf32> to vector<16xf32>
    %swap3A_696 = vector.shape_cast %broadcast_in_dim3A_1 : vector<16xf32> to vector<1x1x16xf32>
    tpu.vector_store %arg8[%swap3A_691, %swap3A_692, %swap3A_693], %swap3A_696 {strides = array<i32>} : memref<2x128x128xf32, #tpu.memory_space<vmem>>, vector<1x1x16xf32>,
    %swap3A_697 = arith.constant 0 : i32
    %swap3A_698 = arith.constant 10 : i32
    %swap3A_699 = arith.index_cast %swap3A_697 : i32 to index
    %swap3A_700 = arith.index_cast %swap3A_698 : i32 to index
    %swap3A_701 = arith.constant 112 : index
    %swap3A_702 = tpu.vector_load %arg8[%swap3A_699, %swap3A_700, %swap3A_701] {strides = array<i32>} : memref<2x128x128xf32, #tpu.memory_space<vmem>>, vector<1x1x16xf32>,
    %swap3A_703 = vector.shape_cast %swap3A_702 : vector<1x1x16xf32> to vector<16xf32>
    %swap3A_704 = vector.shape_cast %broadcast_in_dim3A_1 : vector<16xf32> to vector<1x1x16xf32>
    tpu.vector_store %arg8[%swap3A_699, %swap3A_700, %swap3A_701], %swap3A_704 {strides = array<i32>} : memref<2x128x128xf32, #tpu.memory_space<vmem>>, vector<1x1x16xf32>,
    %swap3A_705 = arith.constant 0 : i32
    %swap3A_706 = arith.constant 11 : i32
    %swap3A_707 = arith.index_cast %swap3A_705 : i32 to index
    %swap3A_708 = arith.index_cast %swap3A_706 : i32 to index
    %swap3A_709 = arith.constant 0 : index
    %swap3A_710 = tpu.vector_load %arg8[%swap3A_707, %swap3A_708, %swap3A_709] {strides = array<i32>} : memref<2x128x128xf32, #tpu.memory_space<vmem>>, vector<1x1x16xf32>,
    %swap3A_711 = vector.shape_cast %swap3A_710 : vector<1x1x16xf32> to vector<16xf32>
    %swap3A_712 = vector.shape_cast %broadcast_in_dim3A_1 : vector<16xf32> to vector<1x1x16xf32>
    tpu.vector_store %arg8[%swap3A_707, %swap3A_708, %swap3A_709], %swap3A_712 {strides = array<i32>} : memref<2x128x128xf32, #tpu.memory_space<vmem>>, vector<1x1x16xf32>,
    %swap3A_713 = arith.constant 0 : i32
    %swap3A_714 = arith.constant 11 : i32
    %swap3A_715 = arith.index_cast %swap3A_713 : i32 to index
    %swap3A_716 = arith.index_cast %swap3A_714 : i32 to index
    %swap3A_717 = arith.constant 16 : index
    %swap3A_718 = tpu.vector_load %arg8[%swap3A_715, %swap3A_716, %swap3A_717] {strides = array<i32>} : memref<2x128x128xf32, #tpu.memory_space<vmem>>, vector<1x1x16xf32>,
    %swap3A_719 = vector.shape_cast %swap3A_718 : vector<1x1x16xf32> to vector<16xf32>
    %swap3A_720 = vector.shape_cast %broadcast_in_dim3A_1 : vector<16xf32> to vector<1x1x16xf32>
    tpu.vector_store %arg8[%swap3A_715, %swap3A_716, %swap3A_717], %swap3A_720 {strides = array<i32>} : memref<2x128x128xf32, #tpu.memory_space<vmem>>, vector<1x1x16xf32>,
    %swap3A_721 = arith.constant 0 : i32
    %swap3A_722 = arith.constant 11 : i32
    %swap3A_723 = arith.index_cast %swap3A_721 : i32 to index
    %swap3A_724 = arith.index_cast %swap3A_722 : i32 to index
    %swap3A_725 = arith.constant 32 : index
    %swap3A_726 = tpu.vector_load %arg8[%swap3A_723, %swap3A_724, %swap3A_725] {strides = array<i32>} : memref<2x128x128xf32, #tpu.memory_space<vmem>>, vector<1x1x16xf32>,
    %swap3A_727 = vector.shape_cast %swap3A_726 : vector<1x1x16xf32> to vector<16xf32>
    %swap3A_728 = vector.shape_cast %broadcast_in_dim3A_1 : vector<16xf32> to vector<1x1x16xf32>
    tpu.vector_store %arg8[%swap3A_723, %swap3A_724, %swap3A_725], %swap3A_728 {strides = array<i32>} : memref<2x128x128xf32, #tpu.memory_space<vmem>>, vector<1x1x16xf32>,
    %swap3A_729 = arith.constant 0 : i32
    %swap3A_730 = arith.constant 11 : i32
    %swap3A_731 = arith.index_cast %swap3A_729 : i32 to index
    %swap3A_732 = arith.index_cast %swap3A_730 : i32 to index
    %swap3A_733 = arith.constant 48 : index
    %swap3A_734 = tpu.vector_load %arg8[%swap3A_731, %swap3A_732, %swap3A_733] {strides = array<i32>} : memref<2x128x128xf32, #tpu.memory_space<vmem>>, vector<1x1x16xf32>,
    %swap3A_735 = vector.shape_cast %swap3A_734 : vector<1x1x16xf32> to vector<16xf32>
    %swap3A_736 = vector.shape_cast %broadcast_in_dim3A_1 : vector<16xf32> to vector<1x1x16xf32>
    tpu.vector_store %arg8[%swap3A_731, %swap3A_732, %swap3A_733], %swap3A_736 {strides = array<i32>} : memref<2x128x128xf32, #tpu.memory_space<vmem>>, vector<1x1x16xf32>,
    %swap3A_737 = arith.constant 0 : i32
    %swap3A_738 = arith.constant 11 : i32
    %swap3A_739 = arith.index_cast %swap3A_737 : i32 to index
    %swap3A_740 = arith.index_cast %swap3A_738 : i32 to index
    %swap3A_741 = arith.constant 64 : index
    %swap3A_742 = tpu.vector_load %arg8[%swap3A_739, %swap3A_740, %swap3A_741] {strides = array<i32>} : memref<2x128x128xf32, #tpu.memory_space<vmem>>, vector<1x1x16xf32>,
    %swap3A_743 = vector.shape_cast %swap3A_742 : vector<1x1x16xf32> to vector<16xf32>
    %swap3A_744 = vector.shape_cast %broadcast_in_dim3A_1 : vector<16xf32> to vector<1x1x16xf32>
    tpu.vector_store %arg8[%swap3A_739, %swap3A_740, %swap3A_741], %swap3A_744 {strides = array<i32>} : memref<2x128x128xf32, #tpu.memory_space<vmem>>, vector<1x1x16xf32>,
    %swap3A_745 = arith.constant 0 : i32
    %swap3A_746 = arith.constant 11 : i32
    %swap3A_747 = arith.index_cast %swap3A_745 : i32 to index
    %swap3A_748 = arith.index_cast %swap3A_746 : i32 to index
    %swap3A_749 = arith.constant 80 : index
    %swap3A_750 = tpu.vector_load %arg8[%swap3A_747, %swap3A_748, %swap3A_749] {strides = array<i32>} : memref<2x128x128xf32, #tpu.memory_space<vmem>>, vector<1x1x16xf32>,
    %swap3A_751 = vector.shape_cast %swap3A_750 : vector<1x1x16xf32> to vector<16xf32>
    %swap3A_752 = vector.shape_cast %broadcast_in_dim3A_1 : vector<16xf32> to vector<1x1x16xf32>
    tpu.vector_store %arg8[%swap3A_747, %swap3A_748, %swap3A_749], %swap3A_752 {strides = array<i32>} : memref<2x128x128xf32, #tpu.memory_space<vmem>>, vector<1x1x16xf32>,
    %swap3A_753 = arith.constant 0 : i32
    %swap3A_754 = arith.constant 11 : i32
    %swap3A_755 = arith.index_cast %swap3A_753 : i32 to index
    %swap3A_756 = arith.index_cast %swap3A_754 : i32 to index
    %swap3A_757 = arith.constant 96 : index
    %swap3A_758 = tpu.vector_load %arg8[%swap3A_755, %swap3A_756, %swap3A_757] {strides = array<i32>} : memref<2x128x128xf32, #tpu.memory_space<vmem>>, vector<1x1x16xf32>,
    %swap3A_759 = vector.shape_cast %swap3A_758 : vector<1x1x16xf32> to vector<16xf32>
    %swap3A_760 = vector.shape_cast %broadcast_in_dim3A_1 : vector<16xf32> to vector<1x1x16xf32>
    tpu.vector_store %arg8[%swap3A_755, %swap3A_756, %swap3A_757], %swap3A_760 {strides = array<i32>} : memref<2x128x128xf32, #tpu.memory_space<vmem>>, vector<1x1x16xf32>,
    %swap3A_761 = arith.constant 0 : i32
    %swap3A_762 = arith.constant 11 : i32
    %swap3A_763 = arith.index_cast %swap3A_761 : i32 to index
    %swap3A_764 = arith.index_cast %swap3A_762 : i32 to index
    %swap3A_765 = arith.constant 112 : index
    %swap3A_766 = tpu.vector_load %arg8[%swap3A_763, %swap3A_764, %swap3A_765] {strides = array<i32>} : memref<2x128x128xf32, #tpu.memory_space<vmem>>, vector<1x1x16xf32>,
    %swap3A_767 = vector.shape_cast %swap3A_766 : vector<1x1x16xf32> to vector<16xf32>
    %swap3A_768 = vector.shape_cast %broadcast_in_dim3A_1 : vector<16xf32> to vector<1x1x16xf32>
    tpu.vector_store %arg8[%swap3A_763, %swap3A_764, %swap3A_765], %swap3A_768 {strides = array<i32>} : memref<2x128x128xf32, #tpu.memory_space<vmem>>, vector<1x1x16xf32>,
    %swap3A_769 = arith.constant 0 : i32
    %swap3A_770 = arith.constant 12 : i32
    %swap3A_771 = arith.index_cast %swap3A_769 : i32 to index
    %swap3A_772 = arith.index_cast %swap3A_770 : i32 to index
    %swap3A_773 = arith.constant 0 : index
    %swap3A_774 = tpu.vector_load %arg8[%swap3A_771, %swap3A_772, %swap3A_773] {strides = array<i32>} : memref<2x128x128xf32, #tpu.memory_space<vmem>>, vector<1x1x16xf32>,
    %swap3A_775 = vector.shape_cast %swap3A_774 : vector<1x1x16xf32> to vector<16xf32>
    %swap3A_776 = vector.shape_cast %broadcast_in_dim3A_1 : vector<16xf32> to vector<1x1x16xf32>
    tpu.vector_store %arg8[%swap3A_771, %swap3A_772, %swap3A_773], %swap3A_776 {strides = array<i32>} : memref<2x128x128xf32, #tpu.memory_space<vmem>>, vector<1x1x16xf32>,
    %swap3A_777 = arith.constant 0 : i32
    %swap3A_778 = arith.constant 12 : i32
    %swap3A_779 = arith.index_cast %swap3A_777 : i32 to index
    %swap3A_780 = arith.index_cast %swap3A_778 : i32 to index
    %swap3A_781 = arith.constant 16 : index
    %swap3A_782 = tpu.vector_load %arg8[%swap3A_779, %swap3A_780, %swap3A_781] {strides = array<i32>} : memref<2x128x128xf32, #tpu.memory_space<vmem>>, vector<1x1x16xf32>,
    %swap3A_783 = vector.shape_cast %swap3A_782 : vector<1x1x16xf32> to vector<16xf32>
    %swap3A_784 = vector.shape_cast %broadcast_in_dim3A_1 : vector<16xf32> to vector<1x1x16xf32>
    tpu.vector_store %arg8[%swap3A_779, %swap3A_780, %swap3A_781], %swap3A_784 {strides = array<i32>} : memref<2x128x128xf32, #tpu.memory_space<vmem>>, vector<1x1x16xf32>,
    %swap3A_785 = arith.constant 0 : i32
    %swap3A_786 = arith.constant 12 : i32
    %swap3A_787 = arith.index_cast %swap3A_785 : i32 to index
    %swap3A_788 = arith.index_cast %swap3A_786 : i32 to index
    %swap3A_789 = arith.constant 32 : index
    %swap3A_790 = tpu.vector_load %arg8[%swap3A_787, %swap3A_788, %swap3A_789] {strides = array<i32>} : memref<2x128x128xf32, #tpu.memory_space<vmem>>, vector<1x1x16xf32>,
    %swap3A_791 = vector.shape_cast %swap3A_790 : vector<1x1x16xf32> to vector<16xf32>
    %swap3A_792 = vector.shape_cast %broadcast_in_dim3A_1 : vector<16xf32> to vector<1x1x16xf32>
    tpu.vector_store %arg8[%swap3A_787, %swap3A_788, %swap3A_789], %swap3A_792 {strides = array<i32>} : memref<2x128x128xf32, #tpu.memory_space<vmem>>, vector<1x1x16xf32>,
    %swap3A_793 = arith.constant 0 : i32
    %swap3A_794 = arith.constant 12 : i32
    %swap3A_795 = arith.index_cast %swap3A_793 : i32 to index
    %swap3A_796 = arith.index_cast %swap3A_794 : i32 to index
    %swap3A_797 = arith.constant 48 : index
    %swap3A_798 = tpu.vector_load %arg8[%swap3A_795, %swap3A_796, %swap3A_797] {strides = array<i32>} : memref<2x128x128xf32, #tpu.memory_space<vmem>>, vector<1x1x16xf32>,
    %swap3A_799 = vector.shape_cast %swap3A_798 : vector<1x1x16xf32> to vector<16xf32>
    %swap3A_800 = vector.shape_cast %broadcast_in_dim3A_1 : vector<16xf32> to vector<1x1x16xf32>
    tpu.vector_store %arg8[%swap3A_795, %swap3A_796, %swap3A_797], %swap3A_800 {strides = array<i32>} : memref<2x128x128xf32, #tpu.memory_space<vmem>>, vector<1x1x16xf32>,
    %swap3A_801 = arith.constant 0 : i32
    %swap3A_802 = arith.constant 12 : i32
    %swap3A_803 = arith.index_cast %swap3A_801 : i32 to index
    %swap3A_804 = arith.index_cast %swap3A_802 : i32 to index
    %swap3A_805 = arith.constant 64 : index
    %swap3A_806 = tpu.vector_load %arg8[%swap3A_803, %swap3A_804, %swap3A_805] {strides = array<i32>} : memref<2x128x128xf32, #tpu.memory_space<vmem>>, vector<1x1x16xf32>,
    %swap3A_807 = vector.shape_cast %swap3A_806 : vector<1x1x16xf32> to vector<16xf32>
    %swap3A_808 = vector.shape_cast %broadcast_in_dim3A_1 : vector<16xf32> to vector<1x1x16xf32>
    tpu.vector_store %arg8[%swap3A_803, %swap3A_804, %swap3A_805], %swap3A_808 {strides = array<i32>} : memref<2x128x128xf32, #tpu.memory_space<vmem>>, vector<1x1x16xf32>,
    %swap3A_809 = arith.constant 0 : i32
    %swap3A_810 = arith.constant 12 : i32
    %swap3A_811 = arith.index_cast %swap3A_809 : i32 to index
    %swap3A_812 = arith.index_cast %swap3A_810 : i32 to index
    %swap3A_813 = arith.constant 80 : index
    %swap3A_814 = tpu.vector_load %arg8[%swap3A_811, %swap3A_812, %swap3A_813] {strides = array<i32>} : memref<2x128x128xf32, #tpu.memory_space<vmem>>, vector<1x1x16xf32>,
    %swap3A_815 = vector.shape_cast %swap3A_814 : vector<1x1x16xf32> to vector<16xf32>
    %swap3A_816 = vector.shape_cast %broadcast_in_dim3A_1 : vector<16xf32> to vector<1x1x16xf32>
    tpu.vector_store %arg8[%swap3A_811, %swap3A_812, %swap3A_813], %swap3A_816 {strides = array<i32>} : memref<2x128x128xf32, #tpu.memory_space<vmem>>, vector<1x1x16xf32>,
    %swap3A_817 = arith.constant 0 : i32
    %swap3A_818 = arith.constant 12 : i32
    %swap3A_819 = arith.index_cast %swap3A_817 : i32 to index
    %swap3A_820 = arith.index_cast %swap3A_818 : i32 to index
    %swap3A_821 = arith.constant 96 : index
    %swap3A_822 = tpu.vector_load %arg8[%swap3A_819, %swap3A_820, %swap3A_821] {strides = array<i32>} : memref<2x128x128xf32, #tpu.memory_space<vmem>>, vector<1x1x16xf32>,
    %swap3A_823 = vector.shape_cast %swap3A_822 : vector<1x1x16xf32> to vector<16xf32>
    %swap3A_824 = vector.shape_cast %broadcast_in_dim3A_1 : vector<16xf32> to vector<1x1x16xf32>
    tpu.vector_store %arg8[%swap3A_819, %swap3A_820, %swap3A_821], %swap3A_824 {strides = array<i32>} : memref<2x128x128xf32, #tpu.memory_space<vmem>>, vector<1x1x16xf32>,
    %swap3A_825 = arith.constant 0 : i32
    %swap3A_826 = arith.constant 12 : i32
    %swap3A_827 = arith.index_cast %swap3A_825 : i32 to index
    %swap3A_828 = arith.index_cast %swap3A_826 : i32 to index
    %swap3A_829 = arith.constant 112 : index
    %swap3A_830 = tpu.vector_load %arg8[%swap3A_827, %swap3A_828, %swap3A_829] {strides = array<i32>} : memref<2x128x128xf32, #tpu.memory_space<vmem>>, vector<1x1x16xf32>,
    %swap3A_831 = vector.shape_cast %swap3A_830 : vector<1x1x16xf32> to vector<16xf32>
    %swap3A_832 = vector.shape_cast %broadcast_in_dim3A_1 : vector<16xf32> to vector<1x1x16xf32>
    tpu.vector_store %arg8[%swap3A_827, %swap3A_828, %swap3A_829], %swap3A_832 {strides = array<i32>} : memref<2x128x128xf32, #tpu.memory_space<vmem>>, vector<1x1x16xf32>,
    %swap3A_833 = arith.constant 0 : i32
    %swap3A_834 = arith.constant 13 : i32
    %swap3A_835 = arith.index_cast %swap3A_833 : i32 to index
    %swap3A_836 = arith.index_cast %swap3A_834 : i32 to index
    %swap3A_837 = arith.constant 0 : index
    %swap3A_838 = tpu.vector_load %arg8[%swap3A_835, %swap3A_836, %swap3A_837] {strides = array<i32>} : memref<2x128x128xf32, #tpu.memory_space<vmem>>, vector<1x1x16xf32>,
    %swap3A_839 = vector.shape_cast %swap3A_838 : vector<1x1x16xf32> to vector<16xf32>
    %swap3A_840 = vector.shape_cast %broadcast_in_dim3A_1 : vector<16xf32> to vector<1x1x16xf32>
    tpu.vector_store %arg8[%swap3A_835, %swap3A_836, %swap3A_837], %swap3A_840 {strides = array<i32>} : memref<2x128x128xf32, #tpu.memory_space<vmem>>, vector<1x1x16xf32>,
    %swap3A_841 = arith.constant 0 : i32
    %swap3A_842 = arith.constant 13 : i32
    %swap3A_843 = arith.index_cast %swap3A_841 : i32 to index
    %swap3A_844 = arith.index_cast %swap3A_842 : i32 to index
    %swap3A_845 = arith.constant 16 : index
    %swap3A_846 = tpu.vector_load %arg8[%swap3A_843, %swap3A_844, %swap3A_845] {strides = array<i32>} : memref<2x128x128xf32, #tpu.memory_space<vmem>>, vector<1x1x16xf32>,
    %swap3A_847 = vector.shape_cast %swap3A_846 : vector<1x1x16xf32> to vector<16xf32>
    %swap3A_848 = vector.shape_cast %broadcast_in_dim3A_1 : vector<16xf32> to vector<1x1x16xf32>
    tpu.vector_store %arg8[%swap3A_843, %swap3A_844, %swap3A_845], %swap3A_848 {strides = array<i32>} : memref<2x128x128xf32, #tpu.memory_space<vmem>>, vector<1x1x16xf32>,
    %swap3A_849 = arith.constant 0 : i32
    %swap3A_850 = arith.constant 13 : i32
    %swap3A_851 = arith.index_cast %swap3A_849 : i32 to index
    %swap3A_852 = arith.index_cast %swap3A_850 : i32 to index
    %swap3A_853 = arith.constant 32 : index
    %swap3A_854 = tpu.vector_load %arg8[%swap3A_851, %swap3A_852, %swap3A_853] {strides = array<i32>} : memref<2x128x128xf32, #tpu.memory_space<vmem>>, vector<1x1x16xf32>,
    %swap3A_855 = vector.shape_cast %swap3A_854 : vector<1x1x16xf32> to vector<16xf32>
    %swap3A_856 = vector.shape_cast %broadcast_in_dim3A_1 : vector<16xf32> to vector<1x1x16xf32>
    tpu.vector_store %arg8[%swap3A_851, %swap3A_852, %swap3A_853], %swap3A_856 {strides = array<i32>} : memref<2x128x128xf32, #tpu.memory_space<vmem>>, vector<1x1x16xf32>,
    %swap3A_857 = arith.constant 0 : i32
    %swap3A_858 = arith.constant 13 : i32
    %swap3A_859 = arith.index_cast %swap3A_857 : i32 to index
    %swap3A_860 = arith.index_cast %swap3A_858 : i32 to index
    %swap3A_861 = arith.constant 48 : index
    %swap3A_862 = tpu.vector_load %arg8[%swap3A_859, %swap3A_860, %swap3A_861] {strides = array<i32>} : memref<2x128x128xf32, #tpu.memory_space<vmem>>, vector<1x1x16xf32>,
    %swap3A_863 = vector.shape_cast %swap3A_862 : vector<1x1x16xf32> to vector<16xf32>
    %swap3A_864 = vector.shape_cast %broadcast_in_dim3A_1 : vector<16xf32> to vector<1x1x16xf32>
    tpu.vector_store %arg8[%swap3A_859, %swap3A_860, %swap3A_861], %swap3A_864 {strides = array<i32>} : memref<2x128x128xf32, #tpu.memory_space<vmem>>, vector<1x1x16xf32>,
    %swap3A_865 = arith.constant 0 : i32
    %swap3A_866 = arith.constant 13 : i32
    %swap3A_867 = arith.index_cast %swap3A_865 : i32 to index
    %swap3A_868 = arith.index_cast %swap3A_866 : i32 to index
    %swap3A_869 = arith.constant 64 : index
    %swap3A_870 = tpu.vector_load %arg8[%swap3A_867, %swap3A_868, %swap3A_869] {strides = array<i32>} : memref<2x128x128xf32, #tpu.memory_space<vmem>>, vector<1x1x16xf32>,
    %swap3A_871 = vector.shape_cast %swap3A_870 : vector<1x1x16xf32> to vector<16xf32>
    %swap3A_872 = vector.shape_cast %broadcast_in_dim3A_1 : vector<16xf32> to vector<1x1x16xf32>
    tpu.vector_store %arg8[%swap3A_867, %swap3A_868, %swap3A_869], %swap3A_872 {strides = array<i32>} : memref<2x128x128xf32, #tpu.memory_space<vmem>>, vector<1x1x16xf32>,
    %swap3A_873 = arith.constant 0 : i32
    %swap3A_874 = arith.constant 13 : i32
    %swap3A_875 = arith.index_cast %swap3A_873 : i32 to index
    %swap3A_876 = arith.index_cast %swap3A_874 : i32 to index
    %swap3A_877 = arith.constant 80 : index
    %swap3A_878 = tpu.vector_load %arg8[%swap3A_875, %swap3A_876, %swap3A_877] {strides = array<i32>} : memref<2x128x128xf32, #tpu.memory_space<vmem>>, vector<1x1x16xf32>,
    %swap3A_879 = vector.shape_cast %swap3A_878 : vector<1x1x16xf32> to vector<16xf32>
    %swap3A_880 = vector.shape_cast %broadcast_in_dim3A_1 : vector<16xf32> to vector<1x1x16xf32>
    tpu.vector_store %arg8[%swap3A_875, %swap3A_876, %swap3A_877], %swap3A_880 {strides = array<i32>} : memref<2x128x128xf32, #tpu.memory_space<vmem>>, vector<1x1x16xf32>,
    %swap3A_881 = arith.constant 0 : i32
    %swap3A_882 = arith.constant 13 : i32
    %swap3A_883 = arith.index_cast %swap3A_881 : i32 to index
    %swap3A_884 = arith.index_cast %swap3A_882 : i32 to index
    %swap3A_885 = arith.constant 96 : index
    %swap3A_886 = tpu.vector_load %arg8[%swap3A_883, %swap3A_884, %swap3A_885] {strides = array<i32>} : memref<2x128x128xf32, #tpu.memory_space<vmem>>, vector<1x1x16xf32>,
    %swap3A_887 = vector.shape_cast %swap3A_886 : vector<1x1x16xf32> to vector<16xf32>
    %swap3A_888 = vector.shape_cast %broadcast_in_dim3A_1 : vector<16xf32> to vector<1x1x16xf32>
    tpu.vector_store %arg8[%swap3A_883, %swap3A_884, %swap3A_885], %swap3A_888 {strides = array<i32>} : memref<2x128x128xf32, #tpu.memory_space<vmem>>, vector<1x1x16xf32>,
    %swap3A_889 = arith.constant 0 : i32
    %swap3A_890 = arith.constant 13 : i32
    %swap3A_891 = arith.index_cast %swap3A_889 : i32 to index
    %swap3A_892 = arith.index_cast %swap3A_890 : i32 to index
    %swap3A_893 = arith.constant 112 : index
    %swap3A_894 = tpu.vector_load %arg8[%swap3A_891, %swap3A_892, %swap3A_893] {strides = array<i32>} : memref<2x128x128xf32, #tpu.memory_space<vmem>>, vector<1x1x16xf32>,
    %swap3A_895 = vector.shape_cast %swap3A_894 : vector<1x1x16xf32> to vector<16xf32>
    %swap3A_896 = vector.shape_cast %broadcast_in_dim3A_1 : vector<16xf32> to vector<1x1x16xf32>
    tpu.vector_store %arg8[%swap3A_891, %swap3A_892, %swap3A_893], %swap3A_896 {strides = array<i32>} : memref<2x128x128xf32, #tpu.memory_space<vmem>>, vector<1x1x16xf32>,
    %swap3A_897 = arith.constant 0 : i32
    %swap3A_898 = arith.constant 14 : i32
    %swap3A_899 = arith.index_cast %swap3A_897 : i32 to index
    %swap3A_900 = arith.index_cast %swap3A_898 : i32 to index
    %swap3A_901 = arith.constant 0 : index
    %swap3A_902 = tpu.vector_load %arg8[%swap3A_899, %swap3A_900, %swap3A_901] {strides = array<i32>} : memref<2x128x128xf32, #tpu.memory_space<vmem>>, vector<1x1x16xf32>,
    %swap3A_903 = vector.shape_cast %swap3A_902 : vector<1x1x16xf32> to vector<16xf32>
    %swap3A_904 = vector.shape_cast %broadcast_in_dim3A_1 : vector<16xf32> to vector<1x1x16xf32>
    tpu.vector_store %arg8[%swap3A_899, %swap3A_900, %swap3A_901], %swap3A_904 {strides = array<i32>} : memref<2x128x128xf32, #tpu.memory_space<vmem>>, vector<1x1x16xf32>,
    %swap3A_905 = arith.constant 0 : i32
    %swap3A_906 = arith.constant 14 : i32
    %swap3A_907 = arith.index_cast %swap3A_905 : i32 to index
    %swap3A_908 = arith.index_cast %swap3A_906 : i32 to index
    %swap3A_909 = arith.constant 16 : index
    %swap3A_910 = tpu.vector_load %arg8[%swap3A_907, %swap3A_908, %swap3A_909] {strides = array<i32>} : memref<2x128x128xf32, #tpu.memory_space<vmem>>, vector<1x1x16xf32>,
    %swap3A_911 = vector.shape_cast %swap3A_910 : vector<1x1x16xf32> to vector<16xf32>
    %swap3A_912 = vector.shape_cast %broadcast_in_dim3A_1 : vector<16xf32> to vector<1x1x16xf32>
    tpu.vector_store %arg8[%swap3A_907, %swap3A_908, %swap3A_909], %swap3A_912 {strides = array<i32>} : memref<2x128x128xf32, #tpu.memory_space<vmem>>, vector<1x1x16xf32>,
    %swap3A_913 = arith.constant 0 : i32
    %swap3A_914 = arith.constant 14 : i32
    %swap3A_915 = arith.index_cast %swap3A_913 : i32 to index
    %swap3A_916 = arith.index_cast %swap3A_914 : i32 to index
    %swap3A_917 = arith.constant 32 : index
    %swap3A_918 = tpu.vector_load %arg8[%swap3A_915, %swap3A_916, %swap3A_917] {strides = array<i32>} : memref<2x128x128xf32, #tpu.memory_space<vmem>>, vector<1x1x16xf32>,
    %swap3A_919 = vector.shape_cast %swap3A_918 : vector<1x1x16xf32> to vector<16xf32>
    %swap3A_920 = vector.shape_cast %broadcast_in_dim3A_1 : vector<16xf32> to vector<1x1x16xf32>
    tpu.vector_store %arg8[%swap3A_915, %swap3A_916, %swap3A_917], %swap3A_920 {strides = array<i32>} : memref<2x128x128xf32, #tpu.memory_space<vmem>>, vector<1x1x16xf32>,
    %swap3A_921 = arith.constant 0 : i32
    %swap3A_922 = arith.constant 14 : i32
    %swap3A_923 = arith.index_cast %swap3A_921 : i32 to index
    %swap3A_924 = arith.index_cast %swap3A_922 : i32 to index
    %swap3A_925 = arith.constant 48 : index
    %swap3A_926 = tpu.vector_load %arg8[%swap3A_923, %swap3A_924, %swap3A_925] {strides = array<i32>} : memref<2x128x128xf32, #tpu.memory_space<vmem>>, vector<1x1x16xf32>,
    %swap3A_927 = vector.shape_cast %swap3A_926 : vector<1x1x16xf32> to vector<16xf32>
    %swap3A_928 = vector.shape_cast %broadcast_in_dim3A_1 : vector<16xf32> to vector<1x1x16xf32>
    tpu.vector_store %arg8[%swap3A_923, %swap3A_924, %swap3A_925], %swap3A_928 {strides = array<i32>} : memref<2x128x128xf32, #tpu.memory_space<vmem>>, vector<1x1x16xf32>,
    %swap3A_929 = arith.constant 0 : i32
    %swap3A_930 = arith.constant 14 : i32
    %swap3A_931 = arith.index_cast %swap3A_929 : i32 to index
    %swap3A_932 = arith.index_cast %swap3A_930 : i32 to index
    %swap3A_933 = arith.constant 64 : index
    %swap3A_934 = tpu.vector_load %arg8[%swap3A_931, %swap3A_932, %swap3A_933] {strides = array<i32>} : memref<2x128x128xf32, #tpu.memory_space<vmem>>, vector<1x1x16xf32>,
    %swap3A_935 = vector.shape_cast %swap3A_934 : vector<1x1x16xf32> to vector<16xf32>
    %swap3A_936 = vector.shape_cast %broadcast_in_dim3A_1 : vector<16xf32> to vector<1x1x16xf32>
    tpu.vector_store %arg8[%swap3A_931, %swap3A_932, %swap3A_933], %swap3A_936 {strides = array<i32>} : memref<2x128x128xf32, #tpu.memory_space<vmem>>, vector<1x1x16xf32>,
    %swap3A_937 = arith.constant 0 : i32
    %swap3A_938 = arith.constant 14 : i32
    %swap3A_939 = arith.index_cast %swap3A_937 : i32 to index
    %swap3A_940 = arith.index_cast %swap3A_938 : i32 to index
    %swap3A_941 = arith.constant 80 : index
    %swap3A_942 = tpu.vector_load %arg8[%swap3A_939, %swap3A_940, %swap3A_941] {strides = array<i32>} : memref<2x128x128xf32, #tpu.memory_space<vmem>>, vector<1x1x16xf32>,
    %swap3A_943 = vector.shape_cast %swap3A_942 : vector<1x1x16xf32> to vector<16xf32>
    %swap3A_944 = vector.shape_cast %broadcast_in_dim3A_1 : vector<16xf32> to vector<1x1x16xf32>
    tpu.vector_store %arg8[%swap3A_939, %swap3A_940, %swap3A_941], %swap3A_944 {strides = array<i32>} : memref<2x128x128xf32, #tpu.memory_space<vmem>>, vector<1x1x16xf32>,
    %swap3A_945 = arith.constant 0 : i32
    %swap3A_946 = arith.constant 14 : i32
    %swap3A_947 = arith.index_cast %swap3A_945 : i32 to index
    %swap3A_948 = arith.index_cast %swap3A_946 : i32 to index
    %swap3A_949 = arith.constant 96 : index
    %swap3A_950 = tpu.vector_load %arg8[%swap3A_947, %swap3A_948, %swap3A_949] {strides = array<i32>} : memref<2x128x128xf32, #tpu.memory_space<vmem>>, vector<1x1x16xf32>,
    %swap3A_951 = vector.shape_cast %swap3A_950 : vector<1x1x16xf32> to vector<16xf32>
    %swap3A_952 = vector.shape_cast %broadcast_in_dim3A_1 : vector<16xf32> to vector<1x1x16xf32>
    tpu.vector_store %arg8[%swap3A_947, %swap3A_948, %swap3A_949], %swap3A_952 {strides = array<i32>} : memref<2x128x128xf32, #tpu.memory_space<vmem>>, vector<1x1x16xf32>,
    %swap3A_953 = arith.constant 0 : i32
    %swap3A_954 = arith.constant 14 : i32
    %swap3A_955 = arith.index_cast %swap3A_953 : i32 to index
    %swap3A_956 = arith.index_cast %swap3A_954 : i32 to index
    %swap3A_957 = arith.constant 112 : index
    %swap3A_958 = tpu.vector_load %arg8[%swap3A_955, %swap3A_956, %swap3A_957] {strides = array<i32>} : memref<2x128x128xf32, #tpu.memory_space<vmem>>, vector<1x1x16xf32>,
    %swap3A_959 = vector.shape_cast %swap3A_958 : vector<1x1x16xf32> to vector<16xf32>
    %swap3A_960 = vector.shape_cast %broadcast_in_dim3A_1 : vector<16xf32> to vector<1x1x16xf32>
    tpu.vector_store %arg8[%swap3A_955, %swap3A_956, %swap3A_957], %swap3A_960 {strides = array<i32>} : memref<2x128x128xf32, #tpu.memory_space<vmem>>, vector<1x1x16xf32>,
    %swap3A_961 = arith.constant 0 : i32
    %swap3A_962 = arith.constant 15 : i32
    %swap3A_963 = arith.index_cast %swap3A_961 : i32 to index
    %swap3A_964 = arith.index_cast %swap3A_962 : i32 to index
    %swap3A_965 = arith.constant 0 : index
    %swap3A_966 = tpu.vector_load %arg8[%swap3A_963, %swap3A_964, %swap3A_965] {strides = array<i32>} : memref<2x128x128xf32, #tpu.memory_space<vmem>>, vector<1x1x16xf32>,
    %swap3A_967 = vector.shape_cast %swap3A_966 : vector<1x1x16xf32> to vector<16xf32>
    %swap3A_968 = vector.shape_cast %broadcast_in_dim3A_1 : vector<16xf32> to vector<1x1x16xf32>
    tpu.vector_store %arg8[%swap3A_963, %swap3A_964, %swap3A_965], %swap3A_968 {strides = array<i32>} : memref<2x128x128xf32, #tpu.memory_space<vmem>>, vector<1x1x16xf32>,
    %swap3A_969 = arith.constant 0 : i32
    %swap3A_970 = arith.constant 15 : i32
    %swap3A_971 = arith.index_cast %swap3A_969 : i32 to index
    %swap3A_972 = arith.index_cast %swap3A_970 : i32 to index
    %swap3A_973 = arith.constant 16 : index
    %swap3A_974 = tpu.vector_load %arg8[%swap3A_971, %swap3A_972, %swap3A_973] {strides = array<i32>} : memref<2x128x128xf32, #tpu.memory_space<vmem>>, vector<1x1x16xf32>,
    %swap3A_975 = vector.shape_cast %swap3A_974 : vector<1x1x16xf32> to vector<16xf32>
    %swap3A_976 = vector.shape_cast %broadcast_in_dim3A_1 : vector<16xf32> to vector<1x1x16xf32>
    tpu.vector_store %arg8[%swap3A_971, %swap3A_972, %swap3A_973], %swap3A_976 {strides = array<i32>} : memref<2x128x128xf32, #tpu.memory_space<vmem>>, vector<1x1x16xf32>,
    %swap3A_977 = arith.constant 0 : i32
    %swap3A_978 = arith.constant 15 : i32
    %swap3A_979 = arith.index_cast %swap3A_977 : i32 to index
    %swap3A_980 = arith.index_cast %swap3A_978 : i32 to index
    %swap3A_981 = arith.constant 32 : index
    %swap3A_982 = tpu.vector_load %arg8[%swap3A_979, %swap3A_980, %swap3A_981] {strides = array<i32>} : memref<2x128x128xf32, #tpu.memory_space<vmem>>, vector<1x1x16xf32>,
    %swap3A_983 = vector.shape_cast %swap3A_982 : vector<1x1x16xf32> to vector<16xf32>
    %swap3A_984 = vector.shape_cast %broadcast_in_dim3A_1 : vector<16xf32> to vector<1x1x16xf32>
    tpu.vector_store %arg8[%swap3A_979, %swap3A_980, %swap3A_981], %swap3A_984 {strides = array<i32>} : memref<2x128x128xf32, #tpu.memory_space<vmem>>, vector<1x1x16xf32>,
    %swap3A_985 = arith.constant 0 : i32
    %swap3A_986 = arith.constant 15 : i32
    %swap3A_987 = arith.index_cast %swap3A_985 : i32 to index
    %swap3A_988 = arith.index_cast %swap3A_986 : i32 to index
    %swap3A_989 = arith.constant 48 : index
    %swap3A_990 = tpu.vector_load %arg8[%swap3A_987, %swap3A_988, %swap3A_989] {strides = array<i32>} : memref<2x128x128xf32, #tpu.memory_space<vmem>>, vector<1x1x16xf32>,
    %swap3A_991 = vector.shape_cast %swap3A_990 : vector<1x1x16xf32> to vector<16xf32>
    %swap3A_992 = vector.shape_cast %broadcast_in_dim3A_1 : vector<16xf32> to vector<1x1x16xf32>
    tpu.vector_store %arg8[%swap3A_987, %swap3A_988, %swap3A_989], %swap3A_992 {strides = array<i32>} : memref<2x128x128xf32, #tpu.memory_space<vmem>>, vector<1x1x16xf32>,
    %swap3A_993 = arith.constant 0 : i32
    %swap3A_994 = arith.constant 15 : i32
    %swap3A_995 = arith.index_cast %swap3A_993 : i32 to index
    %swap3A_996 = arith.index_cast %swap3A_994 : i32 to index
    %swap3A_997 = arith.constant 64 : index
    %swap3A_998 = tpu.vector_load %arg8[%swap3A_995, %swap3A_996, %swap3A_997] {strides = array<i32>} : memref<2x128x128xf32, #tpu.memory_space<vmem>>, vector<1x1x16xf32>,
    %swap3A_999 = vector.shape_cast %swap3A_998 : vector<1x1x16xf32> to vector<16xf32>
    %swap3A_1000 = vector.shape_cast %broadcast_in_dim3A_1 : vector<16xf32> to vector<1x1x16xf32>
    tpu.vector_store %arg8[%swap3A_995, %swap3A_996, %swap3A_997], %swap3A_1000 {strides = array<i32>} : memref<2x128x128xf32, #tpu.memory_space<vmem>>, vector<1x1x16xf32>,
    %swap3A_1001 = arith.constant 0 : i32
    %swap3A_1002 = arith.constant 15 : i32
    %swap3A_1003 = arith.index_cast %swap3A_1001 : i32 to index
    %swap3A_1004 = arith.index_cast %swap3A_1002 : i32 to index
    %swap3A_1005 = arith.constant 80 : index
    %swap3A_1006 = tpu.vector_load %arg8[%swap3A_1003, %swap3A_1004, %swap3A_1005] {strides = array<i32>} : memref<2x128x128xf32, #tpu.memory_space<vmem>>, vector<1x1x16xf32>,
    %swap3A_1007 = vector.shape_cast %swap3A_1006 : vector<1x1x16xf32> to vector<16xf32>
    %swap3A_1008 = vector.shape_cast %broadcast_in_dim3A_1 : vector<16xf32> to vector<1x1x16xf32>
    tpu.vector_store %arg8[%swap3A_1003, %swap3A_1004, %swap3A_1005], %swap3A_1008 {strides = array<i32>} : memref<2x128x128xf32, #tpu.memory_space<vmem>>, vector<1x1x16xf32>,
    %swap3A_1009 = arith.constant 0 : i32
    %swap3A_1010 = arith.constant 15 : i32
    %swap3A_1011 = arith.index_cast %swap3A_1009 : i32 to index
    %swap3A_1012 = arith.index_cast %swap3A_1010 : i32 to index
    %swap3A_1013 = arith.constant 96 : index
    %swap3A_1014 = tpu.vector_load %arg8[%swap3A_1011, %swap3A_1012, %swap3A_1013] {strides = array<i32>} : memref<2x128x128xf32, #tpu.memory_space<vmem>>, vector<1x1x16xf32>,
    %swap3A_1015 = vector.shape_cast %swap3A_1014 : vector<1x1x16xf32> to vector<16xf32>
    %swap3A_1016 = vector.shape_cast %broadcast_in_dim3A_1 : vector<16xf32> to vector<1x1x16xf32>
    tpu.vector_store %arg8[%swap3A_1011, %swap3A_1012, %swap3A_1013], %swap3A_1016 {strides = array<i32>} : memref<2x128x128xf32, #tpu.memory_space<vmem>>, vector<1x1x16xf32>,
    %swap3A_1017 = arith.constant 0 : i32
    %swap3A_1018 = arith.constant 15 : i32
    %swap3A_1019 = arith.index_cast %swap3A_1017 : i32 to index
    %swap3A_1020 = arith.index_cast %swap3A_1018 : i32 to index
    %swap3A_1021 = arith.constant 112 : index
    %swap3A_1022 = tpu.vector_load %arg8[%swap3A_1019, %swap3A_1020, %swap3A_1021] {strides = array<i32>} : memref<2x128x128xf32, #tpu.memory_space<vmem>>, vector<1x1x16xf32>,
    %swap3A_1023 = vector.shape_cast %swap3A_1022 : vector<1x1x16xf32> to vector<16xf32>
    %swap3A_1024 = vector.shape_cast %broadcast_in_dim3A_1 : vector<16xf32> to vector<1x1x16xf32>
    tpu.vector_store %arg8[%swap3A_1019, %swap3A_1020, %swap3A_1021], %swap3A_1024 {strides = array<i32>} : memref<2x128x128xf32, #tpu.memory_space<vmem>>, vector<1x1x16xf32>,
    %scan3A = arith.constant 0 : i32
    %scan3A_1025 = arith.constant 40 : i32
    %scan3A_1026 = arith.addi %scan3A, %scan3A_1025 : i32
    %scan3A_1027 = arith.constant 1 : i32
    scf.for %scan3A_1130 = %scan3A to %scan3A_1026 step %scan3A_1027  : i32 {
      %mul3A_1131 = arith.constant 1 : i32
      %mul3A_1132 = arith.muli %scan3A_1130, %mul3A_1131 : i32
      %add3A_1133 = arith.constant 0 : i32
      %add3A_1134 = arith.addi %add3A_1133, %mul3A_1132 : i32
      %mul3A_1135 = arith.constant 640 : i32
      %mul3A_1136 = arith.muli %arg1, %mul3A_1135 : i32
      %mul3A_1137 = arith.constant 16 : i32
      %mul3A_1138 = arith.muli %add3A_1134, %mul3A_1137 : i32
      %add3A_1139 = arith.addi %mul3A_1136, %mul3A_1138 : i32
      %run_scoped3A = arith.constant 0 : i32
      "tpu.region"() ({
        %run_scoped3A_1140 = tpu.sem_alloc : memref<!tpu.dma_semaphore, #tpu.memory_space<semaphore_mem>>
        %dma_start3A_1141 = arith.constant 0 : i32
        %dma_start3A_1142 = arith.constant 0 : i32
        %dma_start3A_1143 = tpu.memref_slice %arg8[%run_scoped3A, %dma_start3A_1141, %dma_start3A_1142] : memref<2x128x128xf32, #tpu.memory_space<vmem>> -> memref<1x16x128xf32, #tpu.memory_space<vmem>>
        %dma_start3A_1144 = tpu.memref_squeeze %dma_start3A_1143 : memref<1x16x128xf32, #tpu.memory_space<vmem>> -> memref<16x128xf32, #tpu.memory_space<vmem>>
        %dma_start3A_1145 = arith.constant 0 : i32
        %dma_start3A_1146 = tpu.memref_slice %arg9[%add3A_1139, %dma_start3A_1145] : memref<10240x128xf32, #tpu.memory_space<vmem_shared>> -> memref<16x128xf32, #tpu.memory_space<vmem_shared>>
        %dma_start3A_1147 = arith.constant 0 : i32
        %dma_start3A_1148 = tpu.memref_slice %arg9[%add3A_1139, %dma_start3A_1147] : memref<10240x128xf32, #tpu.memory_space<vmem_shared>> -> memref<16x128xf32, #tpu.memory_space<vmem_shared>>
        %dma_start3A_1149 = arith.constant 0 : i32
        %dma_start3A_1150 = arith.constant 0 : i32
        %dma_start3A_1151 = tpu.memref_slice %arg8[%run_scoped3A, %dma_start3A_1149, %dma_start3A_1150] : memref<2x128x128xf32, #tpu.memory_space<vmem>> -> memref<1x16x128xf32, #tpu.memory_space<vmem>>
        %dma_start3A_1152 = tpu.memref_squeeze %dma_start3A_1151 : memref<1x16x128xf32, #tpu.memory_space<vmem>> -> memref<16x128xf32, #tpu.memory_space<vmem>>
        tpu.enqueue_dma source(%dma_start3A_1152 : memref<16x128xf32, #tpu.memory_space<vmem>>) target(%dma_start3A_1148 : memref<16x128xf32, #tpu.memory_space<vmem_shared>>) target_semaphore(%run_scoped3A_1140 : memref<!tpu.dma_semaphore, #tpu.memory_space<semaphore_mem>>)
        %dma_wait3A_1153 = arith.constant 0 : i32
        %dma_wait3A_1154 = arith.constant 0 : i32
        %dma_wait3A_1155 = tpu.memref_slice %arg8[%run_scoped3A, %dma_wait3A_1153, %dma_wait3A_1154] : memref<2x128x128xf32, #tpu.memory_space<vmem>> -> memref<1x16x128xf32, #tpu.memory_space<vmem>>
        %dma_wait3A_1156 = tpu.memref_squeeze %dma_wait3A_1155 : memref<1x16x128xf32, #tpu.memory_space<vmem>> -> memref<16x128xf32, #tpu.memory_space<vmem>>
        %dma_wait3A_1157 = arith.constant 0 : i32
        %dma_wait3A_1158 = tpu.memref_slice %arg9[%add3A_1139, %dma_wait3A_1157] : memref<10240x128xf32, #tpu.memory_space<vmem_shared>> -> memref<16x128xf32, #tpu.memory_space<vmem_shared>>
        %dma_wait3A_1159 = arith.constant 0 : i32
        %dma_wait3A_1160 = tpu.memref_slice %arg9[%add3A_1139, %dma_wait3A_1159] : memref<10240x128xf32, #tpu.memory_space<vmem_shared>> -> memref<16x128xf32, #tpu.memory_space<vmem_shared>>
        %dma_wait3A_1161 = arith.constant 0 : i32
        %dma_wait3A_1162 = arith.constant 0 : i32
        %dma_wait3A_1163 = tpu.memref_slice %arg8[%run_scoped3A, %dma_wait3A_1161, %dma_wait3A_1162] : memref<2x128x128xf32, #tpu.memory_space<vmem>> -> memref<1x16x128xf32, #tpu.memory_space<vmem>>
        %dma_wait3A_1164 = tpu.memref_squeeze %dma_wait3A_1163 : memref<1x16x128xf32, #tpu.memory_space<vmem>> -> memref<16x128xf32, #tpu.memory_space<vmem>>
        tpu.wait_dma2 semaphore(%run_scoped3A_1140 : memref<!tpu.dma_semaphore, #tpu.memory_space<semaphore_mem>>) src(%dma_wait3A_1164 : memref<16x128xf32, #tpu.memory_space<vmem>>) dst(%dma_wait3A_1160 : memref<16x128xf32, #tpu.memory_space<vmem_shared>>)
        tpu.yield
      }) : () -> ()
    }
    %scan3A_1028 = arith.constant 40 : i32
    %barrier3A = arith.constant 0 : index
    tpu.barrier barrier_id(%barrier3A)
    %mul3A_1029 = arith.constant 80 : i32
    %mul3A_1030 = arith.muli %add3A, %mul3A_1029 : i32
    %add3A_1031 = arith.constant 0 : i32
    %add3A_1032 = arith.addi %mul3A_1030, %add3A_1031 : i32
    %dma_start3A = arith.constant 0 : i32
    %dma_start3A_1033 = tpu.memref_slice %arg2[%add3A_1032, %dma_start3A] : memref<2560x128xi32, #tpu.memory_space<hbm>> -> memref<40x128xi32, #tpu.memory_space<hbm>>
    %dma_start3A_1034 = arith.constant 0 : i32
    %dma_start3A_1035 = tpu.memref_slice %arg2[%add3A_1032, %dma_start3A_1034] : memref<2560x128xi32, #tpu.memory_space<hbm>> -> memref<40x128xi32, #tpu.memory_space<hbm>>
    tpu.enqueue_dma source(%dma_start3A_1035 : memref<40x128xi32, #tpu.memory_space<hbm>>) target(%arg6 : memref<40x128xi32, #tpu.memory_space<vmem>>) target_semaphore(%arg10 : memref<!tpu.dma_semaphore, #tpu.memory_space<semaphore_mem>>)
    %dma_wait3A = arith.constant 0 : i32
    %dma_wait3A_1036 = tpu.memref_slice %arg2[%add3A_1032, %dma_wait3A] : memref<2560x128xi32, #tpu.memory_space<hbm>> -> memref<40x128xi32, #tpu.memory_space<hbm>>
    %dma_wait3A_1037 = arith.constant 0 : i32
    %dma_wait3A_1038 = tpu.memref_slice %arg2[%add3A_1032, %dma_wait3A_1037] : memref<2560x128xi32, #tpu.memory_space<hbm>> -> memref<40x128xi32, #tpu.memory_space<hbm>>
    tpu.wait_dma2 semaphore(%arg10 : memref<!tpu.dma_semaphore, #tpu.memory_space<semaphore_mem>>) src(%dma_wait3A_1038 : memref<40x128xi32, #tpu.memory_space<hbm>>) dst(%arg6 : memref<40x128xi32, #tpu.memory_space<vmem>>)
    %dma_start3A_1039 = arith.constant 0 : i32
    %dma_start3A_1040 = tpu.memref_slice %arg3[%add3A_1032, %dma_start3A_1039] : memref<2560x128xi32, #tpu.memory_space<hbm>> -> memref<40x128xi32, #tpu.memory_space<hbm>>
    %dma_start3A_1041 = arith.constant 0 : i32
    %dma_start3A_1042 = tpu.memref_slice %arg3[%add3A_1032, %dma_start3A_1041] : memref<2560x128xi32, #tpu.memory_space<hbm>> -> memref<40x128xi32, #tpu.memory_space<hbm>>
    tpu.enqueue_dma source(%dma_start3A_1042 : memref<40x128xi32, #tpu.memory_space<hbm>>) target(%arg7 : memref<40x128xi32, #tpu.memory_space<vmem>>) target_semaphore(%arg10 : memref<!tpu.dma_semaphore, #tpu.memory_space<semaphore_mem>>)
    %dma_wait3A_1043 = arith.constant 0 : i32
    %dma_wait3A_1044 = tpu.memref_slice %arg3[%add3A_1032, %dma_wait3A_1043] : memref<2560x128xi32, #tpu.memory_space<hbm>> -> memref<40x128xi32, #tpu.memory_space<hbm>>
    %dma_wait3A_1045 = arith.constant 0 : i32
    %dma_wait3A_1046 = tpu.memref_slice %arg3[%add3A_1032, %dma_wait3A_1045] : memref<2560x128xi32, #tpu.memory_space<hbm>> -> memref<40x128xi32, #tpu.memory_space<hbm>>
    tpu.wait_dma2 semaphore(%arg10 : memref<!tpu.dma_semaphore, #tpu.memory_space<semaphore_mem>>) src(%dma_wait3A_1046 : memref<40x128xi32, #tpu.memory_space<hbm>>) dst(%arg7 : memref<40x128xi32, #tpu.memory_space<vmem>>)
    %dma_start3A_1047 = arith.constant 0 : i32
    %dma_start3A_1048 = arith.constant 0 : i32
    %dma_start3A_1049 = arith.constant 0 : i32
    %dma_start3A_1050 = arith.constant 0 : i32
    %dma_start3A_1051 = tpu.memref_slice %arg8[%dma_start3A_1048, %dma_start3A_1049, %dma_start3A_1050] : memref<2x128x128xf32, #tpu.memory_space<vmem>> -> memref<1x128x128xf32, #tpu.memory_space<vmem>>
    %dma_start3A_1052 = tpu.memref_squeeze %dma_start3A_1051 : memref<1x128x128xf32, #tpu.memory_space<vmem>> -> memref<128x128xf32, #tpu.memory_space<vmem>>
    %dma_start3A_1053 = arith.constant 0 : i32
    %dma_start3A_1054 = tpu.memref_slice %arg6[%dma_start3A_1047, %dma_start3A_1053] : memref<40x128xi32, #tpu.memory_space<vmem>> -> memref<1x128xi32, #tpu.memory_space<vmem>>
    %dma_start3A_1055 = tpu.memref_squeeze %dma_start3A_1054 : memref<1x128xi32, #tpu.memory_space<vmem>> -> memref<128xi32, #tpu.memory_space<vmem>>
    %dma_start3A_1056 = arith.constant 0 : i32
    %dma_start3A_1057 = arith.constant 0 : i32
    %dma_start3A_1058 = tpu.memref_slice %arg4[%dma_start3A_1056, %dma_start3A_1057] : memref<10000x128xf32, #tpu.memory_space<hbm>> -> memref<10000x128xf32, #tpu.memory_space<hbm>>
    tpu.enqueue_indirect_dma source(%dma_start3A_1058 : memref<10000x128xf32, #tpu.memory_space<hbm>>) target(%dma_start3A_1052 : memref<128x128xf32, #tpu.memory_space<vmem>>) offsets(%dma_start3A_1055 : memref<128xi32, #tpu.memory_space<vmem>>) semaphore(%arg10 : memref<!tpu.dma_semaphore, #tpu.memory_space<semaphore_mem>>)
    %scan3A_1059 = arith.constant 0 : i32
    %scan3A_1060 = arith.constant 40 : i32
    %scan3A_1061 = arith.addi %scan3A_1059, %scan3A_1060 : i32
    %scan3A_1062 = arith.constant 1 : i32
    scf.for %scan3A_1130 = %scan3A_1059 to %scan3A_1061 step %scan3A_1062  : i32 {
      %mul3A_1131 = arith.constant 1 : i32
      %mul3A_1132 = arith.muli %scan3A_1130, %mul3A_1131 : i32
      %add3A_1133 = arith.constant 0 : i32
      %add3A_1134 = arith.addi %add3A_1133, %mul3A_1132 : i32
      %rem3A = arith.constant 2 : i32
      %rem3A_1135 = arith.remsi %add3A_1134, %rem3A : i32
      %eq3A = arith.constant 0 : i32
      %eq3A_1136 = arith.cmpi eq, %rem3A_1135, %eq3A : i32
      %convert_element_type3A = arith.extui %eq3A_1136 : i1 to i32
      %cond3A = arith.constant 0 : i32
      %cond3A_1137 = arith.cmpi ne, %convert_element_type3A, %cond3A : i32
      scf.if %cond3A_1137 {
        %ge3A = arith.constant 1 : i32
        %ge3A_1143 = arith.cmpi sge, %add3A_1134, %ge3A : i32
        %convert_element_type3A_1144 = arith.extui %ge3A_1143 : i1 to i32
        %cond3A_1145 = arith.constant 0 : i32
        %cond3A_1146 = arith.cmpi ne, %convert_element_type3A_1144, %cond3A_1145 : i32
        scf.if %cond3A_1146 {
          %sub3A = arith.constant 1 : i32
          %sub3A_1175 = arith.subi %add3A_1134, %sub3A : i32
          %dma_wait3A_1176 = arith.constant 1 : i32
          %dma_wait3A_1177 = arith.constant 0 : i32
          %dma_wait3A_1178 = arith.constant 0 : i32
          %dma_wait3A_1179 = tpu.memref_slice %arg8[%dma_wait3A_1176, %dma_wait3A_1177, %dma_wait3A_1178] : memref<2x128x128xf32, #tpu.memory_space<vmem>> -> memref<1x128x128xf32, #tpu.memory_space<vmem>>
          %dma_wait3A_1180 = tpu.memref_squeeze %dma_wait3A_1179 : memref<1x128x128xf32, #tpu.memory_space<vmem>> -> memref<128x128xf32, #tpu.memory_space<vmem>>
          %dma_wait3A_1181 = arith.constant 0 : i32
          %dma_wait3A_1182 = tpu.memref_slice %arg7[%sub3A_1175, %dma_wait3A_1181] : memref<40x128xi32, #tpu.memory_space<vmem>> -> memref<1x128xi32, #tpu.memory_space<vmem>>
          %dma_wait3A_1183 = tpu.memref_squeeze %dma_wait3A_1182 : memref<1x128xi32, #tpu.memory_space<vmem>> -> memref<128xi32, #tpu.memory_space<vmem>>
          %dma_wait3A_1184 = arith.constant 0 : i32
          %dma_wait3A_1185 = arith.constant 0 : i32
          %dma_wait3A_1186 = tpu.memref_slice %arg9[%dma_wait3A_1184, %dma_wait3A_1185] : memref<10240x128xf32, #tpu.memory_space<vmem_shared>> -> memref<10240x128xf32, #tpu.memory_space<vmem_shared>>
          tpu.wait_indirect_dma semaphore(%arg13 : memref<!tpu.dma_semaphore, #tpu.memory_space<semaphore_mem>>) src(%dma_wait3A_1180 : memref<128x128xf32, #tpu.memory_space<vmem>>) dst(%dma_wait3A_1186 : memref<10240x128xf32, #tpu.memory_space<vmem_shared>>)
        } else {
        }
        %add3A_1147 = arith.constant 1 : i32
        %add3A_1148 = arith.addi %add3A_1134, %add3A_1147 : i32
        %lt3A = arith.constant 40 : i32
        %lt3A_1149 = arith.cmpi slt, %add3A_1148, %lt3A : i32
        %convert_element_type3A_1150 = arith.extui %lt3A_1149 : i1 to i32
        %cond3A_1151 = arith.constant 0 : i32
        %cond3A_1152 = arith.cmpi ne, %convert_element_type3A_1150, %cond3A_1151 : i32
        scf.if %cond3A_1152 {
          %add3A_1175 = arith.constant 1 : i32
          %add3A_1176 = arith.addi %add3A_1134, %add3A_1175 : i32
          %dma_start3A_1177 = arith.constant 1 : i32
          %dma_start3A_1178 = arith.constant 0 : i32
          %dma_start3A_1179 = arith.constant 0 : i32
          %dma_start3A_1180 = tpu.memref_slice %arg8[%dma_start3A_1177, %dma_start3A_1178, %dma_start3A_1179] : memref<2x128x128xf32, #tpu.memory_space<vmem>> -> memref<1x128x128xf32, #tpu.memory_space<vmem>>
          %dma_start3A_1181 = tpu.memref_squeeze %dma_start3A_1180 : memref<1x128x128xf32, #tpu.memory_space<vmem>> -> memref<128x128xf32, #tpu.memory_space<vmem>>
          %dma_start3A_1182 = arith.constant 0 : i32
          %dma_start3A_1183 = tpu.memref_slice %arg6[%add3A_1176, %dma_start3A_1182] : memref<40x128xi32, #tpu.memory_space<vmem>> -> memref<1x128xi32, #tpu.memory_space<vmem>>
          %dma_start3A_1184 = tpu.memref_squeeze %dma_start3A_1183 : memref<1x128xi32, #tpu.memory_space<vmem>> -> memref<128xi32, #tpu.memory_space<vmem>>
          %dma_start3A_1185 = arith.constant 0 : i32
          %dma_start3A_1186 = arith.constant 0 : i32
          %dma_start3A_1187 = tpu.memref_slice %arg4[%dma_start3A_1185, %dma_start3A_1186] : memref<10000x128xf32, #tpu.memory_space<hbm>> -> memref<10000x128xf32, #tpu.memory_space<hbm>>
          tpu.enqueue_indirect_dma source(%dma_start3A_1187 : memref<10000x128xf32, #tpu.memory_space<hbm>>) target(%dma_start3A_1181 : memref<128x128xf32, #tpu.memory_space<vmem>>) offsets(%dma_start3A_1184 : memref<128xi32, #tpu.memory_space<vmem>>) semaphore(%arg11 : memref<!tpu.dma_semaphore, #tpu.memory_space<semaphore_mem>>)
        } else {
        }
        %dma_wait3A_1153 = arith.constant 0 : i32
        %dma_wait3A_1154 = arith.constant 0 : i32
        %dma_wait3A_1155 = arith.constant 0 : i32
        %dma_wait3A_1156 = tpu.memref_slice %arg8[%dma_wait3A_1153, %dma_wait3A_1154, %dma_wait3A_1155] : memref<2x128x128xf32, #tpu.memory_space<vmem>> -> memref<1x128x128xf32, #tpu.memory_space<vmem>>
        %dma_wait3A_1157 = tpu.memref_squeeze %dma_wait3A_1156 : memref<1x128x128xf32, #tpu.memory_space<vmem>> -> memref<128x128xf32, #tpu.memory_space<vmem>>
        %dma_wait3A_1158 = arith.constant 0 : i32
        %dma_wait3A_1159 = tpu.memref_slice %arg6[%add3A_1134, %dma_wait3A_1158] : memref<40x128xi32, #tpu.memory_space<vmem>> -> memref<1x128xi32, #tpu.memory_space<vmem>>
        %dma_wait3A_1160 = tpu.memref_squeeze %dma_wait3A_1159 : memref<1x128xi32, #tpu.memory_space<vmem>> -> memref<128xi32, #tpu.memory_space<vmem>>
        %dma_wait3A_1161 = arith.constant 0 : i32
        %dma_wait3A_1162 = arith.constant 0 : i32
        %dma_wait3A_1163 = tpu.memref_slice %arg4[%dma_wait3A_1161, %dma_wait3A_1162] : memref<10000x128xf32, #tpu.memory_space<hbm>> -> memref<10000x128xf32, #tpu.memory_space<hbm>>
        tpu.wait_indirect_dma semaphore(%arg10 : memref<!tpu.dma_semaphore, #tpu.memory_space<semaphore_mem>>) src(%dma_wait3A_1163 : memref<10000x128xf32, #tpu.memory_space<hbm>>) dst(%dma_wait3A_1157 : memref<128x128xf32, #tpu.memory_space<vmem>>)
        %dma_start3A_1164 = arith.constant 0 : i32
        %dma_start3A_1165 = arith.constant 0 : i32
        %dma_start3A_1166 = arith.constant 0 : i32
        %dma_start3A_1167 = tpu.memref_slice %arg8[%dma_start3A_1164, %dma_start3A_1165, %dma_start3A_1166] : memref<2x128x128xf32, #tpu.memory_space<vmem>> -> memref<1x128x128xf32, #tpu.memory_space<vmem>>
        %dma_start3A_1168 = tpu.memref_squeeze %dma_start3A_1167 : memref<1x128x128xf32, #tpu.memory_space<vmem>> -> memref<128x128xf32, #tpu.memory_space<vmem>>
        %dma_start3A_1169 = arith.constant 0 : i32
        %dma_start3A_1170 = tpu.memref_slice %arg7[%add3A_1134, %dma_start3A_1169] : memref<40x128xi32, #tpu.memory_space<vmem>> -> memref<1x128xi32, #tpu.memory_space<vmem>>
        %dma_start3A_1171 = tpu.memref_squeeze %dma_start3A_1170 : memref<1x128xi32, #tpu.memory_space<vmem>> -> memref<128xi32, #tpu.memory_space<vmem>>
        %dma_start3A_1172 = arith.constant 0 : i32
        %dma_start3A_1173 = arith.constant 0 : i32
        %dma_start3A_1174 = tpu.memref_slice %arg9[%dma_start3A_1172, %dma_start3A_1173] : memref<10240x128xf32, #tpu.memory_space<vmem_shared>> -> memref<10240x128xf32, #tpu.memory_space<vmem_shared>>
        tpu.enqueue_indirect_dma source(%dma_start3A_1168 : memref<128x128xf32, #tpu.memory_space<vmem>>) target(%dma_start3A_1174 : memref<10240x128xf32, #tpu.memory_space<vmem_shared>>) offsets(%dma_start3A_1171 : memref<128xi32, #tpu.memory_space<vmem>>) semaphore(%arg12 : memref<!tpu.dma_semaphore, #tpu.memory_space<semaphore_mem>>) {add = true}
      } else {
      }
      %eq3A_1138 = arith.constant 1 : i32
      %eq3A_1139 = arith.cmpi eq, %rem3A_1135, %eq3A_1138 : i32
      %convert_element_type3A_1140 = arith.extui %eq3A_1139 : i1 to i32
      %cond3A_1141 = arith.constant 0 : i32
      %cond3A_1142 = arith.cmpi ne, %convert_element_type3A_1140, %cond3A_1141 : i32
      scf.if %cond3A_1142 {
        %ge3A = arith.constant 1 : i32
        %ge3A_1143 = arith.cmpi sge, %add3A_1134, %ge3A : i32
        %convert_element_type3A_1144 = arith.extui %ge3A_1143 : i1 to i32
        %cond3A_1145 = arith.constant 0 : i32
        %cond3A_1146 = arith.cmpi ne, %convert_element_type3A_1144, %cond3A_1145 : i32
        scf.if %cond3A_1146 {
          %sub3A = arith.constant 1 : i32
          %sub3A_1175 = arith.subi %add3A_1134, %sub3A : i32
          %dma_wait3A_1176 = arith.constant 0 : i32
          %dma_wait3A_1177 = arith.constant 0 : i32
          %dma_wait3A_1178 = arith.constant 0 : i32
          %dma_wait3A_1179 = tpu.memref_slice %arg8[%dma_wait3A_1176, %dma_wait3A_1177, %dma_wait3A_1178] : memref<2x128x128xf32, #tpu.memory_space<vmem>> -> memref<1x128x128xf32, #tpu.memory_space<vmem>>
          %dma_wait3A_1180 = tpu.memref_squeeze %dma_wait3A_1179 : memref<1x128x128xf32, #tpu.memory_space<vmem>> -> memref<128x128xf32, #tpu.memory_space<vmem>>
          %dma_wait3A_1181 = arith.constant 0 : i32
          %dma_wait3A_1182 = tpu.memref_slice %arg7[%sub3A_1175, %dma_wait3A_1181] : memref<40x128xi32, #tpu.memory_space<vmem>> -> memref<1x128xi32, #tpu.memory_space<vmem>>
          %dma_wait3A_1183 = tpu.memref_squeeze %dma_wait3A_1182 : memref<1x128xi32, #tpu.memory_space<vmem>> -> memref<128xi32, #tpu.memory_space<vmem>>
          %dma_wait3A_1184 = arith.constant 0 : i32
          %dma_wait3A_1185 = arith.constant 0 : i32
          %dma_wait3A_1186 = tpu.memref_slice %arg9[%dma_wait3A_1184, %dma_wait3A_1185] : memref<10240x128xf32, #tpu.memory_space<vmem_shared>> -> memref<10240x128xf32, #tpu.memory_space<vmem_shared>>
          tpu.wait_indirect_dma semaphore(%arg12 : memref<!tpu.dma_semaphore, #tpu.memory_space<semaphore_mem>>) src(%dma_wait3A_1180 : memref<128x128xf32, #tpu.memory_space<vmem>>) dst(%dma_wait3A_1186 : memref<10240x128xf32, #tpu.memory_space<vmem_shared>>)
        } else {
        }
        %add3A_1147 = arith.constant 1 : i32
        %add3A_1148 = arith.addi %add3A_1134, %add3A_1147 : i32
        %lt3A = arith.constant 40 : i32
        %lt3A_1149 = arith.cmpi slt, %add3A_1148, %lt3A : i32
        %convert_element_type3A_1150 = arith.extui %lt3A_1149 : i1 to i32
        %cond3A_1151 = arith.constant 0 : i32
        %cond3A_1152 = arith.cmpi ne, %convert_element_type3A_1150, %cond3A_1151 : i32
        scf.if %cond3A_1152 {
          %add3A_1175 = arith.constant 1 : i32
          %add3A_1176 = arith.addi %add3A_1134, %add3A_1175 : i32
          %dma_start3A_1177 = arith.constant 0 : i32
          %dma_start3A_1178 = arith.constant 0 : i32
          %dma_start3A_1179 = arith.constant 0 : i32
          %dma_start3A_1180 = tpu.memref_slice %arg8[%dma_start3A_1177, %dma_start3A_1178, %dma_start3A_1179] : memref<2x128x128xf32, #tpu.memory_space<vmem>> -> memref<1x128x128xf32, #tpu.memory_space<vmem>>
          %dma_start3A_1181 = tpu.memref_squeeze %dma_start3A_1180 : memref<1x128x128xf32, #tpu.memory_space<vmem>> -> memref<128x128xf32, #tpu.memory_space<vmem>>
          %dma_start3A_1182 = arith.constant 0 : i32
          %dma_start3A_1183 = tpu.memref_slice %arg6[%add3A_1176, %dma_start3A_1182] : memref<40x128xi32, #tpu.memory_space<vmem>> -> memref<1x128xi32, #tpu.memory_space<vmem>>
          %dma_start3A_1184 = tpu.memref_squeeze %dma_start3A_1183 : memref<1x128xi32, #tpu.memory_space<vmem>> -> memref<128xi32, #tpu.memory_space<vmem>>
          %dma_start3A_1185 = arith.constant 0 : i32
          %dma_start3A_1186 = arith.constant 0 : i32
          %dma_start3A_1187 = tpu.memref_slice %arg4[%dma_start3A_1185, %dma_start3A_1186] : memref<10000x128xf32, #tpu.memory_space<hbm>> -> memref<10000x128xf32, #tpu.memory_space<hbm>>
          tpu.enqueue_indirect_dma source(%dma_start3A_1187 : memref<10000x128xf32, #tpu.memory_space<hbm>>) target(%dma_start3A_1181 : memref<128x128xf32, #tpu.memory_space<vmem>>) offsets(%dma_start3A_1184 : memref<128xi32, #tpu.memory_space<vmem>>) semaphore(%arg10 : memref<!tpu.dma_semaphore, #tpu.memory_space<semaphore_mem>>)
        } else {
        }
        %dma_wait3A_1153 = arith.constant 1 : i32
        %dma_wait3A_1154 = arith.constant 0 : i32
        %dma_wait3A_1155 = arith.constant 0 : i32
        %dma_wait3A_1156 = tpu.memref_slice %arg8[%dma_wait3A_1153, %dma_wait3A_1154, %dma_wait3A_1155] : memref<2x128x128xf32, #tpu.memory_space<vmem>> -> memref<1x128x128xf32, #tpu.memory_space<vmem>>
        %dma_wait3A_1157 = tpu.memref_squeeze %dma_wait3A_1156 : memref<1x128x128xf32, #tpu.memory_space<vmem>> -> memref<128x128xf32, #tpu.memory_space<vmem>>
        %dma_wait3A_1158 = arith.constant 0 : i32
        %dma_wait3A_1159 = tpu.memref_slice %arg6[%add3A_1134, %dma_wait3A_1158] : memref<40x128xi32, #tpu.memory_space<vmem>> -> memref<1x128xi32, #tpu.memory_space<vmem>>
        %dma_wait3A_1160 = tpu.memref_squeeze %dma_wait3A_1159 : memref<1x128xi32, #tpu.memory_space<vmem>> -> memref<128xi32, #tpu.memory_space<vmem>>
        %dma_wait3A_1161 = arith.constant 0 : i32
        %dma_wait3A_1162 = arith.constant 0 : i32
        %dma_wait3A_1163 = tpu.memref_slice %arg4[%dma_wait3A_1161, %dma_wait3A_1162] : memref<10000x128xf32, #tpu.memory_space<hbm>> -> memref<10000x128xf32, #tpu.memory_space<hbm>>
        tpu.wait_indirect_dma semaphore(%arg11 : memref<!tpu.dma_semaphore, #tpu.memory_space<semaphore_mem>>) src(%dma_wait3A_1163 : memref<10000x128xf32, #tpu.memory_space<hbm>>) dst(%dma_wait3A_1157 : memref<128x128xf32, #tpu.memory_space<vmem>>)
        %dma_start3A_1164 = arith.constant 1 : i32
        %dma_start3A_1165 = arith.constant 0 : i32
        %dma_start3A_1166 = arith.constant 0 : i32
        %dma_start3A_1167 = tpu.memref_slice %arg8[%dma_start3A_1164, %dma_start3A_1165, %dma_start3A_1166] : memref<2x128x128xf32, #tpu.memory_space<vmem>> -> memref<1x128x128xf32, #tpu.memory_space<vmem>>
        %dma_start3A_1168 = tpu.memref_squeeze %dma_start3A_1167 : memref<1x128x128xf32, #tpu.memory_space<vmem>> -> memref<128x128xf32, #tpu.memory_space<vmem>>
        %dma_start3A_1169 = arith.constant 0 : i32
        %dma_start3A_1170 = tpu.memref_slice %arg7[%add3A_1134, %dma_start3A_1169] : memref<40x128xi32, #tpu.memory_space<vmem>> -> memref<1x128xi32, #tpu.memory_space<vmem>>
        %dma_start3A_1171 = tpu.memref_squeeze %dma_start3A_1170 : memref<1x128xi32, #tpu.memory_space<vmem>> -> memref<128xi32, #tpu.memory_space<vmem>>
        %dma_start3A_1172 = arith.constant 0 : i32
        %dma_start3A_1173 = arith.constant 0 : i32
        %dma_start3A_1174 = tpu.memref_slice %arg9[%dma_start3A_1172, %dma_start3A_1173] : memref<10240x128xf32, #tpu.memory_space<vmem_shared>> -> memref<10240x128xf32, #tpu.memory_space<vmem_shared>>
        tpu.enqueue_indirect_dma source(%dma_start3A_1168 : memref<128x128xf32, #tpu.memory_space<vmem>>) target(%dma_start3A_1174 : memref<10240x128xf32, #tpu.memory_space<vmem_shared>>) offsets(%dma_start3A_1171 : memref<128xi32, #tpu.memory_space<vmem>>) semaphore(%arg13 : memref<!tpu.dma_semaphore, #tpu.memory_space<semaphore_mem>>) {add = true}
      } else {
      }
    }
    %scan3A_1063 = arith.constant 40 : i32
    %dma_wait3A_1064 = arith.constant 1 : i32
    %dma_wait3A_1065 = arith.constant 39 : i32
    %dma_wait3A_1066 = arith.constant 0 : i32
    %dma_wait3A_1067 = arith.constant 0 : i32
    %dma_wait3A_1068 = tpu.memref_slice %arg8[%dma_wait3A_1064, %dma_wait3A_1066, %dma_wait3A_1067] : memref<2x128x128xf32, #tpu.memory_space<vmem>> -> memref<1x128x128xf32, #tpu.memory_space<vmem>>
    %dma_wait3A_1069 = tpu.memref_squeeze %dma_wait3A_1068 : memref<1x128x128xf32, #tpu.memory_space<vmem>> -> memref<128x128xf32, #tpu.memory_space<vmem>>
    %dma_wait3A_1070 = arith.constant 0 : i32
    %dma_wait3A_1071 = tpu.memref_slice %arg7[%dma_wait3A_1065, %dma_wait3A_1070] : memref<40x128xi32, #tpu.memory_space<vmem>> -> memref<1x128xi32, #tpu.memory_space<vmem>>
    %dma_wait3A_1072 = tpu.memref_squeeze %dma_wait3A_1071 : memref<1x128xi32, #tpu.memory_space<vmem>> -> memref<128xi32, #tpu.memory_space<vmem>>
    %dma_wait3A_1073 = arith.constant 0 : i32
    %dma_wait3A_1074 = arith.constant 0 : i32
    %dma_wait3A_1075 = tpu.memref_slice %arg9[%dma_wait3A_1073, %dma_wait3A_1074] : memref<10240x128xf32, #tpu.memory_space<vmem_shared>> -> memref<10240x128xf32, #tpu.memory_space<vmem_shared>>
    tpu.wait_indirect_dma semaphore(%arg13 : memref<!tpu.dma_semaphore, #tpu.memory_space<semaphore_mem>>) src(%dma_wait3A_1069 : memref<128x128xf32, #tpu.memory_space<vmem>>) dst(%dma_wait3A_1075 : memref<10240x128xf32, #tpu.memory_space<vmem_shared>>)
    %mul3A_1076 = arith.constant 80 : i32
    %mul3A_1077 = arith.muli %add3A, %mul3A_1076 : i32
    %add3A_1078 = arith.constant 40 : i32
    %add3A_1079 = arith.addi %mul3A_1077, %add3A_1078 : i32
    %dma_start3A_1080 = arith.constant 0 : i32
    %dma_start3A_1081 = tpu.memref_slice %arg2[%add3A_1079, %dma_start3A_1080] : memref<2560x128xi32, #tpu.memory_space<hbm>> -> memref<40x128xi32, #tpu.memory_space<hbm>>
    %dma_start3A_1082 = arith.constant 0 : i32
    %dma_start3A_1083 = tpu.memref_slice %arg2[%add3A_1079, %dma_start3A_1082] : memref<2560x128xi32, #tpu.memory_space<hbm>> -> memref<40x128xi32, #tpu.memory_space<hbm>>
    tpu.enqueue_dma source(%dma_start3A_1083 : memref<40x128xi32, #tpu.memory_space<hbm>>) target(%arg6 : memref<40x128xi32, #tpu.memory_space<vmem>>) target_semaphore(%arg10 : memref<!tpu.dma_semaphore, #tpu.memory_space<semaphore_mem>>)
    %dma_wait3A_1084 = arith.constant 0 : i32
    %dma_wait3A_1085 = tpu.memref_slice %arg2[%add3A_1079, %dma_wait3A_1084] : memref<2560x128xi32, #tpu.memory_space<hbm>> -> memref<40x128xi32, #tpu.memory_space<hbm>>
    %dma_wait3A_1086 = arith.constant 0 : i32
    %dma_wait3A_1087 = tpu.memref_slice %arg2[%add3A_1079, %dma_wait3A_1086] : memref<2560x128xi32, #tpu.memory_space<hbm>> -> memref<40x128xi32, #tpu.memory_space<hbm>>
    tpu.wait_dma2 semaphore(%arg10 : memref<!tpu.dma_semaphore, #tpu.memory_space<semaphore_mem>>) src(%dma_wait3A_1087 : memref<40x128xi32, #tpu.memory_space<hbm>>) dst(%arg6 : memref<40x128xi32, #tpu.memory_space<vmem>>)
    %dma_start3A_1088 = arith.constant 0 : i32
    %dma_start3A_1089 = tpu.memref_slice %arg3[%add3A_1079, %dma_start3A_1088] : memref<2560x128xi32, #tpu.memory_space<hbm>> -> memref<40x128xi32, #tpu.memory_space<hbm>>
    %dma_start3A_1090 = arith.constant 0 : i32
    %dma_start3A_1091 = tpu.memref_slice %arg3[%add3A_1079, %dma_start3A_1090] : memref<2560x128xi32, #tpu.memory_space<hbm>> -> memref<40x128xi32, #tpu.memory_space<hbm>>
    tpu.enqueue_dma source(%dma_start3A_1091 : memref<40x128xi32, #tpu.memory_space<hbm>>) target(%arg7 : memref<40x128xi32, #tpu.memory_space<vmem>>) target_semaphore(%arg10 : memref<!tpu.dma_semaphore, #tpu.memory_space<semaphore_mem>>)
    %dma_wait3A_1092 = arith.constant 0 : i32
    %dma_wait3A_1093 = tpu.memref_slice %arg3[%add3A_1079, %dma_wait3A_1092] : memref<2560x128xi32, #tpu.memory_space<hbm>> -> memref<40x128xi32, #tpu.memory_space<hbm>>
    %dma_wait3A_1094 = arith.constant 0 : i32
    %dma_wait3A_1095 = tpu.memref_slice %arg3[%add3A_1079, %dma_wait3A_1094] : memref<2560x128xi32, #tpu.memory_space<hbm>> -> memref<40x128xi32, #tpu.memory_space<hbm>>
    tpu.wait_dma2 semaphore(%arg10 : memref<!tpu.dma_semaphore, #tpu.memory_space<semaphore_mem>>) src(%dma_wait3A_1095 : memref<40x128xi32, #tpu.memory_space<hbm>>) dst(%arg7 : memref<40x128xi32, #tpu.memory_space<vmem>>)
    %dma_start3A_1096 = arith.constant 0 : i32
    %dma_start3A_1097 = arith.constant 0 : i32
    %dma_start3A_1098 = arith.constant 0 : i32
    %dma_start3A_1099 = arith.constant 0 : i32
    %dma_start3A_1100 = tpu.memref_slice %arg8[%dma_start3A_1097, %dma_start3A_1098, %dma_start3A_1099] : memref<2x128x128xf32, #tpu.memory_space<vmem>> -> memref<1x128x128xf32, #tpu.memory_space<vmem>>
    %dma_start3A_1101 = tpu.memref_squeeze %dma_start3A_1100 : memref<1x128x128xf32, #tpu.memory_space<vmem>> -> memref<128x128xf32, #tpu.memory_space<vmem>>
    %dma_start3A_1102 = arith.constant 0 : i32
    %dma_start3A_1103 = tpu.memref_slice %arg6[%dma_start3A_1096, %dma_start3A_1102] : memref<40x128xi32, #tpu.memory_space<vmem>> -> memref<1x128xi32, #tpu.memory_space<vmem>>
    %dma_start3A_1104 = tpu.memref_squeeze %dma_start3A_1103 : memref<1x128xi32, #tpu.memory_space<vmem>> -> memref<128xi32, #tpu.memory_space<vmem>>
    %dma_start3A_1105 = arith.constant 0 : i32
    %dma_start3A_1106 = arith.constant 0 : i32
    %dma_start3A_1107 = tpu.memref_slice %arg4[%dma_start3A_1105, %dma_start3A_1106] : memref<10000x128xf32, #tpu.memory_space<hbm>> -> memref<10000x128xf32, #tpu.memory_space<hbm>>
    tpu.enqueue_indirect_dma source(%dma_start3A_1107 : memref<10000x128xf32, #tpu.memory_space<hbm>>) target(%dma_start3A_1101 : memref<128x128xf32, #tpu.memory_space<vmem>>) offsets(%dma_start3A_1104 : memref<128xi32, #tpu.memory_space<vmem>>) semaphore(%arg10 : memref<!tpu.dma_semaphore, #tpu.memory_space<semaphore_mem>>)
    %scan3A_1108 = arith.constant 0 : i32
    %scan3A_1109 = arith.constant 40 : i32
    %scan3A_1110 = arith.addi %scan3A_1108, %scan3A_1109 : i32
    %scan3A_1111 = arith.constant 1 : i32
    scf.for %scan3A_1130 = %scan3A_1108 to %scan3A_1110 step %scan3A_1111  : i32 {
      %mul3A_1131 = arith.constant 1 : i32
      %mul3A_1132 = arith.muli %scan3A_1130, %mul3A_1131 : i32
      %add3A_1133 = arith.constant 0 : i32
      %add3A_1134 = arith.addi %add3A_1133, %mul3A_1132 : i32
      %rem3A = arith.constant 2 : i32
      %rem3A_1135 = arith.remsi %add3A_1134, %rem3A : i32
      %eq3A = arith.constant 0 : i32
      %eq3A_1136 = arith.cmpi eq, %rem3A_1135, %eq3A : i32
      %convert_element_type3A = arith.extui %eq3A_1136 : i1 to i32
      %cond3A = arith.constant 0 : i32
      %cond3A_1137 = arith.cmpi ne, %convert_element_type3A, %cond3A : i32
      scf.if %cond3A_1137 {
        %ge3A = arith.constant 1 : i32
        %ge3A_1143 = arith.cmpi sge, %add3A_1134, %ge3A : i32
        %convert_element_type3A_1144 = arith.extui %ge3A_1143 : i1 to i32
        %cond3A_1145 = arith.constant 0 : i32
        %cond3A_1146 = arith.cmpi ne, %convert_element_type3A_1144, %cond3A_1145 : i32
        scf.if %cond3A_1146 {
          %sub3A = arith.constant 1 : i32
          %sub3A_1175 = arith.subi %add3A_1134, %sub3A : i32
          %dma_wait3A_1176 = arith.constant 1 : i32
          %dma_wait3A_1177 = arith.constant 0 : i32
          %dma_wait3A_1178 = arith.constant 0 : i32
          %dma_wait3A_1179 = tpu.memref_slice %arg8[%dma_wait3A_1176, %dma_wait3A_1177, %dma_wait3A_1178] : memref<2x128x128xf32, #tpu.memory_space<vmem>> -> memref<1x128x128xf32, #tpu.memory_space<vmem>>
          %dma_wait3A_1180 = tpu.memref_squeeze %dma_wait3A_1179 : memref<1x128x128xf32, #tpu.memory_space<vmem>> -> memref<128x128xf32, #tpu.memory_space<vmem>>
          %dma_wait3A_1181 = arith.constant 0 : i32
          %dma_wait3A_1182 = tpu.memref_slice %arg7[%sub3A_1175, %dma_wait3A_1181] : memref<40x128xi32, #tpu.memory_space<vmem>> -> memref<1x128xi32, #tpu.memory_space<vmem>>
          %dma_wait3A_1183 = tpu.memref_squeeze %dma_wait3A_1182 : memref<1x128xi32, #tpu.memory_space<vmem>> -> memref<128xi32, #tpu.memory_space<vmem>>
          %dma_wait3A_1184 = arith.constant 0 : i32
          %dma_wait3A_1185 = arith.constant 0 : i32
          %dma_wait3A_1186 = tpu.memref_slice %arg9[%dma_wait3A_1184, %dma_wait3A_1185] : memref<10240x128xf32, #tpu.memory_space<vmem_shared>> -> memref<10240x128xf32, #tpu.memory_space<vmem_shared>>
          tpu.wait_indirect_dma semaphore(%arg13 : memref<!tpu.dma_semaphore, #tpu.memory_space<semaphore_mem>>) src(%dma_wait3A_1180 : memref<128x128xf32, #tpu.memory_space<vmem>>) dst(%dma_wait3A_1186 : memref<10240x128xf32, #tpu.memory_space<vmem_shared>>)
        } else {
        }
        %add3A_1147 = arith.constant 1 : i32
        %add3A_1148 = arith.addi %add3A_1134, %add3A_1147 : i32
        %lt3A = arith.constant 40 : i32
        %lt3A_1149 = arith.cmpi slt, %add3A_1148, %lt3A : i32
        %convert_element_type3A_1150 = arith.extui %lt3A_1149 : i1 to i32
        %cond3A_1151 = arith.constant 0 : i32
        %cond3A_1152 = arith.cmpi ne, %convert_element_type3A_1150, %cond3A_1151 : i32
        scf.if %cond3A_1152 {
          %add3A_1175 = arith.constant 1 : i32
          %add3A_1176 = arith.addi %add3A_1134, %add3A_1175 : i32
          %dma_start3A_1177 = arith.constant 1 : i32
          %dma_start3A_1178 = arith.constant 0 : i32
          %dma_start3A_1179 = arith.constant 0 : i32
          %dma_start3A_1180 = tpu.memref_slice %arg8[%dma_start3A_1177, %dma_start3A_1178, %dma_start3A_1179] : memref<2x128x128xf32, #tpu.memory_space<vmem>> -> memref<1x128x128xf32, #tpu.memory_space<vmem>>
          %dma_start3A_1181 = tpu.memref_squeeze %dma_start3A_1180 : memref<1x128x128xf32, #tpu.memory_space<vmem>> -> memref<128x128xf32, #tpu.memory_space<vmem>>
          %dma_start3A_1182 = arith.constant 0 : i32
          %dma_start3A_1183 = tpu.memref_slice %arg6[%add3A_1176, %dma_start3A_1182] : memref<40x128xi32, #tpu.memory_space<vmem>> -> memref<1x128xi32, #tpu.memory_space<vmem>>
          %dma_start3A_1184 = tpu.memref_squeeze %dma_start3A_1183 : memref<1x128xi32, #tpu.memory_space<vmem>> -> memref<128xi32, #tpu.memory_space<vmem>>
          %dma_start3A_1185 = arith.constant 0 : i32
          %dma_start3A_1186 = arith.constant 0 : i32
          %dma_start3A_1187 = tpu.memref_slice %arg4[%dma_start3A_1185, %dma_start3A_1186] : memref<10000x128xf32, #tpu.memory_space<hbm>> -> memref<10000x128xf32, #tpu.memory_space<hbm>>
          tpu.enqueue_indirect_dma source(%dma_start3A_1187 : memref<10000x128xf32, #tpu.memory_space<hbm>>) target(%dma_start3A_1181 : memref<128x128xf32, #tpu.memory_space<vmem>>) offsets(%dma_start3A_1184 : memref<128xi32, #tpu.memory_space<vmem>>) semaphore(%arg11 : memref<!tpu.dma_semaphore, #tpu.memory_space<semaphore_mem>>)
        } else {
        }
        %dma_wait3A_1153 = arith.constant 0 : i32
        %dma_wait3A_1154 = arith.constant 0 : i32
        %dma_wait3A_1155 = arith.constant 0 : i32
        %dma_wait3A_1156 = tpu.memref_slice %arg8[%dma_wait3A_1153, %dma_wait3A_1154, %dma_wait3A_1155] : memref<2x128x128xf32, #tpu.memory_space<vmem>> -> memref<1x128x128xf32, #tpu.memory_space<vmem>>
        %dma_wait3A_1157 = tpu.memref_squeeze %dma_wait3A_1156 : memref<1x128x128xf32, #tpu.memory_space<vmem>> -> memref<128x128xf32, #tpu.memory_space<vmem>>
        %dma_wait3A_1158 = arith.constant 0 : i32
        %dma_wait3A_1159 = tpu.memref_slice %arg6[%add3A_1134, %dma_wait3A_1158] : memref<40x128xi32, #tpu.memory_space<vmem>> -> memref<1x128xi32, #tpu.memory_space<vmem>>
        %dma_wait3A_1160 = tpu.memref_squeeze %dma_wait3A_1159 : memref<1x128xi32, #tpu.memory_space<vmem>> -> memref<128xi32, #tpu.memory_space<vmem>>
        %dma_wait3A_1161 = arith.constant 0 : i32
        %dma_wait3A_1162 = arith.constant 0 : i32
        %dma_wait3A_1163 = tpu.memref_slice %arg4[%dma_wait3A_1161, %dma_wait3A_1162] : memref<10000x128xf32, #tpu.memory_space<hbm>> -> memref<10000x128xf32, #tpu.memory_space<hbm>>
        tpu.wait_indirect_dma semaphore(%arg10 : memref<!tpu.dma_semaphore, #tpu.memory_space<semaphore_mem>>) src(%dma_wait3A_1163 : memref<10000x128xf32, #tpu.memory_space<hbm>>) dst(%dma_wait3A_1157 : memref<128x128xf32, #tpu.memory_space<vmem>>)
        %dma_start3A_1164 = arith.constant 0 : i32
        %dma_start3A_1165 = arith.constant 0 : i32
        %dma_start3A_1166 = arith.constant 0 : i32
        %dma_start3A_1167 = tpu.memref_slice %arg8[%dma_start3A_1164, %dma_start3A_1165, %dma_start3A_1166] : memref<2x128x128xf32, #tpu.memory_space<vmem>> -> memref<1x128x128xf32, #tpu.memory_space<vmem>>
        %dma_start3A_1168 = tpu.memref_squeeze %dma_start3A_1167 : memref<1x128x128xf32, #tpu.memory_space<vmem>> -> memref<128x128xf32, #tpu.memory_space<vmem>>
        %dma_start3A_1169 = arith.constant 0 : i32
        %dma_start3A_1170 = tpu.memref_slice %arg7[%add3A_1134, %dma_start3A_1169] : memref<40x128xi32, #tpu.memory_space<vmem>> -> memref<1x128xi32, #tpu.memory_space<vmem>>
        %dma_start3A_1171 = tpu.memref_squeeze %dma_start3A_1170 : memref<1x128xi32, #tpu.memory_space<vmem>> -> memref<128xi32, #tpu.memory_space<vmem>>
        %dma_start3A_1172 = arith.constant 0 : i32
        %dma_start3A_1173 = arith.constant 0 : i32
        %dma_start3A_1174 = tpu.memref_slice %arg9[%dma_start3A_1172, %dma_start3A_1173] : memref<10240x128xf32, #tpu.memory_space<vmem_shared>> -> memref<10240x128xf32, #tpu.memory_space<vmem_shared>>
        tpu.enqueue_indirect_dma source(%dma_start3A_1168 : memref<128x128xf32, #tpu.memory_space<vmem>>) target(%dma_start3A_1174 : memref<10240x128xf32, #tpu.memory_space<vmem_shared>>) offsets(%dma_start3A_1171 : memref<128xi32, #tpu.memory_space<vmem>>) semaphore(%arg12 : memref<!tpu.dma_semaphore, #tpu.memory_space<semaphore_mem>>) {add = true}
      } else {
      }
      %eq3A_1138 = arith.constant 1 : i32
      %eq3A_1139 = arith.cmpi eq, %rem3A_1135, %eq3A_1138 : i32
      %convert_element_type3A_1140 = arith.extui %eq3A_1139 : i1 to i32
      %cond3A_1141 = arith.constant 0 : i32
      %cond3A_1142 = arith.cmpi ne, %convert_element_type3A_1140, %cond3A_1141 : i32
      scf.if %cond3A_1142 {
        %ge3A = arith.constant 1 : i32
        %ge3A_1143 = arith.cmpi sge, %add3A_1134, %ge3A : i32
        %convert_element_type3A_1144 = arith.extui %ge3A_1143 : i1 to i32
        %cond3A_1145 = arith.constant 0 : i32
        %cond3A_1146 = arith.cmpi ne, %convert_element_type3A_1144, %cond3A_1145 : i32
        scf.if %cond3A_1146 {
          %sub3A = arith.constant 1 : i32
          %sub3A_1175 = arith.subi %add3A_1134, %sub3A : i32
          %dma_wait3A_1176 = arith.constant 0 : i32
          %dma_wait3A_1177 = arith.constant 0 : i32
          %dma_wait3A_1178 = arith.constant 0 : i32
          %dma_wait3A_1179 = tpu.memref_slice %arg8[%dma_wait3A_1176, %dma_wait3A_1177, %dma_wait3A_1178] : memref<2x128x128xf32, #tpu.memory_space<vmem>> -> memref<1x128x128xf32, #tpu.memory_space<vmem>>
          %dma_wait3A_1180 = tpu.memref_squeeze %dma_wait3A_1179 : memref<1x128x128xf32, #tpu.memory_space<vmem>> -> memref<128x128xf32, #tpu.memory_space<vmem>>
          %dma_wait3A_1181 = arith.constant 0 : i32
          %dma_wait3A_1182 = tpu.memref_slice %arg7[%sub3A_1175, %dma_wait3A_1181] : memref<40x128xi32, #tpu.memory_space<vmem>> -> memref<1x128xi32, #tpu.memory_space<vmem>>
          %dma_wait3A_1183 = tpu.memref_squeeze %dma_wait3A_1182 : memref<1x128xi32, #tpu.memory_space<vmem>> -> memref<128xi32, #tpu.memory_space<vmem>>
          %dma_wait3A_1184 = arith.constant 0 : i32
          %dma_wait3A_1185 = arith.constant 0 : i32
          %dma_wait3A_1186 = tpu.memref_slice %arg9[%dma_wait3A_1184, %dma_wait3A_1185] : memref<10240x128xf32, #tpu.memory_space<vmem_shared>> -> memref<10240x128xf32, #tpu.memory_space<vmem_shared>>
          tpu.wait_indirect_dma semaphore(%arg12 : memref<!tpu.dma_semaphore, #tpu.memory_space<semaphore_mem>>) src(%dma_wait3A_1180 : memref<128x128xf32, #tpu.memory_space<vmem>>) dst(%dma_wait3A_1186 : memref<10240x128xf32, #tpu.memory_space<vmem_shared>>)
        } else {
        }
        %add3A_1147 = arith.constant 1 : i32
        %add3A_1148 = arith.addi %add3A_1134, %add3A_1147 : i32
        %lt3A = arith.constant 40 : i32
        %lt3A_1149 = arith.cmpi slt, %add3A_1148, %lt3A : i32
        %convert_element_type3A_1150 = arith.extui %lt3A_1149 : i1 to i32
        %cond3A_1151 = arith.constant 0 : i32
        %cond3A_1152 = arith.cmpi ne, %convert_element_type3A_1150, %cond3A_1151 : i32
        scf.if %cond3A_1152 {
          %add3A_1175 = arith.constant 1 : i32
          %add3A_1176 = arith.addi %add3A_1134, %add3A_1175 : i32
          %dma_start3A_1177 = arith.constant 0 : i32
          %dma_start3A_1178 = arith.constant 0 : i32
          %dma_start3A_1179 = arith.constant 0 : i32
          %dma_start3A_1180 = tpu.memref_slice %arg8[%dma_start3A_1177, %dma_start3A_1178, %dma_start3A_1179] : memref<2x128x128xf32, #tpu.memory_space<vmem>> -> memref<1x128x128xf32, #tpu.memory_space<vmem>>
          %dma_start3A_1181 = tpu.memref_squeeze %dma_start3A_1180 : memref<1x128x128xf32, #tpu.memory_space<vmem>> -> memref<128x128xf32, #tpu.memory_space<vmem>>
          %dma_start3A_1182 = arith.constant 0 : i32
          %dma_start3A_1183 = tpu.memref_slice %arg6[%add3A_1176, %dma_start3A_1182] : memref<40x128xi32, #tpu.memory_space<vmem>> -> memref<1x128xi32, #tpu.memory_space<vmem>>
          %dma_start3A_1184 = tpu.memref_squeeze %dma_start3A_1183 : memref<1x128xi32, #tpu.memory_space<vmem>> -> memref<128xi32, #tpu.memory_space<vmem>>
          %dma_start3A_1185 = arith.constant 0 : i32
          %dma_start3A_1186 = arith.constant 0 : i32
          %dma_start3A_1187 = tpu.memref_slice %arg4[%dma_start3A_1185, %dma_start3A_1186] : memref<10000x128xf32, #tpu.memory_space<hbm>> -> memref<10000x128xf32, #tpu.memory_space<hbm>>
          tpu.enqueue_indirect_dma source(%dma_start3A_1187 : memref<10000x128xf32, #tpu.memory_space<hbm>>) target(%dma_start3A_1181 : memref<128x128xf32, #tpu.memory_space<vmem>>) offsets(%dma_start3A_1184 : memref<128xi32, #tpu.memory_space<vmem>>) semaphore(%arg10 : memref<!tpu.dma_semaphore, #tpu.memory_space<semaphore_mem>>)
        } else {
        }
        %dma_wait3A_1153 = arith.constant 1 : i32
        %dma_wait3A_1154 = arith.constant 0 : i32
        %dma_wait3A_1155 = arith.constant 0 : i32
        %dma_wait3A_1156 = tpu.memref_slice %arg8[%dma_wait3A_1153, %dma_wait3A_1154, %dma_wait3A_1155] : memref<2x128x128xf32, #tpu.memory_space<vmem>> -> memref<1x128x128xf32, #tpu.memory_space<vmem>>
        %dma_wait3A_1157 = tpu.memref_squeeze %dma_wait3A_1156 : memref<1x128x128xf32, #tpu.memory_space<vmem>> -> memref<128x128xf32, #tpu.memory_space<vmem>>
        %dma_wait3A_1158 = arith.constant 0 : i32
        %dma_wait3A_1159 = tpu.memref_slice %arg6[%add3A_1134, %dma_wait3A_1158] : memref<40x128xi32, #tpu.memory_space<vmem>> -> memref<1x128xi32, #tpu.memory_space<vmem>>
        %dma_wait3A_1160 = tpu.memref_squeeze %dma_wait3A_1159 : memref<1x128xi32, #tpu.memory_space<vmem>> -> memref<128xi32, #tpu.memory_space<vmem>>
        %dma_wait3A_1161 = arith.constant 0 : i32
        %dma_wait3A_1162 = arith.constant 0 : i32
        %dma_wait3A_1163 = tpu.memref_slice %arg4[%dma_wait3A_1161, %dma_wait3A_1162] : memref<10000x128xf32, #tpu.memory_space<hbm>> -> memref<10000x128xf32, #tpu.memory_space<hbm>>
        tpu.wait_indirect_dma semaphore(%arg11 : memref<!tpu.dma_semaphore, #tpu.memory_space<semaphore_mem>>) src(%dma_wait3A_1163 : memref<10000x128xf32, #tpu.memory_space<hbm>>) dst(%dma_wait3A_1157 : memref<128x128xf32, #tpu.memory_space<vmem>>)
        %dma_start3A_1164 = arith.constant 1 : i32
        %dma_start3A_1165 = arith.constant 0 : i32
        %dma_start3A_1166 = arith.constant 0 : i32
        %dma_start3A_1167 = tpu.memref_slice %arg8[%dma_start3A_1164, %dma_start3A_1165, %dma_start3A_1166] : memref<2x128x128xf32, #tpu.memory_space<vmem>> -> memref<1x128x128xf32, #tpu.memory_space<vmem>>
        %dma_start3A_1168 = tpu.memref_squeeze %dma_start3A_1167 : memref<1x128x128xf32, #tpu.memory_space<vmem>> -> memref<128x128xf32, #tpu.memory_space<vmem>>
        %dma_start3A_1169 = arith.constant 0 : i32
        %dma_start3A_1170 = tpu.memref_slice %arg7[%add3A_1134, %dma_start3A_1169] : memref<40x128xi32, #tpu.memory_space<vmem>> -> memref<1x128xi32, #tpu.memory_space<vmem>>
        %dma_start3A_1171 = tpu.memref_squeeze %dma_start3A_1170 : memref<1x128xi32, #tpu.memory_space<vmem>> -> memref<128xi32, #tpu.memory_space<vmem>>
        %dma_start3A_1172 = arith.constant 0 : i32
        %dma_start3A_1173 = arith.constant 0 : i32
        %dma_start3A_1174 = tpu.memref_slice %arg9[%dma_start3A_1172, %dma_start3A_1173] : memref<10240x128xf32, #tpu.memory_space<vmem_shared>> -> memref<10240x128xf32, #tpu.memory_space<vmem_shared>>
        tpu.enqueue_indirect_dma source(%dma_start3A_1168 : memref<128x128xf32, #tpu.memory_space<vmem>>) target(%dma_start3A_1174 : memref<10240x128xf32, #tpu.memory_space<vmem_shared>>) offsets(%dma_start3A_1171 : memref<128xi32, #tpu.memory_space<vmem>>) semaphore(%arg13 : memref<!tpu.dma_semaphore, #tpu.memory_space<semaphore_mem>>) {add = true}
      } else {
      }
    }
    %scan3A_1112 = arith.constant 40 : i32
    %dma_wait3A_1113 = arith.constant 1 : i32
    %dma_wait3A_1114 = arith.constant 39 : i32
    %dma_wait3A_1115 = arith.constant 0 : i32
    %dma_wait3A_1116 = arith.constant 0 : i32
    %dma_wait3A_1117 = tpu.memref_slice %arg8[%dma_wait3A_1113, %dma_wait3A_1115, %dma_wait3A_1116] : memref<2x128x128xf32, #tpu.memory_space<vmem>> -> memref<1x128x128xf32, #tpu.memory_space<vmem>>
    %dma_wait3A_1118 = tpu.memref_squeeze %dma_wait3A_1117 : memref<1x128x128xf32, #tpu.memory_space<vmem>> -> memref<128x128xf32, #tpu.memory_space<vmem>>
    %dma_wait3A_1119 = arith.constant 0 : i32
    %dma_wait3A_1120 = tpu.memref_slice %arg7[%dma_wait3A_1114, %dma_wait3A_1119] : memref<40x128xi32, #tpu.memory_space<vmem>> -> memref<1x128xi32, #tpu.memory_space<vmem>>
    %dma_wait3A_1121 = tpu.memref_squeeze %dma_wait3A_1120 : memref<1x128xi32, #tpu.memory_space<vmem>> -> memref<128xi32, #tpu.memory_space<vmem>>
    %dma_wait3A_1122 = arith.constant 0 : i32
    %dma_wait3A_1123 = arith.constant 0 : i32
    %dma_wait3A_1124 = tpu.memref_slice %arg9[%dma_wait3A_1122, %dma_wait3A_1123] : memref<10240x128xf32, #tpu.memory_space<vmem_shared>> -> memref<10240x128xf32, #tpu.memory_space<vmem_shared>>
    tpu.wait_indirect_dma semaphore(%arg13 : memref<!tpu.dma_semaphore, #tpu.memory_space<semaphore_mem>>) src(%dma_wait3A_1118 : memref<128x128xf32, #tpu.memory_space<vmem>>) dst(%dma_wait3A_1124 : memref<10240x128xf32, #tpu.memory_space<vmem_shared>>)
    %barrier3A_1125 = arith.constant 0 : index
    tpu.barrier barrier_id(%barrier3A_1125)
    %mul3A_1126 = arith.constant 640 : i32
    %mul3A_1127 = arith.muli %arg1, %mul3A_1126 : i32
    %mul3A_1128 = arith.constant 640 : i32
    %mul3A_1129 = arith.muli %arg1, %mul3A_1128 : i32
    "tpu.region"() ({
      %run_scoped3A = tpu.sem_alloc : memref<!tpu.dma_semaphore, #tpu.memory_space<semaphore_mem>>
      %dma_start3A_1130 = arith.constant 0 : i32
      %dma_start3A_1131 = tpu.memref_slice %arg5[%arg0, %mul3A_1129, %dma_start3A_1130] : memref<2x10240x128xf32, #tpu.memory_space<hbm>> -> memref<1x640x128xf32, #tpu.memory_space<hbm>>
      %dma_start3A_1132 = tpu.memref_squeeze %dma_start3A_1131 : memref<1x640x128xf32, #tpu.memory_space<hbm>> -> memref<640x128xf32, #tpu.memory_space<hbm>>
      %dma_start3A_1133 = arith.constant 0 : i32
      %dma_start3A_1134 = tpu.memref_slice %arg9[%mul3A_1127, %dma_start3A_1133] : memref<10240x128xf32, #tpu.memory_space<vmem_shared>> -> memref<640x128xf32, #tpu.memory_space<vmem_shared>>
      tpu.enqueue_dma source(%dma_start3A_1134 : memref<640x128xf32, #tpu.memory_space<vmem_shared>>) target(%dma_start3A_1132 : memref<640x128xf32, #tpu.memory_space<hbm>>) target_semaphore(%run_scoped3A : memref<!tpu.dma_semaphore, #tpu.memory_space<semaphore_mem>>)
      %dma_wait3A_1135 = arith.constant 0 : i32
      %dma_wait3A_1136 = tpu.memref_slice %arg5[%arg0, %mul3A_1129, %dma_wait3A_1135] : memref<2x10240x128xf32, #tpu.memory_space<hbm>> -> memref<1x640x128xf32, #tpu.memory_space<hbm>>
      %dma_wait3A_1137 = tpu.memref_squeeze %dma_wait3A_1136 : memref<1x640x128xf32, #tpu.memory_space<hbm>> -> memref<640x128xf32, #tpu.memory_space<hbm>>
      %dma_wait3A_1138 = arith.constant 0 : i32
      %dma_wait3A_1139 = tpu.memref_slice %arg9[%mul3A_1127, %dma_wait3A_1138] : memref<10240x128xf32, #tpu.memory_space<vmem_shared>> -> memref<640x128xf32, #tpu.memory_space<vmem_shared>>
      tpu.wait_dma2 semaphore(%run_scoped3A : memref<!tpu.dma_semaphore, #tpu.memory_space<semaphore_mem>>) src(%dma_wait3A_1139 : memref<640x128xf32, #tpu.memory_space<vmem_shared>>) dst(%dma_wait3A_1137 : memref<640x128xf32, #tpu.memory_space<hbm>>)
      tpu.yield
    }) : () -> ()
    return
  }
}

#map = affine_map<(d0, d1) -> (0, 0)>
#map1 = affine_map<(d0, d1) -> (0, 0, 0)>
module attributes {stable_mosaic.version = 14 : i64} {
  func.func @edge_kernel(%arg0: i32, %arg1: i32, %arg2: memref<2560x128xi32, #tpu.memory_space<hbm>>, %arg3: memref<2560x128xi32, #tpu.memory_space<hbm>>, %arg4: memref<10000x128xf32, #tpu.memory_space<hbm>>, %arg5: memref<2x10240x128xf32, #tpu.memory_space<hbm>>, %arg6: memref<40x128xi32, #tpu.memory_space<vmem>>, %arg7: memref<40x128xi32, #tpu.memory_space<vmem>>, %arg8: memref<2x128x128xf32, #tpu.memory_space<vmem>>, %arg9: memref<10240x128xf32, #tpu.memory_space<vmem_shared>>, %arg10: memref<!tpu.dma_semaphore, #tpu.memory_space<semaphore_mem>>, %arg11: memref<!tpu.dma_semaphore, #tpu.memory_space<semaphore_mem>>, %arg12: memref<!tpu.dma_semaphore, #tpu.memory_space<semaphore_mem>>, %arg13: memref<!tpu.dma_semaphore, #tpu.memory_space<semaphore_mem>>) attributes {dimension_semantics = [#tpu.dimension_semantics<core_parallel>, #tpu.dimension_semantics<subcore_parallel>], iteration_bounds = array<i64: 2, 16>, scalar_prefetch = 0 : i64, scratch_operands = 8 : i64, tpu.core_type = #tpu.core_type<sc_vector_subcore>, window_params = [{transform_indices = #map}, {transform_indices = #map}, {transform_indices = #map}, {transform_indices = #map1}]} {
    %mul3A = arith.constant 16 : i32
    %mul3A_0 = arith.muli %arg0, %mul3A : i32
    %add3A = arith.addi %mul3A_0, %arg1 : i32
    %broadcast_in_dim3A = arith.constant 0.000000e+00 : f32
    %broadcast_in_dim3A_1 = vector.broadcast %broadcast_in_dim3A : f32 to vector<16xf32>
    %swap3A = arith.constant 0 : i32
    %swap3A_2 = arith.constant 0 : i32
    %swap3A_3 = arith.index_cast %swap3A : i32 to index
    %swap3A_4 = arith.index_cast %swap3A_2 : i32 to index
    %swap3A_5 = arith.constant 0 : index
    %swap3A_6 = tpu.vector_load %arg8[%swap3A_3, %swap3A_4, %swap3A_5] {strides = array<i32>} : memref<2x128x128xf32, #tpu.memory_space<vmem>>, vector<1x1x16xf32>,
    %swap3A_7 = vector.shape_cast %swap3A_6 : vector<1x1x16xf32> to vector<16xf32>
    %swap3A_8 = vector.shape_cast %broadcast_in_dim3A_1 : vector<16xf32> to vector<1x1x16xf32>
    tpu.vector_store %arg8[%swap3A_3, %swap3A_4, %swap3A_5], %swap3A_8 {strides = array<i32>} : memref<2x128x128xf32, #tpu.memory_space<vmem>>, vector<1x1x16xf32>,
    %swap3A_9 = arith.constant 0 : i32
    %swap3A_10 = arith.constant 0 : i32
    %swap3A_11 = arith.index_cast %swap3A_9 : i32 to index
    %swap3A_12 = arith.index_cast %swap3A_10 : i32 to index
    %swap3A_13 = arith.constant 16 : index
    %swap3A_14 = tpu.vector_load %arg8[%swap3A_11, %swap3A_12, %swap3A_13] {strides = array<i32>} : memref<2x128x128xf32, #tpu.memory_space<vmem>>, vector<1x1x16xf32>,
    %swap3A_15 = vector.shape_cast %swap3A_14 : vector<1x1x16xf32> to vector<16xf32>
    %swap3A_16 = vector.shape_cast %broadcast_in_dim3A_1 : vector<16xf32> to vector<1x1x16xf32>
    tpu.vector_store %arg8[%swap3A_11, %swap3A_12, %swap3A_13], %swap3A_16 {strides = array<i32>} : memref<2x128x128xf32, #tpu.memory_space<vmem>>, vector<1x1x16xf32>,
    %swap3A_17 = arith.constant 0 : i32
    %swap3A_18 = arith.constant 0 : i32
    %swap3A_19 = arith.index_cast %swap3A_17 : i32 to index
    %swap3A_20 = arith.index_cast %swap3A_18 : i32 to index
    %swap3A_21 = arith.constant 32 : index
    %swap3A_22 = tpu.vector_load %arg8[%swap3A_19, %swap3A_20, %swap3A_21] {strides = array<i32>} : memref<2x128x128xf32, #tpu.memory_space<vmem>>, vector<1x1x16xf32>,
    %swap3A_23 = vector.shape_cast %swap3A_22 : vector<1x1x16xf32> to vector<16xf32>
    %swap3A_24 = vector.shape_cast %broadcast_in_dim3A_1 : vector<16xf32> to vector<1x1x16xf32>
    tpu.vector_store %arg8[%swap3A_19, %swap3A_20, %swap3A_21], %swap3A_24 {strides = array<i32>} : memref<2x128x128xf32, #tpu.memory_space<vmem>>, vector<1x1x16xf32>,
    %swap3A_25 = arith.constant 0 : i32
    %swap3A_26 = arith.constant 0 : i32
    %swap3A_27 = arith.index_cast %swap3A_25 : i32 to index
    %swap3A_28 = arith.index_cast %swap3A_26 : i32 to index
    %swap3A_29 = arith.constant 48 : index
    %swap3A_30 = tpu.vector_load %arg8[%swap3A_27, %swap3A_28, %swap3A_29] {strides = array<i32>} : memref<2x128x128xf32, #tpu.memory_space<vmem>>, vector<1x1x16xf32>,
    %swap3A_31 = vector.shape_cast %swap3A_30 : vector<1x1x16xf32> to vector<16xf32>
    %swap3A_32 = vector.shape_cast %broadcast_in_dim3A_1 : vector<16xf32> to vector<1x1x16xf32>
    tpu.vector_store %arg8[%swap3A_27, %swap3A_28, %swap3A_29], %swap3A_32 {strides = array<i32>} : memref<2x128x128xf32, #tpu.memory_space<vmem>>, vector<1x1x16xf32>,
    %swap3A_33 = arith.constant 0 : i32
    %swap3A_34 = arith.constant 0 : i32
    %swap3A_35 = arith.index_cast %swap3A_33 : i32 to index
    %swap3A_36 = arith.index_cast %swap3A_34 : i32 to index
    %swap3A_37 = arith.constant 64 : index
    %swap3A_38 = tpu.vector_load %arg8[%swap3A_35, %swap3A_36, %swap3A_37] {strides = array<i32>} : memref<2x128x128xf32, #tpu.memory_space<vmem>>, vector<1x1x16xf32>,
    %swap3A_39 = vector.shape_cast %swap3A_38 : vector<1x1x16xf32> to vector<16xf32>
    %swap3A_40 = vector.shape_cast %broadcast_in_dim3A_1 : vector<16xf32> to vector<1x1x16xf32>
    tpu.vector_store %arg8[%swap3A_35, %swap3A_36, %swap3A_37], %swap3A_40 {strides = array<i32>} : memref<2x128x128xf32, #tpu.memory_space<vmem>>, vector<1x1x16xf32>,
    %swap3A_41 = arith.constant 0 : i32
    %swap3A_42 = arith.constant 0 : i32
    %swap3A_43 = arith.index_cast %swap3A_41 : i32 to index
    %swap3A_44 = arith.index_cast %swap3A_42 : i32 to index
    %swap3A_45 = arith.constant 80 : index
    %swap3A_46 = tpu.vector_load %arg8[%swap3A_43, %swap3A_44, %swap3A_45] {strides = array<i32>} : memref<2x128x128xf32, #tpu.memory_space<vmem>>, vector<1x1x16xf32>,
    %swap3A_47 = vector.shape_cast %swap3A_46 : vector<1x1x16xf32> to vector<16xf32>
    %swap3A_48 = vector.shape_cast %broadcast_in_dim3A_1 : vector<16xf32> to vector<1x1x16xf32>
    tpu.vector_store %arg8[%swap3A_43, %swap3A_44, %swap3A_45], %swap3A_48 {strides = array<i32>} : memref<2x128x128xf32, #tpu.memory_space<vmem>>, vector<1x1x16xf32>,
    %swap3A_49 = arith.constant 0 : i32
    %swap3A_50 = arith.constant 0 : i32
    %swap3A_51 = arith.index_cast %swap3A_49 : i32 to index
    %swap3A_52 = arith.index_cast %swap3A_50 : i32 to index
    %swap3A_53 = arith.constant 96 : index
    %swap3A_54 = tpu.vector_load %arg8[%swap3A_51, %swap3A_52, %swap3A_53] {strides = array<i32>} : memref<2x128x128xf32, #tpu.memory_space<vmem>>, vector<1x1x16xf32>,
    %swap3A_55 = vector.shape_cast %swap3A_54 : vector<1x1x16xf32> to vector<16xf32>
    %swap3A_56 = vector.shape_cast %broadcast_in_dim3A_1 : vector<16xf32> to vector<1x1x16xf32>
    tpu.vector_store %arg8[%swap3A_51, %swap3A_52, %swap3A_53], %swap3A_56 {strides = array<i32>} : memref<2x128x128xf32, #tpu.memory_space<vmem>>, vector<1x1x16xf32>,
    %swap3A_57 = arith.constant 0 : i32
    %swap3A_58 = arith.constant 0 : i32
    %swap3A_59 = arith.index_cast %swap3A_57 : i32 to index
    %swap3A_60 = arith.index_cast %swap3A_58 : i32 to index
    %swap3A_61 = arith.constant 112 : index
    %swap3A_62 = tpu.vector_load %arg8[%swap3A_59, %swap3A_60, %swap3A_61] {strides = array<i32>} : memref<2x128x128xf32, #tpu.memory_space<vmem>>, vector<1x1x16xf32>,
    %swap3A_63 = vector.shape_cast %swap3A_62 : vector<1x1x16xf32> to vector<16xf32>
    %swap3A_64 = vector.shape_cast %broadcast_in_dim3A_1 : vector<16xf32> to vector<1x1x16xf32>
    tpu.vector_store %arg8[%swap3A_59, %swap3A_60, %swap3A_61], %swap3A_64 {strides = array<i32>} : memref<2x128x128xf32, #tpu.memory_space<vmem>>, vector<1x1x16xf32>,
    %swap3A_65 = arith.constant 0 : i32
    %swap3A_66 = arith.constant 1 : i32
    %swap3A_67 = arith.index_cast %swap3A_65 : i32 to index
    %swap3A_68 = arith.index_cast %swap3A_66 : i32 to index
    %swap3A_69 = arith.constant 0 : index
    %swap3A_70 = tpu.vector_load %arg8[%swap3A_67, %swap3A_68, %swap3A_69] {strides = array<i32>} : memref<2x128x128xf32, #tpu.memory_space<vmem>>, vector<1x1x16xf32>,
    %swap3A_71 = vector.shape_cast %swap3A_70 : vector<1x1x16xf32> to vector<16xf32>
    %swap3A_72 = vector.shape_cast %broadcast_in_dim3A_1 : vector<16xf32> to vector<1x1x16xf32>
    tpu.vector_store %arg8[%swap3A_67, %swap3A_68, %swap3A_69], %swap3A_72 {strides = array<i32>} : memref<2x128x128xf32, #tpu.memory_space<vmem>>, vector<1x1x16xf32>,
    %swap3A_73 = arith.constant 0 : i32
    %swap3A_74 = arith.constant 1 : i32
    %swap3A_75 = arith.index_cast %swap3A_73 : i32 to index
    %swap3A_76 = arith.index_cast %swap3A_74 : i32 to index
    %swap3A_77 = arith.constant 16 : index
    %swap3A_78 = tpu.vector_load %arg8[%swap3A_75, %swap3A_76, %swap3A_77] {strides = array<i32>} : memref<2x128x128xf32, #tpu.memory_space<vmem>>, vector<1x1x16xf32>,
    %swap3A_79 = vector.shape_cast %swap3A_78 : vector<1x1x16xf32> to vector<16xf32>
    %swap3A_80 = vector.shape_cast %broadcast_in_dim3A_1 : vector<16xf32> to vector<1x1x16xf32>
    tpu.vector_store %arg8[%swap3A_75, %swap3A_76, %swap3A_77], %swap3A_80 {strides = array<i32>} : memref<2x128x128xf32, #tpu.memory_space<vmem>>, vector<1x1x16xf32>,
    %swap3A_81 = arith.constant 0 : i32
    %swap3A_82 = arith.constant 1 : i32
    %swap3A_83 = arith.index_cast %swap3A_81 : i32 to index
    %swap3A_84 = arith.index_cast %swap3A_82 : i32 to index
    %swap3A_85 = arith.constant 32 : index
    %swap3A_86 = tpu.vector_load %arg8[%swap3A_83, %swap3A_84, %swap3A_85] {strides = array<i32>} : memref<2x128x128xf32, #tpu.memory_space<vmem>>, vector<1x1x16xf32>,
    %swap3A_87 = vector.shape_cast %swap3A_86 : vector<1x1x16xf32> to vector<16xf32>
    %swap3A_88 = vector.shape_cast %broadcast_in_dim3A_1 : vector<16xf32> to vector<1x1x16xf32>
    tpu.vector_store %arg8[%swap3A_83, %swap3A_84, %swap3A_85], %swap3A_88 {strides = array<i32>} : memref<2x128x128xf32, #tpu.memory_space<vmem>>, vector<1x1x16xf32>,
    %swap3A_89 = arith.constant 0 : i32
    %swap3A_90 = arith.constant 1 : i32
    %swap3A_91 = arith.index_cast %swap3A_89 : i32 to index
    %swap3A_92 = arith.index_cast %swap3A_90 : i32 to index
    %swap3A_93 = arith.constant 48 : index
    %swap3A_94 = tpu.vector_load %arg8[%swap3A_91, %swap3A_92, %swap3A_93] {strides = array<i32>} : memref<2x128x128xf32, #tpu.memory_space<vmem>>, vector<1x1x16xf32>,
    %swap3A_95 = vector.shape_cast %swap3A_94 : vector<1x1x16xf32> to vector<16xf32>
    %swap3A_96 = vector.shape_cast %broadcast_in_dim3A_1 : vector<16xf32> to vector<1x1x16xf32>
    tpu.vector_store %arg8[%swap3A_91, %swap3A_92, %swap3A_93], %swap3A_96 {strides = array<i32>} : memref<2x128x128xf32, #tpu.memory_space<vmem>>, vector<1x1x16xf32>,
    %swap3A_97 = arith.constant 0 : i32
    %swap3A_98 = arith.constant 1 : i32
    %swap3A_99 = arith.index_cast %swap3A_97 : i32 to index
    %swap3A_100 = arith.index_cast %swap3A_98 : i32 to index
    %swap3A_101 = arith.constant 64 : index
    %swap3A_102 = tpu.vector_load %arg8[%swap3A_99, %swap3A_100, %swap3A_101] {strides = array<i32>} : memref<2x128x128xf32, #tpu.memory_space<vmem>>, vector<1x1x16xf32>,
    %swap3A_103 = vector.shape_cast %swap3A_102 : vector<1x1x16xf32> to vector<16xf32>
    %swap3A_104 = vector.shape_cast %broadcast_in_dim3A_1 : vector<16xf32> to vector<1x1x16xf32>
    tpu.vector_store %arg8[%swap3A_99, %swap3A_100, %swap3A_101], %swap3A_104 {strides = array<i32>} : memref<2x128x128xf32, #tpu.memory_space<vmem>>, vector<1x1x16xf32>,
    %swap3A_105 = arith.constant 0 : i32
    %swap3A_106 = arith.constant 1 : i32
    %swap3A_107 = arith.index_cast %swap3A_105 : i32 to index
    %swap3A_108 = arith.index_cast %swap3A_106 : i32 to index
    %swap3A_109 = arith.constant 80 : index
    %swap3A_110 = tpu.vector_load %arg8[%swap3A_107, %swap3A_108, %swap3A_109] {strides = array<i32>} : memref<2x128x128xf32, #tpu.memory_space<vmem>>, vector<1x1x16xf32>,
    %swap3A_111 = vector.shape_cast %swap3A_110 : vector<1x1x16xf32> to vector<16xf32>
    %swap3A_112 = vector.shape_cast %broadcast_in_dim3A_1 : vector<16xf32> to vector<1x1x16xf32>
    tpu.vector_store %arg8[%swap3A_107, %swap3A_108, %swap3A_109], %swap3A_112 {strides = array<i32>} : memref<2x128x128xf32, #tpu.memory_space<vmem>>, vector<1x1x16xf32>,
    %swap3A_113 = arith.constant 0 : i32
    %swap3A_114 = arith.constant 1 : i32
    %swap3A_115 = arith.index_cast %swap3A_113 : i32 to index
    %swap3A_116 = arith.index_cast %swap3A_114 : i32 to index
    %swap3A_117 = arith.constant 96 : index
    %swap3A_118 = tpu.vector_load %arg8[%swap3A_115, %swap3A_116, %swap3A_117] {strides = array<i32>} : memref<2x128x128xf32, #tpu.memory_space<vmem>>, vector<1x1x16xf32>,
    %swap3A_119 = vector.shape_cast %swap3A_118 : vector<1x1x16xf32> to vector<16xf32>
    %swap3A_120 = vector.shape_cast %broadcast_in_dim3A_1 : vector<16xf32> to vector<1x1x16xf32>
    tpu.vector_store %arg8[%swap3A_115, %swap3A_116, %swap3A_117], %swap3A_120 {strides = array<i32>} : memref<2x128x128xf32, #tpu.memory_space<vmem>>, vector<1x1x16xf32>,
    %swap3A_121 = arith.constant 0 : i32
    %swap3A_122 = arith.constant 1 : i32
    %swap3A_123 = arith.index_cast %swap3A_121 : i32 to index
    %swap3A_124 = arith.index_cast %swap3A_122 : i32 to index
    %swap3A_125 = arith.constant 112 : index
    %swap3A_126 = tpu.vector_load %arg8[%swap3A_123, %swap3A_124, %swap3A_125] {strides = array<i32>} : memref<2x128x128xf32, #tpu.memory_space<vmem>>, vector<1x1x16xf32>,
    %swap3A_127 = vector.shape_cast %swap3A_126 : vector<1x1x16xf32> to vector<16xf32>
    %swap3A_128 = vector.shape_cast %broadcast_in_dim3A_1 : vector<16xf32> to vector<1x1x16xf32>
    tpu.vector_store %arg8[%swap3A_123, %swap3A_124, %swap3A_125], %swap3A_128 {strides = array<i32>} : memref<2x128x128xf32, #tpu.memory_space<vmem>>, vector<1x1x16xf32>,
    %swap3A_129 = arith.constant 0 : i32
    %swap3A_130 = arith.constant 2 : i32
    %swap3A_131 = arith.index_cast %swap3A_129 : i32 to index
    %swap3A_132 = arith.index_cast %swap3A_130 : i32 to index
    %swap3A_133 = arith.constant 0 : index
    %swap3A_134 = tpu.vector_load %arg8[%swap3A_131, %swap3A_132, %swap3A_133] {strides = array<i32>} : memref<2x128x128xf32, #tpu.memory_space<vmem>>, vector<1x1x16xf32>,
    %swap3A_135 = vector.shape_cast %swap3A_134 : vector<1x1x16xf32> to vector<16xf32>
    %swap3A_136 = vector.shape_cast %broadcast_in_dim3A_1 : vector<16xf32> to vector<1x1x16xf32>
    tpu.vector_store %arg8[%swap3A_131, %swap3A_132, %swap3A_133], %swap3A_136 {strides = array<i32>} : memref<2x128x128xf32, #tpu.memory_space<vmem>>, vector<1x1x16xf32>,
    %swap3A_137 = arith.constant 0 : i32
    %swap3A_138 = arith.constant 2 : i32
    %swap3A_139 = arith.index_cast %swap3A_137 : i32 to index
    %swap3A_140 = arith.index_cast %swap3A_138 : i32 to index
    %swap3A_141 = arith.constant 16 : index
    %swap3A_142 = tpu.vector_load %arg8[%swap3A_139, %swap3A_140, %swap3A_141] {strides = array<i32>} : memref<2x128x128xf32, #tpu.memory_space<vmem>>, vector<1x1x16xf32>,
    %swap3A_143 = vector.shape_cast %swap3A_142 : vector<1x1x16xf32> to vector<16xf32>
    %swap3A_144 = vector.shape_cast %broadcast_in_dim3A_1 : vector<16xf32> to vector<1x1x16xf32>
    tpu.vector_store %arg8[%swap3A_139, %swap3A_140, %swap3A_141], %swap3A_144 {strides = array<i32>} : memref<2x128x128xf32, #tpu.memory_space<vmem>>, vector<1x1x16xf32>,
    %swap3A_145 = arith.constant 0 : i32
    %swap3A_146 = arith.constant 2 : i32
    %swap3A_147 = arith.index_cast %swap3A_145 : i32 to index
    %swap3A_148 = arith.index_cast %swap3A_146 : i32 to index
    %swap3A_149 = arith.constant 32 : index
    %swap3A_150 = tpu.vector_load %arg8[%swap3A_147, %swap3A_148, %swap3A_149] {strides = array<i32>} : memref<2x128x128xf32, #tpu.memory_space<vmem>>, vector<1x1x16xf32>,
    %swap3A_151 = vector.shape_cast %swap3A_150 : vector<1x1x16xf32> to vector<16xf32>
    %swap3A_152 = vector.shape_cast %broadcast_in_dim3A_1 : vector<16xf32> to vector<1x1x16xf32>
    tpu.vector_store %arg8[%swap3A_147, %swap3A_148, %swap3A_149], %swap3A_152 {strides = array<i32>} : memref<2x128x128xf32, #tpu.memory_space<vmem>>, vector<1x1x16xf32>,
    %swap3A_153 = arith.constant 0 : i32
    %swap3A_154 = arith.constant 2 : i32
    %swap3A_155 = arith.index_cast %swap3A_153 : i32 to index
    %swap3A_156 = arith.index_cast %swap3A_154 : i32 to index
    %swap3A_157 = arith.constant 48 : index
    %swap3A_158 = tpu.vector_load %arg8[%swap3A_155, %swap3A_156, %swap3A_157] {strides = array<i32>} : memref<2x128x128xf32, #tpu.memory_space<vmem>>, vector<1x1x16xf32>,
    %swap3A_159 = vector.shape_cast %swap3A_158 : vector<1x1x16xf32> to vector<16xf32>
    %swap3A_160 = vector.shape_cast %broadcast_in_dim3A_1 : vector<16xf32> to vector<1x1x16xf32>
    tpu.vector_store %arg8[%swap3A_155, %swap3A_156, %swap3A_157], %swap3A_160 {strides = array<i32>} : memref<2x128x128xf32, #tpu.memory_space<vmem>>, vector<1x1x16xf32>,
    %swap3A_161 = arith.constant 0 : i32
    %swap3A_162 = arith.constant 2 : i32
    %swap3A_163 = arith.index_cast %swap3A_161 : i32 to index
    %swap3A_164 = arith.index_cast %swap3A_162 : i32 to index
    %swap3A_165 = arith.constant 64 : index
    %swap3A_166 = tpu.vector_load %arg8[%swap3A_163, %swap3A_164, %swap3A_165] {strides = array<i32>} : memref<2x128x128xf32, #tpu.memory_space<vmem>>, vector<1x1x16xf32>,
    %swap3A_167 = vector.shape_cast %swap3A_166 : vector<1x1x16xf32> to vector<16xf32>
    %swap3A_168 = vector.shape_cast %broadcast_in_dim3A_1 : vector<16xf32> to vector<1x1x16xf32>
    tpu.vector_store %arg8[%swap3A_163, %swap3A_164, %swap3A_165], %swap3A_168 {strides = array<i32>} : memref<2x128x128xf32, #tpu.memory_space<vmem>>, vector<1x1x16xf32>,
    %swap3A_169 = arith.constant 0 : i32
    %swap3A_170 = arith.constant 2 : i32
    %swap3A_171 = arith.index_cast %swap3A_169 : i32 to index
    %swap3A_172 = arith.index_cast %swap3A_170 : i32 to index
    %swap3A_173 = arith.constant 80 : index
    %swap3A_174 = tpu.vector_load %arg8[%swap3A_171, %swap3A_172, %swap3A_173] {strides = array<i32>} : memref<2x128x128xf32, #tpu.memory_space<vmem>>, vector<1x1x16xf32>,
    %swap3A_175 = vector.shape_cast %swap3A_174 : vector<1x1x16xf32> to vector<16xf32>
    %swap3A_176 = vector.shape_cast %broadcast_in_dim3A_1 : vector<16xf32> to vector<1x1x16xf32>
    tpu.vector_store %arg8[%swap3A_171, %swap3A_172, %swap3A_173], %swap3A_176 {strides = array<i32>} : memref<2x128x128xf32, #tpu.memory_space<vmem>>, vector<1x1x16xf32>,
    %swap3A_177 = arith.constant 0 : i32
    %swap3A_178 = arith.constant 2 : i32
    %swap3A_179 = arith.index_cast %swap3A_177 : i32 to index
    %swap3A_180 = arith.index_cast %swap3A_178 : i32 to index
    %swap3A_181 = arith.constant 96 : index
    %swap3A_182 = tpu.vector_load %arg8[%swap3A_179, %swap3A_180, %swap3A_181] {strides = array<i32>} : memref<2x128x128xf32, #tpu.memory_space<vmem>>, vector<1x1x16xf32>,
    %swap3A_183 = vector.shape_cast %swap3A_182 : vector<1x1x16xf32> to vector<16xf32>
    %swap3A_184 = vector.shape_cast %broadcast_in_dim3A_1 : vector<16xf32> to vector<1x1x16xf32>
    tpu.vector_store %arg8[%swap3A_179, %swap3A_180, %swap3A_181], %swap3A_184 {strides = array<i32>} : memref<2x128x128xf32, #tpu.memory_space<vmem>>, vector<1x1x16xf32>,
    %swap3A_185 = arith.constant 0 : i32
    %swap3A_186 = arith.constant 2 : i32
    %swap3A_187 = arith.index_cast %swap3A_185 : i32 to index
    %swap3A_188 = arith.index_cast %swap3A_186 : i32 to index
    %swap3A_189 = arith.constant 112 : index
    %swap3A_190 = tpu.vector_load %arg8[%swap3A_187, %swap3A_188, %swap3A_189] {strides = array<i32>} : memref<2x128x128xf32, #tpu.memory_space<vmem>>, vector<1x1x16xf32>,
    %swap3A_191 = vector.shape_cast %swap3A_190 : vector<1x1x16xf32> to vector<16xf32>
    %swap3A_192 = vector.shape_cast %broadcast_in_dim3A_1 : vector<16xf32> to vector<1x1x16xf32>
    tpu.vector_store %arg8[%swap3A_187, %swap3A_188, %swap3A_189], %swap3A_192 {strides = array<i32>} : memref<2x128x128xf32, #tpu.memory_space<vmem>>, vector<1x1x16xf32>,
    %swap3A_193 = arith.constant 0 : i32
    %swap3A_194 = arith.constant 3 : i32
    %swap3A_195 = arith.index_cast %swap3A_193 : i32 to index
    %swap3A_196 = arith.index_cast %swap3A_194 : i32 to index
    %swap3A_197 = arith.constant 0 : index
    %swap3A_198 = tpu.vector_load %arg8[%swap3A_195, %swap3A_196, %swap3A_197] {strides = array<i32>} : memref<2x128x128xf32, #tpu.memory_space<vmem>>, vector<1x1x16xf32>,
    %swap3A_199 = vector.shape_cast %swap3A_198 : vector<1x1x16xf32> to vector<16xf32>
    %swap3A_200 = vector.shape_cast %broadcast_in_dim3A_1 : vector<16xf32> to vector<1x1x16xf32>
    tpu.vector_store %arg8[%swap3A_195, %swap3A_196, %swap3A_197], %swap3A_200 {strides = array<i32>} : memref<2x128x128xf32, #tpu.memory_space<vmem>>, vector<1x1x16xf32>,
    %swap3A_201 = arith.constant 0 : i32
    %swap3A_202 = arith.constant 3 : i32
    %swap3A_203 = arith.index_cast %swap3A_201 : i32 to index
    %swap3A_204 = arith.index_cast %swap3A_202 : i32 to index
    %swap3A_205 = arith.constant 16 : index
    %swap3A_206 = tpu.vector_load %arg8[%swap3A_203, %swap3A_204, %swap3A_205] {strides = array<i32>} : memref<2x128x128xf32, #tpu.memory_space<vmem>>, vector<1x1x16xf32>,
    %swap3A_207 = vector.shape_cast %swap3A_206 : vector<1x1x16xf32> to vector<16xf32>
    %swap3A_208 = vector.shape_cast %broadcast_in_dim3A_1 : vector<16xf32> to vector<1x1x16xf32>
    tpu.vector_store %arg8[%swap3A_203, %swap3A_204, %swap3A_205], %swap3A_208 {strides = array<i32>} : memref<2x128x128xf32, #tpu.memory_space<vmem>>, vector<1x1x16xf32>,
    %swap3A_209 = arith.constant 0 : i32
    %swap3A_210 = arith.constant 3 : i32
    %swap3A_211 = arith.index_cast %swap3A_209 : i32 to index
    %swap3A_212 = arith.index_cast %swap3A_210 : i32 to index
    %swap3A_213 = arith.constant 32 : index
    %swap3A_214 = tpu.vector_load %arg8[%swap3A_211, %swap3A_212, %swap3A_213] {strides = array<i32>} : memref<2x128x128xf32, #tpu.memory_space<vmem>>, vector<1x1x16xf32>,
    %swap3A_215 = vector.shape_cast %swap3A_214 : vector<1x1x16xf32> to vector<16xf32>
    %swap3A_216 = vector.shape_cast %broadcast_in_dim3A_1 : vector<16xf32> to vector<1x1x16xf32>
    tpu.vector_store %arg8[%swap3A_211, %swap3A_212, %swap3A_213], %swap3A_216 {strides = array<i32>} : memref<2x128x128xf32, #tpu.memory_space<vmem>>, vector<1x1x16xf32>,
    %swap3A_217 = arith.constant 0 : i32
    %swap3A_218 = arith.constant 3 : i32
    %swap3A_219 = arith.index_cast %swap3A_217 : i32 to index
    %swap3A_220 = arith.index_cast %swap3A_218 : i32 to index
    %swap3A_221 = arith.constant 48 : index
    %swap3A_222 = tpu.vector_load %arg8[%swap3A_219, %swap3A_220, %swap3A_221] {strides = array<i32>} : memref<2x128x128xf32, #tpu.memory_space<vmem>>, vector<1x1x16xf32>,
    %swap3A_223 = vector.shape_cast %swap3A_222 : vector<1x1x16xf32> to vector<16xf32>
    %swap3A_224 = vector.shape_cast %broadcast_in_dim3A_1 : vector<16xf32> to vector<1x1x16xf32>
    tpu.vector_store %arg8[%swap3A_219, %swap3A_220, %swap3A_221], %swap3A_224 {strides = array<i32>} : memref<2x128x128xf32, #tpu.memory_space<vmem>>, vector<1x1x16xf32>,
    %swap3A_225 = arith.constant 0 : i32
    %swap3A_226 = arith.constant 3 : i32
    %swap3A_227 = arith.index_cast %swap3A_225 : i32 to index
    %swap3A_228 = arith.index_cast %swap3A_226 : i32 to index
    %swap3A_229 = arith.constant 64 : index
    %swap3A_230 = tpu.vector_load %arg8[%swap3A_227, %swap3A_228, %swap3A_229] {strides = array<i32>} : memref<2x128x128xf32, #tpu.memory_space<vmem>>, vector<1x1x16xf32>,
    %swap3A_231 = vector.shape_cast %swap3A_230 : vector<1x1x16xf32> to vector<16xf32>
    %swap3A_232 = vector.shape_cast %broadcast_in_dim3A_1 : vector<16xf32> to vector<1x1x16xf32>
    tpu.vector_store %arg8[%swap3A_227, %swap3A_228, %swap3A_229], %swap3A_232 {strides = array<i32>} : memref<2x128x128xf32, #tpu.memory_space<vmem>>, vector<1x1x16xf32>,
    %swap3A_233 = arith.constant 0 : i32
    %swap3A_234 = arith.constant 3 : i32
    %swap3A_235 = arith.index_cast %swap3A_233 : i32 to index
    %swap3A_236 = arith.index_cast %swap3A_234 : i32 to index
    %swap3A_237 = arith.constant 80 : index
    %swap3A_238 = tpu.vector_load %arg8[%swap3A_235, %swap3A_236, %swap3A_237] {strides = array<i32>} : memref<2x128x128xf32, #tpu.memory_space<vmem>>, vector<1x1x16xf32>,
    %swap3A_239 = vector.shape_cast %swap3A_238 : vector<1x1x16xf32> to vector<16xf32>
    %swap3A_240 = vector.shape_cast %broadcast_in_dim3A_1 : vector<16xf32> to vector<1x1x16xf32>
    tpu.vector_store %arg8[%swap3A_235, %swap3A_236, %swap3A_237], %swap3A_240 {strides = array<i32>} : memref<2x128x128xf32, #tpu.memory_space<vmem>>, vector<1x1x16xf32>,
    %swap3A_241 = arith.constant 0 : i32
    %swap3A_242 = arith.constant 3 : i32
    %swap3A_243 = arith.index_cast %swap3A_241 : i32 to index
    %swap3A_244 = arith.index_cast %swap3A_242 : i32 to index
    %swap3A_245 = arith.constant 96 : index
    %swap3A_246 = tpu.vector_load %arg8[%swap3A_243, %swap3A_244, %swap3A_245] {strides = array<i32>} : memref<2x128x128xf32, #tpu.memory_space<vmem>>, vector<1x1x16xf32>,
    %swap3A_247 = vector.shape_cast %swap3A_246 : vector<1x1x16xf32> to vector<16xf32>
    %swap3A_248 = vector.shape_cast %broadcast_in_dim3A_1 : vector<16xf32> to vector<1x1x16xf32>
    tpu.vector_store %arg8[%swap3A_243, %swap3A_244, %swap3A_245], %swap3A_248 {strides = array<i32>} : memref<2x128x128xf32, #tpu.memory_space<vmem>>, vector<1x1x16xf32>,
    %swap3A_249 = arith.constant 0 : i32
    %swap3A_250 = arith.constant 3 : i32
    %swap3A_251 = arith.index_cast %swap3A_249 : i32 to index
    %swap3A_252 = arith.index_cast %swap3A_250 : i32 to index
    %swap3A_253 = arith.constant 112 : index
    %swap3A_254 = tpu.vector_load %arg8[%swap3A_251, %swap3A_252, %swap3A_253] {strides = array<i32>} : memref<2x128x128xf32, #tpu.memory_space<vmem>>, vector<1x1x16xf32>,
    %swap3A_255 = vector.shape_cast %swap3A_254 : vector<1x1x16xf32> to vector<16xf32>
    %swap3A_256 = vector.shape_cast %broadcast_in_dim3A_1 : vector<16xf32> to vector<1x1x16xf32>
    tpu.vector_store %arg8[%swap3A_251, %swap3A_252, %swap3A_253], %swap3A_256 {strides = array<i32>} : memref<2x128x128xf32, #tpu.memory_space<vmem>>, vector<1x1x16xf32>,
    %swap3A_257 = arith.constant 0 : i32
    %swap3A_258 = arith.constant 4 : i32
    %swap3A_259 = arith.index_cast %swap3A_257 : i32 to index
    %swap3A_260 = arith.index_cast %swap3A_258 : i32 to index
    %swap3A_261 = arith.constant 0 : index
    %swap3A_262 = tpu.vector_load %arg8[%swap3A_259, %swap3A_260, %swap3A_261] {strides = array<i32>} : memref<2x128x128xf32, #tpu.memory_space<vmem>>, vector<1x1x16xf32>,
    %swap3A_263 = vector.shape_cast %swap3A_262 : vector<1x1x16xf32> to vector<16xf32>
    %swap3A_264 = vector.shape_cast %broadcast_in_dim3A_1 : vector<16xf32> to vector<1x1x16xf32>
    tpu.vector_store %arg8[%swap3A_259, %swap3A_260, %swap3A_261], %swap3A_264 {strides = array<i32>} : memref<2x128x128xf32, #tpu.memory_space<vmem>>, vector<1x1x16xf32>,
    %swap3A_265 = arith.constant 0 : i32
    %swap3A_266 = arith.constant 4 : i32
    %swap3A_267 = arith.index_cast %swap3A_265 : i32 to index
    %swap3A_268 = arith.index_cast %swap3A_266 : i32 to index
    %swap3A_269 = arith.constant 16 : index
    %swap3A_270 = tpu.vector_load %arg8[%swap3A_267, %swap3A_268, %swap3A_269] {strides = array<i32>} : memref<2x128x128xf32, #tpu.memory_space<vmem>>, vector<1x1x16xf32>,
    %swap3A_271 = vector.shape_cast %swap3A_270 : vector<1x1x16xf32> to vector<16xf32>
    %swap3A_272 = vector.shape_cast %broadcast_in_dim3A_1 : vector<16xf32> to vector<1x1x16xf32>
    tpu.vector_store %arg8[%swap3A_267, %swap3A_268, %swap3A_269], %swap3A_272 {strides = array<i32>} : memref<2x128x128xf32, #tpu.memory_space<vmem>>, vector<1x1x16xf32>,
    %swap3A_273 = arith.constant 0 : i32
    %swap3A_274 = arith.constant 4 : i32
    %swap3A_275 = arith.index_cast %swap3A_273 : i32 to index
    %swap3A_276 = arith.index_cast %swap3A_274 : i32 to index
    %swap3A_277 = arith.constant 32 : index
    %swap3A_278 = tpu.vector_load %arg8[%swap3A_275, %swap3A_276, %swap3A_277] {strides = array<i32>} : memref<2x128x128xf32, #tpu.memory_space<vmem>>, vector<1x1x16xf32>,
    %swap3A_279 = vector.shape_cast %swap3A_278 : vector<1x1x16xf32> to vector<16xf32>
    %swap3A_280 = vector.shape_cast %broadcast_in_dim3A_1 : vector<16xf32> to vector<1x1x16xf32>
    tpu.vector_store %arg8[%swap3A_275, %swap3A_276, %swap3A_277], %swap3A_280 {strides = array<i32>} : memref<2x128x128xf32, #tpu.memory_space<vmem>>, vector<1x1x16xf32>,
    %swap3A_281 = arith.constant 0 : i32
    %swap3A_282 = arith.constant 4 : i32
    %swap3A_283 = arith.index_cast %swap3A_281 : i32 to index
    %swap3A_284 = arith.index_cast %swap3A_282 : i32 to index
    %swap3A_285 = arith.constant 48 : index
    %swap3A_286 = tpu.vector_load %arg8[%swap3A_283, %swap3A_284, %swap3A_285] {strides = array<i32>} : memref<2x128x128xf32, #tpu.memory_space<vmem>>, vector<1x1x16xf32>,
    %swap3A_287 = vector.shape_cast %swap3A_286 : vector<1x1x16xf32> to vector<16xf32>
    %swap3A_288 = vector.shape_cast %broadcast_in_dim3A_1 : vector<16xf32> to vector<1x1x16xf32>
    tpu.vector_store %arg8[%swap3A_283, %swap3A_284, %swap3A_285], %swap3A_288 {strides = array<i32>} : memref<2x128x128xf32, #tpu.memory_space<vmem>>, vector<1x1x16xf32>,
    %swap3A_289 = arith.constant 0 : i32
    %swap3A_290 = arith.constant 4 : i32
    %swap3A_291 = arith.index_cast %swap3A_289 : i32 to index
    %swap3A_292 = arith.index_cast %swap3A_290 : i32 to index
    %swap3A_293 = arith.constant 64 : index
    %swap3A_294 = tpu.vector_load %arg8[%swap3A_291, %swap3A_292, %swap3A_293] {strides = array<i32>} : memref<2x128x128xf32, #tpu.memory_space<vmem>>, vector<1x1x16xf32>,
    %swap3A_295 = vector.shape_cast %swap3A_294 : vector<1x1x16xf32> to vector<16xf32>
    %swap3A_296 = vector.shape_cast %broadcast_in_dim3A_1 : vector<16xf32> to vector<1x1x16xf32>
    tpu.vector_store %arg8[%swap3A_291, %swap3A_292, %swap3A_293], %swap3A_296 {strides = array<i32>} : memref<2x128x128xf32, #tpu.memory_space<vmem>>, vector<1x1x16xf32>,
    %swap3A_297 = arith.constant 0 : i32
    %swap3A_298 = arith.constant 4 : i32
    %swap3A_299 = arith.index_cast %swap3A_297 : i32 to index
    %swap3A_300 = arith.index_cast %swap3A_298 : i32 to index
    %swap3A_301 = arith.constant 80 : index
    %swap3A_302 = tpu.vector_load %arg8[%swap3A_299, %swap3A_300, %swap3A_301] {strides = array<i32>} : memref<2x128x128xf32, #tpu.memory_space<vmem>>, vector<1x1x16xf32>,
    %swap3A_303 = vector.shape_cast %swap3A_302 : vector<1x1x16xf32> to vector<16xf32>
    %swap3A_304 = vector.shape_cast %broadcast_in_dim3A_1 : vector<16xf32> to vector<1x1x16xf32>
    tpu.vector_store %arg8[%swap3A_299, %swap3A_300, %swap3A_301], %swap3A_304 {strides = array<i32>} : memref<2x128x128xf32, #tpu.memory_space<vmem>>, vector<1x1x16xf32>,
    %swap3A_305 = arith.constant 0 : i32
    %swap3A_306 = arith.constant 4 : i32
    %swap3A_307 = arith.index_cast %swap3A_305 : i32 to index
    %swap3A_308 = arith.index_cast %swap3A_306 : i32 to index
    %swap3A_309 = arith.constant 96 : index
    %swap3A_310 = tpu.vector_load %arg8[%swap3A_307, %swap3A_308, %swap3A_309] {strides = array<i32>} : memref<2x128x128xf32, #tpu.memory_space<vmem>>, vector<1x1x16xf32>,
    %swap3A_311 = vector.shape_cast %swap3A_310 : vector<1x1x16xf32> to vector<16xf32>
    %swap3A_312 = vector.shape_cast %broadcast_in_dim3A_1 : vector<16xf32> to vector<1x1x16xf32>
    tpu.vector_store %arg8[%swap3A_307, %swap3A_308, %swap3A_309], %swap3A_312 {strides = array<i32>} : memref<2x128x128xf32, #tpu.memory_space<vmem>>, vector<1x1x16xf32>,
    %swap3A_313 = arith.constant 0 : i32
    %swap3A_314 = arith.constant 4 : i32
    %swap3A_315 = arith.index_cast %swap3A_313 : i32 to index
    %swap3A_316 = arith.index_cast %swap3A_314 : i32 to index
    %swap3A_317 = arith.constant 112 : index
    %swap3A_318 = tpu.vector_load %arg8[%swap3A_315, %swap3A_316, %swap3A_317] {strides = array<i32>} : memref<2x128x128xf32, #tpu.memory_space<vmem>>, vector<1x1x16xf32>,
    %swap3A_319 = vector.shape_cast %swap3A_318 : vector<1x1x16xf32> to vector<16xf32>
    %swap3A_320 = vector.shape_cast %broadcast_in_dim3A_1 : vector<16xf32> to vector<1x1x16xf32>
    tpu.vector_store %arg8[%swap3A_315, %swap3A_316, %swap3A_317], %swap3A_320 {strides = array<i32>} : memref<2x128x128xf32, #tpu.memory_space<vmem>>, vector<1x1x16xf32>,
    %swap3A_321 = arith.constant 0 : i32
    %swap3A_322 = arith.constant 5 : i32
    %swap3A_323 = arith.index_cast %swap3A_321 : i32 to index
    %swap3A_324 = arith.index_cast %swap3A_322 : i32 to index
    %swap3A_325 = arith.constant 0 : index
    %swap3A_326 = tpu.vector_load %arg8[%swap3A_323, %swap3A_324, %swap3A_325] {strides = array<i32>} : memref<2x128x128xf32, #tpu.memory_space<vmem>>, vector<1x1x16xf32>,
    %swap3A_327 = vector.shape_cast %swap3A_326 : vector<1x1x16xf32> to vector<16xf32>
    %swap3A_328 = vector.shape_cast %broadcast_in_dim3A_1 : vector<16xf32> to vector<1x1x16xf32>
    tpu.vector_store %arg8[%swap3A_323, %swap3A_324, %swap3A_325], %swap3A_328 {strides = array<i32>} : memref<2x128x128xf32, #tpu.memory_space<vmem>>, vector<1x1x16xf32>,
    %swap3A_329 = arith.constant 0 : i32
    %swap3A_330 = arith.constant 5 : i32
    %swap3A_331 = arith.index_cast %swap3A_329 : i32 to index
    %swap3A_332 = arith.index_cast %swap3A_330 : i32 to index
    %swap3A_333 = arith.constant 16 : index
    %swap3A_334 = tpu.vector_load %arg8[%swap3A_331, %swap3A_332, %swap3A_333] {strides = array<i32>} : memref<2x128x128xf32, #tpu.memory_space<vmem>>, vector<1x1x16xf32>,
    %swap3A_335 = vector.shape_cast %swap3A_334 : vector<1x1x16xf32> to vector<16xf32>
    %swap3A_336 = vector.shape_cast %broadcast_in_dim3A_1 : vector<16xf32> to vector<1x1x16xf32>
    tpu.vector_store %arg8[%swap3A_331, %swap3A_332, %swap3A_333], %swap3A_336 {strides = array<i32>} : memref<2x128x128xf32, #tpu.memory_space<vmem>>, vector<1x1x16xf32>,
    %swap3A_337 = arith.constant 0 : i32
    %swap3A_338 = arith.constant 5 : i32
    %swap3A_339 = arith.index_cast %swap3A_337 : i32 to index
    %swap3A_340 = arith.index_cast %swap3A_338 : i32 to index
    %swap3A_341 = arith.constant 32 : index
    %swap3A_342 = tpu.vector_load %arg8[%swap3A_339, %swap3A_340, %swap3A_341] {strides = array<i32>} : memref<2x128x128xf32, #tpu.memory_space<vmem>>, vector<1x1x16xf32>,
    %swap3A_343 = vector.shape_cast %swap3A_342 : vector<1x1x16xf32> to vector<16xf32>
    %swap3A_344 = vector.shape_cast %broadcast_in_dim3A_1 : vector<16xf32> to vector<1x1x16xf32>
    tpu.vector_store %arg8[%swap3A_339, %swap3A_340, %swap3A_341], %swap3A_344 {strides = array<i32>} : memref<2x128x128xf32, #tpu.memory_space<vmem>>, vector<1x1x16xf32>,
    %swap3A_345 = arith.constant 0 : i32
    %swap3A_346 = arith.constant 5 : i32
    %swap3A_347 = arith.index_cast %swap3A_345 : i32 to index
    %swap3A_348 = arith.index_cast %swap3A_346 : i32 to index
    %swap3A_349 = arith.constant 48 : index
    %swap3A_350 = tpu.vector_load %arg8[%swap3A_347, %swap3A_348, %swap3A_349] {strides = array<i32>} : memref<2x128x128xf32, #tpu.memory_space<vmem>>, vector<1x1x16xf32>,
    %swap3A_351 = vector.shape_cast %swap3A_350 : vector<1x1x16xf32> to vector<16xf32>
    %swap3A_352 = vector.shape_cast %broadcast_in_dim3A_1 : vector<16xf32> to vector<1x1x16xf32>
    tpu.vector_store %arg8[%swap3A_347, %swap3A_348, %swap3A_349], %swap3A_352 {strides = array<i32>} : memref<2x128x128xf32, #tpu.memory_space<vmem>>, vector<1x1x16xf32>,
    %swap3A_353 = arith.constant 0 : i32
    %swap3A_354 = arith.constant 5 : i32
    %swap3A_355 = arith.index_cast %swap3A_353 : i32 to index
    %swap3A_356 = arith.index_cast %swap3A_354 : i32 to index
    %swap3A_357 = arith.constant 64 : index
    %swap3A_358 = tpu.vector_load %arg8[%swap3A_355, %swap3A_356, %swap3A_357] {strides = array<i32>} : memref<2x128x128xf32, #tpu.memory_space<vmem>>, vector<1x1x16xf32>,
    %swap3A_359 = vector.shape_cast %swap3A_358 : vector<1x1x16xf32> to vector<16xf32>
    %swap3A_360 = vector.shape_cast %broadcast_in_dim3A_1 : vector<16xf32> to vector<1x1x16xf32>
    tpu.vector_store %arg8[%swap3A_355, %swap3A_356, %swap3A_357], %swap3A_360 {strides = array<i32>} : memref<2x128x128xf32, #tpu.memory_space<vmem>>, vector<1x1x16xf32>,
    %swap3A_361 = arith.constant 0 : i32
    %swap3A_362 = arith.constant 5 : i32
    %swap3A_363 = arith.index_cast %swap3A_361 : i32 to index
    %swap3A_364 = arith.index_cast %swap3A_362 : i32 to index
    %swap3A_365 = arith.constant 80 : index
    %swap3A_366 = tpu.vector_load %arg8[%swap3A_363, %swap3A_364, %swap3A_365] {strides = array<i32>} : memref<2x128x128xf32, #tpu.memory_space<vmem>>, vector<1x1x16xf32>,
    %swap3A_367 = vector.shape_cast %swap3A_366 : vector<1x1x16xf32> to vector<16xf32>
    %swap3A_368 = vector.shape_cast %broadcast_in_dim3A_1 : vector<16xf32> to vector<1x1x16xf32>
    tpu.vector_store %arg8[%swap3A_363, %swap3A_364, %swap3A_365], %swap3A_368 {strides = array<i32>} : memref<2x128x128xf32, #tpu.memory_space<vmem>>, vector<1x1x16xf32>,
    %swap3A_369 = arith.constant 0 : i32
    %swap3A_370 = arith.constant 5 : i32
    %swap3A_371 = arith.index_cast %swap3A_369 : i32 to index
    %swap3A_372 = arith.index_cast %swap3A_370 : i32 to index
    %swap3A_373 = arith.constant 96 : index
    %swap3A_374 = tpu.vector_load %arg8[%swap3A_371, %swap3A_372, %swap3A_373] {strides = array<i32>} : memref<2x128x128xf32, #tpu.memory_space<vmem>>, vector<1x1x16xf32>,
    %swap3A_375 = vector.shape_cast %swap3A_374 : vector<1x1x16xf32> to vector<16xf32>
    %swap3A_376 = vector.shape_cast %broadcast_in_dim3A_1 : vector<16xf32> to vector<1x1x16xf32>
    tpu.vector_store %arg8[%swap3A_371, %swap3A_372, %swap3A_373], %swap3A_376 {strides = array<i32>} : memref<2x128x128xf32, #tpu.memory_space<vmem>>, vector<1x1x16xf32>,
    %swap3A_377 = arith.constant 0 : i32
    %swap3A_378 = arith.constant 5 : i32
    %swap3A_379 = arith.index_cast %swap3A_377 : i32 to index
    %swap3A_380 = arith.index_cast %swap3A_378 : i32 to index
    %swap3A_381 = arith.constant 112 : index
    %swap3A_382 = tpu.vector_load %arg8[%swap3A_379, %swap3A_380, %swap3A_381] {strides = array<i32>} : memref<2x128x128xf32, #tpu.memory_space<vmem>>, vector<1x1x16xf32>,
    %swap3A_383 = vector.shape_cast %swap3A_382 : vector<1x1x16xf32> to vector<16xf32>
    %swap3A_384 = vector.shape_cast %broadcast_in_dim3A_1 : vector<16xf32> to vector<1x1x16xf32>
    tpu.vector_store %arg8[%swap3A_379, %swap3A_380, %swap3A_381], %swap3A_384 {strides = array<i32>} : memref<2x128x128xf32, #tpu.memory_space<vmem>>, vector<1x1x16xf32>,
    %swap3A_385 = arith.constant 0 : i32
    %swap3A_386 = arith.constant 6 : i32
    %swap3A_387 = arith.index_cast %swap3A_385 : i32 to index
    %swap3A_388 = arith.index_cast %swap3A_386 : i32 to index
    %swap3A_389 = arith.constant 0 : index
    %swap3A_390 = tpu.vector_load %arg8[%swap3A_387, %swap3A_388, %swap3A_389] {strides = array<i32>} : memref<2x128x128xf32, #tpu.memory_space<vmem>>, vector<1x1x16xf32>,
    %swap3A_391 = vector.shape_cast %swap3A_390 : vector<1x1x16xf32> to vector<16xf32>
    %swap3A_392 = vector.shape_cast %broadcast_in_dim3A_1 : vector<16xf32> to vector<1x1x16xf32>
    tpu.vector_store %arg8[%swap3A_387, %swap3A_388, %swap3A_389], %swap3A_392 {strides = array<i32>} : memref<2x128x128xf32, #tpu.memory_space<vmem>>, vector<1x1x16xf32>,
    %swap3A_393 = arith.constant 0 : i32
    %swap3A_394 = arith.constant 6 : i32
    %swap3A_395 = arith.index_cast %swap3A_393 : i32 to index
    %swap3A_396 = arith.index_cast %swap3A_394 : i32 to index
    %swap3A_397 = arith.constant 16 : index
    %swap3A_398 = tpu.vector_load %arg8[%swap3A_395, %swap3A_396, %swap3A_397] {strides = array<i32>} : memref<2x128x128xf32, #tpu.memory_space<vmem>>, vector<1x1x16xf32>,
    %swap3A_399 = vector.shape_cast %swap3A_398 : vector<1x1x16xf32> to vector<16xf32>
    %swap3A_400 = vector.shape_cast %broadcast_in_dim3A_1 : vector<16xf32> to vector<1x1x16xf32>
    tpu.vector_store %arg8[%swap3A_395, %swap3A_396, %swap3A_397], %swap3A_400 {strides = array<i32>} : memref<2x128x128xf32, #tpu.memory_space<vmem>>, vector<1x1x16xf32>,
    %swap3A_401 = arith.constant 0 : i32
    %swap3A_402 = arith.constant 6 : i32
    %swap3A_403 = arith.index_cast %swap3A_401 : i32 to index
    %swap3A_404 = arith.index_cast %swap3A_402 : i32 to index
    %swap3A_405 = arith.constant 32 : index
    %swap3A_406 = tpu.vector_load %arg8[%swap3A_403, %swap3A_404, %swap3A_405] {strides = array<i32>} : memref<2x128x128xf32, #tpu.memory_space<vmem>>, vector<1x1x16xf32>,
    %swap3A_407 = vector.shape_cast %swap3A_406 : vector<1x1x16xf32> to vector<16xf32>
    %swap3A_408 = vector.shape_cast %broadcast_in_dim3A_1 : vector<16xf32> to vector<1x1x16xf32>
    tpu.vector_store %arg8[%swap3A_403, %swap3A_404, %swap3A_405], %swap3A_408 {strides = array<i32>} : memref<2x128x128xf32, #tpu.memory_space<vmem>>, vector<1x1x16xf32>,
    %swap3A_409 = arith.constant 0 : i32
    %swap3A_410 = arith.constant 6 : i32
    %swap3A_411 = arith.index_cast %swap3A_409 : i32 to index
    %swap3A_412 = arith.index_cast %swap3A_410 : i32 to index
    %swap3A_413 = arith.constant 48 : index
    %swap3A_414 = tpu.vector_load %arg8[%swap3A_411, %swap3A_412, %swap3A_413] {strides = array<i32>} : memref<2x128x128xf32, #tpu.memory_space<vmem>>, vector<1x1x16xf32>,
    %swap3A_415 = vector.shape_cast %swap3A_414 : vector<1x1x16xf32> to vector<16xf32>
    %swap3A_416 = vector.shape_cast %broadcast_in_dim3A_1 : vector<16xf32> to vector<1x1x16xf32>
    tpu.vector_store %arg8[%swap3A_411, %swap3A_412, %swap3A_413], %swap3A_416 {strides = array<i32>} : memref<2x128x128xf32, #tpu.memory_space<vmem>>, vector<1x1x16xf32>,
    %swap3A_417 = arith.constant 0 : i32
    %swap3A_418 = arith.constant 6 : i32
    %swap3A_419 = arith.index_cast %swap3A_417 : i32 to index
    %swap3A_420 = arith.index_cast %swap3A_418 : i32 to index
    %swap3A_421 = arith.constant 64 : index
    %swap3A_422 = tpu.vector_load %arg8[%swap3A_419, %swap3A_420, %swap3A_421] {strides = array<i32>} : memref<2x128x128xf32, #tpu.memory_space<vmem>>, vector<1x1x16xf32>,
    %swap3A_423 = vector.shape_cast %swap3A_422 : vector<1x1x16xf32> to vector<16xf32>
    %swap3A_424 = vector.shape_cast %broadcast_in_dim3A_1 : vector<16xf32> to vector<1x1x16xf32>
    tpu.vector_store %arg8[%swap3A_419, %swap3A_420, %swap3A_421], %swap3A_424 {strides = array<i32>} : memref<2x128x128xf32, #tpu.memory_space<vmem>>, vector<1x1x16xf32>,
    %swap3A_425 = arith.constant 0 : i32
    %swap3A_426 = arith.constant 6 : i32
    %swap3A_427 = arith.index_cast %swap3A_425 : i32 to index
    %swap3A_428 = arith.index_cast %swap3A_426 : i32 to index
    %swap3A_429 = arith.constant 80 : index
    %swap3A_430 = tpu.vector_load %arg8[%swap3A_427, %swap3A_428, %swap3A_429] {strides = array<i32>} : memref<2x128x128xf32, #tpu.memory_space<vmem>>, vector<1x1x16xf32>,
    %swap3A_431 = vector.shape_cast %swap3A_430 : vector<1x1x16xf32> to vector<16xf32>
    %swap3A_432 = vector.shape_cast %broadcast_in_dim3A_1 : vector<16xf32> to vector<1x1x16xf32>
    tpu.vector_store %arg8[%swap3A_427, %swap3A_428, %swap3A_429], %swap3A_432 {strides = array<i32>} : memref<2x128x128xf32, #tpu.memory_space<vmem>>, vector<1x1x16xf32>,
    %swap3A_433 = arith.constant 0 : i32
    %swap3A_434 = arith.constant 6 : i32
    %swap3A_435 = arith.index_cast %swap3A_433 : i32 to index
    %swap3A_436 = arith.index_cast %swap3A_434 : i32 to index
    %swap3A_437 = arith.constant 96 : index
    %swap3A_438 = tpu.vector_load %arg8[%swap3A_435, %swap3A_436, %swap3A_437] {strides = array<i32>} : memref<2x128x128xf32, #tpu.memory_space<vmem>>, vector<1x1x16xf32>,
    %swap3A_439 = vector.shape_cast %swap3A_438 : vector<1x1x16xf32> to vector<16xf32>
    %swap3A_440 = vector.shape_cast %broadcast_in_dim3A_1 : vector<16xf32> to vector<1x1x16xf32>
    tpu.vector_store %arg8[%swap3A_435, %swap3A_436, %swap3A_437], %swap3A_440 {strides = array<i32>} : memref<2x128x128xf32, #tpu.memory_space<vmem>>, vector<1x1x16xf32>,
    %swap3A_441 = arith.constant 0 : i32
    %swap3A_442 = arith.constant 6 : i32
    %swap3A_443 = arith.index_cast %swap3A_441 : i32 to index
    %swap3A_444 = arith.index_cast %swap3A_442 : i32 to index
    %swap3A_445 = arith.constant 112 : index
    %swap3A_446 = tpu.vector_load %arg8[%swap3A_443, %swap3A_444, %swap3A_445] {strides = array<i32>} : memref<2x128x128xf32, #tpu.memory_space<vmem>>, vector<1x1x16xf32>,
    %swap3A_447 = vector.shape_cast %swap3A_446 : vector<1x1x16xf32> to vector<16xf32>
    %swap3A_448 = vector.shape_cast %broadcast_in_dim3A_1 : vector<16xf32> to vector<1x1x16xf32>
    tpu.vector_store %arg8[%swap3A_443, %swap3A_444, %swap3A_445], %swap3A_448 {strides = array<i32>} : memref<2x128x128xf32, #tpu.memory_space<vmem>>, vector<1x1x16xf32>,
    %swap3A_449 = arith.constant 0 : i32
    %swap3A_450 = arith.constant 7 : i32
    %swap3A_451 = arith.index_cast %swap3A_449 : i32 to index
    %swap3A_452 = arith.index_cast %swap3A_450 : i32 to index
    %swap3A_453 = arith.constant 0 : index
    %swap3A_454 = tpu.vector_load %arg8[%swap3A_451, %swap3A_452, %swap3A_453] {strides = array<i32>} : memref<2x128x128xf32, #tpu.memory_space<vmem>>, vector<1x1x16xf32>,
    %swap3A_455 = vector.shape_cast %swap3A_454 : vector<1x1x16xf32> to vector<16xf32>
    %swap3A_456 = vector.shape_cast %broadcast_in_dim3A_1 : vector<16xf32> to vector<1x1x16xf32>
    tpu.vector_store %arg8[%swap3A_451, %swap3A_452, %swap3A_453], %swap3A_456 {strides = array<i32>} : memref<2x128x128xf32, #tpu.memory_space<vmem>>, vector<1x1x16xf32>,
    %swap3A_457 = arith.constant 0 : i32
    %swap3A_458 = arith.constant 7 : i32
    %swap3A_459 = arith.index_cast %swap3A_457 : i32 to index
    %swap3A_460 = arith.index_cast %swap3A_458 : i32 to index
    %swap3A_461 = arith.constant 16 : index
    %swap3A_462 = tpu.vector_load %arg8[%swap3A_459, %swap3A_460, %swap3A_461] {strides = array<i32>} : memref<2x128x128xf32, #tpu.memory_space<vmem>>, vector<1x1x16xf32>,
    %swap3A_463 = vector.shape_cast %swap3A_462 : vector<1x1x16xf32> to vector<16xf32>
    %swap3A_464 = vector.shape_cast %broadcast_in_dim3A_1 : vector<16xf32> to vector<1x1x16xf32>
    tpu.vector_store %arg8[%swap3A_459, %swap3A_460, %swap3A_461], %swap3A_464 {strides = array<i32>} : memref<2x128x128xf32, #tpu.memory_space<vmem>>, vector<1x1x16xf32>,
    %swap3A_465 = arith.constant 0 : i32
    %swap3A_466 = arith.constant 7 : i32
    %swap3A_467 = arith.index_cast %swap3A_465 : i32 to index
    %swap3A_468 = arith.index_cast %swap3A_466 : i32 to index
    %swap3A_469 = arith.constant 32 : index
    %swap3A_470 = tpu.vector_load %arg8[%swap3A_467, %swap3A_468, %swap3A_469] {strides = array<i32>} : memref<2x128x128xf32, #tpu.memory_space<vmem>>, vector<1x1x16xf32>,
    %swap3A_471 = vector.shape_cast %swap3A_470 : vector<1x1x16xf32> to vector<16xf32>
    %swap3A_472 = vector.shape_cast %broadcast_in_dim3A_1 : vector<16xf32> to vector<1x1x16xf32>
    tpu.vector_store %arg8[%swap3A_467, %swap3A_468, %swap3A_469], %swap3A_472 {strides = array<i32>} : memref<2x128x128xf32, #tpu.memory_space<vmem>>, vector<1x1x16xf32>,
    %swap3A_473 = arith.constant 0 : i32
    %swap3A_474 = arith.constant 7 : i32
    %swap3A_475 = arith.index_cast %swap3A_473 : i32 to index
    %swap3A_476 = arith.index_cast %swap3A_474 : i32 to index
    %swap3A_477 = arith.constant 48 : index
    %swap3A_478 = tpu.vector_load %arg8[%swap3A_475, %swap3A_476, %swap3A_477] {strides = array<i32>} : memref<2x128x128xf32, #tpu.memory_space<vmem>>, vector<1x1x16xf32>,
    %swap3A_479 = vector.shape_cast %swap3A_478 : vector<1x1x16xf32> to vector<16xf32>
    %swap3A_480 = vector.shape_cast %broadcast_in_dim3A_1 : vector<16xf32> to vector<1x1x16xf32>
    tpu.vector_store %arg8[%swap3A_475, %swap3A_476, %swap3A_477], %swap3A_480 {strides = array<i32>} : memref<2x128x128xf32, #tpu.memory_space<vmem>>, vector<1x1x16xf32>,
    %swap3A_481 = arith.constant 0 : i32
    %swap3A_482 = arith.constant 7 : i32
    %swap3A_483 = arith.index_cast %swap3A_481 : i32 to index
    %swap3A_484 = arith.index_cast %swap3A_482 : i32 to index
    %swap3A_485 = arith.constant 64 : index
    %swap3A_486 = tpu.vector_load %arg8[%swap3A_483, %swap3A_484, %swap3A_485] {strides = array<i32>} : memref<2x128x128xf32, #tpu.memory_space<vmem>>, vector<1x1x16xf32>,
    %swap3A_487 = vector.shape_cast %swap3A_486 : vector<1x1x16xf32> to vector<16xf32>
    %swap3A_488 = vector.shape_cast %broadcast_in_dim3A_1 : vector<16xf32> to vector<1x1x16xf32>
    tpu.vector_store %arg8[%swap3A_483, %swap3A_484, %swap3A_485], %swap3A_488 {strides = array<i32>} : memref<2x128x128xf32, #tpu.memory_space<vmem>>, vector<1x1x16xf32>,
    %swap3A_489 = arith.constant 0 : i32
    %swap3A_490 = arith.constant 7 : i32
    %swap3A_491 = arith.index_cast %swap3A_489 : i32 to index
    %swap3A_492 = arith.index_cast %swap3A_490 : i32 to index
    %swap3A_493 = arith.constant 80 : index
    %swap3A_494 = tpu.vector_load %arg8[%swap3A_491, %swap3A_492, %swap3A_493] {strides = array<i32>} : memref<2x128x128xf32, #tpu.memory_space<vmem>>, vector<1x1x16xf32>,
    %swap3A_495 = vector.shape_cast %swap3A_494 : vector<1x1x16xf32> to vector<16xf32>
    %swap3A_496 = vector.shape_cast %broadcast_in_dim3A_1 : vector<16xf32> to vector<1x1x16xf32>
    tpu.vector_store %arg8[%swap3A_491, %swap3A_492, %swap3A_493], %swap3A_496 {strides = array<i32>} : memref<2x128x128xf32, #tpu.memory_space<vmem>>, vector<1x1x16xf32>,
    %swap3A_497 = arith.constant 0 : i32
    %swap3A_498 = arith.constant 7 : i32
    %swap3A_499 = arith.index_cast %swap3A_497 : i32 to index
    %swap3A_500 = arith.index_cast %swap3A_498 : i32 to index
    %swap3A_501 = arith.constant 96 : index
    %swap3A_502 = tpu.vector_load %arg8[%swap3A_499, %swap3A_500, %swap3A_501] {strides = array<i32>} : memref<2x128x128xf32, #tpu.memory_space<vmem>>, vector<1x1x16xf32>,
    %swap3A_503 = vector.shape_cast %swap3A_502 : vector<1x1x16xf32> to vector<16xf32>
    %swap3A_504 = vector.shape_cast %broadcast_in_dim3A_1 : vector<16xf32> to vector<1x1x16xf32>
    tpu.vector_store %arg8[%swap3A_499, %swap3A_500, %swap3A_501], %swap3A_504 {strides = array<i32>} : memref<2x128x128xf32, #tpu.memory_space<vmem>>, vector<1x1x16xf32>,
    %swap3A_505 = arith.constant 0 : i32
    %swap3A_506 = arith.constant 7 : i32
    %swap3A_507 = arith.index_cast %swap3A_505 : i32 to index
    %swap3A_508 = arith.index_cast %swap3A_506 : i32 to index
    %swap3A_509 = arith.constant 112 : index
    %swap3A_510 = tpu.vector_load %arg8[%swap3A_507, %swap3A_508, %swap3A_509] {strides = array<i32>} : memref<2x128x128xf32, #tpu.memory_space<vmem>>, vector<1x1x16xf32>,
    %swap3A_511 = vector.shape_cast %swap3A_510 : vector<1x1x16xf32> to vector<16xf32>
    %swap3A_512 = vector.shape_cast %broadcast_in_dim3A_1 : vector<16xf32> to vector<1x1x16xf32>
    tpu.vector_store %arg8[%swap3A_507, %swap3A_508, %swap3A_509], %swap3A_512 {strides = array<i32>} : memref<2x128x128xf32, #tpu.memory_space<vmem>>, vector<1x1x16xf32>,
    %swap3A_513 = arith.constant 0 : i32
    %swap3A_514 = arith.constant 8 : i32
    %swap3A_515 = arith.index_cast %swap3A_513 : i32 to index
    %swap3A_516 = arith.index_cast %swap3A_514 : i32 to index
    %swap3A_517 = arith.constant 0 : index
    %swap3A_518 = tpu.vector_load %arg8[%swap3A_515, %swap3A_516, %swap3A_517] {strides = array<i32>} : memref<2x128x128xf32, #tpu.memory_space<vmem>>, vector<1x1x16xf32>,
    %swap3A_519 = vector.shape_cast %swap3A_518 : vector<1x1x16xf32> to vector<16xf32>
    %swap3A_520 = vector.shape_cast %broadcast_in_dim3A_1 : vector<16xf32> to vector<1x1x16xf32>
    tpu.vector_store %arg8[%swap3A_515, %swap3A_516, %swap3A_517], %swap3A_520 {strides = array<i32>} : memref<2x128x128xf32, #tpu.memory_space<vmem>>, vector<1x1x16xf32>,
    %swap3A_521 = arith.constant 0 : i32
    %swap3A_522 = arith.constant 8 : i32
    %swap3A_523 = arith.index_cast %swap3A_521 : i32 to index
    %swap3A_524 = arith.index_cast %swap3A_522 : i32 to index
    %swap3A_525 = arith.constant 16 : index
    %swap3A_526 = tpu.vector_load %arg8[%swap3A_523, %swap3A_524, %swap3A_525] {strides = array<i32>} : memref<2x128x128xf32, #tpu.memory_space<vmem>>, vector<1x1x16xf32>,
    %swap3A_527 = vector.shape_cast %swap3A_526 : vector<1x1x16xf32> to vector<16xf32>
    %swap3A_528 = vector.shape_cast %broadcast_in_dim3A_1 : vector<16xf32> to vector<1x1x16xf32>
    tpu.vector_store %arg8[%swap3A_523, %swap3A_524, %swap3A_525], %swap3A_528 {strides = array<i32>} : memref<2x128x128xf32, #tpu.memory_space<vmem>>, vector<1x1x16xf32>,
    %swap3A_529 = arith.constant 0 : i32
    %swap3A_530 = arith.constant 8 : i32
    %swap3A_531 = arith.index_cast %swap3A_529 : i32 to index
    %swap3A_532 = arith.index_cast %swap3A_530 : i32 to index
    %swap3A_533 = arith.constant 32 : index
    %swap3A_534 = tpu.vector_load %arg8[%swap3A_531, %swap3A_532, %swap3A_533] {strides = array<i32>} : memref<2x128x128xf32, #tpu.memory_space<vmem>>, vector<1x1x16xf32>,
    %swap3A_535 = vector.shape_cast %swap3A_534 : vector<1x1x16xf32> to vector<16xf32>
    %swap3A_536 = vector.shape_cast %broadcast_in_dim3A_1 : vector<16xf32> to vector<1x1x16xf32>
    tpu.vector_store %arg8[%swap3A_531, %swap3A_532, %swap3A_533], %swap3A_536 {strides = array<i32>} : memref<2x128x128xf32, #tpu.memory_space<vmem>>, vector<1x1x16xf32>,
    %swap3A_537 = arith.constant 0 : i32
    %swap3A_538 = arith.constant 8 : i32
    %swap3A_539 = arith.index_cast %swap3A_537 : i32 to index
    %swap3A_540 = arith.index_cast %swap3A_538 : i32 to index
    %swap3A_541 = arith.constant 48 : index
    %swap3A_542 = tpu.vector_load %arg8[%swap3A_539, %swap3A_540, %swap3A_541] {strides = array<i32>} : memref<2x128x128xf32, #tpu.memory_space<vmem>>, vector<1x1x16xf32>,
    %swap3A_543 = vector.shape_cast %swap3A_542 : vector<1x1x16xf32> to vector<16xf32>
    %swap3A_544 = vector.shape_cast %broadcast_in_dim3A_1 : vector<16xf32> to vector<1x1x16xf32>
    tpu.vector_store %arg8[%swap3A_539, %swap3A_540, %swap3A_541], %swap3A_544 {strides = array<i32>} : memref<2x128x128xf32, #tpu.memory_space<vmem>>, vector<1x1x16xf32>,
    %swap3A_545 = arith.constant 0 : i32
    %swap3A_546 = arith.constant 8 : i32
    %swap3A_547 = arith.index_cast %swap3A_545 : i32 to index
    %swap3A_548 = arith.index_cast %swap3A_546 : i32 to index
    %swap3A_549 = arith.constant 64 : index
    %swap3A_550 = tpu.vector_load %arg8[%swap3A_547, %swap3A_548, %swap3A_549] {strides = array<i32>} : memref<2x128x128xf32, #tpu.memory_space<vmem>>, vector<1x1x16xf32>,
    %swap3A_551 = vector.shape_cast %swap3A_550 : vector<1x1x16xf32> to vector<16xf32>
    %swap3A_552 = vector.shape_cast %broadcast_in_dim3A_1 : vector<16xf32> to vector<1x1x16xf32>
    tpu.vector_store %arg8[%swap3A_547, %swap3A_548, %swap3A_549], %swap3A_552 {strides = array<i32>} : memref<2x128x128xf32, #tpu.memory_space<vmem>>, vector<1x1x16xf32>,
    %swap3A_553 = arith.constant 0 : i32
    %swap3A_554 = arith.constant 8 : i32
    %swap3A_555 = arith.index_cast %swap3A_553 : i32 to index
    %swap3A_556 = arith.index_cast %swap3A_554 : i32 to index
    %swap3A_557 = arith.constant 80 : index
    %swap3A_558 = tpu.vector_load %arg8[%swap3A_555, %swap3A_556, %swap3A_557] {strides = array<i32>} : memref<2x128x128xf32, #tpu.memory_space<vmem>>, vector<1x1x16xf32>,
    %swap3A_559 = vector.shape_cast %swap3A_558 : vector<1x1x16xf32> to vector<16xf32>
    %swap3A_560 = vector.shape_cast %broadcast_in_dim3A_1 : vector<16xf32> to vector<1x1x16xf32>
    tpu.vector_store %arg8[%swap3A_555, %swap3A_556, %swap3A_557], %swap3A_560 {strides = array<i32>} : memref<2x128x128xf32, #tpu.memory_space<vmem>>, vector<1x1x16xf32>,
    %swap3A_561 = arith.constant 0 : i32
    %swap3A_562 = arith.constant 8 : i32
    %swap3A_563 = arith.index_cast %swap3A_561 : i32 to index
    %swap3A_564 = arith.index_cast %swap3A_562 : i32 to index
    %swap3A_565 = arith.constant 96 : index
    %swap3A_566 = tpu.vector_load %arg8[%swap3A_563, %swap3A_564, %swap3A_565] {strides = array<i32>} : memref<2x128x128xf32, #tpu.memory_space<vmem>>, vector<1x1x16xf32>,
    %swap3A_567 = vector.shape_cast %swap3A_566 : vector<1x1x16xf32> to vector<16xf32>
    %swap3A_568 = vector.shape_cast %broadcast_in_dim3A_1 : vector<16xf32> to vector<1x1x16xf32>
    tpu.vector_store %arg8[%swap3A_563, %swap3A_564, %swap3A_565], %swap3A_568 {strides = array<i32>} : memref<2x128x128xf32, #tpu.memory_space<vmem>>, vector<1x1x16xf32>,
    %swap3A_569 = arith.constant 0 : i32
    %swap3A_570 = arith.constant 8 : i32
    %swap3A_571 = arith.index_cast %swap3A_569 : i32 to index
    %swap3A_572 = arith.index_cast %swap3A_570 : i32 to index
    %swap3A_573 = arith.constant 112 : index
    %swap3A_574 = tpu.vector_load %arg8[%swap3A_571, %swap3A_572, %swap3A_573] {strides = array<i32>} : memref<2x128x128xf32, #tpu.memory_space<vmem>>, vector<1x1x16xf32>,
    %swap3A_575 = vector.shape_cast %swap3A_574 : vector<1x1x16xf32> to vector<16xf32>
    %swap3A_576 = vector.shape_cast %broadcast_in_dim3A_1 : vector<16xf32> to vector<1x1x16xf32>
    tpu.vector_store %arg8[%swap3A_571, %swap3A_572, %swap3A_573], %swap3A_576 {strides = array<i32>} : memref<2x128x128xf32, #tpu.memory_space<vmem>>, vector<1x1x16xf32>,
    %swap3A_577 = arith.constant 0 : i32
    %swap3A_578 = arith.constant 9 : i32
    %swap3A_579 = arith.index_cast %swap3A_577 : i32 to index
    %swap3A_580 = arith.index_cast %swap3A_578 : i32 to index
    %swap3A_581 = arith.constant 0 : index
    %swap3A_582 = tpu.vector_load %arg8[%swap3A_579, %swap3A_580, %swap3A_581] {strides = array<i32>} : memref<2x128x128xf32, #tpu.memory_space<vmem>>, vector<1x1x16xf32>,
    %swap3A_583 = vector.shape_cast %swap3A_582 : vector<1x1x16xf32> to vector<16xf32>
    %swap3A_584 = vector.shape_cast %broadcast_in_dim3A_1 : vector<16xf32> to vector<1x1x16xf32>
    tpu.vector_store %arg8[%swap3A_579, %swap3A_580, %swap3A_581], %swap3A_584 {strides = array<i32>} : memref<2x128x128xf32, #tpu.memory_space<vmem>>, vector<1x1x16xf32>,
    %swap3A_585 = arith.constant 0 : i32
    %swap3A_586 = arith.constant 9 : i32
    %swap3A_587 = arith.index_cast %swap3A_585 : i32 to index
    %swap3A_588 = arith.index_cast %swap3A_586 : i32 to index
    %swap3A_589 = arith.constant 16 : index
    %swap3A_590 = tpu.vector_load %arg8[%swap3A_587, %swap3A_588, %swap3A_589] {strides = array<i32>} : memref<2x128x128xf32, #tpu.memory_space<vmem>>, vector<1x1x16xf32>,
    %swap3A_591 = vector.shape_cast %swap3A_590 : vector<1x1x16xf32> to vector<16xf32>
    %swap3A_592 = vector.shape_cast %broadcast_in_dim3A_1 : vector<16xf32> to vector<1x1x16xf32>
    tpu.vector_store %arg8[%swap3A_587, %swap3A_588, %swap3A_589], %swap3A_592 {strides = array<i32>} : memref<2x128x128xf32, #tpu.memory_space<vmem>>, vector<1x1x16xf32>,
    %swap3A_593 = arith.constant 0 : i32
    %swap3A_594 = arith.constant 9 : i32
    %swap3A_595 = arith.index_cast %swap3A_593 : i32 to index
    %swap3A_596 = arith.index_cast %swap3A_594 : i32 to index
    %swap3A_597 = arith.constant 32 : index
    %swap3A_598 = tpu.vector_load %arg8[%swap3A_595, %swap3A_596, %swap3A_597] {strides = array<i32>} : memref<2x128x128xf32, #tpu.memory_space<vmem>>, vector<1x1x16xf32>,
    %swap3A_599 = vector.shape_cast %swap3A_598 : vector<1x1x16xf32> to vector<16xf32>
    %swap3A_600 = vector.shape_cast %broadcast_in_dim3A_1 : vector<16xf32> to vector<1x1x16xf32>
    tpu.vector_store %arg8[%swap3A_595, %swap3A_596, %swap3A_597], %swap3A_600 {strides = array<i32>} : memref<2x128x128xf32, #tpu.memory_space<vmem>>, vector<1x1x16xf32>,
    %swap3A_601 = arith.constant 0 : i32
    %swap3A_602 = arith.constant 9 : i32
    %swap3A_603 = arith.index_cast %swap3A_601 : i32 to index
    %swap3A_604 = arith.index_cast %swap3A_602 : i32 to index
    %swap3A_605 = arith.constant 48 : index
    %swap3A_606 = tpu.vector_load %arg8[%swap3A_603, %swap3A_604, %swap3A_605] {strides = array<i32>} : memref<2x128x128xf32, #tpu.memory_space<vmem>>, vector<1x1x16xf32>,
    %swap3A_607 = vector.shape_cast %swap3A_606 : vector<1x1x16xf32> to vector<16xf32>
    %swap3A_608 = vector.shape_cast %broadcast_in_dim3A_1 : vector<16xf32> to vector<1x1x16xf32>
    tpu.vector_store %arg8[%swap3A_603, %swap3A_604, %swap3A_605], %swap3A_608 {strides = array<i32>} : memref<2x128x128xf32, #tpu.memory_space<vmem>>, vector<1x1x16xf32>,
    %swap3A_609 = arith.constant 0 : i32
    %swap3A_610 = arith.constant 9 : i32
    %swap3A_611 = arith.index_cast %swap3A_609 : i32 to index
    %swap3A_612 = arith.index_cast %swap3A_610 : i32 to index
    %swap3A_613 = arith.constant 64 : index
    %swap3A_614 = tpu.vector_load %arg8[%swap3A_611, %swap3A_612, %swap3A_613] {strides = array<i32>} : memref<2x128x128xf32, #tpu.memory_space<vmem>>, vector<1x1x16xf32>,
    %swap3A_615 = vector.shape_cast %swap3A_614 : vector<1x1x16xf32> to vector<16xf32>
    %swap3A_616 = vector.shape_cast %broadcast_in_dim3A_1 : vector<16xf32> to vector<1x1x16xf32>
    tpu.vector_store %arg8[%swap3A_611, %swap3A_612, %swap3A_613], %swap3A_616 {strides = array<i32>} : memref<2x128x128xf32, #tpu.memory_space<vmem>>, vector<1x1x16xf32>,
    %swap3A_617 = arith.constant 0 : i32
    %swap3A_618 = arith.constant 9 : i32
    %swap3A_619 = arith.index_cast %swap3A_617 : i32 to index
    %swap3A_620 = arith.index_cast %swap3A_618 : i32 to index
    %swap3A_621 = arith.constant 80 : index
    %swap3A_622 = tpu.vector_load %arg8[%swap3A_619, %swap3A_620, %swap3A_621] {strides = array<i32>} : memref<2x128x128xf32, #tpu.memory_space<vmem>>, vector<1x1x16xf32>,
    %swap3A_623 = vector.shape_cast %swap3A_622 : vector<1x1x16xf32> to vector<16xf32>
    %swap3A_624 = vector.shape_cast %broadcast_in_dim3A_1 : vector<16xf32> to vector<1x1x16xf32>
    tpu.vector_store %arg8[%swap3A_619, %swap3A_620, %swap3A_621], %swap3A_624 {strides = array<i32>} : memref<2x128x128xf32, #tpu.memory_space<vmem>>, vector<1x1x16xf32>,
    %swap3A_625 = arith.constant 0 : i32
    %swap3A_626 = arith.constant 9 : i32
    %swap3A_627 = arith.index_cast %swap3A_625 : i32 to index
    %swap3A_628 = arith.index_cast %swap3A_626 : i32 to index
    %swap3A_629 = arith.constant 96 : index
    %swap3A_630 = tpu.vector_load %arg8[%swap3A_627, %swap3A_628, %swap3A_629] {strides = array<i32>} : memref<2x128x128xf32, #tpu.memory_space<vmem>>, vector<1x1x16xf32>,
    %swap3A_631 = vector.shape_cast %swap3A_630 : vector<1x1x16xf32> to vector<16xf32>
    %swap3A_632 = vector.shape_cast %broadcast_in_dim3A_1 : vector<16xf32> to vector<1x1x16xf32>
    tpu.vector_store %arg8[%swap3A_627, %swap3A_628, %swap3A_629], %swap3A_632 {strides = array<i32>} : memref<2x128x128xf32, #tpu.memory_space<vmem>>, vector<1x1x16xf32>,
    %swap3A_633 = arith.constant 0 : i32
    %swap3A_634 = arith.constant 9 : i32
    %swap3A_635 = arith.index_cast %swap3A_633 : i32 to index
    %swap3A_636 = arith.index_cast %swap3A_634 : i32 to index
    %swap3A_637 = arith.constant 112 : index
    %swap3A_638 = tpu.vector_load %arg8[%swap3A_635, %swap3A_636, %swap3A_637] {strides = array<i32>} : memref<2x128x128xf32, #tpu.memory_space<vmem>>, vector<1x1x16xf32>,
    %swap3A_639 = vector.shape_cast %swap3A_638 : vector<1x1x16xf32> to vector<16xf32>
    %swap3A_640 = vector.shape_cast %broadcast_in_dim3A_1 : vector<16xf32> to vector<1x1x16xf32>
    tpu.vector_store %arg8[%swap3A_635, %swap3A_636, %swap3A_637], %swap3A_640 {strides = array<i32>} : memref<2x128x128xf32, #tpu.memory_space<vmem>>, vector<1x1x16xf32>,
    %swap3A_641 = arith.constant 0 : i32
    %swap3A_642 = arith.constant 10 : i32
    %swap3A_643 = arith.index_cast %swap3A_641 : i32 to index
    %swap3A_644 = arith.index_cast %swap3A_642 : i32 to index
    %swap3A_645 = arith.constant 0 : index
    %swap3A_646 = tpu.vector_load %arg8[%swap3A_643, %swap3A_644, %swap3A_645] {strides = array<i32>} : memref<2x128x128xf32, #tpu.memory_space<vmem>>, vector<1x1x16xf32>,
    %swap3A_647 = vector.shape_cast %swap3A_646 : vector<1x1x16xf32> to vector<16xf32>
    %swap3A_648 = vector.shape_cast %broadcast_in_dim3A_1 : vector<16xf32> to vector<1x1x16xf32>
    tpu.vector_store %arg8[%swap3A_643, %swap3A_644, %swap3A_645], %swap3A_648 {strides = array<i32>} : memref<2x128x128xf32, #tpu.memory_space<vmem>>, vector<1x1x16xf32>,
    %swap3A_649 = arith.constant 0 : i32
    %swap3A_650 = arith.constant 10 : i32
    %swap3A_651 = arith.index_cast %swap3A_649 : i32 to index
    %swap3A_652 = arith.index_cast %swap3A_650 : i32 to index
    %swap3A_653 = arith.constant 16 : index
    %swap3A_654 = tpu.vector_load %arg8[%swap3A_651, %swap3A_652, %swap3A_653] {strides = array<i32>} : memref<2x128x128xf32, #tpu.memory_space<vmem>>, vector<1x1x16xf32>,
    %swap3A_655 = vector.shape_cast %swap3A_654 : vector<1x1x16xf32> to vector<16xf32>
    %swap3A_656 = vector.shape_cast %broadcast_in_dim3A_1 : vector<16xf32> to vector<1x1x16xf32>
    tpu.vector_store %arg8[%swap3A_651, %swap3A_652, %swap3A_653], %swap3A_656 {strides = array<i32>} : memref<2x128x128xf32, #tpu.memory_space<vmem>>, vector<1x1x16xf32>,
    %swap3A_657 = arith.constant 0 : i32
    %swap3A_658 = arith.constant 10 : i32
    %swap3A_659 = arith.index_cast %swap3A_657 : i32 to index
    %swap3A_660 = arith.index_cast %swap3A_658 : i32 to index
    %swap3A_661 = arith.constant 32 : index
    %swap3A_662 = tpu.vector_load %arg8[%swap3A_659, %swap3A_660, %swap3A_661] {strides = array<i32>} : memref<2x128x128xf32, #tpu.memory_space<vmem>>, vector<1x1x16xf32>,
    %swap3A_663 = vector.shape_cast %swap3A_662 : vector<1x1x16xf32> to vector<16xf32>
    %swap3A_664 = vector.shape_cast %broadcast_in_dim3A_1 : vector<16xf32> to vector<1x1x16xf32>
    tpu.vector_store %arg8[%swap3A_659, %swap3A_660, %swap3A_661], %swap3A_664 {strides = array<i32>} : memref<2x128x128xf32, #tpu.memory_space<vmem>>, vector<1x1x16xf32>,
    %swap3A_665 = arith.constant 0 : i32
    %swap3A_666 = arith.constant 10 : i32
    %swap3A_667 = arith.index_cast %swap3A_665 : i32 to index
    %swap3A_668 = arith.index_cast %swap3A_666 : i32 to index
    %swap3A_669 = arith.constant 48 : index
    %swap3A_670 = tpu.vector_load %arg8[%swap3A_667, %swap3A_668, %swap3A_669] {strides = array<i32>} : memref<2x128x128xf32, #tpu.memory_space<vmem>>, vector<1x1x16xf32>,
    %swap3A_671 = vector.shape_cast %swap3A_670 : vector<1x1x16xf32> to vector<16xf32>
    %swap3A_672 = vector.shape_cast %broadcast_in_dim3A_1 : vector<16xf32> to vector<1x1x16xf32>
    tpu.vector_store %arg8[%swap3A_667, %swap3A_668, %swap3A_669], %swap3A_672 {strides = array<i32>} : memref<2x128x128xf32, #tpu.memory_space<vmem>>, vector<1x1x16xf32>,
    %swap3A_673 = arith.constant 0 : i32
    %swap3A_674 = arith.constant 10 : i32
    %swap3A_675 = arith.index_cast %swap3A_673 : i32 to index
    %swap3A_676 = arith.index_cast %swap3A_674 : i32 to index
    %swap3A_677 = arith.constant 64 : index
    %swap3A_678 = tpu.vector_load %arg8[%swap3A_675, %swap3A_676, %swap3A_677] {strides = array<i32>} : memref<2x128x128xf32, #tpu.memory_space<vmem>>, vector<1x1x16xf32>,
    %swap3A_679 = vector.shape_cast %swap3A_678 : vector<1x1x16xf32> to vector<16xf32>
    %swap3A_680 = vector.shape_cast %broadcast_in_dim3A_1 : vector<16xf32> to vector<1x1x16xf32>
    tpu.vector_store %arg8[%swap3A_675, %swap3A_676, %swap3A_677], %swap3A_680 {strides = array<i32>} : memref<2x128x128xf32, #tpu.memory_space<vmem>>, vector<1x1x16xf32>,
    %swap3A_681 = arith.constant 0 : i32
    %swap3A_682 = arith.constant 10 : i32
    %swap3A_683 = arith.index_cast %swap3A_681 : i32 to index
    %swap3A_684 = arith.index_cast %swap3A_682 : i32 to index
    %swap3A_685 = arith.constant 80 : index
    %swap3A_686 = tpu.vector_load %arg8[%swap3A_683, %swap3A_684, %swap3A_685] {strides = array<i32>} : memref<2x128x128xf32, #tpu.memory_space<vmem>>, vector<1x1x16xf32>,
    %swap3A_687 = vector.shape_cast %swap3A_686 : vector<1x1x16xf32> to vector<16xf32>
    %swap3A_688 = vector.shape_cast %broadcast_in_dim3A_1 : vector<16xf32> to vector<1x1x16xf32>
    tpu.vector_store %arg8[%swap3A_683, %swap3A_684, %swap3A_685], %swap3A_688 {strides = array<i32>} : memref<2x128x128xf32, #tpu.memory_space<vmem>>, vector<1x1x16xf32>,
    %swap3A_689 = arith.constant 0 : i32
    %swap3A_690 = arith.constant 10 : i32
    %swap3A_691 = arith.index_cast %swap3A_689 : i32 to index
    %swap3A_692 = arith.index_cast %swap3A_690 : i32 to index
    %swap3A_693 = arith.constant 96 : index
    %swap3A_694 = tpu.vector_load %arg8[%swap3A_691, %swap3A_692, %swap3A_693] {strides = array<i32>} : memref<2x128x128xf32, #tpu.memory_space<vmem>>, vector<1x1x16xf32>,
    %swap3A_695 = vector.shape_cast %swap3A_694 : vector<1x1x16xf32> to vector<16xf32>
    %swap3A_696 = vector.shape_cast %broadcast_in_dim3A_1 : vector<16xf32> to vector<1x1x16xf32>
    tpu.vector_store %arg8[%swap3A_691, %swap3A_692, %swap3A_693], %swap3A_696 {strides = array<i32>} : memref<2x128x128xf32, #tpu.memory_space<vmem>>, vector<1x1x16xf32>,
    %swap3A_697 = arith.constant 0 : i32
    %swap3A_698 = arith.constant 10 : i32
    %swap3A_699 = arith.index_cast %swap3A_697 : i32 to index
    %swap3A_700 = arith.index_cast %swap3A_698 : i32 to index
    %swap3A_701 = arith.constant 112 : index
    %swap3A_702 = tpu.vector_load %arg8[%swap3A_699, %swap3A_700, %swap3A_701] {strides = array<i32>} : memref<2x128x128xf32, #tpu.memory_space<vmem>>, vector<1x1x16xf32>,
    %swap3A_703 = vector.shape_cast %swap3A_702 : vector<1x1x16xf32> to vector<16xf32>
    %swap3A_704 = vector.shape_cast %broadcast_in_dim3A_1 : vector<16xf32> to vector<1x1x16xf32>
    tpu.vector_store %arg8[%swap3A_699, %swap3A_700, %swap3A_701], %swap3A_704 {strides = array<i32>} : memref<2x128x128xf32, #tpu.memory_space<vmem>>, vector<1x1x16xf32>,
    %swap3A_705 = arith.constant 0 : i32
    %swap3A_706 = arith.constant 11 : i32
    %swap3A_707 = arith.index_cast %swap3A_705 : i32 to index
    %swap3A_708 = arith.index_cast %swap3A_706 : i32 to index
    %swap3A_709 = arith.constant 0 : index
    %swap3A_710 = tpu.vector_load %arg8[%swap3A_707, %swap3A_708, %swap3A_709] {strides = array<i32>} : memref<2x128x128xf32, #tpu.memory_space<vmem>>, vector<1x1x16xf32>,
    %swap3A_711 = vector.shape_cast %swap3A_710 : vector<1x1x16xf32> to vector<16xf32>
    %swap3A_712 = vector.shape_cast %broadcast_in_dim3A_1 : vector<16xf32> to vector<1x1x16xf32>
    tpu.vector_store %arg8[%swap3A_707, %swap3A_708, %swap3A_709], %swap3A_712 {strides = array<i32>} : memref<2x128x128xf32, #tpu.memory_space<vmem>>, vector<1x1x16xf32>,
    %swap3A_713 = arith.constant 0 : i32
    %swap3A_714 = arith.constant 11 : i32
    %swap3A_715 = arith.index_cast %swap3A_713 : i32 to index
    %swap3A_716 = arith.index_cast %swap3A_714 : i32 to index
    %swap3A_717 = arith.constant 16 : index
    %swap3A_718 = tpu.vector_load %arg8[%swap3A_715, %swap3A_716, %swap3A_717] {strides = array<i32>} : memref<2x128x128xf32, #tpu.memory_space<vmem>>, vector<1x1x16xf32>,
    %swap3A_719 = vector.shape_cast %swap3A_718 : vector<1x1x16xf32> to vector<16xf32>
    %swap3A_720 = vector.shape_cast %broadcast_in_dim3A_1 : vector<16xf32> to vector<1x1x16xf32>
    tpu.vector_store %arg8[%swap3A_715, %swap3A_716, %swap3A_717], %swap3A_720 {strides = array<i32>} : memref<2x128x128xf32, #tpu.memory_space<vmem>>, vector<1x1x16xf32>,
    %swap3A_721 = arith.constant 0 : i32
    %swap3A_722 = arith.constant 11 : i32
    %swap3A_723 = arith.index_cast %swap3A_721 : i32 to index
    %swap3A_724 = arith.index_cast %swap3A_722 : i32 to index
    %swap3A_725 = arith.constant 32 : index
    %swap3A_726 = tpu.vector_load %arg8[%swap3A_723, %swap3A_724, %swap3A_725] {strides = array<i32>} : memref<2x128x128xf32, #tpu.memory_space<vmem>>, vector<1x1x16xf32>,
    %swap3A_727 = vector.shape_cast %swap3A_726 : vector<1x1x16xf32> to vector<16xf32>
    %swap3A_728 = vector.shape_cast %broadcast_in_dim3A_1 : vector<16xf32> to vector<1x1x16xf32>
    tpu.vector_store %arg8[%swap3A_723, %swap3A_724, %swap3A_725], %swap3A_728 {strides = array<i32>} : memref<2x128x128xf32, #tpu.memory_space<vmem>>, vector<1x1x16xf32>,
    %swap3A_729 = arith.constant 0 : i32
    %swap3A_730 = arith.constant 11 : i32
    %swap3A_731 = arith.index_cast %swap3A_729 : i32 to index
    %swap3A_732 = arith.index_cast %swap3A_730 : i32 to index
    %swap3A_733 = arith.constant 48 : index
    %swap3A_734 = tpu.vector_load %arg8[%swap3A_731, %swap3A_732, %swap3A_733] {strides = array<i32>} : memref<2x128x128xf32, #tpu.memory_space<vmem>>, vector<1x1x16xf32>,
    %swap3A_735 = vector.shape_cast %swap3A_734 : vector<1x1x16xf32> to vector<16xf32>
    %swap3A_736 = vector.shape_cast %broadcast_in_dim3A_1 : vector<16xf32> to vector<1x1x16xf32>
    tpu.vector_store %arg8[%swap3A_731, %swap3A_732, %swap3A_733], %swap3A_736 {strides = array<i32>} : memref<2x128x128xf32, #tpu.memory_space<vmem>>, vector<1x1x16xf32>,
    %swap3A_737 = arith.constant 0 : i32
    %swap3A_738 = arith.constant 11 : i32
    %swap3A_739 = arith.index_cast %swap3A_737 : i32 to index
    %swap3A_740 = arith.index_cast %swap3A_738 : i32 to index
    %swap3A_741 = arith.constant 64 : index
    %swap3A_742 = tpu.vector_load %arg8[%swap3A_739, %swap3A_740, %swap3A_741] {strides = array<i32>} : memref<2x128x128xf32, #tpu.memory_space<vmem>>, vector<1x1x16xf32>,
    %swap3A_743 = vector.shape_cast %swap3A_742 : vector<1x1x16xf32> to vector<16xf32>
    %swap3A_744 = vector.shape_cast %broadcast_in_dim3A_1 : vector<16xf32> to vector<1x1x16xf32>
    tpu.vector_store %arg8[%swap3A_739, %swap3A_740, %swap3A_741], %swap3A_744 {strides = array<i32>} : memref<2x128x128xf32, #tpu.memory_space<vmem>>, vector<1x1x16xf32>,
    %swap3A_745 = arith.constant 0 : i32
    %swap3A_746 = arith.constant 11 : i32
    %swap3A_747 = arith.index_cast %swap3A_745 : i32 to index
    %swap3A_748 = arith.index_cast %swap3A_746 : i32 to index
    %swap3A_749 = arith.constant 80 : index
    %swap3A_750 = tpu.vector_load %arg8[%swap3A_747, %swap3A_748, %swap3A_749] {strides = array<i32>} : memref<2x128x128xf32, #tpu.memory_space<vmem>>, vector<1x1x16xf32>,
    %swap3A_751 = vector.shape_cast %swap3A_750 : vector<1x1x16xf32> to vector<16xf32>
    %swap3A_752 = vector.shape_cast %broadcast_in_dim3A_1 : vector<16xf32> to vector<1x1x16xf32>
    tpu.vector_store %arg8[%swap3A_747, %swap3A_748, %swap3A_749], %swap3A_752 {strides = array<i32>} : memref<2x128x128xf32, #tpu.memory_space<vmem>>, vector<1x1x16xf32>,
    %swap3A_753 = arith.constant 0 : i32
    %swap3A_754 = arith.constant 11 : i32
    %swap3A_755 = arith.index_cast %swap3A_753 : i32 to index
    %swap3A_756 = arith.index_cast %swap3A_754 : i32 to index
    %swap3A_757 = arith.constant 96 : index
    %swap3A_758 = tpu.vector_load %arg8[%swap3A_755, %swap3A_756, %swap3A_757] {strides = array<i32>} : memref<2x128x128xf32, #tpu.memory_space<vmem>>, vector<1x1x16xf32>,
    %swap3A_759 = vector.shape_cast %swap3A_758 : vector<1x1x16xf32> to vector<16xf32>
    %swap3A_760 = vector.shape_cast %broadcast_in_dim3A_1 : vector<16xf32> to vector<1x1x16xf32>
    tpu.vector_store %arg8[%swap3A_755, %swap3A_756, %swap3A_757], %swap3A_760 {strides = array<i32>} : memref<2x128x128xf32, #tpu.memory_space<vmem>>, vector<1x1x16xf32>,
    %swap3A_761 = arith.constant 0 : i32
    %swap3A_762 = arith.constant 11 : i32
    %swap3A_763 = arith.index_cast %swap3A_761 : i32 to index
    %swap3A_764 = arith.index_cast %swap3A_762 : i32 to index
    %swap3A_765 = arith.constant 112 : index
    %swap3A_766 = tpu.vector_load %arg8[%swap3A_763, %swap3A_764, %swap3A_765] {strides = array<i32>} : memref<2x128x128xf32, #tpu.memory_space<vmem>>, vector<1x1x16xf32>,
    %swap3A_767 = vector.shape_cast %swap3A_766 : vector<1x1x16xf32> to vector<16xf32>
    %swap3A_768 = vector.shape_cast %broadcast_in_dim3A_1 : vector<16xf32> to vector<1x1x16xf32>
    tpu.vector_store %arg8[%swap3A_763, %swap3A_764, %swap3A_765], %swap3A_768 {strides = array<i32>} : memref<2x128x128xf32, #tpu.memory_space<vmem>>, vector<1x1x16xf32>,
    %swap3A_769 = arith.constant 0 : i32
    %swap3A_770 = arith.constant 12 : i32
    %swap3A_771 = arith.index_cast %swap3A_769 : i32 to index
    %swap3A_772 = arith.index_cast %swap3A_770 : i32 to index
    %swap3A_773 = arith.constant 0 : index
    %swap3A_774 = tpu.vector_load %arg8[%swap3A_771, %swap3A_772, %swap3A_773] {strides = array<i32>} : memref<2x128x128xf32, #tpu.memory_space<vmem>>, vector<1x1x16xf32>,
    %swap3A_775 = vector.shape_cast %swap3A_774 : vector<1x1x16xf32> to vector<16xf32>
    %swap3A_776 = vector.shape_cast %broadcast_in_dim3A_1 : vector<16xf32> to vector<1x1x16xf32>
    tpu.vector_store %arg8[%swap3A_771, %swap3A_772, %swap3A_773], %swap3A_776 {strides = array<i32>} : memref<2x128x128xf32, #tpu.memory_space<vmem>>, vector<1x1x16xf32>,
    %swap3A_777 = arith.constant 0 : i32
    %swap3A_778 = arith.constant 12 : i32
    %swap3A_779 = arith.index_cast %swap3A_777 : i32 to index
    %swap3A_780 = arith.index_cast %swap3A_778 : i32 to index
    %swap3A_781 = arith.constant 16 : index
    %swap3A_782 = tpu.vector_load %arg8[%swap3A_779, %swap3A_780, %swap3A_781] {strides = array<i32>} : memref<2x128x128xf32, #tpu.memory_space<vmem>>, vector<1x1x16xf32>,
    %swap3A_783 = vector.shape_cast %swap3A_782 : vector<1x1x16xf32> to vector<16xf32>
    %swap3A_784 = vector.shape_cast %broadcast_in_dim3A_1 : vector<16xf32> to vector<1x1x16xf32>
    tpu.vector_store %arg8[%swap3A_779, %swap3A_780, %swap3A_781], %swap3A_784 {strides = array<i32>} : memref<2x128x128xf32, #tpu.memory_space<vmem>>, vector<1x1x16xf32>,
    %swap3A_785 = arith.constant 0 : i32
    %swap3A_786 = arith.constant 12 : i32
    %swap3A_787 = arith.index_cast %swap3A_785 : i32 to index
    %swap3A_788 = arith.index_cast %swap3A_786 : i32 to index
    %swap3A_789 = arith.constant 32 : index
    %swap3A_790 = tpu.vector_load %arg8[%swap3A_787, %swap3A_788, %swap3A_789] {strides = array<i32>} : memref<2x128x128xf32, #tpu.memory_space<vmem>>, vector<1x1x16xf32>,
    %swap3A_791 = vector.shape_cast %swap3A_790 : vector<1x1x16xf32> to vector<16xf32>
    %swap3A_792 = vector.shape_cast %broadcast_in_dim3A_1 : vector<16xf32> to vector<1x1x16xf32>
    tpu.vector_store %arg8[%swap3A_787, %swap3A_788, %swap3A_789], %swap3A_792 {strides = array<i32>} : memref<2x128x128xf32, #tpu.memory_space<vmem>>, vector<1x1x16xf32>,
    %swap3A_793 = arith.constant 0 : i32
    %swap3A_794 = arith.constant 12 : i32
    %swap3A_795 = arith.index_cast %swap3A_793 : i32 to index
    %swap3A_796 = arith.index_cast %swap3A_794 : i32 to index
    %swap3A_797 = arith.constant 48 : index
    %swap3A_798 = tpu.vector_load %arg8[%swap3A_795, %swap3A_796, %swap3A_797] {strides = array<i32>} : memref<2x128x128xf32, #tpu.memory_space<vmem>>, vector<1x1x16xf32>,
    %swap3A_799 = vector.shape_cast %swap3A_798 : vector<1x1x16xf32> to vector<16xf32>
    %swap3A_800 = vector.shape_cast %broadcast_in_dim3A_1 : vector<16xf32> to vector<1x1x16xf32>
    tpu.vector_store %arg8[%swap3A_795, %swap3A_796, %swap3A_797], %swap3A_800 {strides = array<i32>} : memref<2x128x128xf32, #tpu.memory_space<vmem>>, vector<1x1x16xf32>,
    %swap3A_801 = arith.constant 0 : i32
    %swap3A_802 = arith.constant 12 : i32
    %swap3A_803 = arith.index_cast %swap3A_801 : i32 to index
    %swap3A_804 = arith.index_cast %swap3A_802 : i32 to index
    %swap3A_805 = arith.constant 64 : index
    %swap3A_806 = tpu.vector_load %arg8[%swap3A_803, %swap3A_804, %swap3A_805] {strides = array<i32>} : memref<2x128x128xf32, #tpu.memory_space<vmem>>, vector<1x1x16xf32>,
    %swap3A_807 = vector.shape_cast %swap3A_806 : vector<1x1x16xf32> to vector<16xf32>
    %swap3A_808 = vector.shape_cast %broadcast_in_dim3A_1 : vector<16xf32> to vector<1x1x16xf32>
    tpu.vector_store %arg8[%swap3A_803, %swap3A_804, %swap3A_805], %swap3A_808 {strides = array<i32>} : memref<2x128x128xf32, #tpu.memory_space<vmem>>, vector<1x1x16xf32>,
    %swap3A_809 = arith.constant 0 : i32
    %swap3A_810 = arith.constant 12 : i32
    %swap3A_811 = arith.index_cast %swap3A_809 : i32 to index
    %swap3A_812 = arith.index_cast %swap3A_810 : i32 to index
    %swap3A_813 = arith.constant 80 : index
    %swap3A_814 = tpu.vector_load %arg8[%swap3A_811, %swap3A_812, %swap3A_813] {strides = array<i32>} : memref<2x128x128xf32, #tpu.memory_space<vmem>>, vector<1x1x16xf32>,
    %swap3A_815 = vector.shape_cast %swap3A_814 : vector<1x1x16xf32> to vector<16xf32>
    %swap3A_816 = vector.shape_cast %broadcast_in_dim3A_1 : vector<16xf32> to vector<1x1x16xf32>
    tpu.vector_store %arg8[%swap3A_811, %swap3A_812, %swap3A_813], %swap3A_816 {strides = array<i32>} : memref<2x128x128xf32, #tpu.memory_space<vmem>>, vector<1x1x16xf32>,
    %swap3A_817 = arith.constant 0 : i32
    %swap3A_818 = arith.constant 12 : i32
    %swap3A_819 = arith.index_cast %swap3A_817 : i32 to index
    %swap3A_820 = arith.index_cast %swap3A_818 : i32 to index
    %swap3A_821 = arith.constant 96 : index
    %swap3A_822 = tpu.vector_load %arg8[%swap3A_819, %swap3A_820, %swap3A_821] {strides = array<i32>} : memref<2x128x128xf32, #tpu.memory_space<vmem>>, vector<1x1x16xf32>,
    %swap3A_823 = vector.shape_cast %swap3A_822 : vector<1x1x16xf32> to vector<16xf32>
    %swap3A_824 = vector.shape_cast %broadcast_in_dim3A_1 : vector<16xf32> to vector<1x1x16xf32>
    tpu.vector_store %arg8[%swap3A_819, %swap3A_820, %swap3A_821], %swap3A_824 {strides = array<i32>} : memref<2x128x128xf32, #tpu.memory_space<vmem>>, vector<1x1x16xf32>,
    %swap3A_825 = arith.constant 0 : i32
    %swap3A_826 = arith.constant 12 : i32
    %swap3A_827 = arith.index_cast %swap3A_825 : i32 to index
    %swap3A_828 = arith.index_cast %swap3A_826 : i32 to index
    %swap3A_829 = arith.constant 112 : index
    %swap3A_830 = tpu.vector_load %arg8[%swap3A_827, %swap3A_828, %swap3A_829] {strides = array<i32>} : memref<2x128x128xf32, #tpu.memory_space<vmem>>, vector<1x1x16xf32>,
    %swap3A_831 = vector.shape_cast %swap3A_830 : vector<1x1x16xf32> to vector<16xf32>
    %swap3A_832 = vector.shape_cast %broadcast_in_dim3A_1 : vector<16xf32> to vector<1x1x16xf32>
    tpu.vector_store %arg8[%swap3A_827, %swap3A_828, %swap3A_829], %swap3A_832 {strides = array<i32>} : memref<2x128x128xf32, #tpu.memory_space<vmem>>, vector<1x1x16xf32>,
    %swap3A_833 = arith.constant 0 : i32
    %swap3A_834 = arith.constant 13 : i32
    %swap3A_835 = arith.index_cast %swap3A_833 : i32 to index
    %swap3A_836 = arith.index_cast %swap3A_834 : i32 to index
    %swap3A_837 = arith.constant 0 : index
    %swap3A_838 = tpu.vector_load %arg8[%swap3A_835, %swap3A_836, %swap3A_837] {strides = array<i32>} : memref<2x128x128xf32, #tpu.memory_space<vmem>>, vector<1x1x16xf32>,
    %swap3A_839 = vector.shape_cast %swap3A_838 : vector<1x1x16xf32> to vector<16xf32>
    %swap3A_840 = vector.shape_cast %broadcast_in_dim3A_1 : vector<16xf32> to vector<1x1x16xf32>
    tpu.vector_store %arg8[%swap3A_835, %swap3A_836, %swap3A_837], %swap3A_840 {strides = array<i32>} : memref<2x128x128xf32, #tpu.memory_space<vmem>>, vector<1x1x16xf32>,
    %swap3A_841 = arith.constant 0 : i32
    %swap3A_842 = arith.constant 13 : i32
    %swap3A_843 = arith.index_cast %swap3A_841 : i32 to index
    %swap3A_844 = arith.index_cast %swap3A_842 : i32 to index
    %swap3A_845 = arith.constant 16 : index
    %swap3A_846 = tpu.vector_load %arg8[%swap3A_843, %swap3A_844, %swap3A_845] {strides = array<i32>} : memref<2x128x128xf32, #tpu.memory_space<vmem>>, vector<1x1x16xf32>,
    %swap3A_847 = vector.shape_cast %swap3A_846 : vector<1x1x16xf32> to vector<16xf32>
    %swap3A_848 = vector.shape_cast %broadcast_in_dim3A_1 : vector<16xf32> to vector<1x1x16xf32>
    tpu.vector_store %arg8[%swap3A_843, %swap3A_844, %swap3A_845], %swap3A_848 {strides = array<i32>} : memref<2x128x128xf32, #tpu.memory_space<vmem>>, vector<1x1x16xf32>,
    %swap3A_849 = arith.constant 0 : i32
    %swap3A_850 = arith.constant 13 : i32
    %swap3A_851 = arith.index_cast %swap3A_849 : i32 to index
    %swap3A_852 = arith.index_cast %swap3A_850 : i32 to index
    %swap3A_853 = arith.constant 32 : index
    %swap3A_854 = tpu.vector_load %arg8[%swap3A_851, %swap3A_852, %swap3A_853] {strides = array<i32>} : memref<2x128x128xf32, #tpu.memory_space<vmem>>, vector<1x1x16xf32>,
    %swap3A_855 = vector.shape_cast %swap3A_854 : vector<1x1x16xf32> to vector<16xf32>
    %swap3A_856 = vector.shape_cast %broadcast_in_dim3A_1 : vector<16xf32> to vector<1x1x16xf32>
    tpu.vector_store %arg8[%swap3A_851, %swap3A_852, %swap3A_853], %swap3A_856 {strides = array<i32>} : memref<2x128x128xf32, #tpu.memory_space<vmem>>, vector<1x1x16xf32>,
    %swap3A_857 = arith.constant 0 : i32
    %swap3A_858 = arith.constant 13 : i32
    %swap3A_859 = arith.index_cast %swap3A_857 : i32 to index
    %swap3A_860 = arith.index_cast %swap3A_858 : i32 to index
    %swap3A_861 = arith.constant 48 : index
    %swap3A_862 = tpu.vector_load %arg8[%swap3A_859, %swap3A_860, %swap3A_861] {strides = array<i32>} : memref<2x128x128xf32, #tpu.memory_space<vmem>>, vector<1x1x16xf32>,
    %swap3A_863 = vector.shape_cast %swap3A_862 : vector<1x1x16xf32> to vector<16xf32>
    %swap3A_864 = vector.shape_cast %broadcast_in_dim3A_1 : vector<16xf32> to vector<1x1x16xf32>
    tpu.vector_store %arg8[%swap3A_859, %swap3A_860, %swap3A_861], %swap3A_864 {strides = array<i32>} : memref<2x128x128xf32, #tpu.memory_space<vmem>>, vector<1x1x16xf32>,
    %swap3A_865 = arith.constant 0 : i32
    %swap3A_866 = arith.constant 13 : i32
    %swap3A_867 = arith.index_cast %swap3A_865 : i32 to index
    %swap3A_868 = arith.index_cast %swap3A_866 : i32 to index
    %swap3A_869 = arith.constant 64 : index
    %swap3A_870 = tpu.vector_load %arg8[%swap3A_867, %swap3A_868, %swap3A_869] {strides = array<i32>} : memref<2x128x128xf32, #tpu.memory_space<vmem>>, vector<1x1x16xf32>,
    %swap3A_871 = vector.shape_cast %swap3A_870 : vector<1x1x16xf32> to vector<16xf32>
    %swap3A_872 = vector.shape_cast %broadcast_in_dim3A_1 : vector<16xf32> to vector<1x1x16xf32>
    tpu.vector_store %arg8[%swap3A_867, %swap3A_868, %swap3A_869], %swap3A_872 {strides = array<i32>} : memref<2x128x128xf32, #tpu.memory_space<vmem>>, vector<1x1x16xf32>,
    %swap3A_873 = arith.constant 0 : i32
    %swap3A_874 = arith.constant 13 : i32
    %swap3A_875 = arith.index_cast %swap3A_873 : i32 to index
    %swap3A_876 = arith.index_cast %swap3A_874 : i32 to index
    %swap3A_877 = arith.constant 80 : index
    %swap3A_878 = tpu.vector_load %arg8[%swap3A_875, %swap3A_876, %swap3A_877] {strides = array<i32>} : memref<2x128x128xf32, #tpu.memory_space<vmem>>, vector<1x1x16xf32>,
    %swap3A_879 = vector.shape_cast %swap3A_878 : vector<1x1x16xf32> to vector<16xf32>
    %swap3A_880 = vector.shape_cast %broadcast_in_dim3A_1 : vector<16xf32> to vector<1x1x16xf32>
    tpu.vector_store %arg8[%swap3A_875, %swap3A_876, %swap3A_877], %swap3A_880 {strides = array<i32>} : memref<2x128x128xf32, #tpu.memory_space<vmem>>, vector<1x1x16xf32>,
    %swap3A_881 = arith.constant 0 : i32
    %swap3A_882 = arith.constant 13 : i32
    %swap3A_883 = arith.index_cast %swap3A_881 : i32 to index
    %swap3A_884 = arith.index_cast %swap3A_882 : i32 to index
    %swap3A_885 = arith.constant 96 : index
    %swap3A_886 = tpu.vector_load %arg8[%swap3A_883, %swap3A_884, %swap3A_885] {strides = array<i32>} : memref<2x128x128xf32, #tpu.memory_space<vmem>>, vector<1x1x16xf32>,
    %swap3A_887 = vector.shape_cast %swap3A_886 : vector<1x1x16xf32> to vector<16xf32>
    %swap3A_888 = vector.shape_cast %broadcast_in_dim3A_1 : vector<16xf32> to vector<1x1x16xf32>
    tpu.vector_store %arg8[%swap3A_883, %swap3A_884, %swap3A_885], %swap3A_888 {strides = array<i32>} : memref<2x128x128xf32, #tpu.memory_space<vmem>>, vector<1x1x16xf32>,
    %swap3A_889 = arith.constant 0 : i32
    %swap3A_890 = arith.constant 13 : i32
    %swap3A_891 = arith.index_cast %swap3A_889 : i32 to index
    %swap3A_892 = arith.index_cast %swap3A_890 : i32 to index
    %swap3A_893 = arith.constant 112 : index
    %swap3A_894 = tpu.vector_load %arg8[%swap3A_891, %swap3A_892, %swap3A_893] {strides = array<i32>} : memref<2x128x128xf32, #tpu.memory_space<vmem>>, vector<1x1x16xf32>,
    %swap3A_895 = vector.shape_cast %swap3A_894 : vector<1x1x16xf32> to vector<16xf32>
    %swap3A_896 = vector.shape_cast %broadcast_in_dim3A_1 : vector<16xf32> to vector<1x1x16xf32>
    tpu.vector_store %arg8[%swap3A_891, %swap3A_892, %swap3A_893], %swap3A_896 {strides = array<i32>} : memref<2x128x128xf32, #tpu.memory_space<vmem>>, vector<1x1x16xf32>,
    %swap3A_897 = arith.constant 0 : i32
    %swap3A_898 = arith.constant 14 : i32
    %swap3A_899 = arith.index_cast %swap3A_897 : i32 to index
    %swap3A_900 = arith.index_cast %swap3A_898 : i32 to index
    %swap3A_901 = arith.constant 0 : index
    %swap3A_902 = tpu.vector_load %arg8[%swap3A_899, %swap3A_900, %swap3A_901] {strides = array<i32>} : memref<2x128x128xf32, #tpu.memory_space<vmem>>, vector<1x1x16xf32>,
    %swap3A_903 = vector.shape_cast %swap3A_902 : vector<1x1x16xf32> to vector<16xf32>
    %swap3A_904 = vector.shape_cast %broadcast_in_dim3A_1 : vector<16xf32> to vector<1x1x16xf32>
    tpu.vector_store %arg8[%swap3A_899, %swap3A_900, %swap3A_901], %swap3A_904 {strides = array<i32>} : memref<2x128x128xf32, #tpu.memory_space<vmem>>, vector<1x1x16xf32>,
    %swap3A_905 = arith.constant 0 : i32
    %swap3A_906 = arith.constant 14 : i32
    %swap3A_907 = arith.index_cast %swap3A_905 : i32 to index
    %swap3A_908 = arith.index_cast %swap3A_906 : i32 to index
    %swap3A_909 = arith.constant 16 : index
    %swap3A_910 = tpu.vector_load %arg8[%swap3A_907, %swap3A_908, %swap3A_909] {strides = array<i32>} : memref<2x128x128xf32, #tpu.memory_space<vmem>>, vector<1x1x16xf32>,
    %swap3A_911 = vector.shape_cast %swap3A_910 : vector<1x1x16xf32> to vector<16xf32>
    %swap3A_912 = vector.shape_cast %broadcast_in_dim3A_1 : vector<16xf32> to vector<1x1x16xf32>
    tpu.vector_store %arg8[%swap3A_907, %swap3A_908, %swap3A_909], %swap3A_912 {strides = array<i32>} : memref<2x128x128xf32, #tpu.memory_space<vmem>>, vector<1x1x16xf32>,
    %swap3A_913 = arith.constant 0 : i32
    %swap3A_914 = arith.constant 14 : i32
    %swap3A_915 = arith.index_cast %swap3A_913 : i32 to index
    %swap3A_916 = arith.index_cast %swap3A_914 : i32 to index
    %swap3A_917 = arith.constant 32 : index
    %swap3A_918 = tpu.vector_load %arg8[%swap3A_915, %swap3A_916, %swap3A_917] {strides = array<i32>} : memref<2x128x128xf32, #tpu.memory_space<vmem>>, vector<1x1x16xf32>,
    %swap3A_919 = vector.shape_cast %swap3A_918 : vector<1x1x16xf32> to vector<16xf32>
    %swap3A_920 = vector.shape_cast %broadcast_in_dim3A_1 : vector<16xf32> to vector<1x1x16xf32>
    tpu.vector_store %arg8[%swap3A_915, %swap3A_916, %swap3A_917], %swap3A_920 {strides = array<i32>} : memref<2x128x128xf32, #tpu.memory_space<vmem>>, vector<1x1x16xf32>,
    %swap3A_921 = arith.constant 0 : i32
    %swap3A_922 = arith.constant 14 : i32
    %swap3A_923 = arith.index_cast %swap3A_921 : i32 to index
    %swap3A_924 = arith.index_cast %swap3A_922 : i32 to index
    %swap3A_925 = arith.constant 48 : index
    %swap3A_926 = tpu.vector_load %arg8[%swap3A_923, %swap3A_924, %swap3A_925] {strides = array<i32>} : memref<2x128x128xf32, #tpu.memory_space<vmem>>, vector<1x1x16xf32>,
    %swap3A_927 = vector.shape_cast %swap3A_926 : vector<1x1x16xf32> to vector<16xf32>
    %swap3A_928 = vector.shape_cast %broadcast_in_dim3A_1 : vector<16xf32> to vector<1x1x16xf32>
    tpu.vector_store %arg8[%swap3A_923, %swap3A_924, %swap3A_925], %swap3A_928 {strides = array<i32>} : memref<2x128x128xf32, #tpu.memory_space<vmem>>, vector<1x1x16xf32>,
    %swap3A_929 = arith.constant 0 : i32
    %swap3A_930 = arith.constant 14 : i32
    %swap3A_931 = arith.index_cast %swap3A_929 : i32 to index
    %swap3A_932 = arith.index_cast %swap3A_930 : i32 to index
    %swap3A_933 = arith.constant 64 : index
    %swap3A_934 = tpu.vector_load %arg8[%swap3A_931, %swap3A_932, %swap3A_933] {strides = array<i32>} : memref<2x128x128xf32, #tpu.memory_space<vmem>>, vector<1x1x16xf32>,
    %swap3A_935 = vector.shape_cast %swap3A_934 : vector<1x1x16xf32> to vector<16xf32>
    %swap3A_936 = vector.shape_cast %broadcast_in_dim3A_1 : vector<16xf32> to vector<1x1x16xf32>
    tpu.vector_store %arg8[%swap3A_931, %swap3A_932, %swap3A_933], %swap3A_936 {strides = array<i32>} : memref<2x128x128xf32, #tpu.memory_space<vmem>>, vector<1x1x16xf32>,
    %swap3A_937 = arith.constant 0 : i32
    %swap3A_938 = arith.constant 14 : i32
    %swap3A_939 = arith.index_cast %swap3A_937 : i32 to index
    %swap3A_940 = arith.index_cast %swap3A_938 : i32 to index
    %swap3A_941 = arith.constant 80 : index
    %swap3A_942 = tpu.vector_load %arg8[%swap3A_939, %swap3A_940, %swap3A_941] {strides = array<i32>} : memref<2x128x128xf32, #tpu.memory_space<vmem>>, vector<1x1x16xf32>,
    %swap3A_943 = vector.shape_cast %swap3A_942 : vector<1x1x16xf32> to vector<16xf32>
    %swap3A_944 = vector.shape_cast %broadcast_in_dim3A_1 : vector<16xf32> to vector<1x1x16xf32>
    tpu.vector_store %arg8[%swap3A_939, %swap3A_940, %swap3A_941], %swap3A_944 {strides = array<i32>} : memref<2x128x128xf32, #tpu.memory_space<vmem>>, vector<1x1x16xf32>,
    %swap3A_945 = arith.constant 0 : i32
    %swap3A_946 = arith.constant 14 : i32
    %swap3A_947 = arith.index_cast %swap3A_945 : i32 to index
    %swap3A_948 = arith.index_cast %swap3A_946 : i32 to index
    %swap3A_949 = arith.constant 96 : index
    %swap3A_950 = tpu.vector_load %arg8[%swap3A_947, %swap3A_948, %swap3A_949] {strides = array<i32>} : memref<2x128x128xf32, #tpu.memory_space<vmem>>, vector<1x1x16xf32>,
    %swap3A_951 = vector.shape_cast %swap3A_950 : vector<1x1x16xf32> to vector<16xf32>
    %swap3A_952 = vector.shape_cast %broadcast_in_dim3A_1 : vector<16xf32> to vector<1x1x16xf32>
    tpu.vector_store %arg8[%swap3A_947, %swap3A_948, %swap3A_949], %swap3A_952 {strides = array<i32>} : memref<2x128x128xf32, #tpu.memory_space<vmem>>, vector<1x1x16xf32>,
    %swap3A_953 = arith.constant 0 : i32
    %swap3A_954 = arith.constant 14 : i32
    %swap3A_955 = arith.index_cast %swap3A_953 : i32 to index
    %swap3A_956 = arith.index_cast %swap3A_954 : i32 to index
    %swap3A_957 = arith.constant 112 : index
    %swap3A_958 = tpu.vector_load %arg8[%swap3A_955, %swap3A_956, %swap3A_957] {strides = array<i32>} : memref<2x128x128xf32, #tpu.memory_space<vmem>>, vector<1x1x16xf32>,
    %swap3A_959 = vector.shape_cast %swap3A_958 : vector<1x1x16xf32> to vector<16xf32>
    %swap3A_960 = vector.shape_cast %broadcast_in_dim3A_1 : vector<16xf32> to vector<1x1x16xf32>
    tpu.vector_store %arg8[%swap3A_955, %swap3A_956, %swap3A_957], %swap3A_960 {strides = array<i32>} : memref<2x128x128xf32, #tpu.memory_space<vmem>>, vector<1x1x16xf32>,
    %swap3A_961 = arith.constant 0 : i32
    %swap3A_962 = arith.constant 15 : i32
    %swap3A_963 = arith.index_cast %swap3A_961 : i32 to index
    %swap3A_964 = arith.index_cast %swap3A_962 : i32 to index
    %swap3A_965 = arith.constant 0 : index
    %swap3A_966 = tpu.vector_load %arg8[%swap3A_963, %swap3A_964, %swap3A_965] {strides = array<i32>} : memref<2x128x128xf32, #tpu.memory_space<vmem>>, vector<1x1x16xf32>,
    %swap3A_967 = vector.shape_cast %swap3A_966 : vector<1x1x16xf32> to vector<16xf32>
    %swap3A_968 = vector.shape_cast %broadcast_in_dim3A_1 : vector<16xf32> to vector<1x1x16xf32>
    tpu.vector_store %arg8[%swap3A_963, %swap3A_964, %swap3A_965], %swap3A_968 {strides = array<i32>} : memref<2x128x128xf32, #tpu.memory_space<vmem>>, vector<1x1x16xf32>,
    %swap3A_969 = arith.constant 0 : i32
    %swap3A_970 = arith.constant 15 : i32
    %swap3A_971 = arith.index_cast %swap3A_969 : i32 to index
    %swap3A_972 = arith.index_cast %swap3A_970 : i32 to index
    %swap3A_973 = arith.constant 16 : index
    %swap3A_974 = tpu.vector_load %arg8[%swap3A_971, %swap3A_972, %swap3A_973] {strides = array<i32>} : memref<2x128x128xf32, #tpu.memory_space<vmem>>, vector<1x1x16xf32>,
    %swap3A_975 = vector.shape_cast %swap3A_974 : vector<1x1x16xf32> to vector<16xf32>
    %swap3A_976 = vector.shape_cast %broadcast_in_dim3A_1 : vector<16xf32> to vector<1x1x16xf32>
    tpu.vector_store %arg8[%swap3A_971, %swap3A_972, %swap3A_973], %swap3A_976 {strides = array<i32>} : memref<2x128x128xf32, #tpu.memory_space<vmem>>, vector<1x1x16xf32>,
    %swap3A_977 = arith.constant 0 : i32
    %swap3A_978 = arith.constant 15 : i32
    %swap3A_979 = arith.index_cast %swap3A_977 : i32 to index
    %swap3A_980 = arith.index_cast %swap3A_978 : i32 to index
    %swap3A_981 = arith.constant 32 : index
    %swap3A_982 = tpu.vector_load %arg8[%swap3A_979, %swap3A_980, %swap3A_981] {strides = array<i32>} : memref<2x128x128xf32, #tpu.memory_space<vmem>>, vector<1x1x16xf32>,
    %swap3A_983 = vector.shape_cast %swap3A_982 : vector<1x1x16xf32> to vector<16xf32>
    %swap3A_984 = vector.shape_cast %broadcast_in_dim3A_1 : vector<16xf32> to vector<1x1x16xf32>
    tpu.vector_store %arg8[%swap3A_979, %swap3A_980, %swap3A_981], %swap3A_984 {strides = array<i32>} : memref<2x128x128xf32, #tpu.memory_space<vmem>>, vector<1x1x16xf32>,
    %swap3A_985 = arith.constant 0 : i32
    %swap3A_986 = arith.constant 15 : i32
    %swap3A_987 = arith.index_cast %swap3A_985 : i32 to index
    %swap3A_988 = arith.index_cast %swap3A_986 : i32 to index
    %swap3A_989 = arith.constant 48 : index
    %swap3A_990 = tpu.vector_load %arg8[%swap3A_987, %swap3A_988, %swap3A_989] {strides = array<i32>} : memref<2x128x128xf32, #tpu.memory_space<vmem>>, vector<1x1x16xf32>,
    %swap3A_991 = vector.shape_cast %swap3A_990 : vector<1x1x16xf32> to vector<16xf32>
    %swap3A_992 = vector.shape_cast %broadcast_in_dim3A_1 : vector<16xf32> to vector<1x1x16xf32>
    tpu.vector_store %arg8[%swap3A_987, %swap3A_988, %swap3A_989], %swap3A_992 {strides = array<i32>} : memref<2x128x128xf32, #tpu.memory_space<vmem>>, vector<1x1x16xf32>,
    %swap3A_993 = arith.constant 0 : i32
    %swap3A_994 = arith.constant 15 : i32
    %swap3A_995 = arith.index_cast %swap3A_993 : i32 to index
    %swap3A_996 = arith.index_cast %swap3A_994 : i32 to index
    %swap3A_997 = arith.constant 64 : index
    %swap3A_998 = tpu.vector_load %arg8[%swap3A_995, %swap3A_996, %swap3A_997] {strides = array<i32>} : memref<2x128x128xf32, #tpu.memory_space<vmem>>, vector<1x1x16xf32>,
    %swap3A_999 = vector.shape_cast %swap3A_998 : vector<1x1x16xf32> to vector<16xf32>
    %swap3A_1000 = vector.shape_cast %broadcast_in_dim3A_1 : vector<16xf32> to vector<1x1x16xf32>
    tpu.vector_store %arg8[%swap3A_995, %swap3A_996, %swap3A_997], %swap3A_1000 {strides = array<i32>} : memref<2x128x128xf32, #tpu.memory_space<vmem>>, vector<1x1x16xf32>,
    %swap3A_1001 = arith.constant 0 : i32
    %swap3A_1002 = arith.constant 15 : i32
    %swap3A_1003 = arith.index_cast %swap3A_1001 : i32 to index
    %swap3A_1004 = arith.index_cast %swap3A_1002 : i32 to index
    %swap3A_1005 = arith.constant 80 : index
    %swap3A_1006 = tpu.vector_load %arg8[%swap3A_1003, %swap3A_1004, %swap3A_1005] {strides = array<i32>} : memref<2x128x128xf32, #tpu.memory_space<vmem>>, vector<1x1x16xf32>,
    %swap3A_1007 = vector.shape_cast %swap3A_1006 : vector<1x1x16xf32> to vector<16xf32>
    %swap3A_1008 = vector.shape_cast %broadcast_in_dim3A_1 : vector<16xf32> to vector<1x1x16xf32>
    tpu.vector_store %arg8[%swap3A_1003, %swap3A_1004, %swap3A_1005], %swap3A_1008 {strides = array<i32>} : memref<2x128x128xf32, #tpu.memory_space<vmem>>, vector<1x1x16xf32>,
    %swap3A_1009 = arith.constant 0 : i32
    %swap3A_1010 = arith.constant 15 : i32
    %swap3A_1011 = arith.index_cast %swap3A_1009 : i32 to index
    %swap3A_1012 = arith.index_cast %swap3A_1010 : i32 to index
    %swap3A_1013 = arith.constant 96 : index
    %swap3A_1014 = tpu.vector_load %arg8[%swap3A_1011, %swap3A_1012, %swap3A_1013] {strides = array<i32>} : memref<2x128x128xf32, #tpu.memory_space<vmem>>, vector<1x1x16xf32>,
    %swap3A_1015 = vector.shape_cast %swap3A_1014 : vector<1x1x16xf32> to vector<16xf32>
    %swap3A_1016 = vector.shape_cast %broadcast_in_dim3A_1 : vector<16xf32> to vector<1x1x16xf32>
    tpu.vector_store %arg8[%swap3A_1011, %swap3A_1012, %swap3A_1013], %swap3A_1016 {strides = array<i32>} : memref<2x128x128xf32, #tpu.memory_space<vmem>>, vector<1x1x16xf32>,
    %swap3A_1017 = arith.constant 0 : i32
    %swap3A_1018 = arith.constant 15 : i32
    %swap3A_1019 = arith.index_cast %swap3A_1017 : i32 to index
    %swap3A_1020 = arith.index_cast %swap3A_1018 : i32 to index
    %swap3A_1021 = arith.constant 112 : index
    %swap3A_1022 = tpu.vector_load %arg8[%swap3A_1019, %swap3A_1020, %swap3A_1021] {strides = array<i32>} : memref<2x128x128xf32, #tpu.memory_space<vmem>>, vector<1x1x16xf32>,
    %swap3A_1023 = vector.shape_cast %swap3A_1022 : vector<1x1x16xf32> to vector<16xf32>
    %swap3A_1024 = vector.shape_cast %broadcast_in_dim3A_1 : vector<16xf32> to vector<1x1x16xf32>
    tpu.vector_store %arg8[%swap3A_1019, %swap3A_1020, %swap3A_1021], %swap3A_1024 {strides = array<i32>} : memref<2x128x128xf32, #tpu.memory_space<vmem>>, vector<1x1x16xf32>,
    %scan3A = arith.constant 0 : i32
    %scan3A_1025 = arith.constant 40 : i32
    %scan3A_1026 = arith.addi %scan3A, %scan3A_1025 : i32
    %scan3A_1027 = arith.constant 1 : i32
    scf.for %scan3A_1130 = %scan3A to %scan3A_1026 step %scan3A_1027  : i32 {
      %mul3A_1131 = arith.constant 1 : i32
      %mul3A_1132 = arith.muli %scan3A_1130, %mul3A_1131 : i32
      %add3A_1133 = arith.constant 0 : i32
      %add3A_1134 = arith.addi %add3A_1133, %mul3A_1132 : i32
      %mul3A_1135 = arith.constant 640 : i32
      %mul3A_1136 = arith.muli %arg1, %mul3A_1135 : i32
      %mul3A_1137 = arith.constant 16 : i32
      %mul3A_1138 = arith.muli %add3A_1134, %mul3A_1137 : i32
      %add3A_1139 = arith.addi %mul3A_1136, %mul3A_1138 : i32
      %run_scoped3A = arith.constant 0 : i32
      "tpu.region"() ({
        %run_scoped3A_1140 = tpu.sem_alloc : memref<!tpu.dma_semaphore, #tpu.memory_space<semaphore_mem>>
        %dma_start3A_1141 = arith.constant 0 : i32
        %dma_start3A_1142 = arith.constant 0 : i32
        %dma_start3A_1143 = tpu.memref_slice %arg8[%run_scoped3A, %dma_start3A_1141, %dma_start3A_1142] : memref<2x128x128xf32, #tpu.memory_space<vmem>> -> memref<1x16x128xf32, #tpu.memory_space<vmem>>
        %dma_start3A_1144 = tpu.memref_squeeze %dma_start3A_1143 : memref<1x16x128xf32, #tpu.memory_space<vmem>> -> memref<16x128xf32, #tpu.memory_space<vmem>>
        %dma_start3A_1145 = arith.constant 0 : i32
        %dma_start3A_1146 = tpu.memref_slice %arg9[%add3A_1139, %dma_start3A_1145] : memref<10240x128xf32, #tpu.memory_space<vmem_shared>> -> memref<16x128xf32, #tpu.memory_space<vmem_shared>>
        %dma_start3A_1147 = arith.constant 0 : i32
        %dma_start3A_1148 = tpu.memref_slice %arg9[%add3A_1139, %dma_start3A_1147] : memref<10240x128xf32, #tpu.memory_space<vmem_shared>> -> memref<16x128xf32, #tpu.memory_space<vmem_shared>>
        %dma_start3A_1149 = arith.constant 0 : i32
        %dma_start3A_1150 = arith.constant 0 : i32
        %dma_start3A_1151 = tpu.memref_slice %arg8[%run_scoped3A, %dma_start3A_1149, %dma_start3A_1150] : memref<2x128x128xf32, #tpu.memory_space<vmem>> -> memref<1x16x128xf32, #tpu.memory_space<vmem>>
        %dma_start3A_1152 = tpu.memref_squeeze %dma_start3A_1151 : memref<1x16x128xf32, #tpu.memory_space<vmem>> -> memref<16x128xf32, #tpu.memory_space<vmem>>
        tpu.enqueue_dma source(%dma_start3A_1152 : memref<16x128xf32, #tpu.memory_space<vmem>>) target(%dma_start3A_1148 : memref<16x128xf32, #tpu.memory_space<vmem_shared>>) target_semaphore(%run_scoped3A_1140 : memref<!tpu.dma_semaphore, #tpu.memory_space<semaphore_mem>>)
        %dma_wait3A_1153 = arith.constant 0 : i32
        %dma_wait3A_1154 = arith.constant 0 : i32
        %dma_wait3A_1155 = tpu.memref_slice %arg8[%run_scoped3A, %dma_wait3A_1153, %dma_wait3A_1154] : memref<2x128x128xf32, #tpu.memory_space<vmem>> -> memref<1x16x128xf32, #tpu.memory_space<vmem>>
        %dma_wait3A_1156 = tpu.memref_squeeze %dma_wait3A_1155 : memref<1x16x128xf32, #tpu.memory_space<vmem>> -> memref<16x128xf32, #tpu.memory_space<vmem>>
        %dma_wait3A_1157 = arith.constant 0 : i32
        %dma_wait3A_1158 = tpu.memref_slice %arg9[%add3A_1139, %dma_wait3A_1157] : memref<10240x128xf32, #tpu.memory_space<vmem_shared>> -> memref<16x128xf32, #tpu.memory_space<vmem_shared>>
        %dma_wait3A_1159 = arith.constant 0 : i32
        %dma_wait3A_1160 = tpu.memref_slice %arg9[%add3A_1139, %dma_wait3A_1159] : memref<10240x128xf32, #tpu.memory_space<vmem_shared>> -> memref<16x128xf32, #tpu.memory_space<vmem_shared>>
        %dma_wait3A_1161 = arith.constant 0 : i32
        %dma_wait3A_1162 = arith.constant 0 : i32
        %dma_wait3A_1163 = tpu.memref_slice %arg8[%run_scoped3A, %dma_wait3A_1161, %dma_wait3A_1162] : memref<2x128x128xf32, #tpu.memory_space<vmem>> -> memref<1x16x128xf32, #tpu.memory_space<vmem>>
        %dma_wait3A_1164 = tpu.memref_squeeze %dma_wait3A_1163 : memref<1x16x128xf32, #tpu.memory_space<vmem>> -> memref<16x128xf32, #tpu.memory_space<vmem>>
        tpu.wait_dma2 semaphore(%run_scoped3A_1140 : memref<!tpu.dma_semaphore, #tpu.memory_space<semaphore_mem>>) src(%dma_wait3A_1164 : memref<16x128xf32, #tpu.memory_space<vmem>>) dst(%dma_wait3A_1160 : memref<16x128xf32, #tpu.memory_space<vmem_shared>>)
        tpu.yield
      }) : () -> ()
    }
    %scan3A_1028 = arith.constant 40 : i32
    %barrier3A = arith.constant 0 : index
    tpu.barrier barrier_id(%barrier3A)
    %mul3A_1029 = arith.constant 80 : i32
    %mul3A_1030 = arith.muli %add3A, %mul3A_1029 : i32
    %add3A_1031 = arith.constant 0 : i32
    %add3A_1032 = arith.addi %mul3A_1030, %add3A_1031 : i32
    %dma_start3A = arith.constant 0 : i32
    %dma_start3A_1033 = tpu.memref_slice %arg2[%add3A_1032, %dma_start3A] : memref<2560x128xi32, #tpu.memory_space<hbm>> -> memref<40x128xi32, #tpu.memory_space<hbm>>
    %dma_start3A_1034 = arith.constant 0 : i32
    %dma_start3A_1035 = tpu.memref_slice %arg2[%add3A_1032, %dma_start3A_1034] : memref<2560x128xi32, #tpu.memory_space<hbm>> -> memref<40x128xi32, #tpu.memory_space<hbm>>
    tpu.enqueue_dma source(%dma_start3A_1035 : memref<40x128xi32, #tpu.memory_space<hbm>>) target(%arg6 : memref<40x128xi32, #tpu.memory_space<vmem>>) target_semaphore(%arg10 : memref<!tpu.dma_semaphore, #tpu.memory_space<semaphore_mem>>)
    %dma_wait3A = arith.constant 0 : i32
    %dma_wait3A_1036 = tpu.memref_slice %arg2[%add3A_1032, %dma_wait3A] : memref<2560x128xi32, #tpu.memory_space<hbm>> -> memref<40x128xi32, #tpu.memory_space<hbm>>
    %dma_wait3A_1037 = arith.constant 0 : i32
    %dma_wait3A_1038 = tpu.memref_slice %arg2[%add3A_1032, %dma_wait3A_1037] : memref<2560x128xi32, #tpu.memory_space<hbm>> -> memref<40x128xi32, #tpu.memory_space<hbm>>
    tpu.wait_dma2 semaphore(%arg10 : memref<!tpu.dma_semaphore, #tpu.memory_space<semaphore_mem>>) src(%dma_wait3A_1038 : memref<40x128xi32, #tpu.memory_space<hbm>>) dst(%arg6 : memref<40x128xi32, #tpu.memory_space<vmem>>)
    %dma_start3A_1039 = arith.constant 0 : i32
    %dma_start3A_1040 = tpu.memref_slice %arg3[%add3A_1032, %dma_start3A_1039] : memref<2560x128xi32, #tpu.memory_space<hbm>> -> memref<40x128xi32, #tpu.memory_space<hbm>>
    %dma_start3A_1041 = arith.constant 0 : i32
    %dma_start3A_1042 = tpu.memref_slice %arg3[%add3A_1032, %dma_start3A_1041] : memref<2560x128xi32, #tpu.memory_space<hbm>> -> memref<40x128xi32, #tpu.memory_space<hbm>>
    tpu.enqueue_dma source(%dma_start3A_1042 : memref<40x128xi32, #tpu.memory_space<hbm>>) target(%arg7 : memref<40x128xi32, #tpu.memory_space<vmem>>) target_semaphore(%arg10 : memref<!tpu.dma_semaphore, #tpu.memory_space<semaphore_mem>>)
    %dma_wait3A_1043 = arith.constant 0 : i32
    %dma_wait3A_1044 = tpu.memref_slice %arg3[%add3A_1032, %dma_wait3A_1043] : memref<2560x128xi32, #tpu.memory_space<hbm>> -> memref<40x128xi32, #tpu.memory_space<hbm>>
    %dma_wait3A_1045 = arith.constant 0 : i32
    %dma_wait3A_1046 = tpu.memref_slice %arg3[%add3A_1032, %dma_wait3A_1045] : memref<2560x128xi32, #tpu.memory_space<hbm>> -> memref<40x128xi32, #tpu.memory_space<hbm>>
    tpu.wait_dma2 semaphore(%arg10 : memref<!tpu.dma_semaphore, #tpu.memory_space<semaphore_mem>>) src(%dma_wait3A_1046 : memref<40x128xi32, #tpu.memory_space<hbm>>) dst(%arg7 : memref<40x128xi32, #tpu.memory_space<vmem>>)
    %dma_start3A_1047 = arith.constant 0 : i32
    %dma_start3A_1048 = arith.constant 0 : i32
    %dma_start3A_1049 = arith.constant 0 : i32
    %dma_start3A_1050 = arith.constant 0 : i32
    %dma_start3A_1051 = tpu.memref_slice %arg8[%dma_start3A_1048, %dma_start3A_1049, %dma_start3A_1050] : memref<2x128x128xf32, #tpu.memory_space<vmem>> -> memref<1x128x128xf32, #tpu.memory_space<vmem>>
    %dma_start3A_1052 = tpu.memref_squeeze %dma_start3A_1051 : memref<1x128x128xf32, #tpu.memory_space<vmem>> -> memref<128x128xf32, #tpu.memory_space<vmem>>
    %dma_start3A_1053 = arith.constant 0 : i32
    %dma_start3A_1054 = tpu.memref_slice %arg6[%dma_start3A_1047, %dma_start3A_1053] : memref<40x128xi32, #tpu.memory_space<vmem>> -> memref<1x128xi32, #tpu.memory_space<vmem>>
    %dma_start3A_1055 = tpu.memref_squeeze %dma_start3A_1054 : memref<1x128xi32, #tpu.memory_space<vmem>> -> memref<128xi32, #tpu.memory_space<vmem>>
    %dma_start3A_1056 = arith.constant 0 : i32
    %dma_start3A_1057 = arith.constant 0 : i32
    %dma_start3A_1058 = tpu.memref_slice %arg4[%dma_start3A_1056, %dma_start3A_1057] : memref<10000x128xf32, #tpu.memory_space<hbm>> -> memref<10000x128xf32, #tpu.memory_space<hbm>>
    tpu.enqueue_indirect_dma source(%dma_start3A_1058 : memref<10000x128xf32, #tpu.memory_space<hbm>>) target(%dma_start3A_1052 : memref<128x128xf32, #tpu.memory_space<vmem>>) offsets(%dma_start3A_1055 : memref<128xi32, #tpu.memory_space<vmem>>) semaphore(%arg10 : memref<!tpu.dma_semaphore, #tpu.memory_space<semaphore_mem>>)
    %scan3A_1059 = arith.constant 0 : i32
    %scan3A_1060 = arith.constant 40 : i32
    %scan3A_1061 = arith.addi %scan3A_1059, %scan3A_1060 : i32
    %scan3A_1062 = arith.constant 1 : i32
    scf.for %scan3A_1130 = %scan3A_1059 to %scan3A_1061 step %scan3A_1062  : i32 {
      %mul3A_1131 = arith.constant 1 : i32
      %mul3A_1132 = arith.muli %scan3A_1130, %mul3A_1131 : i32
      %add3A_1133 = arith.constant 0 : i32
      %add3A_1134 = arith.addi %add3A_1133, %mul3A_1132 : i32
      %rem3A = arith.constant 2 : i32
      %rem3A_1135 = arith.remsi %add3A_1134, %rem3A : i32
      %eq3A = arith.constant 0 : i32
      %eq3A_1136 = arith.cmpi eq, %rem3A_1135, %eq3A : i32
      %convert_element_type3A = arith.extui %eq3A_1136 : i1 to i32
      %cond3A = arith.constant 0 : i32
      %cond3A_1137 = arith.cmpi ne, %convert_element_type3A, %cond3A : i32
      scf.if %cond3A_1137 {
        %ge3A = arith.constant 1 : i32
        %ge3A_1143 = arith.cmpi sge, %add3A_1134, %ge3A : i32
        %convert_element_type3A_1144 = arith.extui %ge3A_1143 : i1 to i32
        %cond3A_1145 = arith.constant 0 : i32
        %cond3A_1146 = arith.cmpi ne, %convert_element_type3A_1144, %cond3A_1145 : i32
        scf.if %cond3A_1146 {
          %sub3A = arith.constant 1 : i32
          %sub3A_1175 = arith.subi %add3A_1134, %sub3A : i32
          %dma_wait3A_1176 = arith.constant 1 : i32
          %dma_wait3A_1177 = arith.constant 0 : i32
          %dma_wait3A_1178 = arith.constant 0 : i32
          %dma_wait3A_1179 = tpu.memref_slice %arg8[%dma_wait3A_1176, %dma_wait3A_1177, %dma_wait3A_1178] : memref<2x128x128xf32, #tpu.memory_space<vmem>> -> memref<1x128x128xf32, #tpu.memory_space<vmem>>
          %dma_wait3A_1180 = tpu.memref_squeeze %dma_wait3A_1179 : memref<1x128x128xf32, #tpu.memory_space<vmem>> -> memref<128x128xf32, #tpu.memory_space<vmem>>
          %dma_wait3A_1181 = arith.constant 0 : i32
          %dma_wait3A_1182 = tpu.memref_slice %arg7[%sub3A_1175, %dma_wait3A_1181] : memref<40x128xi32, #tpu.memory_space<vmem>> -> memref<1x128xi32, #tpu.memory_space<vmem>>
          %dma_wait3A_1183 = tpu.memref_squeeze %dma_wait3A_1182 : memref<1x128xi32, #tpu.memory_space<vmem>> -> memref<128xi32, #tpu.memory_space<vmem>>
          %dma_wait3A_1184 = arith.constant 0 : i32
          %dma_wait3A_1185 = arith.constant 0 : i32
          %dma_wait3A_1186 = tpu.memref_slice %arg9[%dma_wait3A_1184, %dma_wait3A_1185] : memref<10240x128xf32, #tpu.memory_space<vmem_shared>> -> memref<10240x128xf32, #tpu.memory_space<vmem_shared>>
          tpu.wait_indirect_dma semaphore(%arg13 : memref<!tpu.dma_semaphore, #tpu.memory_space<semaphore_mem>>) src(%dma_wait3A_1180 : memref<128x128xf32, #tpu.memory_space<vmem>>) dst(%dma_wait3A_1186 : memref<10240x128xf32, #tpu.memory_space<vmem_shared>>)
        } else {
        }
        %add3A_1147 = arith.constant 1 : i32
        %add3A_1148 = arith.addi %add3A_1134, %add3A_1147 : i32
        %lt3A = arith.constant 40 : i32
        %lt3A_1149 = arith.cmpi slt, %add3A_1148, %lt3A : i32
        %convert_element_type3A_1150 = arith.extui %lt3A_1149 : i1 to i32
        %cond3A_1151 = arith.constant 0 : i32
        %cond3A_1152 = arith.cmpi ne, %convert_element_type3A_1150, %cond3A_1151 : i32
        scf.if %cond3A_1152 {
          %add3A_1175 = arith.constant 1 : i32
          %add3A_1176 = arith.addi %add3A_1134, %add3A_1175 : i32
          %dma_start3A_1177 = arith.constant 1 : i32
          %dma_start3A_1178 = arith.constant 0 : i32
          %dma_start3A_1179 = arith.constant 0 : i32
          %dma_start3A_1180 = tpu.memref_slice %arg8[%dma_start3A_1177, %dma_start3A_1178, %dma_start3A_1179] : memref<2x128x128xf32, #tpu.memory_space<vmem>> -> memref<1x128x128xf32, #tpu.memory_space<vmem>>
          %dma_start3A_1181 = tpu.memref_squeeze %dma_start3A_1180 : memref<1x128x128xf32, #tpu.memory_space<vmem>> -> memref<128x128xf32, #tpu.memory_space<vmem>>
          %dma_start3A_1182 = arith.constant 0 : i32
          %dma_start3A_1183 = tpu.memref_slice %arg6[%add3A_1176, %dma_start3A_1182] : memref<40x128xi32, #tpu.memory_space<vmem>> -> memref<1x128xi32, #tpu.memory_space<vmem>>
          %dma_start3A_1184 = tpu.memref_squeeze %dma_start3A_1183 : memref<1x128xi32, #tpu.memory_space<vmem>> -> memref<128xi32, #tpu.memory_space<vmem>>
          %dma_start3A_1185 = arith.constant 0 : i32
          %dma_start3A_1186 = arith.constant 0 : i32
          %dma_start3A_1187 = tpu.memref_slice %arg4[%dma_start3A_1185, %dma_start3A_1186] : memref<10000x128xf32, #tpu.memory_space<hbm>> -> memref<10000x128xf32, #tpu.memory_space<hbm>>
          tpu.enqueue_indirect_dma source(%dma_start3A_1187 : memref<10000x128xf32, #tpu.memory_space<hbm>>) target(%dma_start3A_1181 : memref<128x128xf32, #tpu.memory_space<vmem>>) offsets(%dma_start3A_1184 : memref<128xi32, #tpu.memory_space<vmem>>) semaphore(%arg11 : memref<!tpu.dma_semaphore, #tpu.memory_space<semaphore_mem>>)
        } else {
        }
        %dma_wait3A_1153 = arith.constant 0 : i32
        %dma_wait3A_1154 = arith.constant 0 : i32
        %dma_wait3A_1155 = arith.constant 0 : i32
        %dma_wait3A_1156 = tpu.memref_slice %arg8[%dma_wait3A_1153, %dma_wait3A_1154, %dma_wait3A_1155] : memref<2x128x128xf32, #tpu.memory_space<vmem>> -> memref<1x128x128xf32, #tpu.memory_space<vmem>>
        %dma_wait3A_1157 = tpu.memref_squeeze %dma_wait3A_1156 : memref<1x128x128xf32, #tpu.memory_space<vmem>> -> memref<128x128xf32, #tpu.memory_space<vmem>>
        %dma_wait3A_1158 = arith.constant 0 : i32
        %dma_wait3A_1159 = tpu.memref_slice %arg6[%add3A_1134, %dma_wait3A_1158] : memref<40x128xi32, #tpu.memory_space<vmem>> -> memref<1x128xi32, #tpu.memory_space<vmem>>
        %dma_wait3A_1160 = tpu.memref_squeeze %dma_wait3A_1159 : memref<1x128xi32, #tpu.memory_space<vmem>> -> memref<128xi32, #tpu.memory_space<vmem>>
        %dma_wait3A_1161 = arith.constant 0 : i32
        %dma_wait3A_1162 = arith.constant 0 : i32
        %dma_wait3A_1163 = tpu.memref_slice %arg4[%dma_wait3A_1161, %dma_wait3A_1162] : memref<10000x128xf32, #tpu.memory_space<hbm>> -> memref<10000x128xf32, #tpu.memory_space<hbm>>
        tpu.wait_indirect_dma semaphore(%arg10 : memref<!tpu.dma_semaphore, #tpu.memory_space<semaphore_mem>>) src(%dma_wait3A_1163 : memref<10000x128xf32, #tpu.memory_space<hbm>>) dst(%dma_wait3A_1157 : memref<128x128xf32, #tpu.memory_space<vmem>>)
        %dma_start3A_1164 = arith.constant 0 : i32
        %dma_start3A_1165 = arith.constant 0 : i32
        %dma_start3A_1166 = arith.constant 0 : i32
        %dma_start3A_1167 = tpu.memref_slice %arg8[%dma_start3A_1164, %dma_start3A_1165, %dma_start3A_1166] : memref<2x128x128xf32, #tpu.memory_space<vmem>> -> memref<1x128x128xf32, #tpu.memory_space<vmem>>
        %dma_start3A_1168 = tpu.memref_squeeze %dma_start3A_1167 : memref<1x128x128xf32, #tpu.memory_space<vmem>> -> memref<128x128xf32, #tpu.memory_space<vmem>>
        %dma_start3A_1169 = arith.constant 0 : i32
        %dma_start3A_1170 = tpu.memref_slice %arg7[%add3A_1134, %dma_start3A_1169] : memref<40x128xi32, #tpu.memory_space<vmem>> -> memref<1x128xi32, #tpu.memory_space<vmem>>
        %dma_start3A_1171 = tpu.memref_squeeze %dma_start3A_1170 : memref<1x128xi32, #tpu.memory_space<vmem>> -> memref<128xi32, #tpu.memory_space<vmem>>
        %dma_start3A_1172 = arith.constant 0 : i32
        %dma_start3A_1173 = arith.constant 0 : i32
        %dma_start3A_1174 = tpu.memref_slice %arg9[%dma_start3A_1172, %dma_start3A_1173] : memref<10240x128xf32, #tpu.memory_space<vmem_shared>> -> memref<10240x128xf32, #tpu.memory_space<vmem_shared>>
        tpu.enqueue_indirect_dma source(%dma_start3A_1168 : memref<128x128xf32, #tpu.memory_space<vmem>>) target(%dma_start3A_1174 : memref<10240x128xf32, #tpu.memory_space<vmem_shared>>) offsets(%dma_start3A_1171 : memref<128xi32, #tpu.memory_space<vmem>>) semaphore(%arg12 : memref<!tpu.dma_semaphore, #tpu.memory_space<semaphore_mem>>) {add = true}
      } else {
      }
      %eq3A_1138 = arith.constant 1 : i32
      %eq3A_1139 = arith.cmpi eq, %rem3A_1135, %eq3A_1138 : i32
      %convert_element_type3A_1140 = arith.extui %eq3A_1139 : i1 to i32
      %cond3A_1141 = arith.constant 0 : i32
      %cond3A_1142 = arith.cmpi ne, %convert_element_type3A_1140, %cond3A_1141 : i32
      scf.if %cond3A_1142 {
        %ge3A = arith.constant 1 : i32
        %ge3A_1143 = arith.cmpi sge, %add3A_1134, %ge3A : i32
        %convert_element_type3A_1144 = arith.extui %ge3A_1143 : i1 to i32
        %cond3A_1145 = arith.constant 0 : i32
        %cond3A_1146 = arith.cmpi ne, %convert_element_type3A_1144, %cond3A_1145 : i32
        scf.if %cond3A_1146 {
          %sub3A = arith.constant 1 : i32
          %sub3A_1175 = arith.subi %add3A_1134, %sub3A : i32
          %dma_wait3A_1176 = arith.constant 0 : i32
          %dma_wait3A_1177 = arith.constant 0 : i32
          %dma_wait3A_1178 = arith.constant 0 : i32
          %dma_wait3A_1179 = tpu.memref_slice %arg8[%dma_wait3A_1176, %dma_wait3A_1177, %dma_wait3A_1178] : memref<2x128x128xf32, #tpu.memory_space<vmem>> -> memref<1x128x128xf32, #tpu.memory_space<vmem>>
          %dma_wait3A_1180 = tpu.memref_squeeze %dma_wait3A_1179 : memref<1x128x128xf32, #tpu.memory_space<vmem>> -> memref<128x128xf32, #tpu.memory_space<vmem>>
          %dma_wait3A_1181 = arith.constant 0 : i32
          %dma_wait3A_1182 = tpu.memref_slice %arg7[%sub3A_1175, %dma_wait3A_1181] : memref<40x128xi32, #tpu.memory_space<vmem>> -> memref<1x128xi32, #tpu.memory_space<vmem>>
          %dma_wait3A_1183 = tpu.memref_squeeze %dma_wait3A_1182 : memref<1x128xi32, #tpu.memory_space<vmem>> -> memref<128xi32, #tpu.memory_space<vmem>>
          %dma_wait3A_1184 = arith.constant 0 : i32
          %dma_wait3A_1185 = arith.constant 0 : i32
          %dma_wait3A_1186 = tpu.memref_slice %arg9[%dma_wait3A_1184, %dma_wait3A_1185] : memref<10240x128xf32, #tpu.memory_space<vmem_shared>> -> memref<10240x128xf32, #tpu.memory_space<vmem_shared>>
          tpu.wait_indirect_dma semaphore(%arg12 : memref<!tpu.dma_semaphore, #tpu.memory_space<semaphore_mem>>) src(%dma_wait3A_1180 : memref<128x128xf32, #tpu.memory_space<vmem>>) dst(%dma_wait3A_1186 : memref<10240x128xf32, #tpu.memory_space<vmem_shared>>)
        } else {
        }
        %add3A_1147 = arith.constant 1 : i32
        %add3A_1148 = arith.addi %add3A_1134, %add3A_1147 : i32
        %lt3A = arith.constant 40 : i32
        %lt3A_1149 = arith.cmpi slt, %add3A_1148, %lt3A : i32
        %convert_element_type3A_1150 = arith.extui %lt3A_1149 : i1 to i32
        %cond3A_1151 = arith.constant 0 : i32
        %cond3A_1152 = arith.cmpi ne, %convert_element_type3A_1150, %cond3A_1151 : i32
        scf.if %cond3A_1152 {
          %add3A_1175 = arith.constant 1 : i32
          %add3A_1176 = arith.addi %add3A_1134, %add3A_1175 : i32
          %dma_start3A_1177 = arith.constant 0 : i32
          %dma_start3A_1178 = arith.constant 0 : i32
          %dma_start3A_1179 = arith.constant 0 : i32
          %dma_start3A_1180 = tpu.memref_slice %arg8[%dma_start3A_1177, %dma_start3A_1178, %dma_start3A_1179] : memref<2x128x128xf32, #tpu.memory_space<vmem>> -> memref<1x128x128xf32, #tpu.memory_space<vmem>>
          %dma_start3A_1181 = tpu.memref_squeeze %dma_start3A_1180 : memref<1x128x128xf32, #tpu.memory_space<vmem>> -> memref<128x128xf32, #tpu.memory_space<vmem>>
          %dma_start3A_1182 = arith.constant 0 : i32
          %dma_start3A_1183 = tpu.memref_slice %arg6[%add3A_1176, %dma_start3A_1182] : memref<40x128xi32, #tpu.memory_space<vmem>> -> memref<1x128xi32, #tpu.memory_space<vmem>>
          %dma_start3A_1184 = tpu.memref_squeeze %dma_start3A_1183 : memref<1x128xi32, #tpu.memory_space<vmem>> -> memref<128xi32, #tpu.memory_space<vmem>>
          %dma_start3A_1185 = arith.constant 0 : i32
          %dma_start3A_1186 = arith.constant 0 : i32
          %dma_start3A_1187 = tpu.memref_slice %arg4[%dma_start3A_1185, %dma_start3A_1186] : memref<10000x128xf32, #tpu.memory_space<hbm>> -> memref<10000x128xf32, #tpu.memory_space<hbm>>
          tpu.enqueue_indirect_dma source(%dma_start3A_1187 : memref<10000x128xf32, #tpu.memory_space<hbm>>) target(%dma_start3A_1181 : memref<128x128xf32, #tpu.memory_space<vmem>>) offsets(%dma_start3A_1184 : memref<128xi32, #tpu.memory_space<vmem>>) semaphore(%arg10 : memref<!tpu.dma_semaphore, #tpu.memory_space<semaphore_mem>>)
        } else {
        }
        %dma_wait3A_1153 = arith.constant 1 : i32
        %dma_wait3A_1154 = arith.constant 0 : i32
        %dma_wait3A_1155 = arith.constant 0 : i32
        %dma_wait3A_1156 = tpu.memref_slice %arg8[%dma_wait3A_1153, %dma_wait3A_1154, %dma_wait3A_1155] : memref<2x128x128xf32, #tpu.memory_space<vmem>> -> memref<1x128x128xf32, #tpu.memory_space<vmem>>
        %dma_wait3A_1157 = tpu.memref_squeeze %dma_wait3A_1156 : memref<1x128x128xf32, #tpu.memory_space<vmem>> -> memref<128x128xf32, #tpu.memory_space<vmem>>
        %dma_wait3A_1158 = arith.constant 0 : i32
        %dma_wait3A_1159 = tpu.memref_slice %arg6[%add3A_1134, %dma_wait3A_1158] : memref<40x128xi32, #tpu.memory_space<vmem>> -> memref<1x128xi32, #tpu.memory_space<vmem>>
        %dma_wait3A_1160 = tpu.memref_squeeze %dma_wait3A_1159 : memref<1x128xi32, #tpu.memory_space<vmem>> -> memref<128xi32, #tpu.memory_space<vmem>>
        %dma_wait3A_1161 = arith.constant 0 : i32
        %dma_wait3A_1162 = arith.constant 0 : i32
        %dma_wait3A_1163 = tpu.memref_slice %arg4[%dma_wait3A_1161, %dma_wait3A_1162] : memref<10000x128xf32, #tpu.memory_space<hbm>> -> memref<10000x128xf32, #tpu.memory_space<hbm>>
        tpu.wait_indirect_dma semaphore(%arg11 : memref<!tpu.dma_semaphore, #tpu.memory_space<semaphore_mem>>) src(%dma_wait3A_1163 : memref<10000x128xf32, #tpu.memory_space<hbm>>) dst(%dma_wait3A_1157 : memref<128x128xf32, #tpu.memory_space<vmem>>)
        %dma_start3A_1164 = arith.constant 1 : i32
        %dma_start3A_1165 = arith.constant 0 : i32
        %dma_start3A_1166 = arith.constant 0 : i32
        %dma_start3A_1167 = tpu.memref_slice %arg8[%dma_start3A_1164, %dma_start3A_1165, %dma_start3A_1166] : memref<2x128x128xf32, #tpu.memory_space<vmem>> -> memref<1x128x128xf32, #tpu.memory_space<vmem>>
        %dma_start3A_1168 = tpu.memref_squeeze %dma_start3A_1167 : memref<1x128x128xf32, #tpu.memory_space<vmem>> -> memref<128x128xf32, #tpu.memory_space<vmem>>
        %dma_start3A_1169 = arith.constant 0 : i32
        %dma_start3A_1170 = tpu.memref_slice %arg7[%add3A_1134, %dma_start3A_1169] : memref<40x128xi32, #tpu.memory_space<vmem>> -> memref<1x128xi32, #tpu.memory_space<vmem>>
        %dma_start3A_1171 = tpu.memref_squeeze %dma_start3A_1170 : memref<1x128xi32, #tpu.memory_space<vmem>> -> memref<128xi32, #tpu.memory_space<vmem>>
        %dma_start3A_1172 = arith.constant 0 : i32
        %dma_start3A_1173 = arith.constant 0 : i32
        %dma_start3A_1174 = tpu.memref_slice %arg9[%dma_start3A_1172, %dma_start3A_1173] : memref<10240x128xf32, #tpu.memory_space<vmem_shared>> -> memref<10240x128xf32, #tpu.memory_space<vmem_shared>>
        tpu.enqueue_indirect_dma source(%dma_start3A_1168 : memref<128x128xf32, #tpu.memory_space<vmem>>) target(%dma_start3A_1174 : memref<10240x128xf32, #tpu.memory_space<vmem_shared>>) offsets(%dma_start3A_1171 : memref<128xi32, #tpu.memory_space<vmem>>) semaphore(%arg13 : memref<!tpu.dma_semaphore, #tpu.memory_space<semaphore_mem>>) {add = true}
      } else {
      }
    }
    %scan3A_1063 = arith.constant 40 : i32
    %dma_wait3A_1064 = arith.constant 1 : i32
    %dma_wait3A_1065 = arith.constant 39 : i32
    %dma_wait3A_1066 = arith.constant 0 : i32
    %dma_wait3A_1067 = arith.constant 0 : i32
    %dma_wait3A_1068 = tpu.memref_slice %arg8[%dma_wait3A_1064, %dma_wait3A_1066, %dma_wait3A_1067] : memref<2x128x128xf32, #tpu.memory_space<vmem>> -> memref<1x128x128xf32, #tpu.memory_space<vmem>>
    %dma_wait3A_1069 = tpu.memref_squeeze %dma_wait3A_1068 : memref<1x128x128xf32, #tpu.memory_space<vmem>> -> memref<128x128xf32, #tpu.memory_space<vmem>>
    %dma_wait3A_1070 = arith.constant 0 : i32
    %dma_wait3A_1071 = tpu.memref_slice %arg7[%dma_wait3A_1065, %dma_wait3A_1070] : memref<40x128xi32, #tpu.memory_space<vmem>> -> memref<1x128xi32, #tpu.memory_space<vmem>>
    %dma_wait3A_1072 = tpu.memref_squeeze %dma_wait3A_1071 : memref<1x128xi32, #tpu.memory_space<vmem>> -> memref<128xi32, #tpu.memory_space<vmem>>
    %dma_wait3A_1073 = arith.constant 0 : i32
    %dma_wait3A_1074 = arith.constant 0 : i32
    %dma_wait3A_1075 = tpu.memref_slice %arg9[%dma_wait3A_1073, %dma_wait3A_1074] : memref<10240x128xf32, #tpu.memory_space<vmem_shared>> -> memref<10240x128xf32, #tpu.memory_space<vmem_shared>>
    tpu.wait_indirect_dma semaphore(%arg13 : memref<!tpu.dma_semaphore, #tpu.memory_space<semaphore_mem>>) src(%dma_wait3A_1069 : memref<128x128xf32, #tpu.memory_space<vmem>>) dst(%dma_wait3A_1075 : memref<10240x128xf32, #tpu.memory_space<vmem_shared>>)
    %mul3A_1076 = arith.constant 80 : i32
    %mul3A_1077 = arith.muli %add3A, %mul3A_1076 : i32
    %add3A_1078 = arith.constant 40 : i32
    %add3A_1079 = arith.addi %mul3A_1077, %add3A_1078 : i32
    %dma_start3A_1080 = arith.constant 0 : i32
    %dma_start3A_1081 = tpu.memref_slice %arg2[%add3A_1079, %dma_start3A_1080] : memref<2560x128xi32, #tpu.memory_space<hbm>> -> memref<40x128xi32, #tpu.memory_space<hbm>>
    %dma_start3A_1082 = arith.constant 0 : i32
    %dma_start3A_1083 = tpu.memref_slice %arg2[%add3A_1079, %dma_start3A_1082] : memref<2560x128xi32, #tpu.memory_space<hbm>> -> memref<40x128xi32, #tpu.memory_space<hbm>>
    tpu.enqueue_dma source(%dma_start3A_1083 : memref<40x128xi32, #tpu.memory_space<hbm>>) target(%arg6 : memref<40x128xi32, #tpu.memory_space<vmem>>) target_semaphore(%arg10 : memref<!tpu.dma_semaphore, #tpu.memory_space<semaphore_mem>>)
    %dma_wait3A_1084 = arith.constant 0 : i32
    %dma_wait3A_1085 = tpu.memref_slice %arg2[%add3A_1079, %dma_wait3A_1084] : memref<2560x128xi32, #tpu.memory_space<hbm>> -> memref<40x128xi32, #tpu.memory_space<hbm>>
    %dma_wait3A_1086 = arith.constant 0 : i32
    %dma_wait3A_1087 = tpu.memref_slice %arg2[%add3A_1079, %dma_wait3A_1086] : memref<2560x128xi32, #tpu.memory_space<hbm>> -> memref<40x128xi32, #tpu.memory_space<hbm>>
    tpu.wait_dma2 semaphore(%arg10 : memref<!tpu.dma_semaphore, #tpu.memory_space<semaphore_mem>>) src(%dma_wait3A_1087 : memref<40x128xi32, #tpu.memory_space<hbm>>) dst(%arg6 : memref<40x128xi32, #tpu.memory_space<vmem>>)
    %dma_start3A_1088 = arith.constant 0 : i32
    %dma_start3A_1089 = tpu.memref_slice %arg3[%add3A_1079, %dma_start3A_1088] : memref<2560x128xi32, #tpu.memory_space<hbm>> -> memref<40x128xi32, #tpu.memory_space<hbm>>
    %dma_start3A_1090 = arith.constant 0 : i32
    %dma_start3A_1091 = tpu.memref_slice %arg3[%add3A_1079, %dma_start3A_1090] : memref<2560x128xi32, #tpu.memory_space<hbm>> -> memref<40x128xi32, #tpu.memory_space<hbm>>
    tpu.enqueue_dma source(%dma_start3A_1091 : memref<40x128xi32, #tpu.memory_space<hbm>>) target(%arg7 : memref<40x128xi32, #tpu.memory_space<vmem>>) target_semaphore(%arg10 : memref<!tpu.dma_semaphore, #tpu.memory_space<semaphore_mem>>)
    %dma_wait3A_1092 = arith.constant 0 : i32
    %dma_wait3A_1093 = tpu.memref_slice %arg3[%add3A_1079, %dma_wait3A_1092] : memref<2560x128xi32, #tpu.memory_space<hbm>> -> memref<40x128xi32, #tpu.memory_space<hbm>>
    %dma_wait3A_1094 = arith.constant 0 : i32
    %dma_wait3A_1095 = tpu.memref_slice %arg3[%add3A_1079, %dma_wait3A_1094] : memref<2560x128xi32, #tpu.memory_space<hbm>> -> memref<40x128xi32, #tpu.memory_space<hbm>>
    tpu.wait_dma2 semaphore(%arg10 : memref<!tpu.dma_semaphore, #tpu.memory_space<semaphore_mem>>) src(%dma_wait3A_1095 : memref<40x128xi32, #tpu.memory_space<hbm>>) dst(%arg7 : memref<40x128xi32, #tpu.memory_space<vmem>>)
    %dma_start3A_1096 = arith.constant 0 : i32
    %dma_start3A_1097 = arith.constant 0 : i32
    %dma_start3A_1098 = arith.constant 0 : i32
    %dma_start3A_1099 = arith.constant 0 : i32
    %dma_start3A_1100 = tpu.memref_slice %arg8[%dma_start3A_1097, %dma_start3A_1098, %dma_start3A_1099] : memref<2x128x128xf32, #tpu.memory_space<vmem>> -> memref<1x128x128xf32, #tpu.memory_space<vmem>>
    %dma_start3A_1101 = tpu.memref_squeeze %dma_start3A_1100 : memref<1x128x128xf32, #tpu.memory_space<vmem>> -> memref<128x128xf32, #tpu.memory_space<vmem>>
    %dma_start3A_1102 = arith.constant 0 : i32
    %dma_start3A_1103 = tpu.memref_slice %arg6[%dma_start3A_1096, %dma_start3A_1102] : memref<40x128xi32, #tpu.memory_space<vmem>> -> memref<1x128xi32, #tpu.memory_space<vmem>>
    %dma_start3A_1104 = tpu.memref_squeeze %dma_start3A_1103 : memref<1x128xi32, #tpu.memory_space<vmem>> -> memref<128xi32, #tpu.memory_space<vmem>>
    %dma_start3A_1105 = arith.constant 0 : i32
    %dma_start3A_1106 = arith.constant 0 : i32
    %dma_start3A_1107 = tpu.memref_slice %arg4[%dma_start3A_1105, %dma_start3A_1106] : memref<10000x128xf32, #tpu.memory_space<hbm>> -> memref<10000x128xf32, #tpu.memory_space<hbm>>
    tpu.enqueue_indirect_dma source(%dma_start3A_1107 : memref<10000x128xf32, #tpu.memory_space<hbm>>) target(%dma_start3A_1101 : memref<128x128xf32, #tpu.memory_space<vmem>>) offsets(%dma_start3A_1104 : memref<128xi32, #tpu.memory_space<vmem>>) semaphore(%arg10 : memref<!tpu.dma_semaphore, #tpu.memory_space<semaphore_mem>>)
    %scan3A_1108 = arith.constant 0 : i32
    %scan3A_1109 = arith.constant 40 : i32
    %scan3A_1110 = arith.addi %scan3A_1108, %scan3A_1109 : i32
    %scan3A_1111 = arith.constant 1 : i32
    scf.for %scan3A_1130 = %scan3A_1108 to %scan3A_1110 step %scan3A_1111  : i32 {
      %mul3A_1131 = arith.constant 1 : i32
      %mul3A_1132 = arith.muli %scan3A_1130, %mul3A_1131 : i32
      %add3A_1133 = arith.constant 0 : i32
      %add3A_1134 = arith.addi %add3A_1133, %mul3A_1132 : i32
      %rem3A = arith.constant 2 : i32
      %rem3A_1135 = arith.remsi %add3A_1134, %rem3A : i32
      %eq3A = arith.constant 0 : i32
      %eq3A_1136 = arith.cmpi eq, %rem3A_1135, %eq3A : i32
      %convert_element_type3A = arith.extui %eq3A_1136 : i1 to i32
      %cond3A = arith.constant 0 : i32
      %cond3A_1137 = arith.cmpi ne, %convert_element_type3A, %cond3A : i32
      scf.if %cond3A_1137 {
        %ge3A = arith.constant 1 : i32
        %ge3A_1143 = arith.cmpi sge, %add3A_1134, %ge3A : i32
        %convert_element_type3A_1144 = arith.extui %ge3A_1143 : i1 to i32
        %cond3A_1145 = arith.constant 0 : i32
        %cond3A_1146 = arith.cmpi ne, %convert_element_type3A_1144, %cond3A_1145 : i32
        scf.if %cond3A_1146 {
          %sub3A = arith.constant 1 : i32
          %sub3A_1175 = arith.subi %add3A_1134, %sub3A : i32
          %dma_wait3A_1176 = arith.constant 1 : i32
          %dma_wait3A_1177 = arith.constant 0 : i32
          %dma_wait3A_1178 = arith.constant 0 : i32
          %dma_wait3A_1179 = tpu.memref_slice %arg8[%dma_wait3A_1176, %dma_wait3A_1177, %dma_wait3A_1178] : memref<2x128x128xf32, #tpu.memory_space<vmem>> -> memref<1x128x128xf32, #tpu.memory_space<vmem>>
          %dma_wait3A_1180 = tpu.memref_squeeze %dma_wait3A_1179 : memref<1x128x128xf32, #tpu.memory_space<vmem>> -> memref<128x128xf32, #tpu.memory_space<vmem>>
          %dma_wait3A_1181 = arith.constant 0 : i32
          %dma_wait3A_1182 = tpu.memref_slice %arg7[%sub3A_1175, %dma_wait3A_1181] : memref<40x128xi32, #tpu.memory_space<vmem>> -> memref<1x128xi32, #tpu.memory_space<vmem>>
          %dma_wait3A_1183 = tpu.memref_squeeze %dma_wait3A_1182 : memref<1x128xi32, #tpu.memory_space<vmem>> -> memref<128xi32, #tpu.memory_space<vmem>>
          %dma_wait3A_1184 = arith.constant 0 : i32
          %dma_wait3A_1185 = arith.constant 0 : i32
          %dma_wait3A_1186 = tpu.memref_slice %arg9[%dma_wait3A_1184, %dma_wait3A_1185] : memref<10240x128xf32, #tpu.memory_space<vmem_shared>> -> memref<10240x128xf32, #tpu.memory_space<vmem_shared>>
          tpu.wait_indirect_dma semaphore(%arg13 : memref<!tpu.dma_semaphore, #tpu.memory_space<semaphore_mem>>) src(%dma_wait3A_1180 : memref<128x128xf32, #tpu.memory_space<vmem>>) dst(%dma_wait3A_1186 : memref<10240x128xf32, #tpu.memory_space<vmem_shared>>)
        } else {
        }
        %add3A_1147 = arith.constant 1 : i32
        %add3A_1148 = arith.addi %add3A_1134, %add3A_1147 : i32
        %lt3A = arith.constant 40 : i32
        %lt3A_1149 = arith.cmpi slt, %add3A_1148, %lt3A : i32
        %convert_element_type3A_1150 = arith.extui %lt3A_1149 : i1 to i32
        %cond3A_1151 = arith.constant 0 : i32
        %cond3A_1152 = arith.cmpi ne, %convert_element_type3A_1150, %cond3A_1151 : i32
        scf.if %cond3A_1152 {
          %add3A_1175 = arith.constant 1 : i32
          %add3A_1176 = arith.addi %add3A_1134, %add3A_1175 : i32
          %dma_start3A_1177 = arith.constant 1 : i32
          %dma_start3A_1178 = arith.constant 0 : i32
          %dma_start3A_1179 = arith.constant 0 : i32
          %dma_start3A_1180 = tpu.memref_slice %arg8[%dma_start3A_1177, %dma_start3A_1178, %dma_start3A_1179] : memref<2x128x128xf32, #tpu.memory_space<vmem>> -> memref<1x128x128xf32, #tpu.memory_space<vmem>>
          %dma_start3A_1181 = tpu.memref_squeeze %dma_start3A_1180 : memref<1x128x128xf32, #tpu.memory_space<vmem>> -> memref<128x128xf32, #tpu.memory_space<vmem>>
          %dma_start3A_1182 = arith.constant 0 : i32
          %dma_start3A_1183 = tpu.memref_slice %arg6[%add3A_1176, %dma_start3A_1182] : memref<40x128xi32, #tpu.memory_space<vmem>> -> memref<1x128xi32, #tpu.memory_space<vmem>>
          %dma_start3A_1184 = tpu.memref_squeeze %dma_start3A_1183 : memref<1x128xi32, #tpu.memory_space<vmem>> -> memref<128xi32, #tpu.memory_space<vmem>>
          %dma_start3A_1185 = arith.constant 0 : i32
          %dma_start3A_1186 = arith.constant 0 : i32
          %dma_start3A_1187 = tpu.memref_slice %arg4[%dma_start3A_1185, %dma_start3A_1186] : memref<10000x128xf32, #tpu.memory_space<hbm>> -> memref<10000x128xf32, #tpu.memory_space<hbm>>
          tpu.enqueue_indirect_dma source(%dma_start3A_1187 : memref<10000x128xf32, #tpu.memory_space<hbm>>) target(%dma_start3A_1181 : memref<128x128xf32, #tpu.memory_space<vmem>>) offsets(%dma_start3A_1184 : memref<128xi32, #tpu.memory_space<vmem>>) semaphore(%arg11 : memref<!tpu.dma_semaphore, #tpu.memory_space<semaphore_mem>>)
        } else {
        }
        %dma_wait3A_1153 = arith.constant 0 : i32
        %dma_wait3A_1154 = arith.constant 0 : i32
        %dma_wait3A_1155 = arith.constant 0 : i32
        %dma_wait3A_1156 = tpu.memref_slice %arg8[%dma_wait3A_1153, %dma_wait3A_1154, %dma_wait3A_1155] : memref<2x128x128xf32, #tpu.memory_space<vmem>> -> memref<1x128x128xf32, #tpu.memory_space<vmem>>
        %dma_wait3A_1157 = tpu.memref_squeeze %dma_wait3A_1156 : memref<1x128x128xf32, #tpu.memory_space<vmem>> -> memref<128x128xf32, #tpu.memory_space<vmem>>
        %dma_wait3A_1158 = arith.constant 0 : i32
        %dma_wait3A_1159 = tpu.memref_slice %arg6[%add3A_1134, %dma_wait3A_1158] : memref<40x128xi32, #tpu.memory_space<vmem>> -> memref<1x128xi32, #tpu.memory_space<vmem>>
        %dma_wait3A_1160 = tpu.memref_squeeze %dma_wait3A_1159 : memref<1x128xi32, #tpu.memory_space<vmem>> -> memref<128xi32, #tpu.memory_space<vmem>>
        %dma_wait3A_1161 = arith.constant 0 : i32
        %dma_wait3A_1162 = arith.constant 0 : i32
        %dma_wait3A_1163 = tpu.memref_slice %arg4[%dma_wait3A_1161, %dma_wait3A_1162] : memref<10000x128xf32, #tpu.memory_space<hbm>> -> memref<10000x128xf32, #tpu.memory_space<hbm>>
        tpu.wait_indirect_dma semaphore(%arg10 : memref<!tpu.dma_semaphore, #tpu.memory_space<semaphore_mem>>) src(%dma_wait3A_1163 : memref<10000x128xf32, #tpu.memory_space<hbm>>) dst(%dma_wait3A_1157 : memref<128x128xf32, #tpu.memory_space<vmem>>)
        %dma_start3A_1164 = arith.constant 0 : i32
        %dma_start3A_1165 = arith.constant 0 : i32
        %dma_start3A_1166 = arith.constant 0 : i32
        %dma_start3A_1167 = tpu.memref_slice %arg8[%dma_start3A_1164, %dma_start3A_1165, %dma_start3A_1166] : memref<2x128x128xf32, #tpu.memory_space<vmem>> -> memref<1x128x128xf32, #tpu.memory_space<vmem>>
        %dma_start3A_1168 = tpu.memref_squeeze %dma_start3A_1167 : memref<1x128x128xf32, #tpu.memory_space<vmem>> -> memref<128x128xf32, #tpu.memory_space<vmem>>
        %dma_start3A_1169 = arith.constant 0 : i32
        %dma_start3A_1170 = tpu.memref_slice %arg7[%add3A_1134, %dma_start3A_1169] : memref<40x128xi32, #tpu.memory_space<vmem>> -> memref<1x128xi32, #tpu.memory_space<vmem>>
        %dma_start3A_1171 = tpu.memref_squeeze %dma_start3A_1170 : memref<1x128xi32, #tpu.memory_space<vmem>> -> memref<128xi32, #tpu.memory_space<vmem>>
        %dma_start3A_1172 = arith.constant 0 : i32
        %dma_start3A_1173 = arith.constant 0 : i32
        %dma_start3A_1174 = tpu.memref_slice %arg9[%dma_start3A_1172, %dma_start3A_1173] : memref<10240x128xf32, #tpu.memory_space<vmem_shared>> -> memref<10240x128xf32, #tpu.memory_space<vmem_shared>>
        tpu.enqueue_indirect_dma source(%dma_start3A_1168 : memref<128x128xf32, #tpu.memory_space<vmem>>) target(%dma_start3A_1174 : memref<10240x128xf32, #tpu.memory_space<vmem_shared>>) offsets(%dma_start3A_1171 : memref<128xi32, #tpu.memory_space<vmem>>) semaphore(%arg12 : memref<!tpu.dma_semaphore, #tpu.memory_space<semaphore_mem>>) {add = true}
      } else {
      }
      %eq3A_1138 = arith.constant 1 : i32
      %eq3A_1139 = arith.cmpi eq, %rem3A_1135, %eq3A_1138 : i32
      %convert_element_type3A_1140 = arith.extui %eq3A_1139 : i1 to i32
      %cond3A_1141 = arith.constant 0 : i32
      %cond3A_1142 = arith.cmpi ne, %convert_element_type3A_1140, %cond3A_1141 : i32
      scf.if %cond3A_1142 {
        %ge3A = arith.constant 1 : i32
        %ge3A_1143 = arith.cmpi sge, %add3A_1134, %ge3A : i32
        %convert_element_type3A_1144 = arith.extui %ge3A_1143 : i1 to i32
        %cond3A_1145 = arith.constant 0 : i32
        %cond3A_1146 = arith.cmpi ne, %convert_element_type3A_1144, %cond3A_1145 : i32
        scf.if %cond3A_1146 {
          %sub3A = arith.constant 1 : i32
          %sub3A_1175 = arith.subi %add3A_1134, %sub3A : i32
          %dma_wait3A_1176 = arith.constant 0 : i32
          %dma_wait3A_1177 = arith.constant 0 : i32
          %dma_wait3A_1178 = arith.constant 0 : i32
          %dma_wait3A_1179 = tpu.memref_slice %arg8[%dma_wait3A_1176, %dma_wait3A_1177, %dma_wait3A_1178] : memref<2x128x128xf32, #tpu.memory_space<vmem>> -> memref<1x128x128xf32, #tpu.memory_space<vmem>>
          %dma_wait3A_1180 = tpu.memref_squeeze %dma_wait3A_1179 : memref<1x128x128xf32, #tpu.memory_space<vmem>> -> memref<128x128xf32, #tpu.memory_space<vmem>>
          %dma_wait3A_1181 = arith.constant 0 : i32
          %dma_wait3A_1182 = tpu.memref_slice %arg7[%sub3A_1175, %dma_wait3A_1181] : memref<40x128xi32, #tpu.memory_space<vmem>> -> memref<1x128xi32, #tpu.memory_space<vmem>>
          %dma_wait3A_1183 = tpu.memref_squeeze %dma_wait3A_1182 : memref<1x128xi32, #tpu.memory_space<vmem>> -> memref<128xi32, #tpu.memory_space<vmem>>
          %dma_wait3A_1184 = arith.constant 0 : i32
          %dma_wait3A_1185 = arith.constant 0 : i32
          %dma_wait3A_1186 = tpu.memref_slice %arg9[%dma_wait3A_1184, %dma_wait3A_1185] : memref<10240x128xf32, #tpu.memory_space<vmem_shared>> -> memref<10240x128xf32, #tpu.memory_space<vmem_shared>>
          tpu.wait_indirect_dma semaphore(%arg12 : memref<!tpu.dma_semaphore, #tpu.memory_space<semaphore_mem>>) src(%dma_wait3A_1180 : memref<128x128xf32, #tpu.memory_space<vmem>>) dst(%dma_wait3A_1186 : memref<10240x128xf32, #tpu.memory_space<vmem_shared>>)
        } else {
        }
        %add3A_1147 = arith.constant 1 : i32
        %add3A_1148 = arith.addi %add3A_1134, %add3A_1147 : i32
        %lt3A = arith.constant 40 : i32
        %lt3A_1149 = arith.cmpi slt, %add3A_1148, %lt3A : i32
        %convert_element_type3A_1150 = arith.extui %lt3A_1149 : i1 to i32
        %cond3A_1151 = arith.constant 0 : i32
        %cond3A_1152 = arith.cmpi ne, %convert_element_type3A_1150, %cond3A_1151 : i32
        scf.if %cond3A_1152 {
          %add3A_1175 = arith.constant 1 : i32
          %add3A_1176 = arith.addi %add3A_1134, %add3A_1175 : i32
          %dma_start3A_1177 = arith.constant 0 : i32
          %dma_start3A_1178 = arith.constant 0 : i32
          %dma_start3A_1179 = arith.constant 0 : i32
          %dma_start3A_1180 = tpu.memref_slice %arg8[%dma_start3A_1177, %dma_start3A_1178, %dma_start3A_1179] : memref<2x128x128xf32, #tpu.memory_space<vmem>> -> memref<1x128x128xf32, #tpu.memory_space<vmem>>
          %dma_start3A_1181 = tpu.memref_squeeze %dma_start3A_1180 : memref<1x128x128xf32, #tpu.memory_space<vmem>> -> memref<128x128xf32, #tpu.memory_space<vmem>>
          %dma_start3A_1182 = arith.constant 0 : i32
          %dma_start3A_1183 = tpu.memref_slice %arg6[%add3A_1176, %dma_start3A_1182] : memref<40x128xi32, #tpu.memory_space<vmem>> -> memref<1x128xi32, #tpu.memory_space<vmem>>
          %dma_start3A_1184 = tpu.memref_squeeze %dma_start3A_1183 : memref<1x128xi32, #tpu.memory_space<vmem>> -> memref<128xi32, #tpu.memory_space<vmem>>
          %dma_start3A_1185 = arith.constant 0 : i32
          %dma_start3A_1186 = arith.constant 0 : i32
          %dma_start3A_1187 = tpu.memref_slice %arg4[%dma_start3A_1185, %dma_start3A_1186] : memref<10000x128xf32, #tpu.memory_space<hbm>> -> memref<10000x128xf32, #tpu.memory_space<hbm>>
          tpu.enqueue_indirect_dma source(%dma_start3A_1187 : memref<10000x128xf32, #tpu.memory_space<hbm>>) target(%dma_start3A_1181 : memref<128x128xf32, #tpu.memory_space<vmem>>) offsets(%dma_start3A_1184 : memref<128xi32, #tpu.memory_space<vmem>>) semaphore(%arg10 : memref<!tpu.dma_semaphore, #tpu.memory_space<semaphore_mem>>)
        } else {
        }
        %dma_wait3A_1153 = arith.constant 1 : i32
        %dma_wait3A_1154 = arith.constant 0 : i32
        %dma_wait3A_1155 = arith.constant 0 : i32
        %dma_wait3A_1156 = tpu.memref_slice %arg8[%dma_wait3A_1153, %dma_wait3A_1154, %dma_wait3A_1155] : memref<2x128x128xf32, #tpu.memory_space<vmem>> -> memref<1x128x128xf32, #tpu.memory_space<vmem>>
        %dma_wait3A_1157 = tpu.memref_squeeze %dma_wait3A_1156 : memref<1x128x128xf32, #tpu.memory_space<vmem>> -> memref<128x128xf32, #tpu.memory_space<vmem>>
        %dma_wait3A_1158 = arith.constant 0 : i32
        %dma_wait3A_1159 = tpu.memref_slice %arg6[%add3A_1134, %dma_wait3A_1158] : memref<40x128xi32, #tpu.memory_space<vmem>> -> memref<1x128xi32, #tpu.memory_space<vmem>>
        %dma_wait3A_1160 = tpu.memref_squeeze %dma_wait3A_1159 : memref<1x128xi32, #tpu.memory_space<vmem>> -> memref<128xi32, #tpu.memory_space<vmem>>
        %dma_wait3A_1161 = arith.constant 0 : i32
        %dma_wait3A_1162 = arith.constant 0 : i32
        %dma_wait3A_1163 = tpu.memref_slice %arg4[%dma_wait3A_1161, %dma_wait3A_1162] : memref<10000x128xf32, #tpu.memory_space<hbm>> -> memref<10000x128xf32, #tpu.memory_space<hbm>>
        tpu.wait_indirect_dma semaphore(%arg11 : memref<!tpu.dma_semaphore, #tpu.memory_space<semaphore_mem>>) src(%dma_wait3A_1163 : memref<10000x128xf32, #tpu.memory_space<hbm>>) dst(%dma_wait3A_1157 : memref<128x128xf32, #tpu.memory_space<vmem>>)
        %dma_start3A_1164 = arith.constant 1 : i32
        %dma_start3A_1165 = arith.constant 0 : i32
        %dma_start3A_1166 = arith.constant 0 : i32
        %dma_start3A_1167 = tpu.memref_slice %arg8[%dma_start3A_1164, %dma_start3A_1165, %dma_start3A_1166] : memref<2x128x128xf32, #tpu.memory_space<vmem>> -> memref<1x128x128xf32, #tpu.memory_space<vmem>>
        %dma_start3A_1168 = tpu.memref_squeeze %dma_start3A_1167 : memref<1x128x128xf32, #tpu.memory_space<vmem>> -> memref<128x128xf32, #tpu.memory_space<vmem>>
        %dma_start3A_1169 = arith.constant 0 : i32
        %dma_start3A_1170 = tpu.memref_slice %arg7[%add3A_1134, %dma_start3A_1169] : memref<40x128xi32, #tpu.memory_space<vmem>> -> memref<1x128xi32, #tpu.memory_space<vmem>>
        %dma_start3A_1171 = tpu.memref_squeeze %dma_start3A_1170 : memref<1x128xi32, #tpu.memory_space<vmem>> -> memref<128xi32, #tpu.memory_space<vmem>>
        %dma_start3A_1172 = arith.constant 0 : i32
        %dma_start3A_1173 = arith.constant 0 : i32
        %dma_start3A_1174 = tpu.memref_slice %arg9[%dma_start3A_1172, %dma_start3A_1173] : memref<10240x128xf32, #tpu.memory_space<vmem_shared>> -> memref<10240x128xf32, #tpu.memory_space<vmem_shared>>
        tpu.enqueue_indirect_dma source(%dma_start3A_1168 : memref<128x128xf32, #tpu.memory_space<vmem>>) target(%dma_start3A_1174 : memref<10240x128xf32, #tpu.memory_space<vmem_shared>>) offsets(%dma_start3A_1171 : memref<128xi32, #tpu.memory_space<vmem>>) semaphore(%arg13 : memref<!tpu.dma_semaphore, #tpu.memory_space<semaphore_mem>>) {add = true}
      } else {
      }
    }
    %scan3A_1112 = arith.constant 40 : i32
    %dma_wait3A_1113 = arith.constant 1 : i32
    %dma_wait3A_1114 = arith.constant 39 : i32
    %dma_wait3A_1115 = arith.constant 0 : i32
    %dma_wait3A_1116 = arith.constant 0 : i32
    %dma_wait3A_1117 = tpu.memref_slice %arg8[%dma_wait3A_1113, %dma_wait3A_1115, %dma_wait3A_1116] : memref<2x128x128xf32, #tpu.memory_space<vmem>> -> memref<1x128x128xf32, #tpu.memory_space<vmem>>
    %dma_wait3A_1118 = tpu.memref_squeeze %dma_wait3A_1117 : memref<1x128x128xf32, #tpu.memory_space<vmem>> -> memref<128x128xf32, #tpu.memory_space<vmem>>
    %dma_wait3A_1119 = arith.constant 0 : i32
    %dma_wait3A_1120 = tpu.memref_slice %arg7[%dma_wait3A_1114, %dma_wait3A_1119] : memref<40x128xi32, #tpu.memory_space<vmem>> -> memref<1x128xi32, #tpu.memory_space<vmem>>
    %dma_wait3A_1121 = tpu.memref_squeeze %dma_wait3A_1120 : memref<1x128xi32, #tpu.memory_space<vmem>> -> memref<128xi32, #tpu.memory_space<vmem>>
    %dma_wait3A_1122 = arith.constant 0 : i32
    %dma_wait3A_1123 = arith.constant 0 : i32
    %dma_wait3A_1124 = tpu.memref_slice %arg9[%dma_wait3A_1122, %dma_wait3A_1123] : memref<10240x128xf32, #tpu.memory_space<vmem_shared>> -> memref<10240x128xf32, #tpu.memory_space<vmem_shared>>
    tpu.wait_indirect_dma semaphore(%arg13 : memref<!tpu.dma_semaphore, #tpu.memory_space<semaphore_mem>>) src(%dma_wait3A_1118 : memref<128x128xf32, #tpu.memory_space<vmem>>) dst(%dma_wait3A_1124 : memref<10240x128xf32, #tpu.memory_space<vmem_shared>>)
    %barrier3A_1125 = arith.constant 0 : index
    tpu.barrier barrier_id(%barrier3A_1125)
    %mul3A_1126 = arith.constant 640 : i32
    %mul3A_1127 = arith.muli %arg1, %mul3A_1126 : i32
    %mul3A_1128 = arith.constant 640 : i32
    %mul3A_1129 = arith.muli %arg1, %mul3A_1128 : i32
    "tpu.region"() ({
      %run_scoped3A = tpu.sem_alloc : memref<!tpu.dma_semaphore, #tpu.memory_space<semaphore_mem>>
      %dma_start3A_1130 = arith.constant 0 : i32
      %dma_start3A_1131 = tpu.memref_slice %arg5[%arg0, %mul3A_1129, %dma_start3A_1130] : memref<2x10240x128xf32, #tpu.memory_space<hbm>> -> memref<1x640x128xf32, #tpu.memory_space<hbm>>
      %dma_start3A_1132 = tpu.memref_squeeze %dma_start3A_1131 : memref<1x640x128xf32, #tpu.memory_space<hbm>> -> memref<640x128xf32, #tpu.memory_space<hbm>>
      %dma_start3A_1133 = arith.constant 0 : i32
      %dma_start3A_1134 = tpu.memref_slice %arg9[%mul3A_1127, %dma_start3A_1133] : memref<10240x128xf32, #tpu.memory_space<vmem_shared>> -> memref<640x128xf32, #tpu.memory_space<vmem_shared>>
      tpu.enqueue_dma source(%dma_start3A_1134 : memref<640x128xf32, #tpu.memory_space<vmem_shared>>) target(%dma_start3A_1132 : memref<640x128xf32, #tpu.memory_space<hbm>>) target_semaphore(%run_scoped3A : memref<!tpu.dma_semaphore, #tpu.memory_space<semaphore_mem>>)
      %dma_wait3A_1135 = arith.constant 0 : i32
      %dma_wait3A_1136 = tpu.memref_slice %arg5[%arg0, %mul3A_1129, %dma_wait3A_1135] : memref<2x10240x128xf32, #tpu.memory_space<hbm>> -> memref<1x640x128xf32, #tpu.memory_space<hbm>>
      %dma_wait3A_1137 = tpu.memref_squeeze %dma_wait3A_1136 : memref<1x640x128xf32, #tpu.memory_space<hbm>> -> memref<640x128xf32, #tpu.memory_space<hbm>>
      %dma_wait3A_1138 = arith.constant 0 : i32
      %dma_wait3A_1139 = tpu.memref_slice %arg9[%mul3A_1127, %dma_wait3A_1138] : memref<10240x128xf32, #tpu.memory_space<vmem_shared>> -> memref<640x128xf32, #tpu.memory_space<vmem_shared>>
      tpu.wait_dma2 semaphore(%run_scoped3A : memref<!tpu.dma_semaphore, #tpu.memory_space<semaphore_mem>>) src(%dma_wait3A_1139 : memref<640x128xf32, #tpu.memory_space<vmem_shared>>) dst(%dma_wait3A_1137 : memref<640x128xf32, #tpu.memory_space<hbm>>)
      tpu.yield
    }) : () -> ()
    return
  }
}

#map = affine_map<(d0, d1) -> (0, 0)>
#map1 = affine_map<(d0, d1) -> (0)>
#map2 = affine_map<(d0, d1) -> (0, 0, 0)>
module attributes {stable_mosaic.version = 14 : i64} {
  func.func @deg_kernel(%arg0: i32, %arg1: i32, %arg2: memref<2560x128xi32, #tpu.memory_space<hbm>>, %arg3: memref<2560x128xi32, #tpu.memory_space<hbm>>, %arg4: memref<128xf32, #tpu.memory_space<hbm>>, %arg5: memref<2x2x10240xf32, #tpu.memory_space<hbm>>, %arg6: memref<160x128xi32, #tpu.memory_space<vmem>>, %arg7: memref<128xf32, #tpu.memory_space<vmem>>, %arg8: memref<128xf32, #tpu.memory_space<vmem>>, %arg9: memref<10240xf32, #tpu.memory_space<vmem_shared>>, %arg10: memref<10240xf32, #tpu.memory_space<vmem_shared>>, %arg11: memref<!tpu.dma_semaphore, #tpu.memory_space<semaphore_mem>>) attributes {dimension_semantics = [#tpu.dimension_semantics<core_parallel>, #tpu.dimension_semantics<subcore_parallel>], iteration_bounds = array<i64: 2, 16>, scalar_prefetch = 0 : i64, scratch_operands = 6 : i64, tpu.core_type = #tpu.core_type<sc_vector_subcore>, window_params = [{transform_indices = #map}, {transform_indices = #map}, {transform_indices = #map1}, {transform_indices = #map2}]} {
    %mul3A = arith.constant 16 : i32
    %mul3A_0 = arith.muli %arg0, %mul3A : i32
    %add3A = arith.addi %mul3A_0, %arg1 : i32
    %mul3A_1 = arith.constant 80 : i32
    %mul3A_2 = arith.muli %add3A, %mul3A_1 : i32
    %dma_start3A = arith.constant 0 : i32
    %dma_start3A_3 = arith.constant 0 : i32
    %dma_start3A_4 = tpu.memref_slice %arg6[%dma_start3A, %dma_start3A_3] : memref<160x128xi32, #tpu.memory_space<vmem>> -> memref<80x128xi32, #tpu.memory_space<vmem>>
    %dma_start3A_5 = arith.constant 0 : i32
    %dma_start3A_6 = tpu.memref_slice %arg2[%mul3A_2, %dma_start3A_5] : memref<2560x128xi32, #tpu.memory_space<hbm>> -> memref<80x128xi32, #tpu.memory_space<hbm>>
    %dma_start3A_7 = arith.constant 0 : i32
    %dma_start3A_8 = arith.constant 0 : i32
    %dma_start3A_9 = tpu.memref_slice %arg6[%dma_start3A_7, %dma_start3A_8] : memref<160x128xi32, #tpu.memory_space<vmem>> -> memref<80x128xi32, #tpu.memory_space<vmem>>
    %dma_start3A_10 = arith.constant 0 : i32
    %dma_start3A_11 = tpu.memref_slice %arg2[%mul3A_2, %dma_start3A_10] : memref<2560x128xi32, #tpu.memory_space<hbm>> -> memref<80x128xi32, #tpu.memory_space<hbm>>
    tpu.enqueue_dma source(%dma_start3A_11 : memref<80x128xi32, #tpu.memory_space<hbm>>) target(%dma_start3A_9 : memref<80x128xi32, #tpu.memory_space<vmem>>) target_semaphore(%arg11 : memref<!tpu.dma_semaphore, #tpu.memory_space<semaphore_mem>>)
    %mul3A_12 = arith.constant 80 : i32
    %mul3A_13 = arith.muli %add3A, %mul3A_12 : i32
    %dma_start3A_14 = arith.constant 80 : i32
    %dma_start3A_15 = arith.constant 0 : i32
    %dma_start3A_16 = tpu.memref_slice %arg6[%dma_start3A_14, %dma_start3A_15] : memref<160x128xi32, #tpu.memory_space<vmem>> -> memref<80x128xi32, #tpu.memory_space<vmem>>
    %dma_start3A_17 = arith.constant 0 : i32
    %dma_start3A_18 = tpu.memref_slice %arg3[%mul3A_13, %dma_start3A_17] : memref<2560x128xi32, #tpu.memory_space<hbm>> -> memref<80x128xi32, #tpu.memory_space<hbm>>
    %dma_start3A_19 = arith.constant 80 : i32
    %dma_start3A_20 = arith.constant 0 : i32
    %dma_start3A_21 = tpu.memref_slice %arg6[%dma_start3A_19, %dma_start3A_20] : memref<160x128xi32, #tpu.memory_space<vmem>> -> memref<80x128xi32, #tpu.memory_space<vmem>>
    %dma_start3A_22 = arith.constant 0 : i32
    %dma_start3A_23 = tpu.memref_slice %arg3[%mul3A_13, %dma_start3A_22] : memref<2560x128xi32, #tpu.memory_space<hbm>> -> memref<80x128xi32, #tpu.memory_space<hbm>>
    tpu.enqueue_dma source(%dma_start3A_23 : memref<80x128xi32, #tpu.memory_space<hbm>>) target(%dma_start3A_21 : memref<80x128xi32, #tpu.memory_space<vmem>>) target_semaphore(%arg11 : memref<!tpu.dma_semaphore, #tpu.memory_space<semaphore_mem>>)
    %broadcast_in_dim3A = arith.constant 0.000000e+00 : f32
    %broadcast_in_dim3A_24 = vector.broadcast %broadcast_in_dim3A : f32 to vector<16xf32>
    %swap3A = arith.constant 0 : index
    %swap3A_25 = tpu.vector_load %arg8[%swap3A] {strides = array<i32>} : memref<128xf32, #tpu.memory_space<vmem>>, vector<16xf32>,
    %swap3A_26 = vector.shape_cast %swap3A_25 : vector<16xf32> to vector<16xf32>
    %swap3A_27 = vector.shape_cast %broadcast_in_dim3A_24 : vector<16xf32> to vector<16xf32>
    tpu.vector_store %arg8[%swap3A], %swap3A_27 {strides = array<i32>} : memref<128xf32, #tpu.memory_space<vmem>>, vector<16xf32>,
    %swap3A_28 = arith.constant 16 : index
    %swap3A_29 = tpu.vector_load %arg8[%swap3A_28] {strides = array<i32>} : memref<128xf32, #tpu.memory_space<vmem>>, vector<16xf32>,
    %swap3A_30 = vector.shape_cast %swap3A_29 : vector<16xf32> to vector<16xf32>
    %swap3A_31 = vector.shape_cast %broadcast_in_dim3A_24 : vector<16xf32> to vector<16xf32>
    tpu.vector_store %arg8[%swap3A_28], %swap3A_31 {strides = array<i32>} : memref<128xf32, #tpu.memory_space<vmem>>, vector<16xf32>,
    %swap3A_32 = arith.constant 32 : index
    %swap3A_33 = tpu.vector_load %arg8[%swap3A_32] {strides = array<i32>} : memref<128xf32, #tpu.memory_space<vmem>>, vector<16xf32>,
    %swap3A_34 = vector.shape_cast %swap3A_33 : vector<16xf32> to vector<16xf32>
    %swap3A_35 = vector.shape_cast %broadcast_in_dim3A_24 : vector<16xf32> to vector<16xf32>
    tpu.vector_store %arg8[%swap3A_32], %swap3A_35 {strides = array<i32>} : memref<128xf32, #tpu.memory_space<vmem>>, vector<16xf32>,
    %swap3A_36 = arith.constant 48 : index
    %swap3A_37 = tpu.vector_load %arg8[%swap3A_36] {strides = array<i32>} : memref<128xf32, #tpu.memory_space<vmem>>, vector<16xf32>,
    %swap3A_38 = vector.shape_cast %swap3A_37 : vector<16xf32> to vector<16xf32>
    %swap3A_39 = vector.shape_cast %broadcast_in_dim3A_24 : vector<16xf32> to vector<16xf32>
    tpu.vector_store %arg8[%swap3A_36], %swap3A_39 {strides = array<i32>} : memref<128xf32, #tpu.memory_space<vmem>>, vector<16xf32>,
    %swap3A_40 = arith.constant 64 : index
    %swap3A_41 = tpu.vector_load %arg8[%swap3A_40] {strides = array<i32>} : memref<128xf32, #tpu.memory_space<vmem>>, vector<16xf32>,
    %swap3A_42 = vector.shape_cast %swap3A_41 : vector<16xf32> to vector<16xf32>
    %swap3A_43 = vector.shape_cast %broadcast_in_dim3A_24 : vector<16xf32> to vector<16xf32>
    tpu.vector_store %arg8[%swap3A_40], %swap3A_43 {strides = array<i32>} : memref<128xf32, #tpu.memory_space<vmem>>, vector<16xf32>,
    %swap3A_44 = arith.constant 80 : index
    %swap3A_45 = tpu.vector_load %arg8[%swap3A_44] {strides = array<i32>} : memref<128xf32, #tpu.memory_space<vmem>>, vector<16xf32>,
    %swap3A_46 = vector.shape_cast %swap3A_45 : vector<16xf32> to vector<16xf32>
    %swap3A_47 = vector.shape_cast %broadcast_in_dim3A_24 : vector<16xf32> to vector<16xf32>
    tpu.vector_store %arg8[%swap3A_44], %swap3A_47 {strides = array<i32>} : memref<128xf32, #tpu.memory_space<vmem>>, vector<16xf32>,
    %swap3A_48 = arith.constant 96 : index
    %swap3A_49 = tpu.vector_load %arg8[%swap3A_48] {strides = array<i32>} : memref<128xf32, #tpu.memory_space<vmem>>, vector<16xf32>,
    %swap3A_50 = vector.shape_cast %swap3A_49 : vector<16xf32> to vector<16xf32>
    %swap3A_51 = vector.shape_cast %broadcast_in_dim3A_24 : vector<16xf32> to vector<16xf32>
    tpu.vector_store %arg8[%swap3A_48], %swap3A_51 {strides = array<i32>} : memref<128xf32, #tpu.memory_space<vmem>>, vector<16xf32>,
    %swap3A_52 = arith.constant 112 : index
    %swap3A_53 = tpu.vector_load %arg8[%swap3A_52] {strides = array<i32>} : memref<128xf32, #tpu.memory_space<vmem>>, vector<16xf32>,
    %swap3A_54 = vector.shape_cast %swap3A_53 : vector<16xf32> to vector<16xf32>
    %swap3A_55 = vector.shape_cast %broadcast_in_dim3A_24 : vector<16xf32> to vector<16xf32>
    tpu.vector_store %arg8[%swap3A_52], %swap3A_55 {strides = array<i32>} : memref<128xf32, #tpu.memory_space<vmem>>, vector<16xf32>,
    %scan3A = arith.constant 0 : i32
    %scan3A_56 = arith.constant 5 : i32
    %scan3A_57 = arith.addi %scan3A, %scan3A_56 : i32
    %scan3A_58 = arith.constant 1 : i32
    scf.for %scan3A_118 = %scan3A to %scan3A_57 step %scan3A_58  : i32 {
      %mul3A_119 = arith.constant 1 : i32
      %mul3A_120 = arith.muli %scan3A_118, %mul3A_119 : i32
      %add3A_121 = arith.constant 0 : i32
      %add3A_122 = arith.addi %add3A_121, %mul3A_120 : i32
      %mul3A_123 = arith.constant 640 : i32
      %mul3A_124 = arith.muli %arg1, %mul3A_123 : i32
      %mul3A_125 = arith.constant 128 : i32
      %mul3A_126 = arith.muli %add3A_122, %mul3A_125 : i32
      %add3A_127 = arith.addi %mul3A_124, %mul3A_126 : i32
      "tpu.region"() ({
        %run_scoped3A_128 = tpu.sem_alloc : memref<!tpu.dma_semaphore, #tpu.memory_space<semaphore_mem>>
        %dma_start3A_129 = tpu.memref_slice %arg9[%add3A_127] : memref<10240xf32, #tpu.memory_space<vmem_shared>> -> memref<128xf32, #tpu.memory_space<vmem_shared>>
        %dma_start3A_130 = tpu.memref_slice %arg9[%add3A_127] : memref<10240xf32, #tpu.memory_space<vmem_shared>> -> memref<128xf32, #tpu.memory_space<vmem_shared>>
        tpu.enqueue_dma source(%arg8 : memref<128xf32, #tpu.memory_space<vmem>>) target(%dma_start3A_130 : memref<128xf32, #tpu.memory_space<vmem_shared>>) target_semaphore(%run_scoped3A_128 : memref<!tpu.dma_semaphore, #tpu.memory_space<semaphore_mem>>)
        %dma_wait3A_131 = tpu.memref_slice %arg9[%add3A_127] : memref<10240xf32, #tpu.memory_space<vmem_shared>> -> memref<128xf32, #tpu.memory_space<vmem_shared>>
        %dma_wait3A_132 = tpu.memref_slice %arg9[%add3A_127] : memref<10240xf32, #tpu.memory_space<vmem_shared>> -> memref<128xf32, #tpu.memory_space<vmem_shared>>
        tpu.wait_dma2 semaphore(%run_scoped3A_128 : memref<!tpu.dma_semaphore, #tpu.memory_space<semaphore_mem>>) src(%arg8 : memref<128xf32, #tpu.memory_space<vmem>>) dst(%dma_wait3A_132 : memref<128xf32, #tpu.memory_space<vmem_shared>>)
        tpu.yield
      }) : () -> ()
    }
    %scan3A_59 = arith.constant 5 : i32
    %scan3A_60 = arith.constant 0 : i32
    %scan3A_61 = arith.constant 5 : i32
    %scan3A_62 = arith.addi %scan3A_60, %scan3A_61 : i32
    %scan3A_63 = arith.constant 1 : i32
    scf.for %scan3A_118 = %scan3A_60 to %scan3A_62 step %scan3A_63  : i32 {
      %mul3A_119 = arith.constant 1 : i32
      %mul3A_120 = arith.muli %scan3A_118, %mul3A_119 : i32
      %add3A_121 = arith.constant 0 : i32
      %add3A_122 = arith.addi %add3A_121, %mul3A_120 : i32
      %mul3A_123 = arith.constant 640 : i32
      %mul3A_124 = arith.muli %arg1, %mul3A_123 : i32
      %mul3A_125 = arith.constant 128 : i32
      %mul3A_126 = arith.muli %add3A_122, %mul3A_125 : i32
      %add3A_127 = arith.addi %mul3A_124, %mul3A_126 : i32
      "tpu.region"() ({
        %run_scoped3A_128 = tpu.sem_alloc : memref<!tpu.dma_semaphore, #tpu.memory_space<semaphore_mem>>
        %dma_start3A_129 = tpu.memref_slice %arg10[%add3A_127] : memref<10240xf32, #tpu.memory_space<vmem_shared>> -> memref<128xf32, #tpu.memory_space<vmem_shared>>
        %dma_start3A_130 = tpu.memref_slice %arg10[%add3A_127] : memref<10240xf32, #tpu.memory_space<vmem_shared>> -> memref<128xf32, #tpu.memory_space<vmem_shared>>
        tpu.enqueue_dma source(%arg8 : memref<128xf32, #tpu.memory_space<vmem>>) target(%dma_start3A_130 : memref<128xf32, #tpu.memory_space<vmem_shared>>) target_semaphore(%run_scoped3A_128 : memref<!tpu.dma_semaphore, #tpu.memory_space<semaphore_mem>>)
        %dma_wait3A_131 = tpu.memref_slice %arg10[%add3A_127] : memref<10240xf32, #tpu.memory_space<vmem_shared>> -> memref<128xf32, #tpu.memory_space<vmem_shared>>
        %dma_wait3A_132 = tpu.memref_slice %arg10[%add3A_127] : memref<10240xf32, #tpu.memory_space<vmem_shared>> -> memref<128xf32, #tpu.memory_space<vmem_shared>>
        tpu.wait_dma2 semaphore(%run_scoped3A_128 : memref<!tpu.dma_semaphore, #tpu.memory_space<semaphore_mem>>) src(%arg8 : memref<128xf32, #tpu.memory_space<vmem>>) dst(%dma_wait3A_132 : memref<128xf32, #tpu.memory_space<vmem_shared>>)
        tpu.yield
      }) : () -> ()
    }
    %scan3A_64 = arith.constant 5 : i32
    "tpu.region"() ({
      %run_scoped3A_118 = tpu.sem_alloc : memref<!tpu.dma_semaphore, #tpu.memory_space<semaphore_mem>>
      tpu.enqueue_dma source(%arg4 : memref<128xf32, #tpu.memory_space<hbm>>) target(%arg7 : memref<128xf32, #tpu.memory_space<vmem>>) target_semaphore(%run_scoped3A_118 : memref<!tpu.dma_semaphore, #tpu.memory_space<semaphore_mem>>)
      tpu.wait_dma2 semaphore(%run_scoped3A_118 : memref<!tpu.dma_semaphore, #tpu.memory_space<semaphore_mem>>) src(%arg4 : memref<128xf32, #tpu.memory_space<hbm>>) dst(%arg7 : memref<128xf32, #tpu.memory_space<vmem>>)
      tpu.yield
    }) : () -> ()
    %dma_wait3A = arith.constant 0 : i32
    %dma_wait3A_65 = arith.constant 0 : i32
    %dma_wait3A_66 = tpu.memref_slice %arg6[%dma_wait3A, %dma_wait3A_65] : memref<160x128xi32, #tpu.memory_space<vmem>> -> memref<80x128xi32, #tpu.memory_space<vmem>>
    %dma_wait3A_67 = arith.constant 0 : i32
    %dma_wait3A_68 = arith.constant 0 : i32
    %dma_wait3A_69 = tpu.memref_slice %arg2[%dma_wait3A_67, %dma_wait3A_68] : memref<2560x128xi32, #tpu.memory_space<hbm>> -> memref<80x128xi32, #tpu.memory_space<hbm>>
    %dma_wait3A_70 = arith.constant 0 : i32
    %dma_wait3A_71 = arith.constant 0 : i32
    %dma_wait3A_72 = tpu.memref_slice %arg6[%dma_wait3A_70, %dma_wait3A_71] : memref<160x128xi32, #tpu.memory_space<vmem>> -> memref<80x128xi32, #tpu.memory_space<vmem>>
    %dma_wait3A_73 = arith.constant 0 : i32
    %dma_wait3A_74 = arith.constant 0 : i32
    %dma_wait3A_75 = tpu.memref_slice %arg2[%dma_wait3A_73, %dma_wait3A_74] : memref<2560x128xi32, #tpu.memory_space<hbm>> -> memref<80x128xi32, #tpu.memory_space<hbm>>
    tpu.wait_dma2 semaphore(%arg11 : memref<!tpu.dma_semaphore, #tpu.memory_space<semaphore_mem>>) src(%dma_wait3A_75 : memref<80x128xi32, #tpu.memory_space<hbm>>) dst(%dma_wait3A_72 : memref<80x128xi32, #tpu.memory_space<vmem>>)
    %dma_wait3A_76 = arith.constant 0 : i32
    %dma_wait3A_77 = arith.constant 0 : i32
    %dma_wait3A_78 = tpu.memref_slice %arg6[%dma_wait3A_76, %dma_wait3A_77] : memref<160x128xi32, #tpu.memory_space<vmem>> -> memref<80x128xi32, #tpu.memory_space<vmem>>
    %dma_wait3A_79 = arith.constant 0 : i32
    %dma_wait3A_80 = arith.constant 0 : i32
    %dma_wait3A_81 = tpu.memref_slice %arg2[%dma_wait3A_79, %dma_wait3A_80] : memref<2560x128xi32, #tpu.memory_space<hbm>> -> memref<80x128xi32, #tpu.memory_space<hbm>>
    %dma_wait3A_82 = arith.constant 0 : i32
    %dma_wait3A_83 = arith.constant 0 : i32
    %dma_wait3A_84 = tpu.memref_slice %arg6[%dma_wait3A_82, %dma_wait3A_83] : memref<160x128xi32, #tpu.memory_space<vmem>> -> memref<80x128xi32, #tpu.memory_space<vmem>>
    %dma_wait3A_85 = arith.constant 0 : i32
    %dma_wait3A_86 = arith.constant 0 : i32
    %dma_wait3A_87 = tpu.memref_slice %arg2[%dma_wait3A_85, %dma_wait3A_86] : memref<2560x128xi32, #tpu.memory_space<hbm>> -> memref<80x128xi32, #tpu.memory_space<hbm>>
    tpu.wait_dma2 semaphore(%arg11 : memref<!tpu.dma_semaphore, #tpu.memory_space<semaphore_mem>>) src(%dma_wait3A_87 : memref<80x128xi32, #tpu.memory_space<hbm>>) dst(%dma_wait3A_84 : memref<80x128xi32, #tpu.memory_space<vmem>>)
    %barrier3A = arith.constant 0 : index
    tpu.barrier barrier_id(%barrier3A)
    %scan3A_88 = arith.constant 0 : i32
    %scan3A_89 = arith.constant 80 : i32
    %scan3A_90 = arith.addi %scan3A_88, %scan3A_89 : i32
    %scan3A_91 = arith.constant 1 : i32
    scf.for %scan3A_118 = %scan3A_88 to %scan3A_90 step %scan3A_91  : i32 {
      %mul3A_119 = arith.constant 1 : i32
      %mul3A_120 = arith.muli %scan3A_118, %mul3A_119 : i32
      %add3A_121 = arith.constant 0 : i32
      %add3A_122 = arith.addi %add3A_121, %mul3A_120 : i32
      %add3A_123 = arith.constant 0 : i32
      %add3A_124 = arith.addi %add3A_123, %add3A_122 : i32
      %dma_start3A_125 = arith.constant 0 : i32
      %dma_start3A_126 = tpu.memref_slice %arg6[%add3A_124, %dma_start3A_125] : memref<160x128xi32, #tpu.memory_space<vmem>> -> memref<1x128xi32, #tpu.memory_space<vmem>>
      %dma_start3A_127 = tpu.memref_squeeze %dma_start3A_126 : memref<1x128xi32, #tpu.memory_space<vmem>> -> memref<128xi32, #tpu.memory_space<vmem>>
      %dma_start3A_128 = arith.constant 0 : i32
      %dma_start3A_129 = tpu.memref_slice %arg9[%dma_start3A_128] : memref<10240xf32, #tpu.memory_space<vmem_shared>> -> memref<10240xf32, #tpu.memory_space<vmem_shared>>
      tpu.enqueue_indirect_dma source(%arg7 : memref<128xf32, #tpu.memory_space<vmem>>) target(%dma_start3A_129 : memref<10240xf32, #tpu.memory_space<vmem_shared>>) offsets(%dma_start3A_127 : memref<128xi32, #tpu.memory_space<vmem>>) semaphore(%arg11 : memref<!tpu.dma_semaphore, #tpu.memory_space<semaphore_mem>>) {add = true}
      %ge3A = arith.constant 16 : i32
      %ge3A_130 = arith.cmpi sge, %add3A_122, %ge3A : i32
      %convert_element_type3A = arith.extui %ge3A_130 : i1 to i32
      %cond3A = arith.constant 0 : i32
      %cond3A_131 = arith.cmpi ne, %convert_element_type3A, %cond3A : i32
      scf.if %cond3A_131 {
        %dma_wait3A_132 = arith.constant 0 : i32
        %dma_wait3A_133 = arith.constant 0 : i32
        %dma_wait3A_134 = tpu.memref_slice %arg6[%dma_wait3A_132, %dma_wait3A_133] : memref<160x128xi32, #tpu.memory_space<vmem>> -> memref<1x128xi32, #tpu.memory_space<vmem>>
        %dma_wait3A_135 = tpu.memref_squeeze %dma_wait3A_134 : memref<1x128xi32, #tpu.memory_space<vmem>> -> memref<128xi32, #tpu.memory_space<vmem>>
        %dma_wait3A_136 = arith.constant 0 : i32
        %dma_wait3A_137 = tpu.memref_slice %arg9[%dma_wait3A_136] : memref<10240xf32, #tpu.memory_space<vmem_shared>> -> memref<10240xf32, #tpu.memory_space<vmem_shared>>
        tpu.wait_indirect_dma semaphore(%arg11 : memref<!tpu.dma_semaphore, #tpu.memory_space<semaphore_mem>>) src(%arg7 : memref<128xf32, #tpu.memory_space<vmem>>) dst(%dma_wait3A_137 : memref<10240xf32, #tpu.memory_space<vmem_shared>>)
      } else {
      }
    }
    %scan3A_92 = arith.constant 80 : i32
    %scan3A_93 = arith.constant 0 : i32
    %scan3A_94 = arith.constant 16 : i32
    %scan3A_95 = arith.addi %scan3A_93, %scan3A_94 : i32
    %scan3A_96 = arith.constant 1 : i32
    scf.for %scan3A_118 = %scan3A_93 to %scan3A_95 step %scan3A_96  : i32 {
      %mul3A_119 = arith.constant 1 : i32
      %mul3A_120 = arith.muli %scan3A_118, %mul3A_119 : i32
      %add3A_121 = arith.constant 0 : i32
      %add3A_122 = arith.addi %add3A_121, %mul3A_120 : i32
      %dma_wait3A_123 = arith.constant 0 : i32
      %dma_wait3A_124 = arith.constant 0 : i32
      %dma_wait3A_125 = tpu.memref_slice %arg6[%dma_wait3A_123, %dma_wait3A_124] : memref<160x128xi32, #tpu.memory_space<vmem>> -> memref<1x128xi32, #tpu.memory_space<vmem>>
      %dma_wait3A_126 = tpu.memref_squeeze %dma_wait3A_125 : memref<1x128xi32, #tpu.memory_space<vmem>> -> memref<128xi32, #tpu.memory_space<vmem>>
      %dma_wait3A_127 = arith.constant 0 : i32
      %dma_wait3A_128 = tpu.memref_slice %arg9[%dma_wait3A_127] : memref<10240xf32, #tpu.memory_space<vmem_shared>> -> memref<10240xf32, #tpu.memory_space<vmem_shared>>
      tpu.wait_indirect_dma semaphore(%arg11 : memref<!tpu.dma_semaphore, #tpu.memory_space<semaphore_mem>>) src(%arg7 : memref<128xf32, #tpu.memory_space<vmem>>) dst(%dma_wait3A_128 : memref<10240xf32, #tpu.memory_space<vmem_shared>>)
    }
    %scan3A_97 = arith.constant 16 : i32
    %scan3A_98 = arith.constant 0 : i32
    %scan3A_99 = arith.constant 80 : i32
    %scan3A_100 = arith.addi %scan3A_98, %scan3A_99 : i32
    %scan3A_101 = arith.constant 1 : i32
    scf.for %scan3A_118 = %scan3A_98 to %scan3A_100 step %scan3A_101  : i32 {
      %mul3A_119 = arith.constant 1 : i32
      %mul3A_120 = arith.muli %scan3A_118, %mul3A_119 : i32
      %add3A_121 = arith.constant 0 : i32
      %add3A_122 = arith.addi %add3A_121, %mul3A_120 : i32
      %add3A_123 = arith.constant 80 : i32
      %add3A_124 = arith.addi %add3A_123, %add3A_122 : i32
      %dma_start3A_125 = arith.constant 0 : i32
      %dma_start3A_126 = tpu.memref_slice %arg6[%add3A_124, %dma_start3A_125] : memref<160x128xi32, #tpu.memory_space<vmem>> -> memref<1x128xi32, #tpu.memory_space<vmem>>
      %dma_start3A_127 = tpu.memref_squeeze %dma_start3A_126 : memref<1x128xi32, #tpu.memory_space<vmem>> -> memref<128xi32, #tpu.memory_space<vmem>>
      %dma_start3A_128 = arith.constant 0 : i32
      %dma_start3A_129 = tpu.memref_slice %arg10[%dma_start3A_128] : memref<10240xf32, #tpu.memory_space<vmem_shared>> -> memref<10240xf32, #tpu.memory_space<vmem_shared>>
      tpu.enqueue_indirect_dma source(%arg7 : memref<128xf32, #tpu.memory_space<vmem>>) target(%dma_start3A_129 : memref<10240xf32, #tpu.memory_space<vmem_shared>>) offsets(%dma_start3A_127 : memref<128xi32, #tpu.memory_space<vmem>>) semaphore(%arg11 : memref<!tpu.dma_semaphore, #tpu.memory_space<semaphore_mem>>) {add = true}
      %ge3A = arith.constant 16 : i32
      %ge3A_130 = arith.cmpi sge, %add3A_122, %ge3A : i32
      %convert_element_type3A = arith.extui %ge3A_130 : i1 to i32
      %cond3A = arith.constant 0 : i32
      %cond3A_131 = arith.cmpi ne, %convert_element_type3A, %cond3A : i32
      scf.if %cond3A_131 {
        %dma_wait3A_132 = arith.constant 0 : i32
        %dma_wait3A_133 = arith.constant 0 : i32
        %dma_wait3A_134 = tpu.memref_slice %arg6[%dma_wait3A_132, %dma_wait3A_133] : memref<160x128xi32, #tpu.memory_space<vmem>> -> memref<1x128xi32, #tpu.memory_space<vmem>>
        %dma_wait3A_135 = tpu.memref_squeeze %dma_wait3A_134 : memref<1x128xi32, #tpu.memory_space<vmem>> -> memref<128xi32, #tpu.memory_space<vmem>>
        %dma_wait3A_136 = arith.constant 0 : i32
        %dma_wait3A_137 = tpu.memref_slice %arg10[%dma_wait3A_136] : memref<10240xf32, #tpu.memory_space<vmem_shared>> -> memref<10240xf32, #tpu.memory_space<vmem_shared>>
        tpu.wait_indirect_dma semaphore(%arg11 : memref<!tpu.dma_semaphore, #tpu.memory_space<semaphore_mem>>) src(%arg7 : memref<128xf32, #tpu.memory_space<vmem>>) dst(%dma_wait3A_137 : memref<10240xf32, #tpu.memory_space<vmem_shared>>)
      } else {
      }
    }
    %scan3A_102 = arith.constant 80 : i32
    %scan3A_103 = arith.constant 0 : i32
    %scan3A_104 = arith.constant 16 : i32
    %scan3A_105 = arith.addi %scan3A_103, %scan3A_104 : i32
    %scan3A_106 = arith.constant 1 : i32
    scf.for %scan3A_118 = %scan3A_103 to %scan3A_105 step %scan3A_106  : i32 {
      %mul3A_119 = arith.constant 1 : i32
      %mul3A_120 = arith.muli %scan3A_118, %mul3A_119 : i32
      %add3A_121 = arith.constant 0 : i32
      %add3A_122 = arith.addi %add3A_121, %mul3A_120 : i32
      %dma_wait3A_123 = arith.constant 0 : i32
      %dma_wait3A_124 = arith.constant 0 : i32
      %dma_wait3A_125 = tpu.memref_slice %arg6[%dma_wait3A_123, %dma_wait3A_124] : memref<160x128xi32, #tpu.memory_space<vmem>> -> memref<1x128xi32, #tpu.memory_space<vmem>>
      %dma_wait3A_126 = tpu.memref_squeeze %dma_wait3A_125 : memref<1x128xi32, #tpu.memory_space<vmem>> -> memref<128xi32, #tpu.memory_space<vmem>>
      %dma_wait3A_127 = arith.constant 0 : i32
      %dma_wait3A_128 = tpu.memref_slice %arg10[%dma_wait3A_127] : memref<10240xf32, #tpu.memory_space<vmem_shared>> -> memref<10240xf32, #tpu.memory_space<vmem_shared>>
      tpu.wait_indirect_dma semaphore(%arg11 : memref<!tpu.dma_semaphore, #tpu.memory_space<semaphore_mem>>) src(%arg7 : memref<128xf32, #tpu.memory_space<vmem>>) dst(%dma_wait3A_128 : memref<10240xf32, #tpu.memory_space<vmem_shared>>)
    }
    %scan3A_107 = arith.constant 16 : i32
    %barrier3A_108 = arith.constant 0 : index
    tpu.barrier barrier_id(%barrier3A_108)
    %mul3A_109 = arith.constant 640 : i32
    %mul3A_110 = arith.muli %arg1, %mul3A_109 : i32
    %mul3A_111 = arith.constant 640 : i32
    %mul3A_112 = arith.muli %arg1, %mul3A_111 : i32
    %run_scoped3A = arith.constant 0 : i32
    "tpu.region"() ({
      %run_scoped3A_118 = tpu.sem_alloc : memref<!tpu.dma_semaphore, #tpu.memory_space<semaphore_mem>>
      %dma_start3A_119 = tpu.memref_slice %arg5[%arg0, %run_scoped3A, %mul3A_112] : memref<2x2x10240xf32, #tpu.memory_space<hbm>> -> memref<1x1x640xf32, #tpu.memory_space<hbm>>
      %dma_start3A_120 = tpu.memref_squeeze %dma_start3A_119 : memref<1x1x640xf32, #tpu.memory_space<hbm>> -> memref<640xf32, #tpu.memory_space<hbm>>
      %dma_start3A_121 = tpu.memref_slice %arg9[%mul3A_110] : memref<10240xf32, #tpu.memory_space<vmem_shared>> -> memref<640xf32, #tpu.memory_space<vmem_shared>>
      tpu.enqueue_dma source(%dma_start3A_121 : memref<640xf32, #tpu.memory_space<vmem_shared>>) target(%dma_start3A_120 : memref<640xf32, #tpu.memory_space<hbm>>) target_semaphore(%run_scoped3A_118 : memref<!tpu.dma_semaphore, #tpu.memory_space<semaphore_mem>>)
      %dma_wait3A_122 = tpu.memref_slice %arg5[%arg0, %run_scoped3A, %mul3A_112] : memref<2x2x10240xf32, #tpu.memory_space<hbm>> -> memref<1x1x640xf32, #tpu.memory_space<hbm>>
      %dma_wait3A_123 = tpu.memref_squeeze %dma_wait3A_122 : memref<1x1x640xf32, #tpu.memory_space<hbm>> -> memref<640xf32, #tpu.memory_space<hbm>>
      %dma_wait3A_124 = tpu.memref_slice %arg9[%mul3A_110] : memref<10240xf32, #tpu.memory_space<vmem_shared>> -> memref<640xf32, #tpu.memory_space<vmem_shared>>
      tpu.wait_dma2 semaphore(%run_scoped3A_118 : memref<!tpu.dma_semaphore, #tpu.memory_space<semaphore_mem>>) src(%dma_wait3A_124 : memref<640xf32, #tpu.memory_space<vmem_shared>>) dst(%dma_wait3A_123 : memref<640xf32, #tpu.memory_space<hbm>>)
      tpu.yield
    }) : () -> ()
    %mul3A_113 = arith.constant 640 : i32
    %mul3A_114 = arith.muli %arg1, %mul3A_113 : i32
    %mul3A_115 = arith.constant 640 : i32
    %mul3A_116 = arith.muli %arg1, %mul3A_115 : i32
    %run_scoped3A_117 = arith.constant 1 : i32
    "tpu.region"() ({
      %run_scoped3A_118 = tpu.sem_alloc : memref<!tpu.dma_semaphore, #tpu.memory_space<semaphore_mem>>
      %dma_start3A_119 = tpu.memref_slice %arg5[%arg0, %run_scoped3A_117, %mul3A_116] : memref<2x2x10240xf32, #tpu.memory_space<hbm>> -> memref<1x1x640xf32, #tpu.memory_space<hbm>>
      %dma_start3A_120 = tpu.memref_squeeze %dma_start3A_119 : memref<1x1x640xf32, #tpu.memory_space<hbm>> -> memref<640xf32, #tpu.memory_space<hbm>>
      %dma_start3A_121 = tpu.memref_slice %arg10[%mul3A_114] : memref<10240xf32, #tpu.memory_space<vmem_shared>> -> memref<640xf32, #tpu.memory_space<vmem_shared>>
      tpu.enqueue_dma source(%dma_start3A_121 : memref<640xf32, #tpu.memory_space<vmem_shared>>) target(%dma_start3A_120 : memref<640xf32, #tpu.memory_space<hbm>>) target_semaphore(%run_scoped3A_118 : memref<!tpu.dma_semaphore, #tpu.memory_space<semaphore_mem>>)
      %dma_wait3A_122 = tpu.memref_slice %arg5[%arg0, %run_scoped3A_117, %mul3A_116] : memref<2x2x10240xf32, #tpu.memory_space<hbm>> -> memref<1x1x640xf32, #tpu.memory_space<hbm>>
      %dma_wait3A_123 = tpu.memref_squeeze %dma_wait3A_122 : memref<1x1x640xf32, #tpu.memory_space<hbm>> -> memref<640xf32, #tpu.memory_space<hbm>>
      %dma_wait3A_124 = tpu.memref_slice %arg10[%mul3A_114] : memref<10240xf32, #tpu.memory_space<vmem_shared>> -> memref<640xf32, #tpu.memory_space<vmem_shared>>
      tpu.wait_dma2 semaphore(%run_scoped3A_118 : memref<!tpu.dma_semaphore, #tpu.memory_space<semaphore_mem>>) src(%dma_wait3A_124 : memref<640xf32, #tpu.memory_space<vmem_shared>>) dst(%dma_wait3A_123 : memref<640xf32, #tpu.memory_space<hbm>>)
      tpu.yield
    }) : () -> ()
    return
  }
}

module attributes {stable_mosaic.version = 14 : i64} {
  func.func @body(%arg0: i32, %arg1: memref<2000x128xf32, #tpu.memory_space<vmem>>, %arg2: memref<128x128xf32, #tpu.memory_space<vmem>>, %arg3: memref<2000x1xf32, #tpu.memory_space<vmem>>, %arg4: memref<2000x1xf32, #tpu.memory_space<vmem>>, %arg5: memref<2000x128xf32, #tpu.memory_space<vmem>>) attributes {dimension_semantics = [#tpu.dimension_semantics<arbitrary>], iteration_bounds = array<i64: 5>, scalar_prefetch = 0 : i64, scratch_operands = 0 : i64, tpu.core_type = #tpu.core_type<tc>, window_params = [{transform_indices = @transform_0, window_bounds = array<i64: 2000, 128>}, {pipeline_mode = #tpu.pipeline_mode<synchronous>, transform_indices = @transform_1, window_bounds = array<i64: 128, 128>}, {transform_indices = @transform_2, window_bounds = array<i64: 2000, 1>}, {transform_indices = @transform_3, window_bounds = array<i64: 2000, 1>}, {transform_indices = @transform_4, window_bounds = array<i64: 2000, 128>}]} {
    %get3A = arith.constant 0 : index
    %get3A_0 = arith.constant 0 : index
    %get3A_1 = vector.load %arg3[%get3A, %get3A_0] : memref<2000x1xf32, #tpu.memory_space<vmem>>, vector<2000x1xf32>
    %add3A = arith.constant 1.000000e+00 : f32
    %add3A_2 = vector.broadcast %add3A : f32 to vector<2000x1xf32>
    %add3A_3 = arith.addf %add3A_2, %get3A_1 : vector<2000x1xf32>
    %get3A_4 = arith.constant 0 : index
    %get3A_5 = arith.constant 0 : index
    %get3A_6 = vector.load %arg4[%get3A_4, %get3A_5] : memref<2000x1xf32, #tpu.memory_space<vmem>>, vector<2000x1xf32>
    %add3A_7 = arith.addf %add3A_3, %get3A_6 : vector<2000x1xf32>
    %rsqrt3A = math.rsqrt %add3A_7 : vector<2000x1xf32>
    %get3A_8 = arith.constant 0 : index
    %get3A_9 = arith.constant 0 : index
    %get3A_10 = vector.load %arg1[%get3A_8, %get3A_9] : memref<2000x128xf32, #tpu.memory_space<vmem>>, vector<2000x128xf32>
    %get3A_11 = arith.constant 0 : index
    %get3A_12 = arith.constant 0 : index
    %get3A_13 = vector.load %arg2[%get3A_11, %get3A_12] : memref<128x128xf32, #tpu.memory_space<vmem>>, vector<128x128xf32>
    %dot_general3A = arith.constant dense<0.000000e+00> : vector<2000x128xf32>
    %dot_general3A_14 = tpu.matmul %get3A_10, %get3A_13, %dot_general3A {dimension_numbers = #tpu.dot_dimension_numbers<[1], [0], [0], [1], [0, 0, 1, 1], [], []>, transpose_lhs_hint = false} : vector<2000x128xf32>, vector<128x128xf32>, vector<2000x128xf32> -> vector<2000x128xf32>
    %mul3A = vector.broadcast %rsqrt3A : vector<2000x1xf32> to vector<2000x128xf32>
    %mul3A_15 = arith.mulf %dot_general3A_14, %mul3A : vector<2000x128xf32>
    %swap3A = arith.constant 0 : index
    %swap3A_16 = arith.constant 0 : index
    %swap3A_17 = vector.load %arg5[%swap3A, %swap3A_16] : memref<2000x128xf32, #tpu.memory_space<vmem>>, vector<2000x128xf32>
    tpu.vector_store %arg5[%swap3A, %swap3A_16], %mul3A_15 {strides = array<i32>} : memref<2000x128xf32, #tpu.memory_space<vmem>>, vector<2000x128xf32>,
    return
  }
  func.func @transform_0(%arg0: i32) -> (i32, i32) {
    %c0_i32 = arith.constant 0 : i32
    %c0_i32_0 = arith.constant 0 : i32
    return %arg0, %c0_i32 : i32, i32
  }
  func.func @transform_1(%arg0: i32) -> (i32, i32) {
    %c0_i32 = arith.constant 0 : i32
    %c0_i32_0 = arith.constant 0 : i32
    %c0_i32_1 = arith.constant 0 : i32
    return %c0_i32, %c0_i32_0 : i32, i32
  }
  func.func @transform_2(%arg0: i32) -> (i32, i32) {
    %c0_i32 = arith.constant 0 : i32
    %c0_i32_0 = arith.constant 0 : i32
    return %arg0, %c0_i32 : i32, i32
  }
  func.func @transform_3(%arg0: i32) -> (i32, i32) {
    %c0_i32 = arith.constant 0 : i32
    %c0_i32_0 = arith.constant 0 : i32
    return %arg0, %c0_i32 : i32, i32
  }
  func.func @transform_4(%arg0: i32) -> (i32, i32) {
    %c0_i32 = arith.constant 0 : i32
    %c0_i32_0 = arith.constant 0 : i32
    return %arg0, %c0_i32 : i32, i32
  }
}

module attributes {stable_mosaic.version = 14 : i64} {
  func.func @body(%arg0: i32, %arg1: memref<1x2000x128xf32, #tpu.memory_space<vmem>>, %arg2: memref<1x2000x128xf32, #tpu.memory_space<vmem>>, %arg3: memref<2000x128xf32, #tpu.memory_space<vmem>>, %arg4: memref<2000x1xf32, #tpu.memory_space<vmem>>, %arg5: memref<2000x1xf32, #tpu.memory_space<vmem>>, %arg6: memref<1x128xf32, #tpu.memory_space<vmem>>, %arg7: memref<128x128xf32, #tpu.memory_space<vmem>>, %arg8: memref<2000x1xf32, #tpu.memory_space<vmem>>, %arg9: memref<2000x1xf32, #tpu.memory_space<vmem>>, %arg10: memref<2000x128xf32, #tpu.memory_space<vmem>>) attributes {dimension_semantics = [#tpu.dimension_semantics<arbitrary>], iteration_bounds = array<i64: 5>, scalar_prefetch = 0 : i64, scratch_operands = 0 : i64, tpu.core_type = #tpu.core_type<tc>, window_params = [{transform_indices = @transform_0, window_bounds = array<i64: 1, 2000, 128>}, {transform_indices = @transform_1, window_bounds = array<i64: 1, 2000, 128>}, {transform_indices = @transform_2, window_bounds = array<i64: 2000, 128>}, {transform_indices = @transform_3, window_bounds = array<i64: 2000, 1>}, {transform_indices = @transform_4, window_bounds = array<i64: 2000, 1>}, {pipeline_mode = #tpu.pipeline_mode<synchronous>, transform_indices = @transform_5, window_bounds = array<i64: 1, 128>}, {pipeline_mode = #tpu.pipeline_mode<synchronous>, transform_indices = @transform_6, window_bounds = array<i64: 128, 128>}, {transform_indices = @transform_7, window_bounds = array<i64: 2000, 1>}, {transform_indices = @transform_8, window_bounds = array<i64: 2000, 1>}, {transform_indices = @transform_9, window_bounds = array<i64: 2000, 128>}]} {
    %get3A = arith.constant 0 : index
    %get3A_0 = arith.constant 0 : index
    %get3A_1 = vector.load %arg4[%get3A, %get3A_0] : memref<2000x1xf32, #tpu.memory_space<vmem>>, vector<2000x1xf32>
    %add3A = arith.constant 1.000000e+00 : f32
    %add3A_2 = vector.broadcast %add3A : f32 to vector<2000x1xf32>
    %add3A_3 = arith.addf %add3A_2, %get3A_1 : vector<2000x1xf32>
    %get3A_4 = arith.constant 0 : index
    %get3A_5 = arith.constant 0 : index
    %get3A_6 = vector.load %arg5[%get3A_4, %get3A_5] : memref<2000x1xf32, #tpu.memory_space<vmem>>, vector<2000x1xf32>
    %add3A_7 = arith.addf %add3A_3, %get3A_6 : vector<2000x1xf32>
    %rsqrt3A = math.rsqrt %add3A_7 : vector<2000x1xf32>
    %get3A_8 = arith.constant 0 : index
    %get3A_9 = arith.constant 0 : index
    %get3A_10 = arith.constant 0 : index
    %get3A_11 = vector.load %arg1[%get3A_8, %get3A_9, %get3A_10] : memref<1x2000x128xf32, #tpu.memory_space<vmem>>, vector<1x2000x128xf32>
    %get3A_12 = vector.shape_cast %get3A_11 : vector<1x2000x128xf32> to vector<2000x128xf32>
    %get3A_13 = arith.constant 0 : index
    %get3A_14 = arith.constant 0 : index
    %get3A_15 = arith.constant 0 : index
    %get3A_16 = vector.load %arg2[%get3A_13, %get3A_14, %get3A_15] : memref<1x2000x128xf32, #tpu.memory_space<vmem>>, vector<1x2000x128xf32>
    %get3A_17 = vector.shape_cast %get3A_16 : vector<1x2000x128xf32> to vector<2000x128xf32>
    %add3A_18 = arith.addf %get3A_12, %get3A_17 : vector<2000x128xf32>
    %get3A_19 = arith.constant 0 : index
    %get3A_20 = arith.constant 0 : index
    %get3A_21 = vector.load %arg3[%get3A_19, %get3A_20] : memref<2000x128xf32, #tpu.memory_space<vmem>>, vector<2000x128xf32>
    %add3A_22 = arith.addf %add3A_18, %get3A_21 : vector<2000x128xf32>
    %mul3A = vector.broadcast %rsqrt3A : vector<2000x1xf32> to vector<2000x128xf32>
    %mul3A_23 = arith.mulf %add3A_22, %mul3A : vector<2000x128xf32>
    %get3A_24 = arith.constant 0 : index
    %get3A_25 = arith.constant 0 : index
    %get3A_26 = vector.load %arg6[%get3A_24, %get3A_25] : memref<1x128xf32, #tpu.memory_space<vmem>>, vector<1x128xf32>
    %add3A_27 = vector.broadcast %get3A_26 : vector<1x128xf32> to vector<2000x128xf32>
    %add3A_28 = arith.addf %mul3A_23, %add3A_27 : vector<2000x128xf32>
    %max3A = arith.constant 0.000000e+00 : f32
    %max3A_29 = vector.broadcast %max3A : f32 to vector<2000x128xf32>
    %max3A_30 = arith.maximumf %add3A_28, %max3A_29 : vector<2000x128xf32>
    %mul3A_31 = arith.mulf %max3A_30, %max3A_30 : vector<2000x128xf32>
    %reduce_sum3A = arith.constant dense<0.000000e+00> : vector<2000xf32>
    %reduce_sum3A_32 = vector.multi_reduction <add>, %mul3A_31, %reduce_sum3A [1] : vector<2000x128xf32> to vector<2000xf32>
    %broadcast_in_dim3A = vector.shape_cast %reduce_sum3A_32 : vector<2000xf32> to vector<2000x1xf32>
    %sqrt3A = math.sqrt %broadcast_in_dim3A : vector<2000x1xf32>
    %max3A_33 = arith.constant 9.99999996E-13 : f32
    %max3A_34 = vector.broadcast %max3A_33 : f32 to vector<2000x1xf32>
    %max3A_35 = arith.maximumf %sqrt3A, %max3A_34 : vector<2000x1xf32>
    %div3A = vector.broadcast %max3A_35 : vector<2000x1xf32> to vector<2000x128xf32>
    %div3A_36 = arith.divf %max3A_30, %div3A : vector<2000x128xf32>
    %get3A_37 = arith.constant 0 : index
    %get3A_38 = arith.constant 0 : index
    %get3A_39 = vector.load %arg8[%get3A_37, %get3A_38] : memref<2000x1xf32, #tpu.memory_space<vmem>>, vector<2000x1xf32>
    %add3A_40 = arith.constant 1.000000e+00 : f32
    %add3A_41 = vector.broadcast %add3A_40 : f32 to vector<2000x1xf32>
    %add3A_42 = arith.addf %add3A_41, %get3A_39 : vector<2000x1xf32>
    %get3A_43 = arith.constant 0 : index
    %get3A_44 = arith.constant 0 : index
    %get3A_45 = vector.load %arg9[%get3A_43, %get3A_44] : memref<2000x1xf32, #tpu.memory_space<vmem>>, vector<2000x1xf32>
    %add3A_46 = arith.addf %add3A_42, %get3A_45 : vector<2000x1xf32>
    %rsqrt3A_47 = math.rsqrt %add3A_46 : vector<2000x1xf32>
    %get3A_48 = arith.constant 0 : index
    %get3A_49 = arith.constant 0 : index
    %get3A_50 = vector.load %arg7[%get3A_48, %get3A_49] : memref<128x128xf32, #tpu.memory_space<vmem>>, vector<128x128xf32>
    %dot_general3A = arith.constant dense<0.000000e+00> : vector<2000x128xf32>
    %dot_general3A_51 = tpu.matmul %div3A_36, %get3A_50, %dot_general3A {dimension_numbers = #tpu.dot_dimension_numbers<[1], [0], [0], [1], [0, 0, 1, 1], [], []>, transpose_lhs_hint = false} : vector<2000x128xf32>, vector<128x128xf32>, vector<2000x128xf32> -> vector<2000x128xf32>
    %mul3A_52 = vector.broadcast %rsqrt3A_47 : vector<2000x1xf32> to vector<2000x128xf32>
    %mul3A_53 = arith.mulf %dot_general3A_51, %mul3A_52 : vector<2000x128xf32>
    %swap3A = arith.constant 0 : index
    %swap3A_54 = arith.constant 0 : index
    %swap3A_55 = vector.load %arg10[%swap3A, %swap3A_54] : memref<2000x128xf32, #tpu.memory_space<vmem>>, vector<2000x128xf32>
    tpu.vector_store %arg10[%swap3A, %swap3A_54], %mul3A_53 {strides = array<i32>} : memref<2000x128xf32, #tpu.memory_space<vmem>>, vector<2000x128xf32>,
    return
  }
  func.func @transform_0(%arg0: i32) -> (i32, i32, i32) {
    %c0_i32 = arith.constant 0 : i32
    %c0_i32_0 = arith.constant 0 : i32
    %c0_i32_1 = arith.constant 0 : i32
    return %c0_i32, %arg0, %c0_i32_0 : i32, i32, i32
  }
  func.func @transform_1(%arg0: i32) -> (i32, i32, i32) {
    %c1_i32 = arith.constant 1 : i32
    %c0_i32 = arith.constant 0 : i32
    %c0_i32_0 = arith.constant 0 : i32
    return %c1_i32, %arg0, %c0_i32 : i32, i32, i32
  }
  func.func @transform_2(%arg0: i32) -> (i32, i32) {
    %c0_i32 = arith.constant 0 : i32
    %c0_i32_0 = arith.constant 0 : i32
    return %arg0, %c0_i32 : i32, i32
  }
  func.func @transform_3(%arg0: i32) -> (i32, i32) {
    %c0_i32 = arith.constant 0 : i32
    %c0_i32_0 = arith.constant 0 : i32
    return %arg0, %c0_i32 : i32, i32
  }
  func.func @transform_4(%arg0: i32) -> (i32, i32) {
    %c0_i32 = arith.constant 0 : i32
    %c0_i32_0 = arith.constant 0 : i32
    return %arg0, %c0_i32 : i32, i32
  }
  func.func @transform_5(%arg0: i32) -> (i32, i32) {
    %c0_i32 = arith.constant 0 : i32
    %c0_i32_0 = arith.constant 0 : i32
    %c0_i32_1 = arith.constant 0 : i32
    return %c0_i32, %c0_i32_0 : i32, i32
  }
  func.func @transform_6(%arg0: i32) -> (i32, i32) {
    %c0_i32 = arith.constant 0 : i32
    %c0_i32_0 = arith.constant 0 : i32
    %c0_i32_1 = arith.constant 0 : i32
    return %c0_i32, %c0_i32_0 : i32, i32
  }
  func.func @transform_7(%arg0: i32) -> (i32, i32) {
    %c0_i32 = arith.constant 0 : i32
    %c0_i32_0 = arith.constant 0 : i32
    return %arg0, %c0_i32 : i32, i32
  }
  func.func @transform_8(%arg0: i32) -> (i32, i32) {
    %c0_i32 = arith.constant 0 : i32
    %c0_i32_0 = arith.constant 0 : i32
    return %arg0, %c0_i32 : i32, i32
  }
  func.func @transform_9(%arg0: i32) -> (i32, i32) {
    %c0_i32 = arith.constant 0 : i32
    %c0_i32_0 = arith.constant 0 : i32
    return %arg0, %c0_i32 : i32, i32
  }
}

module attributes {stable_mosaic.version = 14 : i64} {
  func.func @body(%arg0: i32, %arg1: memref<1x2000x128xf32, #tpu.memory_space<vmem>>, %arg2: memref<1x2000x128xf32, #tpu.memory_space<vmem>>, %arg3: memref<2000x128xf32, #tpu.memory_space<vmem>>, %arg4: memref<2000x1xf32, #tpu.memory_space<vmem>>, %arg5: memref<2000x1xf32, #tpu.memory_space<vmem>>, %arg6: memref<1x128xf32, #tpu.memory_space<vmem>>, %arg7: memref<2000x128xf32, #tpu.memory_space<vmem>>) attributes {dimension_semantics = [#tpu.dimension_semantics<arbitrary>], iteration_bounds = array<i64: 5>, scalar_prefetch = 0 : i64, scratch_operands = 0 : i64, tpu.core_type = #tpu.core_type<tc>, window_params = [{transform_indices = @transform_0, window_bounds = array<i64: 1, 2000, 128>}, {transform_indices = @transform_1, window_bounds = array<i64: 1, 2000, 128>}, {transform_indices = @transform_2, window_bounds = array<i64: 2000, 128>}, {transform_indices = @transform_3, window_bounds = array<i64: 2000, 1>}, {transform_indices = @transform_4, window_bounds = array<i64: 2000, 1>}, {pipeline_mode = #tpu.pipeline_mode<synchronous>, transform_indices = @transform_5, window_bounds = array<i64: 1, 128>}, {transform_indices = @transform_6, window_bounds = array<i64: 2000, 128>}]} {
    %get3A = arith.constant 0 : index
    %get3A_0 = arith.constant 0 : index
    %get3A_1 = vector.load %arg4[%get3A, %get3A_0] : memref<2000x1xf32, #tpu.memory_space<vmem>>, vector<2000x1xf32>
    %add3A = arith.constant 1.000000e+00 : f32
    %add3A_2 = vector.broadcast %add3A : f32 to vector<2000x1xf32>
    %add3A_3 = arith.addf %add3A_2, %get3A_1 : vector<2000x1xf32>
    %get3A_4 = arith.constant 0 : index
    %get3A_5 = arith.constant 0 : index
    %get3A_6 = vector.load %arg5[%get3A_4, %get3A_5] : memref<2000x1xf32, #tpu.memory_space<vmem>>, vector<2000x1xf32>
    %add3A_7 = arith.addf %add3A_3, %get3A_6 : vector<2000x1xf32>
    %rsqrt3A = math.rsqrt %add3A_7 : vector<2000x1xf32>
    %get3A_8 = arith.constant 0 : index
    %get3A_9 = arith.constant 0 : index
    %get3A_10 = arith.constant 0 : index
    %get3A_11 = vector.load %arg1[%get3A_8, %get3A_9, %get3A_10] : memref<1x2000x128xf32, #tpu.memory_space<vmem>>, vector<1x2000x128xf32>
    %get3A_12 = vector.shape_cast %get3A_11 : vector<1x2000x128xf32> to vector<2000x128xf32>
    %get3A_13 = arith.constant 0 : index
    %get3A_14 = arith.constant 0 : index
    %get3A_15 = arith.constant 0 : index
    %get3A_16 = vector.load %arg2[%get3A_13, %get3A_14, %get3A_15] : memref<1x2000x128xf32, #tpu.memory_space<vmem>>, vector<1x2000x128xf32>
    %get3A_17 = vector.shape_cast %get3A_16 : vector<1x2000x128xf32> to vector<2000x128xf32>
    %add3A_18 = arith.addf %get3A_12, %get3A_17 : vector<2000x128xf32>
    %get3A_19 = arith.constant 0 : index
    %get3A_20 = arith.constant 0 : index
    %get3A_21 = vector.load %arg3[%get3A_19, %get3A_20] : memref<2000x128xf32, #tpu.memory_space<vmem>>, vector<2000x128xf32>
    %add3A_22 = arith.addf %add3A_18, %get3A_21 : vector<2000x128xf32>
    %mul3A = vector.broadcast %rsqrt3A : vector<2000x1xf32> to vector<2000x128xf32>
    %mul3A_23 = arith.mulf %add3A_22, %mul3A : vector<2000x128xf32>
    %get3A_24 = arith.constant 0 : index
    %get3A_25 = arith.constant 0 : index
    %get3A_26 = vector.load %arg6[%get3A_24, %get3A_25] : memref<1x128xf32, #tpu.memory_space<vmem>>, vector<1x128xf32>
    %add3A_27 = vector.broadcast %get3A_26 : vector<1x128xf32> to vector<2000x128xf32>
    %add3A_28 = arith.addf %mul3A_23, %add3A_27 : vector<2000x128xf32>
    %mul3A_29 = arith.mulf %add3A_28, %add3A_28 : vector<2000x128xf32>
    %reduce_sum3A = arith.constant dense<0.000000e+00> : vector<2000xf32>
    %reduce_sum3A_30 = vector.multi_reduction <add>, %mul3A_29, %reduce_sum3A [1] : vector<2000x128xf32> to vector<2000xf32>
    %broadcast_in_dim3A = vector.shape_cast %reduce_sum3A_30 : vector<2000xf32> to vector<2000x1xf32>
    %sqrt3A = math.sqrt %broadcast_in_dim3A : vector<2000x1xf32>
    %max3A = arith.constant 9.99999996E-13 : f32
    %max3A_31 = vector.broadcast %max3A : f32 to vector<2000x1xf32>
    %max3A_32 = arith.maximumf %sqrt3A, %max3A_31 : vector<2000x1xf32>
    %div3A = vector.broadcast %max3A_32 : vector<2000x1xf32> to vector<2000x128xf32>
    %div3A_33 = arith.divf %add3A_28, %div3A : vector<2000x128xf32>
    %swap3A = arith.constant 0 : index
    %swap3A_34 = arith.constant 0 : index
    %swap3A_35 = vector.load %arg7[%swap3A, %swap3A_34] : memref<2000x128xf32, #tpu.memory_space<vmem>>, vector<2000x128xf32>
    tpu.vector_store %arg7[%swap3A, %swap3A_34], %div3A_33 {strides = array<i32>} : memref<2000x128xf32, #tpu.memory_space<vmem>>, vector<2000x128xf32>,
    return
  }
  func.func @transform_0(%arg0: i32) -> (i32, i32, i32) {
    %c0_i32 = arith.constant 0 : i32
    %c0_i32_0 = arith.constant 0 : i32
    %c0_i32_1 = arith.constant 0 : i32
    return %c0_i32, %arg0, %c0_i32_0 : i32, i32, i32
  }
  func.func @transform_1(%arg0: i32) -> (i32, i32, i32) {
    %c1_i32 = arith.constant 1 : i32
    %c0_i32 = arith.constant 0 : i32
    %c0_i32_0 = arith.constant 0 : i32
    return %c1_i32, %arg0, %c0_i32 : i32, i32, i32
  }
  func.func @transform_2(%arg0: i32) -> (i32, i32) {
    %c0_i32 = arith.constant 0 : i32
    %c0_i32_0 = arith.constant 0 : i32
    return %arg0, %c0_i32 : i32, i32
  }
  func.func @transform_3(%arg0: i32) -> (i32, i32) {
    %c0_i32 = arith.constant 0 : i32
    %c0_i32_0 = arith.constant 0 : i32
    return %arg0, %c0_i32 : i32, i32
  }
  func.func @transform_4(%arg0: i32) -> (i32, i32) {
    %c0_i32 = arith.constant 0 : i32
    %c0_i32_0 = arith.constant 0 : i32
    return %arg0, %c0_i32 : i32, i32
  }
  func.func @transform_5(%arg0: i32) -> (i32, i32) {
    %c0_i32 = arith.constant 0 : i32
    %c0_i32_0 = arith.constant 0 : i32
    %c0_i32_1 = arith.constant 0 : i32
    return %c0_i32, %c0_i32_0 : i32, i32
  }
  func.func @transform_6(%arg0: i32) -> (i32, i32) {
    %c0_i32 = arith.constant 0 : i32
    %c0_i32_0 = arith.constant 0 : i32
    return %arg0, %c0_i32 : i32, i32
  }
}

</mosaic_0001>

<sc_bundles>
// kernel: kernel.11.cloned.1.call-start
scs
__scs_entry_jumppad:
0x0: {  	(pc) =	sbr.rel $0x88, $3  }
0x1: {  	(tag) =	ssettag $0x0;
	lr =	simm.s32 $0x1  }
0x2: {  	[smem:$0x3F9B] =	sst lr;
	_ =	strace $0xD0000000  }
0x3: {  	_ = 	snop  }
0x4: {  	_ = 	snop  }
0x5: {  	_ = 	snop  }
0x6: {  	_ = 	snop  }
0x7: {  	_ = 	snop  }
__scs_overlays_trampoline_lowered:
0x8: {  	[smem:$0x3FAA] =	sst s0  }
0x9: {  	[smem:$0x3FAB] =	sst s1  }
0xa: {  	[smem:$0x3FAC] =	sst s2  }
0xb: {  	[smem:$0x3FAD] =	sst s3  }
0xc: {  	[smem:$0x3FAE] =	sst s4  }
0xd: {  	[smem:$0x3FAF] =	sst s5  }
0xe: {  	[smem:$0x3FB0] =	sst s6  }
0xf: {  	[smem:$0x3FB1] =	sst s7  }
0x10: {  	[smem:$0x3FB2] =	sst s8  }
0x11: {  	[smem:$0x3FB3] =	sst s9;
	s0 =	simm.s32 @!p0 $0x0  }
0x12: {  	s1 =	sld [smem:$0x3F99];
	s0 =	simm.s32 @p0 $0x1  }
0x13: {  	[smem:$0x3FB4] =	sst s0;
	s0 =	simm.s32 @!p1 $0x0  }
0x14: {  	s2 =	sld [smem:$0x3F98];
	s0 =	simm.s32 @p1 $0x1  }
0x15: {  	[smem:$0x3FB5] =	sst s0;
	s0 =	simm.s32 @!p2 $0x0  }
0x16: {  	s3 =	sld [smem:$0x3FDB];
	s0 =	simm.s32 @p2 $0x1  }
0x17: {  	s4 =	simm.s32 $0x1BF5;
	[smem:$0x3FB7] =	sst s0  }
0x18: {  	s0 =	sld [smem:$0x3F9A];
	_ =	swait.ge [sflag:s4], $0x0  }
0x19: {  	s7 =	sld [smem:$0x3F9B]  }
0x1a: {  	s8 =	sadd.s32 $0xFFFFE003, lr  }
0x1b: {  	s9 =	sadd.s32 $0xFFFFFEF7, lr;
	s5 =	simm.s32 $0xFFFFFFFF;
	p2 =	slt.u32 s8, $0xFFFFF086  }
0x1c: {  	p1 =	slt.u32 s9, $0xF7A;
	s5 =	simm.s32 @!p2 $0x0  }
0x1d: {  	s5 =	simm.s32 @p1 $0x1;
	p0 =	seq.s32 s7, s2  }
0x1e: {  	s7 =	smul.u32 @!p0 $0xF7A, s2;
	p2 =	seq.s32 @!p0 s5, $0x0  }
0x1f: {  	s9 =	smul.u32 $0xF7A, s1;
	s8 =	simm.s32 @!p0 $0x1BF5;
	p2 =	por !p2, p0  }
0x20: {  	[sflag:s8] =	ssyncset.s32 @!p0 $0xFFFFF086;
	s6 =	sadd.s32 @!p0 s3, s7;
	s7 =	simm.s32 @!p0 $0x108  }
0x21: {  	s3 =	sadd.s32 s3, s9;
	s6 =	sadd.s32 @!p0 $0x88, s6;
	s7 =	simm.s32 @p2 $0x1082  }
0x22: {  	[simem:s7], [sflag:s8] =	dma.local @!p0 [hbm:s6], $0xF7A  }
0x23: {  	s9 =	sor.u32 $0xD0000000, s2;
	s6 =	simm.s32 $0x108;
	_ =	swait.ge @!p0 [sflag:s8], $0x0  }
0x24: {  	s3 =	sadd.s32 $0x88, s3;
	s6 =	simm.s32 @!p1 $0x1082;
	[sflag:s4] =	ssyncset.s32 $0xFFFFF086  }
0x25: {  	[simem:s6], [sflag:s4] =	dma.local [hbm:s3], $0xF7A  }
0x26: {  	[smem:$0x3F9B] =	sst s1;
	(tag) =	ssettag s2;
	_ =	strace s9  }
0x27: {  	s1 =	sld [smem:$0x3FAB]  }
0x28: {  	s2 =	sld [smem:$0x3FAC]  }
0x29: {  	s4 =	sld [smem:$0x3FAE]  }
0x2a: {  	p0 =	seq.s32 s5, $0x0;
	s5 =	sld [smem:$0x3FAF]  }
0x2b: {  	s6 =	sld [smem:$0x3FB0]  }
0x2c: {  	s7 =	sld [smem:$0x3FB1]  }
0x2d: {  	s3 =	simm.s32 $0x108;
	s8 =	sld [smem:$0x3FB2]  }
0x2e: {  	s3 =	simm.s32 @!p0 $0x1082;
	s9 =	sld [smem:$0x3FB3]  }
0x2f: {  	lr =	sadd.s32 s0, s3;
	s0 =	sld [smem:$0x3FAA]  }
0x30: {  	s3 =	sld [smem:$0x3FAD]  }
0x31: {  	[smem:$0x3FB6] =	sst s10  }
0x32: {  	s10 =	sld [smem:$0x3FB4];
	_ =	sdelay $0x3  }
0x33: {  	p0 =	seq.s32 s10, $0x1;
	s10 =	sld [smem:$0x3FB6];
	_ =	sdelay $0x3  }
0x34: {  	[smem:$0x3FB6] =	sst s10  }
0x35: {  	s10 =	sld [smem:$0x3FB5];
	_ =	sdelay $0x3  }
0x36: {  	p1 =	seq.s32 s10, $0x1;
	s10 =	sld [smem:$0x3FB6];
	_ =	sdelay $0x3  }
0x37: {  	[smem:$0x3FB6] =	sst s10  }
0x38: {  	s10 =	sld [smem:$0x3FB7]  }
0x39: {  	_ = 	snop;
	(pc) =	sbr.ind lr, $3  }
0x3a: {  	_ = 	snop  }
0x3b: {  	_ = 	snop  }
0x3c: {  	p2 =	seq.s32 s10, $0x1;
	s10 =	sld [smem:$0x3FB6]  }
0x3d: {  	_ =	shalt  }
0x3e: {  	_ =	shalt  }
0x3f: {  	_ =	shalt  }
0x40: {  	_ =	shalt  }
0x41: {  	_ =	shalt  }
0x42: {  	_ =	shalt  }
0x43: {  	_ =	shalt  }
0x44: {  	_ =	shalt  }
0x45: {  	_ =	shalt  }
0x46: {  	_ =	shalt  }
0x47: {  	_ =	shalt  }
0x48: {  	_ =	shalt  }
0x49: {  	_ =	shalt  }
0x4a: {  	_ =	shalt  }
0x4b: {  	_ =	shalt  }
0x4c: {  	_ =	shalt  }
0x4d: {  	_ =	shalt  }
0x4e: {  	_ =	shalt  }
0x4f: {  	_ =	shalt  }
0x50: {  	_ =	shalt  }
0x51: {  	_ =	shalt  }
0x52: {  	_ =	shalt  }
0x53: {  	_ =	shalt  }
0x54: {  	_ =	shalt  }
0x55: {  	_ =	shalt  }
0x56: {  	_ =	shalt  }
0x57: {  	_ =	shalt  }
0x58: {  	_ =	shalt  }
0x59: {  	_ =	shalt  }
0x5a: {  	_ =	shalt  }
0x5b: {  	_ =	shalt  }
0x5c: {  	_ =	shalt  }
0x5d: {  	_ =	shalt  }
0x5e: {  	_ =	shalt  }
0x5f: {  	_ =	shalt  }
0x60: {  	_ =	shalt  }
0x61: {  	_ =	shalt  }
0x62: {  	_ =	shalt  }
0x63: {  	_ =	shalt  }
0x64: {  	_ =	shalt  }
0x65: {  	_ =	shalt  }
0x66: {  	_ =	shalt  }
0x67: {  	_ =	shalt  }
0x68: {  	_ =	shalt  }
0x69: {  	_ =	shalt  }
0x6a: {  	_ =	shalt  }
0x6b: {  	_ =	shalt  }
0x6c: {  	_ =	shalt  }
0x6d: {  	_ =	shalt  }
0x6e: {  	_ =	shalt  }
0x6f: {  	_ =	shalt  }
0x70: {  	_ =	shalt  }
0x71: {  	_ =	shalt  }
0x72: {  	_ =	shalt  }
0x73: {  	_ =	shalt  }
0x74: {  	_ =	shalt  }
0x75: {  	_ =	shalt  }
0x76: {  	_ =	shalt  }
0x77: {  	_ =	shalt  }
0x78: {  	_ =	shalt  }
0x79: {  	_ =	shalt  }
0x7a: {  	_ =	shalt  }
0x7b: {  	_ =	shalt  }
0x7c: {  	_ =	shalt  }
0x7d: {  	_ =	shalt  }
0x7e: {  	_ =	shalt  }
0x7f: {  	_ =	shalt  }
0x80: {  	_ =	shalt  }
0x81: {  	_ =	shalt  }
0x82: {  	_ =	shalt  }
0x83: {  	_ =	shalt  }
0x84: {  	_ =	shalt  }
0x85: {  	_ =	shalt  }
0x86: {  	_ =	shalt  }
0x87: {  	_ =	shalt  }
.Lfunc_end0:
.L_simem_size_0:
called_computation.1_lowered:
.L_overlay_start_0:
0x88: {  	s2 =	sld [smem:$0x3FD9]  }
0x89: {  	s3 =	sld [smem:$0x3FFE];
	_ =	sdelay $0x1  }
0x8a: {  	s1 =	srdreg.scid  }
0x8b: {  	s0 =	sand.u32 $0x1, s1  }
0x8c: {  	s17 =	sshll.u32 s0, $0xA;
	s2 =	sadd.s32 s3, s2  }
0x8d: {  	s2 =	sadd.s32 s2, s17  }
0x8e: {  	[smem:$0x3FC2] =	sst s2  }
0x8f: {  	_ = 	snop  }
0x90: {  	s2 =	sld [smem:$0x3FD0];
	(tm) =	ssettm $0x1  }
0x91: {  	s18 =	sld [smem:$0x3FFB];
	_ =	sdelay $0x3  }
0x92: {  	_ =	strace s18  }
0x93: {  	s3 =	sld [smem:$0x3FFC];
	_ =	sdelay $0x3  }
0x94: {  	_ =	strace s3  }
0x95: {  	s3 =	sld [smem:$0x3FFD];
	_ =	sdelay $0x3  }
0x96: {  	_ =	strace s3  }
0x97: {  	_ =	strace $0x8FFFFFFF  }
0x98: {  	s19 =	sld [smem:$0x3FDB];
	_ =	sdelay $0x1  }
0x99: {  	s4 =	simm.s32 $_scs_section_size  }
0x9a: {  	s5 =	simm.s32 $_size__tile_overlayer_lowered;
	s6 =	simm.s32 $_tile_overlayer_lowered  }
0x9b: {  	s22 =	simm.s32 $0x1BFF;
	s21 =	sshll.u32 s6, $0x1;
	s3 =	sadd.s32 s4, s19  }
0x9c: {  	s7 =	simm.s32 $0x0;
	s20 =	sshll.u32 s5, $0x1;
	s5 =	sadd.s32 s21, s3  }
0x9d: {  	[timem:s7], [sflag:s22] =	dma.local [hbm:s5], s20  }
0x9e: {  	_ =	swait.ge [sflag:s22], s20  }
0x9f: {  	s4 =	ssub.s32 $0x0, s20;
	[sflag:s22] =	ssyncset.done $0x0  }
0xa0: {  	[sflag:s22] =	ssyncadd.s32 s4;
	_ =	sdelay $0x1  }
0xa1: {  	s23 =	simm.s32 $0x1B8B  }
0xa2: {  	_ =	swait.ge [sflag:s23], $0x1  }
0xa3: {  	[sflag:s23] =	ssyncset.done $0x0  }
0xa4: {  	s25 =	simm.s32 $0x1B8E;
	s24 =	sld [smem:$0x3FFE];
	[sflag:s23] =	ssyncadd.s32 $0xFFFFFFFF  }
0xa5: {  	s26 =	simm.s32 $execute0_lowered;
	[smem:$0x3FD2] =	sst s25  }
0xa6: {  	s5 =	sshll.u32 s26, $0x1;
	_ =	strace $0x80000049;
	[dreg:$0x1] =	wrdreg $0xFFFFFFFF  }
0xa7: {  	s28 =	simm.s32 $_size_execute0_lowered;
	s3 =	sadd.s32 s3, s5;
	[dreg:$0x0] =	wrdreg $0x0  }
0xa8: {  	s5 =	sshll.u32 s28, $0x1;
	[dreg:$0x2] =	wrdreg s3  }
0xa9: {  	[dreg:$0x3] =	wrdreg s5  }
0xaa: {  	[dreg:$0x4] =	wrdreg $0xC0  }
0xab: {  	_ =	task [dreg:s7], $0x5FFFF  }
0xac: {  	[dreg:$0x1] =	wrdreg $0xFFFFFFFF  }
0xad: {  	[dreg:$0x0] =	wrdreg $0x60  }
0xae: {  	[dreg:$0x2] =	wrdreg s24  }
0xaf: {  	[dreg:$0x3] =	wrdreg s2  }
0xb0: {  	[dreg:$0x4] =	wrdreg $0xA8000  }
0xb1: {  	[dreg:$0x5] =	wrdreg $0x9  }
0xb2: {  	_ =	task.clear_ibuf [dreg:s7], $0x6FFFF;
	_ =	strace $0x90000049  }
0xb3: {  	s29 =	simm.s32 $0x9;
	_ =	strace $0x8000004B  }
0xb4: {  	_ =	swait.ge [sflag:s29], $0x1  }
0xb5: {  	[sflag:s29] =	ssyncadd.s32 $0xFFFFFFFF  }
0xb6: {  	_ =	strace $0x9000004B  }
0xb7: {  	_ =	sfence  }
0xb8: {  	s30 =	sld [smem:$0x0];
	_ =	sdelay $0x2  }
0xb9: {  	s31 =	sshll.u32 s1, $0xD;
	s1 =	sshrl.u32 s1, $0x2  }
0xba: {  	s3 =	sand.u32 $0x4000, s31;
	s1 =	sadd.s32 s1, s30  }
0xbb: {  	s0 =	sor.u32 s3, s0;
	s1 =	sshll.u32 s1, $0x11  }
0xbc: {  	s0 =	sor.u32 s1, s0  }
0xbd: {  	s0 =	sadd.s32 $0x8F2B, s0  }
0xbe: {  	[sflag:s0] =	ssyncadd.remote.s32 $0x1  }
0xbf: {  	_ =	sfence.sel $0xFFFF  }
0xc0: {  	[dreg:$0x0] =	wrdreg $0xFFFFFFFF;
	(pc) =	sbr.abs _section_cstart, $3  }
0xc1: {  	[dreg:$0x1] =	wrdreg $0xFFFFFFFF  }
0xc2: {  	_ =	task.clear_ibuf [dreg:s7], $0x2FFFF;
	_ =	strace $0x9FFFFFFF  }
0xc3: {  	(tm) =	ssettm $0x7FFFFFFF  }
tec
execute0_lowered:
.L_overlay_start_1:
0x0: {  	(tag) =	ssettag $0x1  }
0x1: {  	s5 =	rddreg [dreg:$0x0]  }
0x2: {  	s1 =	rddreg [dreg:$0x1]  }
0x3: {  	s2 =	rddreg [dreg:$0x2];
	s4 =	simm.s32 $0x0;
	s3 =	srdreg.scid  }
0x4: {  	s15 =	simm.s32 $0x80;
	s16 =	simm.s32 $0x6800;
	s17 =	simm.s32 $0x3  }
0x5: {  	s18 =	simm.s32 $0x2;
	s19 =	simm.s32 $0x2780;
	s20 =	simm.s32 $0x4  }
0x6: {  	s21 =	simm.s32 $0x0;
	[smem:$0x7FF] =	sst s4;
	s6 =	sand.u32 $0x1, s3  }
0x7: {  	s3 =	stileid.u32;
	s9 =	sadd.s32 $0xCA00, s5;
	s7 =	smul.u32 $0x140000, s6  }
0x8: {  	s10 =	sadd.s32 $0x2A00, s5;
	s8 =	smul.u32 $0x14000, s3;
	s11 =	sshll.u32 s6, $0x4  }
0x9: {  	s25 =	smul.u32 $0x50000, s3;
	s6 =	ssub.s32 $0x2, s6;
	s24 =	sor.u32 s3, s11  }
0xa: {  	_ =	strace $0x8000004A;
	s26 =	sshrl.u32 s6, $0x1;
	s12 =	smul.u32 $0x2800, s24  }
0xb: {  	s7 =	sadd.s32 s8, s7;
	s28 =	smul.u32 $0x500, s24;
	s14 =	ssub.s32 s6, s26  }
0xc: {  	s29 =	sshrl.u32 s25, $0x2;
	s7 =	sshrl.u32 s7, $0x3;
	s11 =	smax.u32 s14, $0x1  }
0xd: {  	s14 =	simm.s32 $0x1400;
	s13 =	sadd.s32 s7, s5;
	s30 =	sshrl.u32 s12, $0x3  }
0xe: {  	s5 =	sadd.s32 s29, s2;
	s6 =	sadd.s32 s9, s28;
	s31 =	sadd.s32 $0x280, s30  }
0xf: {  	s7 =	sadd.s32 s10, s28;
	s12 =	simm.s32 $0x2800;
	s8 =	sadd.s32 s9, s31  }
0x10: {  	v0 =	vimm.f32 $0.0e+00;
	s9 =	sadd.s32 s10, s31;
	s10 =	sadd.s32 $0x2AA00, s13;
	s13 =	simm.s32 $0x5  }
.LBB2_1:
0x11: {  	[tilespmem:$0x2800] =	vst v0  }
0x12: {  	[tilespmem:$0x2810] =	vst v0  }
0x13: {  	[tilespmem:$0x2820] =	vst v0  }
0x14: {  	[tilespmem:$0x2830] =	vst v0  }
0x15: {  	[tilespmem:$0x2840] =	vst v0  }
0x16: {  	[tilespmem:$0x2850] =	vst v0  }
0x17: {  	[tilespmem:$0x2860] =	vst v0  }
0x18: {  	[tilespmem:$0x2870] =	vst v0  }
0x19: {  	[tilespmem:$0x2880] =	vst v0  }
0x1a: {  	[tilespmem:$0x2890] =	vst v0  }
0x1b: {  	[tilespmem:$0x28A0] =	vst v0  }
0x1c: {  	[tilespmem:$0x28B0] =	vst v0  }
0x1d: {  	[tilespmem:$0x28C0] =	vst v0  }
0x1e: {  	[tilespmem:$0x28D0] =	vst v0  }
0x1f: {  	[tilespmem:$0x28E0] =	vst v0  }
0x20: {  	[tilespmem:$0x28F0] =	vst v0  }
0x21: {  	[tilespmem:$0x2900] =	vst v0  }
0x22: {  	[tilespmem:$0x2910] =	vst v0  }
0x23: {  	[tilespmem:$0x2920] =	vst v0  }
0x24: {  	[tilespmem:$0x2930] =	vst v0  }
0x25: {  	[tilespmem:$0x2940] =	vst v0  }
0x26: {  	[tilespmem:$0x2950] =	vst v0  }
0x27: {  	[tilespmem:$0x2960] =	vst v0  }
0x28: {  	[tilespmem:$0x2970] =	vst v0  }
0x29: {  	[tilespmem:$0x2980] =	vst v0  }
0x2a: {  	[tilespmem:$0x2990] =	vst v0  }
0x2b: {  	[tilespmem:$0x29A0] =	vst v0  }
0x2c: {  	[tilespmem:$0x29B0] =	vst v0  }
0x2d: {  	[tilespmem:$0x29C0] =	vst v0  }
0x2e: {  	[tilespmem:$0x29D0] =	vst v0  }
0x2f: {  	[tilespmem:$0x29E0] =	vst v0  }
0x30: {  	[tilespmem:$0x29F0] =	vst v0  }
0x31: {  	[tilespmem:$0x2A00] =	vst v0  }
0x32: {  	[tilespmem:$0x2A10] =	vst v0  }
0x33: {  	[tilespmem:$0x2A20] =	vst v0  }
0x34: {  	[tilespmem:$0x2A30] =	vst v0  }
0x35: {  	[tilespmem:$0x2A40] =	vst v0  }
0x36: {  	[tilespmem:$0x2A50] =	vst v0  }
0x37: {  	[tilespmem:$0x2A60] =	vst v0  }
0x38: {  	[tilespmem:$0x2A70] =	vst v0  }
0x39: {  	[tilespmem:$0x2A80] =	vst v0  }
0x3a: {  	[tilespmem:$0x2A90] =	vst v0  }
0x3b: {  	[tilespmem:$0x2AA0] =	vst v0  }
0x3c: {  	[tilespmem:$0x2AB0] =	vst v0  }
0x3d: {  	[tilespmem:$0x2AC0] =	vst v0  }
0x3e: {  	[tilespmem:$0x2AD0] =	vst v0  }
0x3f: {  	[tilespmem:$0x2AE0] =	vst v0  }
0x40: {  	[tilespmem:$0x2AF0] =	vst v0  }
0x41: {  	[tilespmem:$0x2B00] =	vst v0  }
0x42: {  	[tilespmem:$0x2B10] =	vst v0  }
0x43: {  	[tilespmem:$0x2B20] =	vst v0  }
0x44: {  	[tilespmem:$0x2B30] =	vst v0  }
0x45: {  	[tilespmem:$0x2B40] =	vst v0  }
0x46: {  	[tilespmem:$0x2B50] =	vst v0  }
0x47: {  	[tilespmem:$0x2B60] =	vst v0  }
0x48: {  	[tilespmem:$0x2B70] =	vst v0  }
0x49: {  	[tilespmem:$0x2B80] =	vst v0  }
0x4a: {  	[tilespmem:$0x2B90] =	vst v0  }
0x4b: {  	[tilespmem:$0x2BA0] =	vst v0  }
0x4c: {  	[tilespmem:$0x2BB0] =	vst v0  }
0x4d: {  	[tilespmem:$0x2BC0] =	vst v0  }
0x4e: {  	[tilespmem:$0x2BD0] =	vst v0  }
0x4f: {  	[tilespmem:$0x2BE0] =	vst v0  }
0x50: {  	[tilespmem:$0x2BF0] =	vst v0  }
0x51: {  	[tilespmem:$0x2C00] =	vst v0  }
0x52: {  	[tilespmem:$0x2C10] =	vst v0  }
0x53: {  	[tilespmem:$0x2C20] =	vst v0  }
0x54: {  	[tilespmem:$0x2C30] =	vst v0  }
0x55: {  	[tilespmem:$0x2C40] =	vst v0  }
0x56: {  	[tilespmem:$0x2C50] =	vst v0  }
0x57: {  	[tilespmem:$0x2C60] =	vst v0  }
0x58: {  	[tilespmem:$0x2C70] =	vst v0  }
0x59: {  	[tilespmem:$0x2C80] =	vst v0  }
0x5a: {  	[tilespmem:$0x2C90] =	vst v0  }
0x5b: {  	[tilespmem:$0x2CA0] =	vst v0  }
0x5c: {  	[tilespmem:$0x2CB0] =	vst v0  }
0x5d: {  	[tilespmem:$0x2CC0] =	vst v0  }
0x5e: {  	[tilespmem:$0x2CD0] =	vst v0  }
0x5f: {  	[tilespmem:$0x2CE0] =	vst v0  }
0x60: {  	[tilespmem:$0x2CF0] =	vst v0  }
0x61: {  	[tilespmem:$0x2D00] =	vst v0  }
0x62: {  	[tilespmem:$0x2D10] =	vst v0  }
0x63: {  	[tilespmem:$0x2D20] =	vst v0  }
0x64: {  	[tilespmem:$0x2D30] =	vst v0  }
0x65: {  	[tilespmem:$0x2D40] =	vst v0  }
0x66: {  	[tilespmem:$0x2D50] =	vst v0  }
0x67: {  	[tilespmem:$0x2D60] =	vst v0  }
0x68: {  	[tilespmem:$0x2D70] =	vst v0  }
0x69: {  	[tilespmem:$0x2D80] =	vst v0  }
0x6a: {  	[tilespmem:$0x2D90] =	vst v0  }
0x6b: {  	[tilespmem:$0x2DA0] =	vst v0  }
0x6c: {  	[tilespmem:$0x2DB0] =	vst v0  }
0x6d: {  	[tilespmem:$0x2DC0] =	vst v0  }
0x6e: {  	[tilespmem:$0x2DD0] =	vst v0  }
0x6f: {  	[tilespmem:$0x2DE0] =	vst v0  }
0x70: {  	[tilespmem:$0x2DF0] =	vst v0  }
0x71: {  	[tilespmem:$0x2E00] =	vst v0  }
0x72: {  	[tilespmem:$0x2E10] =	vst v0  }
0x73: {  	[tilespmem:$0x2E20] =	vst v0  }
0x74: {  	[tilespmem:$0x2E30] =	vst v0  }
0x75: {  	[tilespmem:$0x2E40] =	vst v0  }
0x76: {  	[tilespmem:$0x2E50] =	vst v0  }
0x77: {  	[tilespmem:$0x2E60] =	vst v0  }
0x78: {  	[tilespmem:$0x2E70] =	vst v0  }
0x79: {  	[tilespmem:$0x2E80] =	vst v0  }
0x7a: {  	[tilespmem:$0x2E90] =	vst v0  }
0x7b: {  	[tilespmem:$0x2EA0] =	vst v0  }
0x7c: {  	[tilespmem:$0x2EB0] =	vst v0  }
0x7d: {  	[tilespmem:$0x2EC0] =	vst v0  }
0x7e: {  	[tilespmem:$0x2ED0] =	vst v0  }
0x7f: {  	[tilespmem:$0x2EE0] =	vst v0  }
0x80: {  	[tilespmem:$0x2EF0] =	vst v0  }
0x81: {  	[tilespmem:$0x2F00] =	vst v0  }
0x82: {  	[tilespmem:$0x2F10] =	vst v0  }
0x83: {  	[tilespmem:$0x2F20] =	vst v0  }
0x84: {  	[tilespmem:$0x2F30] =	vst v0  }
0x85: {  	[tilespmem:$0x2F40] =	vst v0  }
0x86: {  	[tilespmem:$0x2F50] =	vst v0  }
0x87: {  	[tilespmem:$0x2F60] =	vst v0  }
0x88: {  	[tilespmem:$0x2F70] =	vst v0  }
0x89: {  	[tilespmem:$0x2F80] =	vst v0  }
0x8a: {  	[tilespmem:$0x2F90] =	vst v0  }
0x8b: {  	[tilespmem:$0x2FA0] =	vst v0  }
0x8c: {  	[tilespmem:$0x2FB0] =	vst v0  }
0x8d: {  	[tilespmem:$0x2FC0] =	vst v0  }
0x8e: {  	[tilespmem:$0x2FD0] =	vst v0  }
0x8f: {  	[tilespmem:$0x2FE0] =	vst v0  }
0x90: {  	[tilespmem:$0x2FF0] =	vst v0;
	s22 =	sadd.s32 $0x0, s5  }
0x91: {  	[spmem:s22] =	stream.linear.scatter [tilespmem:s12], [sflag:$0x5], $0x800, $0x38;
	[tilespmem:$0x1E800] =	vst v63  }
0x92: {  	s22 =	simm.s32 $0x2000;
	_ =	swait.ge [sflag:s13], $0x800  }
.LBB2_2:
0x93: {  	s23 =	sshra.s32 s22, $0x2;
	[sflag:s13] =	ssyncset.done $0x0;
	p0 =	sne.s32 s22, $0x4E000  }
.Ltmp0:
0x94: {  	s23 =	sadd.s32 s23, s5;
	[sflag:s13] =	ssyncadd.s32 $0xFFFFF800;
	(pc) =	sbr.rel @p0 .LBB2_2-.Ltmp0, $3  }
0x95: {  	[spmem:s23] =	stream.linear.scatter [tilespmem:s12], [sflag:$0x5], $0x800, $0x38;
	[tilespmem:$0x1E800] =	vst v63  }
0x96: {  	s22 =	sadd.s32 $0x2000, s22;
	_ =	sdelay $0x1  }
0x97: {  	_ =	swait.ge [sflag:s13], $0x800  }
0x98: {  	[sflag:s13] =	ssyncset.done $0x0  }
0x99: {  	[sflag:s13] =	ssyncadd.s32 $0xFFFFF800  }
0x9a: {  	s22 =	simm.s32 $0x1;
	[bflag:$0x0] =	sbarrier.arrive $0xFFFF  }
0x9b: {  	[tilespmem:s4], [sflag:$0x1] =	stream.linear.gather [hbm4b:s6+s4], $0x1400, $0x38;
	[tilespmem:$0x1E800] =	vst v63  }
0x9c: {  	_ =	swait.ge [sflag:s22], $0x1400  }
0x9d: {  	[sflag:s22] =	ssyncset.done $0x0  }
0x9e: {  	[sflag:s22] =	ssyncadd.s32 $0xFFFFEC00  }
0x9f: {  	[tilespmem:s14], [sflag:$0x1] =	stream.linear.gather [hbm4b:s7+s4], $0x1400, $0x38;
	[tilespmem:$0x1E800] =	vst v63  }
0xa0: {  	_ =	swait.ge [sflag:s22], $0x1400  }
0xa1: {  	[sflag:s22] =	ssyncset.done $0x0  }
0xa2: {  	[sflag:s22] =	ssyncadd.s32 $0xFFFFEC00  }
0xa3: {  	[tilespmem:s12], [sflag:$0x1] =	stream.indirect.gather [hbm4b:s1+s15], $0x80, s4, s15, $0xb8;
	[tilespmem:$0x1E800] =	vst v63  }
0xa4: {  	_ = 	snop  }
0xa5: {  	[tilespmem:s16], [sflag:$0x2] =	stream.indirect.gather [hbm4b:s1+s15], $0x80, s15, s15, $0xb8;
	[tilespmem:$0x1E800] =	vst v63  }
0xa6: {  	_ =	swait.ge [sflag:s22], $0x4000  }
0xa7: {  	[sflag:s22] =	ssyncset.done $0x0  }
0xa8: {  	[sflag:s22] =	ssyncadd.s32 $0xFFFFC000;
	s22 =	sand.u32 $0x1, s22  }
0xa9: {  	[spmem:s2] =	stream.indirect.scatter.add.f32 [tilespmem:s12], [sflag:$0x3], $0x80, s14, s15, $0xb8;
	[tilespmem:$0x1E800] =	vst v63  }
0xaa: {  	p0 =	seq.s32 s22, $0x1  }
0xab: {  	s22 =	simm.s32 @p0 $0x3  }
0xac: {  	s23 =	simm.s32 $0x100;
	_ =	swait.ge @p0 [sflag:s22], $0x4000  }
0xad: {  	s25 =	simm.s32 @p0 $0x2;
	[sflag:s22] =	ssyncset.done @p0 $0x0;
	p0 =	por p0, p0  }
0xae: {  	[sflag:s22] =	ssyncadd.s32 @p0 $0xFFFFC000;
	s22 =	simm.s32 @p0 $0x80;
	s24 =	simm.s32 @p0 $0x2800  }
0xaf: {  	[tilespmem:s24], [sflag:$0x1] =	stream.indirect.gather @p0 [hbm4b:s1+s22], $0x80, s23, s22, $0xb8;
	[tilespmem:$0x1E800] =	vst v63  }
0xb0: {  	_ =	swait.ge @p0 [sflag:s25], $0x4000  }
0xb1: {  	s29 =	simm.s32 $0x2;
	s26 =	simm.s32 @!p0 $0x4;
	[sflag:s25] =	ssyncset.done @p0 $0x0  }
0xb2: {  	s24 =	simm.s32 $0x1480;
	[sflag:s25] =	ssyncadd.s32 @p0 $0xFFFFC000;
	s25 =	simm.s32 @p0 $0x6800  }
0xb3: {  	[spmem:s2] =	stream.indirect.scatter.add.f32 @p0 [tilespmem:s25], [sflag:$0x4], $0x80, s24, s22, $0xb8;
	[tilespmem:$0x1E800] =	vst v63  }
0xb4: {  	s29 =	sand.u32 $0x1, s29;
	_ =	swait.ge @!p0 [sflag:s26], $0x4000  }
0xb5: {  	p2 =	seq.s32 s29, $0x1;
	s28 =	simm.s32 @!p0 $0x1;
	[sflag:s26] =	ssyncset.done @!p0 $0x0  }
0xb6: {  	s30 =	simm.s32 @!p0 $0x6800;
	[sflag:s26] =	ssyncadd.s32 @!p0 $0xFFFFC000;
	s26 =	simm.s32 @!p0 $0x80  }
0xb7: {  	[tilespmem:s30], [sflag:$0x2] =	stream.indirect.gather @!p0 [hbm4b:s1+s26], $0x80, s23, s26, $0xb8;
	[tilespmem:$0x1E800] =	vst v63  }
0xb8: {  	s29 =	simm.s32 @!p0 $0x2800;
	s25 =	simm.s32 $0x3;
	_ =	swait.ge @!p0 [sflag:s28], $0x4000  }
0xb9: {  	s22 =	simm.s32 $0x180;
	s23 =	simm.s32 $0x1500;
	[sflag:s28] =	ssyncset.done @!p0 $0x0  }
.LBB2_4:
0xba: {  	s30 =	simm.s32 @p2 $0x3;
	[sflag:s28] =	ssyncadd.s32 @!p0 $0xFFFFC000  }
0xbb: {  	s31 =	smov.u32 s25;
	s25 =	sadd.s32 $0x1, s25;
	s0 =	smov.u32 s22  }
0xbc: {  	[spmem:s2] =	stream.indirect.scatter.add.f32 @!p0 [tilespmem:s29], [sflag:$0x3], $0x80, s24, s26, $0xb8;
	[tilespmem:$0x1E800] =	vst v63  }
0xbd: {  	p1 =	sne.s32 s25, $0x27;
	s24 =	smov.u32 s23;
	_ =	swait.ge @p2 [sflag:s30], $0x4000  }
0xbe: {  	s26 =	simm.s32 @p2 $0x2;
	p0 =	por p2, p2;
	[sflag:s30] =	ssyncset.done @p2 $0x0  }
0xbf: {  	s28 =	simm.s32 @p0 $0x80;
	s29 =	simm.s32 @p0 $0x2800;
	[sflag:s30] =	ssyncadd.s32 @p0 $0xFFFFC000  }
0xc0: {  	[tilespmem:s29], [sflag:$0x1] =	stream.indirect.gather @p0 [hbm4b:s1+s28], $0x80, s22, s28, $0xb8;
	[tilespmem:$0x1E800] =	vst v63  }
0xc1: {  	_ =	swait.ge @p0 [sflag:s26], $0x4000  }
0xc2: {  	[sflag:s26] =	ssyncset.done @p0 $0x0  }
0xc3: {  	s29 =	simm.s32 @!p0 $0x4;
	[sflag:s26] =	ssyncadd.s32 @p0 $0xFFFFC000;
	s26 =	simm.s32 @p0 $0x6800  }
0xc4: {  	[spmem:s2] =	stream.indirect.scatter.add.f32 @p0 [tilespmem:s26], [sflag:$0x4], $0x80, s23, s28, $0xb8;
	[tilespmem:$0x1E800] =	vst v63  }
0xc5: {  	s22 =	sadd.s32 $0x80, s22;
	_ =	swait.ge @!p0 [sflag:s29], $0x4000  }
.Ltmp1:
0xc6: {  	s28 =	simm.s32 @!p0 $0x1;
	[sflag:s29] =	ssyncset.done @!p0 $0x0;
	(pc) =	sbr.rel @p1 .LBB2_4-.Ltmp1, $4  }
0xc7: {  	s26 =	simm.s32 @!p0 $0x80;
	[sflag:s29] =	ssyncadd.s32 @!p0 $0xFFFFC000;
	s29 =	simm.s32 @!p0 $0x6800  }
0xc8: {  	[tilespmem:s29], [sflag:$0x2] =	stream.indirect.gather @!p0 [hbm4b:s1+s26], $0x80, s0, s26, $0xb8;
	[tilespmem:$0x1E800] =	vst v63  }
0xc9: {  	s23 =	sadd.s32 $0x80, s23;
	s0 =	sand.u32 $0x1, s31;
	_ =	swait.ge @!p0 [sflag:s28], $0x4000  }
0xca: {  	s29 =	simm.s32 @!p0 $0x2800;
	p2 =	seq.s32 s0, $0x1;
	[sflag:s28] =	ssyncset.done @!p0 $0x0  }
0xcb: {  	s0 =	simm.s32 @p2 $0x3;
	[sflag:s28] =	ssyncadd.s32 @!p0 $0xFFFFC000  }
0xcc: {  	[spmem:s2] =	stream.indirect.scatter.add.f32 @!p0 [tilespmem:s29], [sflag:$0x3], $0x80, s24, s26, $0xb8;
	[tilespmem:$0x1E800] =	vst v63  }
0xcd: {  	_ =	swait.ge @p2 [sflag:s0], $0x4000  }
0xce: {  	s24 =	simm.s32 @p2 $0x2;
	p0 =	por p2, p2;
	[sflag:s0] =	ssyncset.done @p2 $0x0  }
0xcf: {  	s25 =	simm.s32 @p0 $0x2800;
	[sflag:s0] =	ssyncadd.s32 @p0 $0xFFFFC000;
	s0 =	simm.s32 @p0 $0x80  }
0xd0: {  	[tilespmem:s25], [sflag:$0x1] =	stream.indirect.gather @p0 [hbm4b:s1+s0], $0x80, s22, s0, $0xb8;
	[tilespmem:$0x1E800] =	vst v63  }
0xd1: {  	_ =	swait.ge @p0 [sflag:s24], $0x4000  }
0xd2: {  	[sflag:s24] =	ssyncset.done @p0 $0x0  }
0xd3: {  	s25 =	simm.s32 @!p0 $0x4;
	[sflag:s24] =	ssyncadd.s32 @p0 $0xFFFFC000;
	s24 =	simm.s32 @p0 $0x6800  }
0xd4: {  	[spmem:s2] =	stream.indirect.scatter.add.f32 @p0 [tilespmem:s24], [sflag:$0x4], $0x80, s23, s0, $0xb8;
	[tilespmem:$0x1E800] =	vst v63  }
0xd5: {  	_ =	swait.ge @!p0 [sflag:s25], $0x4000  }
0xd6: {  	s0 =	simm.s32 @!p0 $0x1;
	[sflag:s25] =	ssyncset.done @!p0 $0x0  }
0xd7: {  	s24 =	simm.s32 @!p0 $0x80;
	[sflag:s25] =	ssyncadd.s32 @!p0 $0xFFFFC000;
	s25 =	simm.s32 @!p0 $0x6800  }
0xd8: {  	[tilespmem:s25], [sflag:$0x2] =	stream.indirect.gather @!p0 [hbm4b:s1+s24], $0x80, s22, s24, $0xb8;
	[tilespmem:$0x1E800] =	vst v63  }
0xd9: {  	_ =	swait.ge @!p0 [sflag:s0], $0x4000  }
0xda: {  	[sflag:s0] =	ssyncset.done @!p0 $0x0  }
0xdb: {  	s22 =	simm.s32 @!p0 $0x2800;
	[sflag:s0] =	ssyncadd.s32 @!p0 $0xFFFFC000  }
0xdc: {  	[spmem:s2] =	stream.indirect.scatter.add.f32 @!p0 [tilespmem:s22], [sflag:$0x3], $0x80, s23, s24, $0xb8;
	[tilespmem:$0x1E800] =	vst v63  }
0xdd: {  	_ =	swait.ge [sflag:s17], $0x4000  }
0xde: {  	[sflag:s17] =	ssyncset.done $0x0  }
0xdf: {  	[sflag:s17] =	ssyncadd.s32 $0xFFFFC000  }
0xe0: {  	_ =	swait.ge [sflag:s18], $0x4000  }
0xe1: {  	[sflag:s18] =	ssyncset.done $0x0  }
0xe2: {  	[sflag:s18] =	ssyncadd.s32 $0xFFFFC000  }
0xe3: {  	[spmem:s2] =	stream.indirect.scatter.add.f32 [tilespmem:s16], [sflag:$0x4], $0x80, s19, s15, $0xb8;
	[tilespmem:$0x1E800] =	vst v63  }
0xe4: {  	_ =	swait.ge [sflag:s20], $0x4000  }
0xe5: {  	[sflag:s20] =	ssyncset.done $0x0  }
0xe6: {  	s30 =	simm.s32 $0x1;
	[sflag:s20] =	ssyncadd.s32 $0xFFFFC000  }
0xe7: {  	[tilespmem:s4], [sflag:$0x1] =	stream.linear.gather [hbm4b:s8+s4], $0x1400, $0x38;
	[tilespmem:$0x1E800] =	vst v63  }
0xe8: {  	_ =	swait.ge [sflag:s30], $0x1400  }
0xe9: {  	[sflag:s30] =	ssyncset.done $0x0  }
0xea: {  	[sflag:s30] =	ssyncadd.s32 $0xFFFFEC00  }
0xeb: {  	[tilespmem:s14], [sflag:$0x1] =	stream.linear.gather [hbm4b:s9+s4], $0x1400, $0x38;
	[tilespmem:$0x1E800] =	vst v63  }
0xec: {  	_ =	swait.ge [sflag:s30], $0x1400  }
0xed: {  	[sflag:s30] =	ssyncset.done $0x0  }
0xee: {  	[sflag:s30] =	ssyncadd.s32 $0xFFFFEC00  }
0xef: {  	[tilespmem:s12], [sflag:$0x1] =	stream.indirect.gather [hbm4b:s1+s15], $0x80, s4, s15, $0xb8;
	[tilespmem:$0x1E800] =	vst v63  }
0xf0: {  	_ = 	snop  }
0xf1: {  	[tilespmem:s16], [sflag:$0x2] =	stream.indirect.gather [hbm4b:s1+s15], $0x80, s15, s15, $0xb8;
	[tilespmem:$0x1E800] =	vst v63  }
0xf2: {  	s0 =	sand.u32 $0x1, s30;
	_ =	swait.ge [sflag:s30], $0x4000  }
0xf3: {  	p0 =	seq.s32 s0, $0x1;
	[sflag:s30] =	ssyncset.done $0x0  }
0xf4: {  	s0 =	simm.s32 @p0 $0x3;
	[sflag:s30] =	ssyncadd.s32 $0xFFFFC000  }
0xf5: {  	[spmem:s2] =	stream.indirect.scatter.add.f32 [tilespmem:s12], [sflag:$0x3], $0x80, s14, s15, $0xb8;
	[tilespmem:$0x1E800] =	vst v63  }
0xf6: {  	s23 =	simm.s32 $0x100;
	_ =	swait.ge @p0 [sflag:s0], $0x4000  }
0xf7: {  	s22 =	simm.s32 @p0 $0x2;
	[sflag:s0] =	ssyncset.done @p0 $0x0;
	p0 =	por p0, p0  }
0xf8: {  	[sflag:s0] =	ssyncadd.s32 @p0 $0xFFFFC000;
	s0 =	simm.s32 @p0 $0x80;
	s24 =	simm.s32 @p0 $0x2800  }
0xf9: {  	[tilespmem:s24], [sflag:$0x1] =	stream.indirect.gather @p0 [hbm4b:s1+s0], $0x80, s23, s0, $0xb8;
	[tilespmem:$0x1E800] =	vst v63  }
0xfa: {  	_ =	swait.ge @p0 [sflag:s22], $0x4000  }
0xfb: {  	s26 =	simm.s32 @!p0 $0x4;
	[sflag:s22] =	ssyncset.done @p0 $0x0  }
0xfc: {  	s24 =	simm.s32 $0x1480;
	[sflag:s22] =	ssyncadd.s32 @p0 $0xFFFFC000;
	s22 =	simm.s32 @p0 $0x6800  }
0xfd: {  	[spmem:s2] =	stream.indirect.scatter.add.f32 @p0 [tilespmem:s22], [sflag:$0x4], $0x80, s24, s0, $0xb8;
	[tilespmem:$0x1E800] =	vst v63  }
0xfe: {  	s31 =	simm.s32 $0x2;
	s25 =	simm.s32 $0x3;
	_ =	swait.ge @!p0 [sflag:s26], $0x4000  }
0xff: {  	s28 =	simm.s32 @!p0 $0x1;
	s29 =	simm.s32 @!p0 $0x6800;
	[sflag:s26] =	ssyncset.done @!p0 $0x0  }
0x100: {  	s0 =	sand.u32 $0x1, s31;
	[sflag:s26] =	ssyncadd.s32 @!p0 $0xFFFFC000;
	s26 =	simm.s32 @!p0 $0x80  }
0x101: {  	[tilespmem:s29], [sflag:$0x2] =	stream.indirect.gather @!p0 [hbm4b:s1+s26], $0x80, s23, s26, $0xb8;
	[tilespmem:$0x1E800] =	vst v63  }
0x102: {  	s22 =	simm.s32 $0x180;
	p2 =	seq.s32 s0, $0x1;
	_ =	swait.ge @!p0 [sflag:s28], $0x4000  }
0x103: {  	s23 =	simm.s32 $0x1500;
	s29 =	simm.s32 @!p0 $0x2800;
	[sflag:s28] =	ssyncset.done @!p0 $0x0  }
.LBB2_6:
0x104: {  	s0 =	simm.s32 @p2 $0x3;
	[sflag:s28] =	ssyncadd.s32 @!p0 $0xFFFFC000  }
0x105: {  	s30 =	smov.u32 s25;
	s25 =	sadd.s32 $0x1, s25;
	s31 =	smov.u32 s22  }
0x106: {  	[spmem:s2] =	stream.indirect.scatter.add.f32 @!p0 [tilespmem:s29], [sflag:$0x3], $0x80, s24, s26, $0xb8;
	[tilespmem:$0x1E800] =	vst v63  }
0x107: {  	p1 =	sne.s32 s25, $0x27;
	s24 =	smov.u32 s23;
	_ =	swait.ge @p2 [sflag:s0], $0x4000  }
0x108: {  	s26 =	simm.s32 @p2 $0x2;
	p0 =	por p2, p2;
	[sflag:s0] =	ssyncset.done @p2 $0x0  }
0x109: {  	s28 =	simm.s32 @p0 $0x2800;
	[sflag:s0] =	ssyncadd.s32 @p0 $0xFFFFC000;
	s0 =	simm.s32 @p0 $0x80  }
0x10a: {  	[tilespmem:s28], [sflag:$0x1] =	stream.indirect.gather @p0 [hbm4b:s1+s0], $0x80, s22, s0, $0xb8;
	[tilespmem:$0x1E800] =	vst v63  }
0x10b: {  	_ =	swait.ge @p0 [sflag:s26], $0x4000  }
0x10c: {  	[sflag:s26] =	ssyncset.done @p0 $0x0  }
0x10d: {  	s29 =	simm.s32 @!p0 $0x4;
	[sflag:s26] =	ssyncadd.s32 @p0 $0xFFFFC000;
	s26 =	simm.s32 @p0 $0x6800  }
0x10e: {  	[spmem:s2] =	stream.indirect.scatter.add.f32 @p0 [tilespmem:s26], [sflag:$0x4], $0x80, s23, s0, $0xb8;
	[tilespmem:$0x1E800] =	vst v63  }
0x10f: {  	s22 =	sadd.s32 $0x80, s22;
	_ =	swait.ge @!p0 [sflag:s29], $0x4000  }
.Ltmp2:
0x110: {  	s28 =	simm.s32 @!p0 $0x1;
	[sflag:s29] =	ssyncset.done @!p0 $0x0;
	(pc) =	sbr.rel @p1 .LBB2_6-.Ltmp2, $4  }
0x111: {  	s26 =	simm.s32 @!p0 $0x80;
	s0 =	simm.s32 @!p0 $0x6800;
	[sflag:s29] =	ssyncadd.s32 @!p0 $0xFFFFC000  }
0x112: {  	[tilespmem:s0], [sflag:$0x2] =	stream.indirect.gather @!p0 [hbm4b:s1+s26], $0x80, s31, s26, $0xb8;
	[tilespmem:$0x1E800] =	vst v63  }
0x113: {  	s23 =	sadd.s32 $0x80, s23;
	s0 =	sand.u32 $0x1, s30;
	_ =	swait.ge @!p0 [sflag:s28], $0x4000  }
0x114: {  	s29 =	simm.s32 @!p0 $0x2800;
	p2 =	seq.s32 s0, $0x1;
	[sflag:s28] =	ssyncset.done @!p0 $0x0  }
0x115: {  	s0 =	simm.s32 @p2 $0x3;
	[sflag:s28] =	ssyncadd.s32 @!p0 $0xFFFFC000  }
0x116: {  	[spmem:s2] =	stream.indirect.scatter.add.f32 @!p0 [tilespmem:s29], [sflag:$0x3], $0x80, s24, s26, $0xb8;
	[tilespmem:$0x1E800] =	vst v63  }
0x117: {  	_ =	swait.ge @p2 [sflag:s0], $0x4000  }
0x118: {  	s24 =	simm.s32 @p2 $0x2;
	p0 =	por p2, p2;
	[sflag:s0] =	ssyncset.done @p2 $0x0  }
0x119: {  	s25 =	simm.s32 @p0 $0x2800;
	[sflag:s0] =	ssyncadd.s32 @p0 $0xFFFFC000;
	s0 =	simm.s32 @p0 $0x80  }
0x11a: {  	[tilespmem:s25], [sflag:$0x1] =	stream.indirect.gather @p0 [hbm4b:s1+s0], $0x80, s22, s0, $0xb8;
	[tilespmem:$0x1E800] =	vst v63  }
0x11b: {  	_ =	swait.ge @p0 [sflag:s24], $0x4000  }
0x11c: {  	[sflag:s24] =	ssyncset.done @p0 $0x0  }
0x11d: {  	s25 =	simm.s32 @!p0 $0x4;
	[sflag:s24] =	ssyncadd.s32 @p0 $0xFFFFC000;
	s24 =	simm.s32 @p0 $0x6800  }
0x11e: {  	[spmem:s2] =	stream.indirect.scatter.add.f32 @p0 [tilespmem:s24], [sflag:$0x4], $0x80, s23, s0, $0xb8;
	[tilespmem:$0x1E800] =	vst v63  }
0x11f: {  	_ =	swait.ge @!p0 [sflag:s25], $0x4000  }
0x120: {  	s0 =	simm.s32 @!p0 $0x1;
	[sflag:s25] =	ssyncset.done @!p0 $0x0  }
0x121: {  	s24 =	simm.s32 @!p0 $0x80;
	[sflag:s25] =	ssyncadd.s32 @!p0 $0xFFFFC000;
	s25 =	simm.s32 @!p0 $0x6800  }
0x122: {  	[tilespmem:s25], [sflag:$0x2] =	stream.indirect.gather @!p0 [hbm4b:s1+s24], $0x80, s22, s24, $0xb8;
	[tilespmem:$0x1E800] =	vst v63  }
0x123: {  	_ =	swait.ge @!p0 [sflag:s0], $0x4000  }
0x124: {  	[sflag:s0] =	ssyncset.done @!p0 $0x0  }
0x125: {  	s22 =	simm.s32 @!p0 $0x2800;
	[sflag:s0] =	ssyncadd.s32 @!p0 $0xFFFFC000  }
0x126: {  	[spmem:s2] =	stream.indirect.scatter.add.f32 @!p0 [tilespmem:s22], [sflag:$0x3], $0x80, s23, s24, $0xb8;
	[tilespmem:$0x1E800] =	vst v63  }
0x127: {  	_ =	swait.ge [sflag:s17], $0x4000  }
0x128: {  	[sflag:s17] =	ssyncset.done $0x0  }
0x129: {  	[sflag:s17] =	ssyncadd.s32 $0xFFFFC000  }
0x12a: {  	_ =	swait.ge [sflag:s18], $0x4000  }
0x12b: {  	[sflag:s18] =	ssyncset.done $0x0  }
0x12c: {  	[sflag:s18] =	ssyncadd.s32 $0xFFFFC000  }
0x12d: {  	[spmem:s2] =	stream.indirect.scatter.add.f32 [tilespmem:s16], [sflag:$0x4], $0x80, s19, s15, $0xb8;
	[tilespmem:$0x1E800] =	vst v63  }
0x12e: {  	_ =	swait.ge [sflag:s20], $0x4000  }
0x12f: {  	s30 =	sshll.u32 s3, $0x6;
	s21 =	sadd.s32 $0x1, s21;
	[sflag:s20] =	ssyncset.done $0x0  }
0x130: {  	s31 =	sshrl.u32 s5, $0x3;
	p0 =	sne.s32 s21, s11;
	[sflag:s20] =	ssyncadd.s32 $0xFFFFC000  }
.Ltmp3:
0x131: {  	s0 =	sor.u32 $0x1C05, s30;
	[bflag:$0x0] =	sbarrier.arrive $0xFFFF;
	(pc) =	sbr.rel @p0 .LBB2_1-.Ltmp3, $4  }
0x132: {  	[hbm:s10], [sflag:s0] =	dma.local [spmem:s31], $0x2800  }
0x133: {  	_ =	swait.ge [sflag:s13], $0x2800  }
0x134: {  	[sflag:s13] =	ssyncset.done $0x0  }
0x135: {  	[sflag:s13] =	ssyncadd.s32 $0xFFFFD800  }
0x136: {  	_ =	sfence.sel $0x180000  }
0x137: {  	[bflag:$0x0] =	sbarrier.arrive $0xFFFF  }
0x138: {  	_ =	strace $0x9000004A  }
0x139: {  	[bflag:$0x2] =	sbarrier.arrive $0xFFFF  }
0x13a: {  	p0 =	sne.s32 s3, $0x0;
	s0 =	rddreg [dreg:$0x3]  }
0x13b: {  	s0 =	sadd.s32 @!p0 $0x100000, s0  }
0x13c: {  	[sflag:s0] =	ssyncadd.tile.s32 @!p0 $0x1;
	_ =	shalt  }
.Lfunc_end2:
_tile_overlayer_lowered:
.L_overlay_start_2:
0x13d: {  	(tag) =	ssettag $0x2  }
0x13e: {  	s0 =	rddreg [dreg:$0x0];
	s2 =	stileid.u32  }
0x13f: {  	s1 =	rddreg [dreg:$0x1];
	p0 =	sne.s32 s2, $0x0  }
0x140: {  	s3 =	rddreg [dreg:$0x2];
	[bflag:$0x3] =	sbarrier.arrive $0xFFFF;
	s2 =	simm.s32 @!p0 $0x1C05  }
0x141: {  	[timem:s3], [sflag:s2] =	dma.local @!p0 [hbm:s0], s1  }
0x142: {  	s0 =	simm.s32 @!p0 $0x5  }
0x143: {  	_ =	swait.ge @!p0 [sflag:s0], s1  }
0x144: {  	s1 =	ssub.s32 @!p0 $0x0, s1;
	[sflag:s0] =	ssyncset.done @!p0 $0x0  }
0x145: {  	[sflag:s0] =	ssyncadd.s32 @!p0 s1  }
0x146: {  	[bflag:$0x3] =	sbarrier.arrive $0xFFFF  }
0x147: {  	_ =	shalt  }

// kernel: kernel.14.cloned.1.call-start
scs
__scs_entry_jumppad:
0x0: {  	(pc) =	sbr.rel $0x88, $3  }
0x1: {  	(tag) =	ssettag $0x0;
	lr =	simm.s32 $0x1  }
0x2: {  	[smem:$0x3F9B] =	sst lr;
	_ =	strace $0xD0000000  }
0x3: {  	_ = 	snop  }
0x4: {  	_ = 	snop  }
0x5: {  	_ = 	snop  }
0x6: {  	_ = 	snop  }
0x7: {  	_ = 	snop  }
__scs_overlays_trampoline_lowered:
0x8: {  	[smem:$0x3FAA] =	sst s0  }
0x9: {  	[smem:$0x3FAB] =	sst s1  }
0xa: {  	[smem:$0x3FAC] =	sst s2  }
0xb: {  	[smem:$0x3FAD] =	sst s3  }
0xc: {  	[smem:$0x3FAE] =	sst s4  }
0xd: {  	[smem:$0x3FAF] =	sst s5  }
0xe: {  	[smem:$0x3FB0] =	sst s6  }
0xf: {  	[smem:$0x3FB1] =	sst s7  }
0x10: {  	[smem:$0x3FB2] =	sst s8  }
0x11: {  	[smem:$0x3FB3] =	sst s9;
	s0 =	simm.s32 @!p0 $0x0  }
0x12: {  	s1 =	sld [smem:$0x3F99];
	s0 =	simm.s32 @p0 $0x1  }
0x13: {  	[smem:$0x3FB4] =	sst s0;
	s0 =	simm.s32 @!p1 $0x0  }
0x14: {  	s2 =	sld [smem:$0x3F98];
	s0 =	simm.s32 @p1 $0x1  }
0x15: {  	[smem:$0x3FB5] =	sst s0;
	s0 =	simm.s32 @!p2 $0x0  }
0x16: {  	s3 =	sld [smem:$0x3FDB];
	s0 =	simm.s32 @p2 $0x1  }
0x17: {  	s4 =	simm.s32 $0x1BF5;
	[smem:$0x3FB7] =	sst s0  }
0x18: {  	s0 =	sld [smem:$0x3F9A];
	_ =	swait.ge [sflag:s4], $0x0  }
0x19: {  	s7 =	sld [smem:$0x3F9B]  }
0x1a: {  	s8 =	sadd.s32 $0xFFFFE003, lr  }
0x1b: {  	s9 =	sadd.s32 $0xFFFFFEF7, lr;
	s5 =	simm.s32 $0xFFFFFFFF;
	p2 =	slt.u32 s8, $0xFFFFF086  }
0x1c: {  	p1 =	slt.u32 s9, $0xF7A;
	s5 =	simm.s32 @!p2 $0x0  }
0x1d: {  	s5 =	simm.s32 @p1 $0x1;
	p0 =	seq.s32 s7, s2  }
0x1e: {  	s7 =	smul.u32 @!p0 $0xF7A, s2;
	p2 =	seq.s32 @!p0 s5, $0x0  }
0x1f: {  	s9 =	smul.u32 $0xF7A, s1;
	s8 =	simm.s32 @!p0 $0x1BF5;
	p2 =	por !p2, p0  }
0x20: {  	[sflag:s8] =	ssyncset.s32 @!p0 $0xFFFFF086;
	s6 =	sadd.s32 @!p0 s3, s7;
	s7 =	simm.s32 @!p0 $0x108  }
0x21: {  	s3 =	sadd.s32 s3, s9;
	s6 =	sadd.s32 @!p0 $0x88, s6;
	s7 =	simm.s32 @p2 $0x1082  }
0x22: {  	[simem:s7], [sflag:s8] =	dma.local @!p0 [hbm:s6], $0xF7A  }
0x23: {  	s9 =	sor.u32 $0xD0000000, s2;
	s6 =	simm.s32 $0x108;
	_ =	swait.ge @!p0 [sflag:s8], $0x0  }
0x24: {  	s3 =	sadd.s32 $0x88, s3;
	s6 =	simm.s32 @!p1 $0x1082;
	[sflag:s4] =	ssyncset.s32 $0xFFFFF086  }
0x25: {  	[simem:s6], [sflag:s4] =	dma.local [hbm:s3], $0xF7A  }
0x26: {  	[smem:$0x3F9B] =	sst s1;
	(tag) =	ssettag s2;
	_ =	strace s9  }
0x27: {  	s1 =	sld [smem:$0x3FAB]  }
0x28: {  	s2 =	sld [smem:$0x3FAC]  }
0x29: {  	s4 =	sld [smem:$0x3FAE]  }
0x2a: {  	p0 =	seq.s32 s5, $0x0;
	s5 =	sld [smem:$0x3FAF]  }
0x2b: {  	s6 =	sld [smem:$0x3FB0]  }
0x2c: {  	s7 =	sld [smem:$0x3FB1]  }
0x2d: {  	s3 =	simm.s32 $0x108;
	s8 =	sld [smem:$0x3FB2]  }
0x2e: {  	s3 =	simm.s32 @!p0 $0x1082;
	s9 =	sld [smem:$0x3FB3]  }
0x2f: {  	lr =	sadd.s32 s0, s3;
	s0 =	sld [smem:$0x3FAA]  }
0x30: {  	s3 =	sld [smem:$0x3FAD]  }
0x31: {  	[smem:$0x3FB6] =	sst s10  }
0x32: {  	s10 =	sld [smem:$0x3FB4];
	_ =	sdelay $0x3  }
0x33: {  	p0 =	seq.s32 s10, $0x1;
	s10 =	sld [smem:$0x3FB6];
	_ =	sdelay $0x3  }
0x34: {  	[smem:$0x3FB6] =	sst s10  }
0x35: {  	s10 =	sld [smem:$0x3FB5];
	_ =	sdelay $0x3  }
0x36: {  	p1 =	seq.s32 s10, $0x1;
	s10 =	sld [smem:$0x3FB6];
	_ =	sdelay $0x3  }
0x37: {  	[smem:$0x3FB6] =	sst s10  }
0x38: {  	s10 =	sld [smem:$0x3FB7]  }
0x39: {  	_ = 	snop;
	(pc) =	sbr.ind lr, $3  }
0x3a: {  	_ = 	snop  }
0x3b: {  	_ = 	snop  }
0x3c: {  	p2 =	seq.s32 s10, $0x1;
	s10 =	sld [smem:$0x3FB6]  }
0x3d: {  	_ =	shalt  }
0x3e: {  	_ =	shalt  }
0x3f: {  	_ =	shalt  }
0x40: {  	_ =	shalt  }
0x41: {  	_ =	shalt  }
0x42: {  	_ =	shalt  }
0x43: {  	_ =	shalt  }
0x44: {  	_ =	shalt  }
0x45: {  	_ =	shalt  }
0x46: {  	_ =	shalt  }
0x47: {  	_ =	shalt  }
0x48: {  	_ =	shalt  }
0x49: {  	_ =	shalt  }
0x4a: {  	_ =	shalt  }
0x4b: {  	_ =	shalt  }
0x4c: {  	_ =	shalt  }
0x4d: {  	_ =	shalt  }
0x4e: {  	_ =	shalt  }
0x4f: {  	_ =	shalt  }
0x50: {  	_ =	shalt  }
0x51: {  	_ =	shalt  }
0x52: {  	_ =	shalt  }
0x53: {  	_ =	shalt  }
0x54: {  	_ =	shalt  }
0x55: {  	_ =	shalt  }
0x56: {  	_ =	shalt  }
0x57: {  	_ =	shalt  }
0x58: {  	_ =	shalt  }
0x59: {  	_ =	shalt  }
0x5a: {  	_ =	shalt  }
0x5b: {  	_ =	shalt  }
0x5c: {  	_ =	shalt  }
0x5d: {  	_ =	shalt  }
0x5e: {  	_ =	shalt  }
0x5f: {  	_ =	shalt  }
0x60: {  	_ =	shalt  }
0x61: {  	_ =	shalt  }
0x62: {  	_ =	shalt  }
0x63: {  	_ =	shalt  }
0x64: {  	_ =	shalt  }
0x65: {  	_ =	shalt  }
0x66: {  	_ =	shalt  }
0x67: {  	_ =	shalt  }
0x68: {  	_ =	shalt  }
0x69: {  	_ =	shalt  }
0x6a: {  	_ =	shalt  }
0x6b: {  	_ =	shalt  }
0x6c: {  	_ =	shalt  }
0x6d: {  	_ =	shalt  }
0x6e: {  	_ =	shalt  }
0x6f: {  	_ =	shalt  }
0x70: {  	_ =	shalt  }
0x71: {  	_ =	shalt  }
0x72: {  	_ =	shalt  }
0x73: {  	_ =	shalt  }
0x74: {  	_ =	shalt  }
0x75: {  	_ =	shalt  }
0x76: {  	_ =	shalt  }
0x77: {  	_ =	shalt  }
0x78: {  	_ =	shalt  }
0x79: {  	_ =	shalt  }
0x7a: {  	_ =	shalt  }
0x7b: {  	_ =	shalt  }
0x7c: {  	_ =	shalt  }
0x7d: {  	_ =	shalt  }
0x7e: {  	_ =	shalt  }
0x7f: {  	_ =	shalt  }
0x80: {  	_ =	shalt  }
0x81: {  	_ =	shalt  }
0x82: {  	_ =	shalt  }
0x83: {  	_ =	shalt  }
0x84: {  	_ =	shalt  }
0x85: {  	_ =	shalt  }
0x86: {  	_ =	shalt  }
0x87: {  	_ =	shalt  }
.Lfunc_end0:
.L_simem_size_0:
called_computation.2_lowered:
.L_overlay_start_0:
0x88: {  	s2 =	sld [smem:$0x3FD9]  }
0x89: {  	s3 =	sld [smem:$0x3FFE];
	_ =	sdelay $0x1  }
0x8a: {  	s1 =	srdreg.scid  }
0x8b: {  	s0 =	sand.u32 $0x1, s1  }
0x8c: {  	s17 =	sshll.u32 s0, $0xA;
	s2 =	sadd.s32 s3, s2  }
0x8d: {  	s2 =	sadd.s32 s2, s17  }
0x8e: {  	[smem:$0x3FC2] =	sst s2  }
0x8f: {  	_ = 	snop  }
0x90: {  	s2 =	sld [smem:$0x3FD0];
	(tm) =	ssettm $0x1  }
0x91: {  	s18 =	sld [smem:$0x3FFB];
	_ =	sdelay $0x3  }
0x92: {  	_ =	strace s18  }
0x93: {  	s3 =	sld [smem:$0x3FFC];
	_ =	sdelay $0x3  }
0x94: {  	_ =	strace s3  }
0x95: {  	s3 =	sld [smem:$0x3FFD];
	_ =	sdelay $0x3  }
0x96: {  	_ =	strace s3  }
0x97: {  	_ =	strace $0x8FFFFFFF  }
0x98: {  	s19 =	sld [smem:$0x3FDB];
	_ =	sdelay $0x1  }
0x99: {  	s4 =	simm.s32 $_scs_section_size  }
0x9a: {  	s5 =	simm.s32 $_size__tile_overlayer_lowered;
	s6 =	simm.s32 $_tile_overlayer_lowered  }
0x9b: {  	s22 =	simm.s32 $0x1BFF;
	s21 =	sshll.u32 s6, $0x1;
	s3 =	sadd.s32 s4, s19  }
0x9c: {  	s7 =	simm.s32 $0x0;
	s20 =	sshll.u32 s5, $0x1;
	s5 =	sadd.s32 s21, s3  }
0x9d: {  	[timem:s7], [sflag:s22] =	dma.local [hbm:s5], s20  }
0x9e: {  	_ =	swait.ge [sflag:s22], s20  }
0x9f: {  	s4 =	ssub.s32 $0x0, s20;
	[sflag:s22] =	ssyncset.done $0x0  }
0xa0: {  	[sflag:s22] =	ssyncadd.s32 s4;
	_ =	sdelay $0x1  }
0xa1: {  	s23 =	simm.s32 $0x1B8B  }
0xa2: {  	_ =	swait.ge [sflag:s23], $0x1  }
0xa3: {  	[sflag:s23] =	ssyncset.done $0x0  }
0xa4: {  	s25 =	simm.s32 $0x1B8E;
	s24 =	sld [smem:$0x3FFE];
	[sflag:s23] =	ssyncadd.s32 $0xFFFFFFFF  }
0xa5: {  	s26 =	simm.s32 $execute0_lowered;
	[smem:$0x3FD2] =	sst s25  }
0xa6: {  	s5 =	sshll.u32 s26, $0x1;
	_ =	strace $0x8000004C;
	[dreg:$0x1] =	wrdreg $0xFFFFFFFF  }
0xa7: {  	s28 =	simm.s32 $_size_execute0_lowered;
	s3 =	sadd.s32 s3, s5;
	[dreg:$0x0] =	wrdreg $0x0  }
0xa8: {  	s5 =	sshll.u32 s28, $0x1;
	[dreg:$0x2] =	wrdreg s3  }
0xa9: {  	[dreg:$0x3] =	wrdreg s5  }
0xaa: {  	[dreg:$0x4] =	wrdreg $0xC0  }
0xab: {  	_ =	task [dreg:s7], $0x5FFFF  }
0xac: {  	[dreg:$0x1] =	wrdreg $0xFFFFFFFF  }
0xad: {  	[dreg:$0x0] =	wrdreg $0x60  }
0xae: {  	[dreg:$0x2] =	wrdreg s24  }
0xaf: {  	[dreg:$0x3] =	wrdreg s2  }
0xb0: {  	[dreg:$0x4] =	wrdreg $0xA8000  }
0xb1: {  	[dreg:$0x5] =	wrdreg $0x9  }
0xb2: {  	_ =	task.clear_ibuf [dreg:s7], $0x6FFFF;
	_ =	strace $0x9000004C  }
0xb3: {  	s29 =	simm.s32 $0x9;
	_ =	strace $0x8000004E  }
0xb4: {  	_ =	swait.ge [sflag:s29], $0x1  }
0xb5: {  	[sflag:s29] =	ssyncadd.s32 $0xFFFFFFFF  }
0xb6: {  	_ =	strace $0x9000004E  }
0xb7: {  	_ =	sfence  }
0xb8: {  	s30 =	sld [smem:$0x0];
	_ =	sdelay $0x2  }
0xb9: {  	s31 =	sshll.u32 s1, $0xD;
	s1 =	sshrl.u32 s1, $0x2  }
0xba: {  	s3 =	sand.u32 $0x4000, s31;
	s1 =	sadd.s32 s1, s30  }
0xbb: {  	s0 =	sor.u32 s3, s0;
	s1 =	sshll.u32 s1, $0x11  }
0xbc: {  	s0 =	sor.u32 s1, s0  }
0xbd: {  	s0 =	sadd.s32 $0x8F2B, s0  }
0xbe: {  	[sflag:s0] =	ssyncadd.remote.s32 $0x1  }
0xbf: {  	_ =	sfence.sel $0xFFFF  }
0xc0: {  	[dreg:$0x0] =	wrdreg $0xFFFFFFFF;
	(pc) =	sbr.abs _section_cstart, $3  }
0xc1: {  	[dreg:$0x1] =	wrdreg $0xFFFFFFFF  }
0xc2: {  	_ =	task.clear_ibuf [dreg:s7], $0x2FFFF;
	_ =	strace $0x9FFFFFFF  }
0xc3: {  	(tm) =	ssettm $0x7FFFFFFF  }
tec
execute0_lowered:
.L_overlay_start_1:
0x0: {  	(tag) =	ssettag $0x1  }
0x1: {  	s5 =	rddreg [dreg:$0x0]  }
0x2: {  	s1 =	rddreg [dreg:$0x1]  }
0x3: {  	s2 =	rddreg [dreg:$0x2];
	s4 =	simm.s32 $0x0;
	s3 =	srdreg.scid  }
0x4: {  	s15 =	simm.s32 $0x80;
	s16 =	simm.s32 $0x6800;
	s17 =	simm.s32 $0x3  }
0x5: {  	s18 =	simm.s32 $0x2;
	s19 =	simm.s32 $0x2780;
	s20 =	simm.s32 $0x4  }
0x6: {  	s21 =	simm.s32 $0x0;
	[smem:$0x7FF] =	sst s4;
	s6 =	sand.u32 $0x1, s3  }
0x7: {  	s3 =	stileid.u32;
	s9 =	sadd.s32 $0x20A00, s5;
	s7 =	smul.u32 $0x140000, s6  }
0x8: {  	s10 =	sadd.s32 $0x16A00, s5;
	s8 =	smul.u32 $0x14000, s3;
	s11 =	sshll.u32 s6, $0x4  }
0x9: {  	s25 =	smul.u32 $0x50000, s3;
	s6 =	ssub.s32 $0x2, s6;
	s24 =	sor.u32 s3, s11  }
0xa: {  	_ =	strace $0x8000004D;
	s26 =	sshrl.u32 s6, $0x1;
	s12 =	smul.u32 $0x2800, s24  }
0xb: {  	s7 =	sadd.s32 s8, s7;
	s28 =	smul.u32 $0x500, s24;
	s14 =	ssub.s32 s6, s26  }
0xc: {  	s29 =	sshrl.u32 s25, $0x2;
	s7 =	sshrl.u32 s7, $0x3;
	s11 =	smax.u32 s14, $0x1  }
0xd: {  	s14 =	simm.s32 $0x1400;
	s13 =	sadd.s32 s7, s5;
	s30 =	sshrl.u32 s12, $0x3  }
0xe: {  	s5 =	sadd.s32 s29, s2;
	s6 =	sadd.s32 s9, s28;
	s31 =	sadd.s32 $0x280, s30  }
0xf: {  	s7 =	sadd.s32 s10, s28;
	s12 =	simm.s32 $0x2800;
	s8 =	sadd.s32 s9, s31  }
0x10: {  	v0 =	vimm.f32 $0.0e+00;
	s9 =	sadd.s32 s10, s31;
	s10 =	sadd.s32 $0x2AA00, s13;
	s13 =	simm.s32 $0x5  }
.LBB2_1:
0x11: {  	[tilespmem:$0x2800] =	vst v0  }
0x12: {  	[tilespmem:$0x2810] =	vst v0  }
0x13: {  	[tilespmem:$0x2820] =	vst v0  }
0x14: {  	[tilespmem:$0x2830] =	vst v0  }
0x15: {  	[tilespmem:$0x2840] =	vst v0  }
0x16: {  	[tilespmem:$0x2850] =	vst v0  }
0x17: {  	[tilespmem:$0x2860] =	vst v0  }
0x18: {  	[tilespmem:$0x2870] =	vst v0  }
0x19: {  	[tilespmem:$0x2880] =	vst v0  }
0x1a: {  	[tilespmem:$0x2890] =	vst v0  }
0x1b: {  	[tilespmem:$0x28A0] =	vst v0  }
0x1c: {  	[tilespmem:$0x28B0] =	vst v0  }
0x1d: {  	[tilespmem:$0x28C0] =	vst v0  }
0x1e: {  	[tilespmem:$0x28D0] =	vst v0  }
0x1f: {  	[tilespmem:$0x28E0] =	vst v0  }
0x20: {  	[tilespmem:$0x28F0] =	vst v0  }
0x21: {  	[tilespmem:$0x2900] =	vst v0  }
0x22: {  	[tilespmem:$0x2910] =	vst v0  }
0x23: {  	[tilespmem:$0x2920] =	vst v0  }
0x24: {  	[tilespmem:$0x2930] =	vst v0  }
0x25: {  	[tilespmem:$0x2940] =	vst v0  }
0x26: {  	[tilespmem:$0x2950] =	vst v0  }
0x27: {  	[tilespmem:$0x2960] =	vst v0  }
0x28: {  	[tilespmem:$0x2970] =	vst v0  }
0x29: {  	[tilespmem:$0x2980] =	vst v0  }
0x2a: {  	[tilespmem:$0x2990] =	vst v0  }
0x2b: {  	[tilespmem:$0x29A0] =	vst v0  }
0x2c: {  	[tilespmem:$0x29B0] =	vst v0  }
0x2d: {  	[tilespmem:$0x29C0] =	vst v0  }
0x2e: {  	[tilespmem:$0x29D0] =	vst v0  }
0x2f: {  	[tilespmem:$0x29E0] =	vst v0  }
0x30: {  	[tilespmem:$0x29F0] =	vst v0  }
0x31: {  	[tilespmem:$0x2A00] =	vst v0  }
0x32: {  	[tilespmem:$0x2A10] =	vst v0  }
0x33: {  	[tilespmem:$0x2A20] =	vst v0  }
0x34: {  	[tilespmem:$0x2A30] =	vst v0  }
0x35: {  	[tilespmem:$0x2A40] =	vst v0  }
0x36: {  	[tilespmem:$0x2A50] =	vst v0  }
0x37: {  	[tilespmem:$0x2A60] =	vst v0  }
0x38: {  	[tilespmem:$0x2A70] =	vst v0  }
0x39: {  	[tilespmem:$0x2A80] =	vst v0  }
0x3a: {  	[tilespmem:$0x2A90] =	vst v0  }
0x3b: {  	[tilespmem:$0x2AA0] =	vst v0  }
0x3c: {  	[tilespmem:$0x2AB0] =	vst v0  }
0x3d: {  	[tilespmem:$0x2AC0] =	vst v0  }
0x3e: {  	[tilespmem:$0x2AD0] =	vst v0  }
0x3f: {  	[tilespmem:$0x2AE0] =	vst v0  }
0x40: {  	[tilespmem:$0x2AF0] =	vst v0  }
0x41: {  	[tilespmem:$0x2B00] =	vst v0  }
0x42: {  	[tilespmem:$0x2B10] =	vst v0  }
0x43: {  	[tilespmem:$0x2B20] =	vst v0  }
0x44: {  	[tilespmem:$0x2B30] =	vst v0  }
0x45: {  	[tilespmem:$0x2B40] =	vst v0  }
0x46: {  	[tilespmem:$0x2B50] =	vst v0  }
0x47: {  	[tilespmem:$0x2B60] =	vst v0  }
0x48: {  	[tilespmem:$0x2B70] =	vst v0  }
0x49: {  	[tilespmem:$0x2B80] =	vst v0  }
0x4a: {  	[tilespmem:$0x2B90] =	vst v0  }
0x4b: {  	[tilespmem:$0x2BA0] =	vst v0  }
0x4c: {  	[tilespmem:$0x2BB0] =	vst v0  }
0x4d: {  	[tilespmem:$0x2BC0] =	vst v0  }
0x4e: {  	[tilespmem:$0x2BD0] =	vst v0  }
0x4f: {  	[tilespmem:$0x2BE0] =	vst v0  }
0x50: {  	[tilespmem:$0x2BF0] =	vst v0  }
0x51: {  	[tilespmem:$0x2C00] =	vst v0  }
0x52: {  	[tilespmem:$0x2C10] =	vst v0  }
0x53: {  	[tilespmem:$0x2C20] =	vst v0  }
0x54: {  	[tilespmem:$0x2C30] =	vst v0  }
0x55: {  	[tilespmem:$0x2C40] =	vst v0  }
0x56: {  	[tilespmem:$0x2C50] =	vst v0  }
0x57: {  	[tilespmem:$0x2C60] =	vst v0  }
0x58: {  	[tilespmem:$0x2C70] =	vst v0  }
0x59: {  	[tilespmem:$0x2C80] =	vst v0  }
0x5a: {  	[tilespmem:$0x2C90] =	vst v0  }
0x5b: {  	[tilespmem:$0x2CA0] =	vst v0  }
0x5c: {  	[tilespmem:$0x2CB0] =	vst v0  }
0x5d: {  	[tilespmem:$0x2CC0] =	vst v0  }
0x5e: {  	[tilespmem:$0x2CD0] =	vst v0  }
0x5f: {  	[tilespmem:$0x2CE0] =	vst v0  }
0x60: {  	[tilespmem:$0x2CF0] =	vst v0  }
0x61: {  	[tilespmem:$0x2D00] =	vst v0  }
0x62: {  	[tilespmem:$0x2D10] =	vst v0  }
0x63: {  	[tilespmem:$0x2D20] =	vst v0  }
0x64: {  	[tilespmem:$0x2D30] =	vst v0  }
0x65: {  	[tilespmem:$0x2D40] =	vst v0  }
0x66: {  	[tilespmem:$0x2D50] =	vst v0  }
0x67: {  	[tilespmem:$0x2D60] =	vst v0  }
0x68: {  	[tilespmem:$0x2D70] =	vst v0  }
0x69: {  	[tilespmem:$0x2D80] =	vst v0  }
0x6a: {  	[tilespmem:$0x2D90] =	vst v0  }
0x6b: {  	[tilespmem:$0x2DA0] =	vst v0  }
0x6c: {  	[tilespmem:$0x2DB0] =	vst v0  }
0x6d: {  	[tilespmem:$0x2DC0] =	vst v0  }
0x6e: {  	[tilespmem:$0x2DD0] =	vst v0  }
0x6f: {  	[tilespmem:$0x2DE0] =	vst v0  }
0x70: {  	[tilespmem:$0x2DF0] =	vst v0  }
0x71: {  	[tilespmem:$0x2E00] =	vst v0  }
0x72: {  	[tilespmem:$0x2E10] =	vst v0  }
0x73: {  	[tilespmem:$0x2E20] =	vst v0  }
0x74: {  	[tilespmem:$0x2E30] =	vst v0  }
0x75: {  	[tilespmem:$0x2E40] =	vst v0  }
0x76: {  	[tilespmem:$0x2E50] =	vst v0  }
0x77: {  	[tilespmem:$0x2E60] =	vst v0  }
0x78: {  	[tilespmem:$0x2E70] =	vst v0  }
0x79: {  	[tilespmem:$0x2E80] =	vst v0  }
0x7a: {  	[tilespmem:$0x2E90] =	vst v0  }
0x7b: {  	[tilespmem:$0x2EA0] =	vst v0  }
0x7c: {  	[tilespmem:$0x2EB0] =	vst v0  }
0x7d: {  	[tilespmem:$0x2EC0] =	vst v0  }
0x7e: {  	[tilespmem:$0x2ED0] =	vst v0  }
0x7f: {  	[tilespmem:$0x2EE0] =	vst v0  }
0x80: {  	[tilespmem:$0x2EF0] =	vst v0  }
0x81: {  	[tilespmem:$0x2F00] =	vst v0  }
0x82: {  	[tilespmem:$0x2F10] =	vst v0  }
0x83: {  	[tilespmem:$0x2F20] =	vst v0  }
0x84: {  	[tilespmem:$0x2F30] =	vst v0  }
0x85: {  	[tilespmem:$0x2F40] =	vst v0  }
0x86: {  	[tilespmem:$0x2F50] =	vst v0  }
0x87: {  	[tilespmem:$0x2F60] =	vst v0  }
0x88: {  	[tilespmem:$0x2F70] =	vst v0  }
0x89: {  	[tilespmem:$0x2F80] =	vst v0  }
0x8a: {  	[tilespmem:$0x2F90] =	vst v0  }
0x8b: {  	[tilespmem:$0x2FA0] =	vst v0  }
0x8c: {  	[tilespmem:$0x2FB0] =	vst v0  }
0x8d: {  	[tilespmem:$0x2FC0] =	vst v0  }
0x8e: {  	[tilespmem:$0x2FD0] =	vst v0  }
0x8f: {  	[tilespmem:$0x2FE0] =	vst v0  }
0x90: {  	[tilespmem:$0x2FF0] =	vst v0;
	s22 =	sadd.s32 $0x0, s5  }
0x91: {  	[spmem:s22] =	stream.linear.scatter [tilespmem:s12], [sflag:$0x5], $0x800, $0x38;
	[tilespmem:$0x1E800] =	vst v63  }
0x92: {  	s22 =	simm.s32 $0x2000;
	_ =	swait.ge [sflag:s13], $0x800  }
.LBB2_2:
0x93: {  	s23 =	sshra.s32 s22, $0x2;
	[sflag:s13] =	ssyncset.done $0x0;
	p0 =	sne.s32 s22, $0x4E000  }
.Ltmp0:
0x94: {  	s23 =	sadd.s32 s23, s5;
	[sflag:s13] =	ssyncadd.s32 $0xFFFFF800;
	(pc) =	sbr.rel @p0 .LBB2_2-.Ltmp0, $3  }
0x95: {  	[spmem:s23] =	stream.linear.scatter [tilespmem:s12], [sflag:$0x5], $0x800, $0x38;
	[tilespmem:$0x1E800] =	vst v63  }
0x96: {  	s22 =	sadd.s32 $0x2000, s22;
	_ =	sdelay $0x1  }
0x97: {  	_ =	swait.ge [sflag:s13], $0x800  }
0x98: {  	[sflag:s13] =	ssyncset.done $0x0  }
0x99: {  	[sflag:s13] =	ssyncadd.s32 $0xFFFFF800  }
0x9a: {  	s22 =	simm.s32 $0x1;
	[bflag:$0x0] =	sbarrier.arrive $0xFFFF  }
0x9b: {  	[tilespmem:s4], [sflag:$0x1] =	stream.linear.gather [hbm4b:s6+s4], $0x1400, $0x38;
	[tilespmem:$0x1E800] =	vst v63  }
0x9c: {  	_ =	swait.ge [sflag:s22], $0x1400  }
0x9d: {  	[sflag:s22] =	ssyncset.done $0x0  }
0x9e: {  	[sflag:s22] =	ssyncadd.s32 $0xFFFFEC00  }
0x9f: {  	[tilespmem:s14], [sflag:$0x1] =	stream.linear.gather [hbm4b:s7+s4], $0x1400, $0x38;
	[tilespmem:$0x1E800] =	vst v63  }
0xa0: {  	_ =	swait.ge [sflag:s22], $0x1400  }
0xa1: {  	[sflag:s22] =	ssyncset.done $0x0  }
0xa2: {  	[sflag:s22] =	ssyncadd.s32 $0xFFFFEC00  }
0xa3: {  	[tilespmem:s12], [sflag:$0x1] =	stream.indirect.gather [hbm4b:s1+s15], $0x80, s4, s15, $0xb8;
	[tilespmem:$0x1E800] =	vst v63  }
0xa4: {  	_ = 	snop  }
0xa5: {  	[tilespmem:s16], [sflag:$0x2] =	stream.indirect.gather [hbm4b:s1+s15], $0x80, s15, s15, $0xb8;
	[tilespmem:$0x1E800] =	vst v63  }
0xa6: {  	_ =	swait.ge [sflag:s22], $0x4000  }
0xa7: {  	[sflag:s22] =	ssyncset.done $0x0  }
0xa8: {  	[sflag:s22] =	ssyncadd.s32 $0xFFFFC000;
	s22 =	sand.u32 $0x1, s22  }
0xa9: {  	[spmem:s2] =	stream.indirect.scatter.add.f32 [tilespmem:s12], [sflag:$0x3], $0x80, s14, s15, $0xb8;
	[tilespmem:$0x1E800] =	vst v63  }
0xaa: {  	p0 =	seq.s32 s22, $0x1  }
0xab: {  	s22 =	simm.s32 @p0 $0x3  }
0xac: {  	s23 =	simm.s32 $0x100;
	_ =	swait.ge @p0 [sflag:s22], $0x4000  }
0xad: {  	s25 =	simm.s32 @p0 $0x2;
	[sflag:s22] =	ssyncset.done @p0 $0x0;
	p0 =	por p0, p0  }
0xae: {  	[sflag:s22] =	ssyncadd.s32 @p0 $0xFFFFC000;
	s22 =	simm.s32 @p0 $0x80;
	s24 =	simm.s32 @p0 $0x2800  }
0xaf: {  	[tilespmem:s24], [sflag:$0x1] =	stream.indirect.gather @p0 [hbm4b:s1+s22], $0x80, s23, s22, $0xb8;
	[tilespmem:$0x1E800] =	vst v63  }
0xb0: {  	_ =	swait.ge @p0 [sflag:s25], $0x4000  }
0xb1: {  	s29 =	simm.s32 $0x2;
	s26 =	simm.s32 @!p0 $0x4;
	[sflag:s25] =	ssyncset.done @p0 $0x0  }
0xb2: {  	s24 =	simm.s32 $0x1480;
	[sflag:s25] =	ssyncadd.s32 @p0 $0xFFFFC000;
	s25 =	simm.s32 @p0 $0x6800  }
0xb3: {  	[spmem:s2] =	stream.indirect.scatter.add.f32 @p0 [tilespmem:s25], [sflag:$0x4], $0x80, s24, s22, $0xb8;
	[tilespmem:$0x1E800] =	vst v63  }
0xb4: {  	s29 =	sand.u32 $0x1, s29;
	_ =	swait.ge @!p0 [sflag:s26], $0x4000  }
0xb5: {  	p2 =	seq.s32 s29, $0x1;
	s28 =	simm.s32 @!p0 $0x1;
	[sflag:s26] =	ssyncset.done @!p0 $0x0  }
0xb6: {  	s30 =	simm.s32 @!p0 $0x6800;
	[sflag:s26] =	ssyncadd.s32 @!p0 $0xFFFFC000;
	s26 =	simm.s32 @!p0 $0x80  }
0xb7: {  	[tilespmem:s30], [sflag:$0x2] =	stream.indirect.gather @!p0 [hbm4b:s1+s26], $0x80, s23, s26, $0xb8;
	[tilespmem:$0x1E800] =	vst v63  }
0xb8: {  	s29 =	simm.s32 @!p0 $0x2800;
	s25 =	simm.s32 $0x3;
	_ =	swait.ge @!p0 [sflag:s28], $0x4000  }
0xb9: {  	s22 =	simm.s32 $0x180;
	s23 =	simm.s32 $0x1500;
	[sflag:s28] =	ssyncset.done @!p0 $0x0  }
.LBB2_4:
0xba: {  	s30 =	simm.s32 @p2 $0x3;
	[sflag:s28] =	ssyncadd.s32 @!p0 $0xFFFFC000  }
0xbb: {  	s31 =	smov.u32 s25;
	s25 =	sadd.s32 $0x1, s25;
	s0 =	smov.u32 s22  }
0xbc: {  	[spmem:s2] =	stream.indirect.scatter.add.f32 @!p0 [tilespmem:s29], [sflag:$0x3], $0x80, s24, s26, $0xb8;
	[tilespmem:$0x1E800] =	vst v63  }
0xbd: {  	p1 =	sne.s32 s25, $0x27;
	s24 =	smov.u32 s23;
	_ =	swait.ge @p2 [sflag:s30], $0x4000  }
0xbe: {  	s26 =	simm.s32 @p2 $0x2;
	p0 =	por p2, p2;
	[sflag:s30] =	ssyncset.done @p2 $0x0  }
0xbf: {  	s28 =	simm.s32 @p0 $0x80;
	s29 =	simm.s32 @p0 $0x2800;
	[sflag:s30] =	ssyncadd.s32 @p0 $0xFFFFC000  }
0xc0: {  	[tilespmem:s29], [sflag:$0x1] =	stream.indirect.gather @p0 [hbm4b:s1+s28], $0x80, s22, s28, $0xb8;
	[tilespmem:$0x1E800] =	vst v63  }
0xc1: {  	_ =	swait.ge @p0 [sflag:s26], $0x4000  }
0xc2: {  	[sflag:s26] =	ssyncset.done @p0 $0x0  }
0xc3: {  	s29 =	simm.s32 @!p0 $0x4;
	[sflag:s26] =	ssyncadd.s32 @p0 $0xFFFFC000;
	s26 =	simm.s32 @p0 $0x6800  }
0xc4: {  	[spmem:s2] =	stream.indirect.scatter.add.f32 @p0 [tilespmem:s26], [sflag:$0x4], $0x80, s23, s28, $0xb8;
	[tilespmem:$0x1E800] =	vst v63  }
0xc5: {  	s22 =	sadd.s32 $0x80, s22;
	_ =	swait.ge @!p0 [sflag:s29], $0x4000  }
.Ltmp1:
0xc6: {  	s28 =	simm.s32 @!p0 $0x1;
	[sflag:s29] =	ssyncset.done @!p0 $0x0;
	(pc) =	sbr.rel @p1 .LBB2_4-.Ltmp1, $4  }
0xc7: {  	s26 =	simm.s32 @!p0 $0x80;
	[sflag:s29] =	ssyncadd.s32 @!p0 $0xFFFFC000;
	s29 =	simm.s32 @!p0 $0x6800  }
0xc8: {  	[tilespmem:s29], [sflag:$0x2] =	stream.indirect.gather @!p0 [hbm4b:s1+s26], $0x80, s0, s26, $0xb8;
	[tilespmem:$0x1E800] =	vst v63  }
0xc9: {  	s23 =	sadd.s32 $0x80, s23;
	s0 =	sand.u32 $0x1, s31;
	_ =	swait.ge @!p0 [sflag:s28], $0x4000  }
0xca: {  	s29 =	simm.s32 @!p0 $0x2800;
	p2 =	seq.s32 s0, $0x1;
	[sflag:s28] =	ssyncset.done @!p0 $0x0  }
0xcb: {  	s0 =	simm.s32 @p2 $0x3;
	[sflag:s28] =	ssyncadd.s32 @!p0 $0xFFFFC000  }
0xcc: {  	[spmem:s2] =	stream.indirect.scatter.add.f32 @!p0 [tilespmem:s29], [sflag:$0x3], $0x80, s24, s26, $0xb8;
	[tilespmem:$0x1E800] =	vst v63  }
0xcd: {  	_ =	swait.ge @p2 [sflag:s0], $0x4000  }
0xce: {  	s24 =	simm.s32 @p2 $0x2;
	p0 =	por p2, p2;
	[sflag:s0] =	ssyncset.done @p2 $0x0  }
0xcf: {  	s25 =	simm.s32 @p0 $0x2800;
	[sflag:s0] =	ssyncadd.s32 @p0 $0xFFFFC000;
	s0 =	simm.s32 @p0 $0x80  }
0xd0: {  	[tilespmem:s25], [sflag:$0x1] =	stream.indirect.gather @p0 [hbm4b:s1+s0], $0x80, s22, s0, $0xb8;
	[tilespmem:$0x1E800] =	vst v63  }
0xd1: {  	_ =	swait.ge @p0 [sflag:s24], $0x4000  }
0xd2: {  	[sflag:s24] =	ssyncset.done @p0 $0x0  }
0xd3: {  	s25 =	simm.s32 @!p0 $0x4;
	[sflag:s24] =	ssyncadd.s32 @p0 $0xFFFFC000;
	s24 =	simm.s32 @p0 $0x6800  }
0xd4: {  	[spmem:s2] =	stream.indirect.scatter.add.f32 @p0 [tilespmem:s24], [sflag:$0x4], $0x80, s23, s0, $0xb8;
	[tilespmem:$0x1E800] =	vst v63  }
0xd5: {  	_ =	swait.ge @!p0 [sflag:s25], $0x4000  }
0xd6: {  	s0 =	simm.s32 @!p0 $0x1;
	[sflag:s25] =	ssyncset.done @!p0 $0x0  }
0xd7: {  	s24 =	simm.s32 @!p0 $0x80;
	[sflag:s25] =	ssyncadd.s32 @!p0 $0xFFFFC000;
	s25 =	simm.s32 @!p0 $0x6800  }
0xd8: {  	[tilespmem:s25], [sflag:$0x2] =	stream.indirect.gather @!p0 [hbm4b:s1+s24], $0x80, s22, s24, $0xb8;
	[tilespmem:$0x1E800] =	vst v63  }
0xd9: {  	_ =	swait.ge @!p0 [sflag:s0], $0x4000  }
0xda: {  	[sflag:s0] =	ssyncset.done @!p0 $0x0  }
0xdb: {  	s22 =	simm.s32 @!p0 $0x2800;
	[sflag:s0] =	ssyncadd.s32 @!p0 $0xFFFFC000  }
0xdc: {  	[spmem:s2] =	stream.indirect.scatter.add.f32 @!p0 [tilespmem:s22], [sflag:$0x3], $0x80, s23, s24, $0xb8;
	[tilespmem:$0x1E800] =	vst v63  }
0xdd: {  	_ =	swait.ge [sflag:s17], $0x4000  }
0xde: {  	[sflag:s17] =	ssyncset.done $0x0  }
0xdf: {  	[sflag:s17] =	ssyncadd.s32 $0xFFFFC000  }
0xe0: {  	_ =	swait.ge [sflag:s18], $0x4000  }
0xe1: {  	[sflag:s18] =	ssyncset.done $0x0  }
0xe2: {  	[sflag:s18] =	ssyncadd.s32 $0xFFFFC000  }
0xe3: {  	[spmem:s2] =	stream.indirect.scatter.add.f32 [tilespmem:s16], [sflag:$0x4], $0x80, s19, s15, $0xb8;
	[tilespmem:$0x1E800] =	vst v63  }
0xe4: {  	_ =	swait.ge [sflag:s20], $0x4000  }
0xe5: {  	[sflag:s20] =	ssyncset.done $0x0  }
0xe6: {  	s30 =	simm.s32 $0x1;
	[sflag:s20] =	ssyncadd.s32 $0xFFFFC000  }
0xe7: {  	[tilespmem:s4], [sflag:$0x1] =	stream.linear.gather [hbm4b:s8+s4], $0x1400, $0x38;
	[tilespmem:$0x1E800] =	vst v63  }
0xe8: {  	_ =	swait.ge [sflag:s30], $0x1400  }
0xe9: {  	[sflag:s30] =	ssyncset.done $0x0  }
0xea: {  	[sflag:s30] =	ssyncadd.s32 $0xFFFFEC00  }
0xeb: {  	[tilespmem:s14], [sflag:$0x1] =	stream.linear.gather [hbm4b:s9+s4], $0x1400, $0x38;
	[tilespmem:$0x1E800] =	vst v63  }
0xec: {  	_ =	swait.ge [sflag:s30], $0x1400  }
0xed: {  	[sflag:s30] =	ssyncset.done $0x0  }
0xee: {  	[sflag:s30] =	ssyncadd.s32 $0xFFFFEC00  }
0xef: {  	[tilespmem:s12], [sflag:$0x1] =	stream.indirect.gather [hbm4b:s1+s15], $0x80, s4, s15, $0xb8;
	[tilespmem:$0x1E800] =	vst v63  }
0xf0: {  	_ = 	snop  }
0xf1: {  	[tilespmem:s16], [sflag:$0x2] =	stream.indirect.gather [hbm4b:s1+s15], $0x80, s15, s15, $0xb8;
	[tilespmem:$0x1E800] =	vst v63  }
0xf2: {  	s0 =	sand.u32 $0x1, s30;
	_ =	swait.ge [sflag:s30], $0x4000  }
0xf3: {  	p0 =	seq.s32 s0, $0x1;
	[sflag:s30] =	ssyncset.done $0x0  }
0xf4: {  	s0 =	simm.s32 @p0 $0x3;
	[sflag:s30] =	ssyncadd.s32 $0xFFFFC000  }
0xf5: {  	[spmem:s2] =	stream.indirect.scatter.add.f32 [tilespmem:s12], [sflag:$0x3], $0x80, s14, s15, $0xb8;
	[tilespmem:$0x1E800] =	vst v63  }
0xf6: {  	s23 =	simm.s32 $0x100;
	_ =	swait.ge @p0 [sflag:s0], $0x4000  }
0xf7: {  	s22 =	simm.s32 @p0 $0x2;
	[sflag:s0] =	ssyncset.done @p0 $0x0;
	p0 =	por p0, p0  }
0xf8: {  	[sflag:s0] =	ssyncadd.s32 @p0 $0xFFFFC000;
	s0 =	simm.s32 @p0 $0x80;
	s24 =	simm.s32 @p0 $0x2800  }
0xf9: {  	[tilespmem:s24], [sflag:$0x1] =	stream.indirect.gather @p0 [hbm4b:s1+s0], $0x80, s23, s0, $0xb8;
	[tilespmem:$0x1E800] =	vst v63  }
0xfa: {  	_ =	swait.ge @p0 [sflag:s22], $0x4000  }
0xfb: {  	s26 =	simm.s32 @!p0 $0x4;
	[sflag:s22] =	ssyncset.done @p0 $0x0  }
0xfc: {  	s24 =	simm.s32 $0x1480;
	[sflag:s22] =	ssyncadd.s32 @p0 $0xFFFFC000;
	s22 =	simm.s32 @p0 $0x6800  }
0xfd: {  	[spmem:s2] =	stream.indirect.scatter.add.f32 @p0 [tilespmem:s22], [sflag:$0x4], $0x80, s24, s0, $0xb8;
	[tilespmem:$0x1E800] =	vst v63  }
0xfe: {  	s31 =	simm.s32 $0x2;
	s25 =	simm.s32 $0x3;
	_ =	swait.ge @!p0 [sflag:s26], $0x4000  }
0xff: {  	s28 =	simm.s32 @!p0 $0x1;
	s29 =	simm.s32 @!p0 $0x6800;
	[sflag:s26] =	ssyncset.done @!p0 $0x0  }
0x100: {  	s0 =	sand.u32 $0x1, s31;
	[sflag:s26] =	ssyncadd.s32 @!p0 $0xFFFFC000;
	s26 =	simm.s32 @!p0 $0x80  }
0x101: {  	[tilespmem:s29], [sflag:$0x2] =	stream.indirect.gather @!p0 [hbm4b:s1+s26], $0x80, s23, s26, $0xb8;
	[tilespmem:$0x1E800] =	vst v63  }
0x102: {  	s22 =	simm.s32 $0x180;
	p2 =	seq.s32 s0, $0x1;
	_ =	swait.ge @!p0 [sflag:s28], $0x4000  }
0x103: {  	s23 =	simm.s32 $0x1500;
	s29 =	simm.s32 @!p0 $0x2800;
	[sflag:s28] =	ssyncset.done @!p0 $0x0  }
.LBB2_6:
0x104: {  	s0 =	simm.s32 @p2 $0x3;
	[sflag:s28] =	ssyncadd.s32 @!p0 $0xFFFFC000  }
0x105: {  	s30 =	smov.u32 s25;
	s25 =	sadd.s32 $0x1, s25;
	s31 =	smov.u32 s22  }
0x106: {  	[spmem:s2] =	stream.indirect.scatter.add.f32 @!p0 [tilespmem:s29], [sflag:$0x3], $0x80, s24, s26, $0xb8;
	[tilespmem:$0x1E800] =	vst v63  }
0x107: {  	p1 =	sne.s32 s25, $0x27;
	s24 =	smov.u32 s23;
	_ =	swait.ge @p2 [sflag:s0], $0x4000  }
0x108: {  	s26 =	simm.s32 @p2 $0x2;
	p0 =	por p2, p2;
	[sflag:s0] =	ssyncset.done @p2 $0x0  }
0x109: {  	s28 =	simm.s32 @p0 $0x2800;
	[sflag:s0] =	ssyncadd.s32 @p0 $0xFFFFC000;
	s0 =	simm.s32 @p0 $0x80  }
0x10a: {  	[tilespmem:s28], [sflag:$0x1] =	stream.indirect.gather @p0 [hbm4b:s1+s0], $0x80, s22, s0, $0xb8;
	[tilespmem:$0x1E800] =	vst v63  }
0x10b: {  	_ =	swait.ge @p0 [sflag:s26], $0x4000  }
0x10c: {  	[sflag:s26] =	ssyncset.done @p0 $0x0  }
0x10d: {  	s29 =	simm.s32 @!p0 $0x4;
	[sflag:s26] =	ssyncadd.s32 @p0 $0xFFFFC000;
	s26 =	simm.s32 @p0 $0x6800  }
0x10e: {  	[spmem:s2] =	stream.indirect.scatter.add.f32 @p0 [tilespmem:s26], [sflag:$0x4], $0x80, s23, s0, $0xb8;
	[tilespmem:$0x1E800] =	vst v63  }
0x10f: {  	s22 =	sadd.s32 $0x80, s22;
	_ =	swait.ge @!p0 [sflag:s29], $0x4000  }
.Ltmp2:
0x110: {  	s28 =	simm.s32 @!p0 $0x1;
	[sflag:s29] =	ssyncset.done @!p0 $0x0;
	(pc) =	sbr.rel @p1 .LBB2_6-.Ltmp2, $4  }
0x111: {  	s26 =	simm.s32 @!p0 $0x80;
	s0 =	simm.s32 @!p0 $0x6800;
	[sflag:s29] =	ssyncadd.s32 @!p0 $0xFFFFC000  }
0x112: {  	[tilespmem:s0], [sflag:$0x2] =	stream.indirect.gather @!p0 [hbm4b:s1+s26], $0x80, s31, s26, $0xb8;
	[tilespmem:$0x1E800] =	vst v63  }
0x113: {  	s23 =	sadd.s32 $0x80, s23;
	s0 =	sand.u32 $0x1, s30;
	_ =	swait.ge @!p0 [sflag:s28], $0x4000  }
0x114: {  	s29 =	simm.s32 @!p0 $0x2800;
	p2 =	seq.s32 s0, $0x1;
	[sflag:s28] =	ssyncset.done @!p0 $0x0  }
0x115: {  	s0 =	simm.s32 @p2 $0x3;
	[sflag:s28] =	ssyncadd.s32 @!p0 $0xFFFFC000  }
0x116: {  	[spmem:s2] =	stream.indirect.scatter.add.f32 @!p0 [tilespmem:s29], [sflag:$0x3], $0x80, s24, s26, $0xb8;
	[tilespmem:$0x1E800] =	vst v63  }
0x117: {  	_ =	swait.ge @p2 [sflag:s0], $0x4000  }
0x118: {  	s24 =	simm.s32 @p2 $0x2;
	p0 =	por p2, p2;
	[sflag:s0] =	ssyncset.done @p2 $0x0  }
0x119: {  	s25 =	simm.s32 @p0 $0x2800;
	[sflag:s0] =	ssyncadd.s32 @p0 $0xFFFFC000;
	s0 =	simm.s32 @p0 $0x80  }
0x11a: {  	[tilespmem:s25], [sflag:$0x1] =	stream.indirect.gather @p0 [hbm4b:s1+s0], $0x80, s22, s0, $0xb8;
	[tilespmem:$0x1E800] =	vst v63  }
0x11b: {  	_ =	swait.ge @p0 [sflag:s24], $0x4000  }
0x11c: {  	[sflag:s24] =	ssyncset.done @p0 $0x0  }
0x11d: {  	s25 =	simm.s32 @!p0 $0x4;
	[sflag:s24] =	ssyncadd.s32 @p0 $0xFFFFC000;
	s24 =	simm.s32 @p0 $0x6800  }
0x11e: {  	[spmem:s2] =	stream.indirect.scatter.add.f32 @p0 [tilespmem:s24], [sflag:$0x4], $0x80, s23, s0, $0xb8;
	[tilespmem:$0x1E800] =	vst v63  }
0x11f: {  	_ =	swait.ge @!p0 [sflag:s25], $0x4000  }
0x120: {  	s0 =	simm.s32 @!p0 $0x1;
	[sflag:s25] =	ssyncset.done @!p0 $0x0  }
0x121: {  	s24 =	simm.s32 @!p0 $0x80;
	[sflag:s25] =	ssyncadd.s32 @!p0 $0xFFFFC000;
	s25 =	simm.s32 @!p0 $0x6800  }
0x122: {  	[tilespmem:s25], [sflag:$0x2] =	stream.indirect.gather @!p0 [hbm4b:s1+s24], $0x80, s22, s24, $0xb8;
	[tilespmem:$0x1E800] =	vst v63  }
0x123: {  	_ =	swait.ge @!p0 [sflag:s0], $0x4000  }
0x124: {  	[sflag:s0] =	ssyncset.done @!p0 $0x0  }
0x125: {  	s22 =	simm.s32 @!p0 $0x2800;
	[sflag:s0] =	ssyncadd.s32 @!p0 $0xFFFFC000  }
0x126: {  	[spmem:s2] =	stream.indirect.scatter.add.f32 @!p0 [tilespmem:s22], [sflag:$0x3], $0x80, s23, s24, $0xb8;
	[tilespmem:$0x1E800] =	vst v63  }
0x127: {  	_ =	swait.ge [sflag:s17], $0x4000  }
0x128: {  	[sflag:s17] =	ssyncset.done $0x0  }
0x129: {  	[sflag:s17] =	ssyncadd.s32 $0xFFFFC000  }
0x12a: {  	_ =	swait.ge [sflag:s18], $0x4000  }
0x12b: {  	[sflag:s18] =	ssyncset.done $0x0  }
0x12c: {  	[sflag:s18] =	ssyncadd.s32 $0xFFFFC000  }
0x12d: {  	[spmem:s2] =	stream.indirect.scatter.add.f32 [tilespmem:s16], [sflag:$0x4], $0x80, s19, s15, $0xb8;
	[tilespmem:$0x1E800] =	vst v63  }
0x12e: {  	_ =	swait.ge [sflag:s20], $0x4000  }
0x12f: {  	s30 =	sshll.u32 s3, $0x6;
	s21 =	sadd.s32 $0x1, s21;
	[sflag:s20] =	ssyncset.done $0x0  }
0x130: {  	s31 =	sshrl.u32 s5, $0x3;
	p0 =	sne.s32 s21, s11;
	[sflag:s20] =	ssyncadd.s32 $0xFFFFC000  }
.Ltmp3:
0x131: {  	s0 =	sor.u32 $0x1C05, s30;
	[bflag:$0x0] =	sbarrier.arrive $0xFFFF;
	(pc) =	sbr.rel @p0 .LBB2_1-.Ltmp3, $4  }
0x132: {  	[hbm:s10], [sflag:s0] =	dma.local [spmem:s31], $0x2800  }
0x133: {  	_ =	swait.ge [sflag:s13], $0x2800  }
0x134: {  	[sflag:s13] =	ssyncset.done $0x0  }
0x135: {  	[sflag:s13] =	ssyncadd.s32 $0xFFFFD800  }
0x136: {  	_ =	sfence.sel $0x180000  }
0x137: {  	[bflag:$0x0] =	sbarrier.arrive $0xFFFF  }
0x138: {  	_ =	strace $0x9000004D  }
0x139: {  	[bflag:$0x2] =	sbarrier.arrive $0xFFFF  }
0x13a: {  	p0 =	sne.s32 s3, $0x0;
	s0 =	rddreg [dreg:$0x3]  }
0x13b: {  	s0 =	sadd.s32 @!p0 $0x100000, s0  }
0x13c: {  	[sflag:s0] =	ssyncadd.tile.s32 @!p0 $0x1;
	_ =	shalt  }
.Lfunc_end2:
_tile_overlayer_lowered:
.L_overlay_start_2:
0x13d: {  	(tag) =	ssettag $0x2  }
0x13e: {  	s0 =	rddreg [dreg:$0x0];
	s2 =	stileid.u32  }
0x13f: {  	s1 =	rddreg [dreg:$0x1];
	p0 =	sne.s32 s2, $0x0  }
0x140: {  	s3 =	rddreg [dreg:$0x2];
	[bflag:$0x3] =	sbarrier.arrive $0xFFFF;
	s2 =	simm.s32 @!p0 $0x1C05  }
0x141: {  	[timem:s3], [sflag:s2] =	dma.local @!p0 [hbm:s0], s1  }
0x142: {  	s0 =	simm.s32 @!p0 $0x5  }
0x143: {  	_ =	swait.ge @!p0 [sflag:s0], s1  }
0x144: {  	s1 =	ssub.s32 @!p0 $0x0, s1;
	[sflag:s0] =	ssyncset.done @!p0 $0x0  }
0x145: {  	[sflag:s0] =	ssyncadd.s32 @!p0 s1  }
0x146: {  	[bflag:$0x3] =	sbarrier.arrive $0xFFFF  }
0x147: {  	_ =	shalt  }

// kernel: kernel.8.cloned.1.call-start
scs
__scs_entry_jumppad:
0x0: {  	(pc) =	sbr.rel $0x88, $3  }
0x1: {  	(tag) =	ssettag $0x0;
	lr =	simm.s32 $0x1  }
0x2: {  	[smem:$0x3F9B] =	sst lr;
	_ =	strace $0xD0000000  }
0x3: {  	_ = 	snop  }
0x4: {  	_ = 	snop  }
0x5: {  	_ = 	snop  }
0x6: {  	_ = 	snop  }
0x7: {  	_ = 	snop  }
__scs_overlays_trampoline_lowered:
0x8: {  	[smem:$0x3FAA] =	sst s0  }
0x9: {  	[smem:$0x3FAB] =	sst s1  }
0xa: {  	[smem:$0x3FAC] =	sst s2  }
0xb: {  	[smem:$0x3FAD] =	sst s3  }
0xc: {  	[smem:$0x3FAE] =	sst s4  }
0xd: {  	[smem:$0x3FAF] =	sst s5  }
0xe: {  	[smem:$0x3FB0] =	sst s6  }
0xf: {  	[smem:$0x3FB1] =	sst s7  }
0x10: {  	[smem:$0x3FB2] =	sst s8  }
0x11: {  	[smem:$0x3FB3] =	sst s9;
	s0 =	simm.s32 @!p0 $0x0  }
0x12: {  	s1 =	sld [smem:$0x3F99];
	s0 =	simm.s32 @p0 $0x1  }
0x13: {  	[smem:$0x3FB4] =	sst s0;
	s0 =	simm.s32 @!p1 $0x0  }
0x14: {  	s2 =	sld [smem:$0x3F98];
	s0 =	simm.s32 @p1 $0x1  }
0x15: {  	[smem:$0x3FB5] =	sst s0;
	s0 =	simm.s32 @!p2 $0x0  }
0x16: {  	s3 =	sld [smem:$0x3FDB];
	s0 =	simm.s32 @p2 $0x1  }
0x17: {  	s4 =	simm.s32 $0x1BF5;
	[smem:$0x3FB7] =	sst s0  }
0x18: {  	s0 =	sld [smem:$0x3F9A];
	_ =	swait.ge [sflag:s4], $0x0  }
0x19: {  	s7 =	sld [smem:$0x3F9B]  }
0x1a: {  	s8 =	sadd.s32 $0xFFFFE003, lr  }
0x1b: {  	s9 =	sadd.s32 $0xFFFFFEF7, lr;
	s5 =	simm.s32 $0xFFFFFFFF;
	p2 =	slt.u32 s8, $0xFFFFF086  }
0x1c: {  	p1 =	slt.u32 s9, $0xF7A;
	s5 =	simm.s32 @!p2 $0x0  }
0x1d: {  	s5 =	simm.s32 @p1 $0x1;
	p0 =	seq.s32 s7, s2  }
0x1e: {  	s7 =	smul.u32 @!p0 $0xF7A, s2;
	p2 =	seq.s32 @!p0 s5, $0x0  }
0x1f: {  	s9 =	smul.u32 $0xF7A, s1;
	s8 =	simm.s32 @!p0 $0x1BF5;
	p2 =	por !p2, p0  }
0x20: {  	[sflag:s8] =	ssyncset.s32 @!p0 $0xFFFFF086;
	s6 =	sadd.s32 @!p0 s3, s7;
	s7 =	simm.s32 @!p0 $0x108  }
0x21: {  	s3 =	sadd.s32 s3, s9;
	s6 =	sadd.s32 @!p0 $0x88, s6;
	s7 =	simm.s32 @p2 $0x1082  }
0x22: {  	[simem:s7], [sflag:s8] =	dma.local @!p0 [hbm:s6], $0xF7A  }
0x23: {  	s9 =	sor.u32 $0xD0000000, s2;
	s6 =	simm.s32 $0x108;
	_ =	swait.ge @!p0 [sflag:s8], $0x0  }
0x24: {  	s3 =	sadd.s32 $0x88, s3;
	s6 =	simm.s32 @!p1 $0x1082;
	[sflag:s4] =	ssyncset.s32 $0xFFFFF086  }
0x25: {  	[simem:s6], [sflag:s4] =	dma.local [hbm:s3], $0xF7A  }
0x26: {  	[smem:$0x3F9B] =	sst s1;
	(tag) =	ssettag s2;
	_ =	strace s9  }
0x27: {  	s1 =	sld [smem:$0x3FAB]  }
0x28: {  	s2 =	sld [smem:$0x3FAC]  }
0x29: {  	s4 =	sld [smem:$0x3FAE]  }
0x2a: {  	p0 =	seq.s32 s5, $0x0;
	s5 =	sld [smem:$0x3FAF]  }
0x2b: {  	s6 =	sld [smem:$0x3FB0]  }
0x2c: {  	s7 =	sld [smem:$0x3FB1]  }
0x2d: {  	s3 =	simm.s32 $0x108;
	s8 =	sld [smem:$0x3FB2]  }
0x2e: {  	s3 =	simm.s32 @!p0 $0x1082;
	s9 =	sld [smem:$0x3FB3]  }
0x2f: {  	lr =	sadd.s32 s0, s3;
	s0 =	sld [smem:$0x3FAA]  }
0x30: {  	s3 =	sld [smem:$0x3FAD]  }
0x31: {  	[smem:$0x3FB6] =	sst s10  }
0x32: {  	s10 =	sld [smem:$0x3FB4];
	_ =	sdelay $0x3  }
0x33: {  	p0 =	seq.s32 s10, $0x1;
	s10 =	sld [smem:$0x3FB6];
	_ =	sdelay $0x3  }
0x34: {  	[smem:$0x3FB6] =	sst s10  }
0x35: {  	s10 =	sld [smem:$0x3FB5];
	_ =	sdelay $0x3  }
0x36: {  	p1 =	seq.s32 s10, $0x1;
	s10 =	sld [smem:$0x3FB6];
	_ =	sdelay $0x3  }
0x37: {  	[smem:$0x3FB6] =	sst s10  }
0x38: {  	s10 =	sld [smem:$0x3FB7]  }
0x39: {  	_ = 	snop;
	(pc) =	sbr.ind lr, $3  }
0x3a: {  	_ = 	snop  }
0x3b: {  	_ = 	snop  }
0x3c: {  	p2 =	seq.s32 s10, $0x1;
	s10 =	sld [smem:$0x3FB6]  }
0x3d: {  	_ =	shalt  }
0x3e: {  	_ =	shalt  }
0x3f: {  	_ =	shalt  }
0x40: {  	_ =	shalt  }
0x41: {  	_ =	shalt  }
0x42: {  	_ =	shalt  }
0x43: {  	_ =	shalt  }
0x44: {  	_ =	shalt  }
0x45: {  	_ =	shalt  }
0x46: {  	_ =	shalt  }
0x47: {  	_ =	shalt  }
0x48: {  	_ =	shalt  }
0x49: {  	_ =	shalt  }
0x4a: {  	_ =	shalt  }
0x4b: {  	_ =	shalt  }
0x4c: {  	_ =	shalt  }
0x4d: {  	_ =	shalt  }
0x4e: {  	_ =	shalt  }
0x4f: {  	_ =	shalt  }
0x50: {  	_ =	shalt  }
0x51: {  	_ =	shalt  }
0x52: {  	_ =	shalt  }
0x53: {  	_ =	shalt  }
0x54: {  	_ =	shalt  }
0x55: {  	_ =	shalt  }
0x56: {  	_ =	shalt  }
0x57: {  	_ =	shalt  }
0x58: {  	_ =	shalt  }
0x59: {  	_ =	shalt  }
0x5a: {  	_ =	shalt  }
0x5b: {  	_ =	shalt  }
0x5c: {  	_ =	shalt  }
0x5d: {  	_ =	shalt  }
0x5e: {  	_ =	shalt  }
0x5f: {  	_ =	shalt  }
0x60: {  	_ =	shalt  }
0x61: {  	_ =	shalt  }
0x62: {  	_ =	shalt  }
0x63: {  	_ =	shalt  }
0x64: {  	_ =	shalt  }
0x65: {  	_ =	shalt  }
0x66: {  	_ =	shalt  }
0x67: {  	_ =	shalt  }
0x68: {  	_ =	shalt  }
0x69: {  	_ =	shalt  }
0x6a: {  	_ =	shalt  }
0x6b: {  	_ =	shalt  }
0x6c: {  	_ =	shalt  }
0x6d: {  	_ =	shalt  }
0x6e: {  	_ =	shalt  }
0x6f: {  	_ =	shalt  }
0x70: {  	_ =	shalt  }
0x71: {  	_ =	shalt  }
0x72: {  	_ =	shalt  }
0x73: {  	_ =	shalt  }
0x74: {  	_ =	shalt  }
0x75: {  	_ =	shalt  }
0x76: {  	_ =	shalt  }
0x77: {  	_ =	shalt  }
0x78: {  	_ =	shalt  }
0x79: {  	_ =	shalt  }
0x7a: {  	_ =	shalt  }
0x7b: {  	_ =	shalt  }
0x7c: {  	_ =	shalt  }
0x7d: {  	_ =	shalt  }
0x7e: {  	_ =	shalt  }
0x7f: {  	_ =	shalt  }
0x80: {  	_ =	shalt  }
0x81: {  	_ =	shalt  }
0x82: {  	_ =	shalt  }
0x83: {  	_ =	shalt  }
0x84: {  	_ =	shalt  }
0x85: {  	_ =	shalt  }
0x86: {  	_ =	shalt  }
0x87: {  	_ =	shalt  }
.Lfunc_end0:
.L_simem_size_0:
called_computation_lowered:
.L_overlay_start_0:
0x88: {  	s2 =	sld [smem:$0x3FD9]  }
0x89: {  	s3 =	sld [smem:$0x3FFE];
	_ =	sdelay $0x1  }
0x8a: {  	s1 =	srdreg.scid  }
0x8b: {  	s0 =	sand.u32 $0x1, s1  }
0x8c: {  	s17 =	sshll.u32 s0, $0xA;
	s2 =	sadd.s32 s3, s2  }
0x8d: {  	s2 =	sadd.s32 s2, s17  }
0x8e: {  	[smem:$0x3FC2] =	sst s2  }
0x8f: {  	_ = 	snop  }
0x90: {  	s2 =	sld [smem:$0x3FD0];
	(tm) =	ssettm $0x1  }
0x91: {  	s18 =	sld [smem:$0x3FFB];
	_ =	sdelay $0x3  }
0x92: {  	_ =	strace s18  }
0x93: {  	s3 =	sld [smem:$0x3FFC];
	_ =	sdelay $0x3  }
0x94: {  	_ =	strace s3  }
0x95: {  	s3 =	sld [smem:$0x3FFD];
	_ =	sdelay $0x3  }
0x96: {  	_ =	strace s3  }
0x97: {  	_ =	strace $0x8FFFFFFF  }
0x98: {  	s19 =	sld [smem:$0x3FDB];
	_ =	sdelay $0x1  }
0x99: {  	s4 =	simm.s32 $_scs_section_size  }
0x9a: {  	s5 =	simm.s32 $_size__tile_overlayer_lowered;
	s6 =	simm.s32 $_tile_overlayer_lowered  }
0x9b: {  	s22 =	simm.s32 $0x1BFF;
	s21 =	sshll.u32 s6, $0x1;
	s3 =	sadd.s32 s4, s19  }
0x9c: {  	s7 =	simm.s32 $0x0;
	s20 =	sshll.u32 s5, $0x1;
	s5 =	sadd.s32 s21, s3  }
0x9d: {  	[timem:s7], [sflag:s22] =	dma.local [hbm:s5], s20  }
0x9e: {  	_ =	swait.ge [sflag:s22], s20  }
0x9f: {  	s4 =	ssub.s32 $0x0, s20;
	[sflag:s22] =	ssyncset.done $0x0  }
0xa0: {  	[sflag:s22] =	ssyncadd.s32 s4;
	_ =	sdelay $0x1  }
0xa1: {  	s23 =	simm.s32 $0x1B8B  }
0xa2: {  	_ =	swait.ge [sflag:s23], $0x1  }
0xa3: {  	[sflag:s23] =	ssyncset.done $0x0  }
0xa4: {  	s25 =	simm.s32 $0x1B8E;
	s24 =	sld [smem:$0x3FFE];
	[sflag:s23] =	ssyncadd.s32 $0xFFFFFFFF  }
0xa5: {  	s26 =	simm.s32 $execute0_lowered;
	[smem:$0x3FD2] =	sst s25  }
0xa6: {  	s5 =	sshll.u32 s26, $0x1;
	_ =	strace $0x80000046;
	[dreg:$0x1] =	wrdreg $0xFFFFFFFF  }
0xa7: {  	s28 =	simm.s32 $_size_execute0_lowered;
	s3 =	sadd.s32 s3, s5;
	[dreg:$0x0] =	wrdreg $0x0  }
0xa8: {  	s5 =	sshll.u32 s28, $0x1;
	[dreg:$0x2] =	wrdreg s3  }
0xa9: {  	[dreg:$0x3] =	wrdreg s5  }
0xaa: {  	[dreg:$0x4] =	wrdreg $0xC0  }
0xab: {  	_ =	task [dreg:s7], $0x5FFFF  }
0xac: {  	[dreg:$0x1] =	wrdreg $0xFFFFFFFF  }
0xad: {  	[dreg:$0x0] =	wrdreg $0x60  }
0xae: {  	[dreg:$0x2] =	wrdreg s24  }
0xaf: {  	[dreg:$0x3] =	wrdreg s2  }
0xb0: {  	[dreg:$0x4] =	wrdreg $0x51000  }
0xb1: {  	[dreg:$0x5] =	wrdreg $0x53800  }
0xb2: {  	[dreg:$0x6] =	wrdreg $0x9  }
0xb3: {  	_ =	task.clear_ibuf [dreg:s7], $0x7FFFF;
	_ =	strace $0x90000046  }
0xb4: {  	s29 =	simm.s32 $0x9;
	_ =	strace $0x80000048  }
0xb5: {  	_ =	swait.ge [sflag:s29], $0x1  }
0xb6: {  	[sflag:s29] =	ssyncadd.s32 $0xFFFFFFFF  }
0xb7: {  	_ =	strace $0x90000048  }
0xb8: {  	_ =	sfence  }
0xb9: {  	s30 =	sld [smem:$0x0];
	_ =	sdelay $0x2  }
0xba: {  	s31 =	sshll.u32 s1, $0xD;
	s1 =	sshrl.u32 s1, $0x2  }
0xbb: {  	s3 =	sand.u32 $0x4000, s31;
	s1 =	sadd.s32 s1, s30  }
0xbc: {  	s0 =	sor.u32 s3, s0;
	s1 =	sshll.u32 s1, $0x11  }
0xbd: {  	s0 =	sor.u32 s1, s0  }
0xbe: {  	s0 =	sadd.s32 $0x8F2B, s0  }
0xbf: {  	[sflag:s0] =	ssyncadd.remote.s32 $0x1  }
0xc0: {  	_ =	sfence.sel $0xFFFF  }
0xc1: {  	[dreg:$0x0] =	wrdreg $0xFFFFFFFF;
	(pc) =	sbr.abs _section_cstart, $3  }
0xc2: {  	[dreg:$0x1] =	wrdreg $0xFFFFFFFF  }
0xc3: {  	_ =	task.clear_ibuf [dreg:s7], $0x2FFFF;
	_ =	strace $0x9FFFFFFF  }
0xc4: {  	(tm) =	ssettm $0x7FFFFFFF  }
0xc5: {  	_ =	shalt  }
tec
execute0_lowered:
.L_overlay_start_1:
0x0: {  	(tag) =	ssettag $0x1  }
0x1: {  	s0 =	rddreg [dreg:$0x0]  }
0x2: {  	s5 =	rddreg [dreg:$0x1]  }
0x3: {  	s1 =	srdreg.scid;
	s2 =	rddreg [dreg:$0x2]  }
0x4: {  	s11 =	stileid.u32;
	s3 =	rddreg [dreg:$0x3]  }
0x5: {  	s28 =	simm.s32 $0x1;
	s29 =	simm.s32 $0x80;
	s8 =	smul.u32 $0x500, s11  }
0x6: {  	s30 =	simm.s32 $0x20;
	s1 =	sand.u32 $0x1, s1;
	s10 =	smul.u32 $0x280, s11  }
0x7: {  	s31 =	simm.s32 $0x10;
	s4 =	sshll.u32 s1, $0x4;
	s7 =	smul.u32 $0x5000, s1  }
0x8: {  	s21 =	ssub.s32 $0x2, s1;
	s6 =	sor.u32 s11, s4;
	s4 =	simm.s32 $0x0  }
0x9: {  	s1 =	sshrl.u32 s21, $0x1;
	s11 =	smul.u32 $0xA00, s11;
	s24 =	sadd.s32 s10, s2  }
0xa: {  	s6 =	smul.u32 $0x500, s6;
	[smem:$0x7FF] =	sst s4;
	s22 =	sadd.s32 s8, s7  }
0xb: {  	s24 =	sshrl.u32 s24, $0x3;
	_ =	strace $0x80000047;
	s23 =	sshrl.u32 s22, $0x3  }
0xc: {  	s25 =	sshrl.u32 s11, $0x2;
	s22 =	simm.s32 $0x5080;
	s9 =	sadd.s32 s6, s0  }
0xd: {  	s0 =	sadd.s32 $0x2AA00, s0;
	s8 =	sadd.s32 s5, s23;
	s26 =	sadd.s32 $0x80, s25  }
0xe: {  	s11 =	sadd.s32 s25, s2;
	s18 =	sadd.s32 $0x100, s25;
	s19 =	sadd.s32 $0x180, s25  }
0xf: {  	s20 =	sadd.s32 $0x200, s25;
	s16 =	sadd.s32 s25, s3;
	s23 =	simm.s32 $0x2  }
0x10: {  	[dreg:$0x5] =	wrdreg s0;
	s0 =	ssub.s32 s21, s1;
	s6 =	sadd.s32 $0x2A00, s9  }
0x11: {  	s7 =	sadd.s32 $0x16A00, s9;
	s9 =	sadd.s32 $0x10, s8;
	s21 =	sadd.s32 s10, s3  }
0x12: {  	s12 =	sadd.s32 s26, s2;
	s13 =	sadd.s32 s18, s2;
	s14 =	sadd.s32 s19, s2  }
0x13: {  	s15 =	sadd.s32 s20, s2;
	s17 =	sadd.s32 s26, s3;
	s18 =	sadd.s32 s18, s3  }
0x14: {  	s19 =	sadd.s32 s19, s3;
	s20 =	sadd.s32 s20, s3;
	s26 =	simm.s32 $0x5000  }
0x15: {  	v0 =	vimm.f32 $0.0e+00;
	s1 =	simm.s32 $0x0;
	s10 =	smax.u32 s0, $0x1;
	s25 =	sshrl.u32 s21, $0x3  }
.LBB2_1:
0x16: {  	[tilespmem:s4], [sflag:$0x1] =	stream.linear.gather [hbm4b:s6+s4], $0x2800, $0x38;
	[tilespmem:$0x5600] =	vst v63  }
0x17: {  	s0 =	simm.s32 $0x2800  }
0x18: {  	[tilespmem:s0], [sflag:$0x1] =	stream.linear.gather [hbm4b:s7+s4], $0x2800, $0x38;
	[tilespmem:$0x5600] =	vst v63  }
0x19: {  	[tilespmem:$0x5080] =	vst v0  }
0x1a: {  	[tilespmem:$0x5090] =	vst v0  }
0x1b: {  	[tilespmem:$0x50A0] =	vst v0  }
0x1c: {  	[tilespmem:$0x50B0] =	vst v0  }
0x1d: {  	[tilespmem:$0x50C0] =	vst v0  }
0x1e: {  	[tilespmem:$0x50D0] =	vst v0  }
0x1f: {  	[tilespmem:$0x50E0] =	vst v0  }
0x20: {  	[tilespmem:$0x50F0] =	vst v0  }
0x21: {  	[spmem:s11] =	stream.linear.scatter [tilespmem:s22], [sflag:$0x2], $0x80, $0x38;
	[tilespmem:$0x5600] =	vst v63  }
0x22: {  	_ =	swait.ge [sflag:s23], $0x80  }
0x23: {  	[sflag:s23] =	ssyncset.done $0x0  }
0x24: {  	[sflag:s23] =	ssyncadd.s32 $0xFFFFFF80  }
0x25: {  	[spmem:s12] =	stream.linear.scatter [tilespmem:s22], [sflag:$0x2], $0x80, $0x38;
	[tilespmem:$0x5600] =	vst v63  }
0x26: {  	_ =	swait.ge [sflag:s23], $0x80  }
0x27: {  	[sflag:s23] =	ssyncset.done $0x0  }
0x28: {  	[sflag:s23] =	ssyncadd.s32 $0xFFFFFF80  }
0x29: {  	[spmem:s13] =	stream.linear.scatter [tilespmem:s22], [sflag:$0x2], $0x80, $0x38;
	[tilespmem:$0x5600] =	vst v63  }
0x2a: {  	_ =	swait.ge [sflag:s23], $0x80  }
0x2b: {  	[sflag:s23] =	ssyncset.done $0x0  }
0x2c: {  	[sflag:s23] =	ssyncadd.s32 $0xFFFFFF80  }
0x2d: {  	[spmem:s14] =	stream.linear.scatter [tilespmem:s22], [sflag:$0x2], $0x80, $0x38;
	[tilespmem:$0x5600] =	vst v63  }
0x2e: {  	_ =	swait.ge [sflag:s23], $0x80  }
0x2f: {  	[sflag:s23] =	ssyncset.done $0x0  }
0x30: {  	[sflag:s23] =	ssyncadd.s32 $0xFFFFFF80  }
0x31: {  	[spmem:s15] =	stream.linear.scatter [tilespmem:s22], [sflag:$0x2], $0x80, $0x38;
	[tilespmem:$0x5600] =	vst v63  }
0x32: {  	_ =	swait.ge [sflag:s23], $0x80  }
0x33: {  	[sflag:s23] =	ssyncset.done $0x0  }
0x34: {  	[sflag:s23] =	ssyncadd.s32 $0xFFFFFF80  }
0x35: {  	[spmem:s16] =	stream.linear.scatter [tilespmem:s22], [sflag:$0x2], $0x80, $0x38;
	[tilespmem:$0x5600] =	vst v63  }
0x36: {  	_ =	swait.ge [sflag:s23], $0x80  }
0x37: {  	[sflag:s23] =	ssyncset.done $0x0  }
0x38: {  	[sflag:s23] =	ssyncadd.s32 $0xFFFFFF80  }
0x39: {  	[spmem:s17] =	stream.linear.scatter [tilespmem:s22], [sflag:$0x2], $0x80, $0x38;
	[tilespmem:$0x5600] =	vst v63  }
0x3a: {  	_ =	swait.ge [sflag:s23], $0x80  }
0x3b: {  	[sflag:s23] =	ssyncset.done $0x0  }
0x3c: {  	[sflag:s23] =	ssyncadd.s32 $0xFFFFFF80  }
0x3d: {  	[spmem:s18] =	stream.linear.scatter [tilespmem:s22], [sflag:$0x2], $0x80, $0x38;
	[tilespmem:$0x5600] =	vst v63  }
0x3e: {  	_ =	swait.ge [sflag:s23], $0x80  }
0x3f: {  	[sflag:s23] =	ssyncset.done $0x0  }
0x40: {  	[sflag:s23] =	ssyncadd.s32 $0xFFFFFF80  }
0x41: {  	[spmem:s19] =	stream.linear.scatter [tilespmem:s22], [sflag:$0x2], $0x80, $0x38;
	[tilespmem:$0x5600] =	vst v63  }
0x42: {  	_ =	swait.ge [sflag:s23], $0x80  }
0x43: {  	[sflag:s23] =	ssyncset.done $0x0  }
0x44: {  	[sflag:s23] =	ssyncadd.s32 $0xFFFFFF80  }
0x45: {  	[spmem:s20] =	stream.linear.scatter [tilespmem:s22], [sflag:$0x2], $0x80, $0x38;
	[tilespmem:$0x5600] =	vst v63  }
0x46: {  	_ =	swait.ge [sflag:s23], $0x80  }
0x47: {  	[sflag:s23] =	ssyncset.done $0x0  }
0x48: {  	s21 =	rddreg [dreg:$0x5];
	[sflag:s23] =	ssyncadd.s32 $0xFFFFFF80  }
0x49: {  	[tilespmem:s26], [sflag:$0x2] =	stream.linear.gather [hbm4b:s21+s4], $0x80, $0x38;
	[tilespmem:$0x5600] =	vst v63  }
0x4a: {  	_ =	swait.ge [sflag:s23], $0x80  }
0x4b: {  	[sflag:s23] =	ssyncset.done $0x0  }
0x4c: {  	[sflag:s23] =	ssyncadd.s32 $0xFFFFFF80  }
0x4d: {  	_ =	swait.ge [sflag:s28], $0x2800  }
0x4e: {  	[sflag:s28] =	ssyncset.done $0x0  }
0x4f: {  	[sflag:s28] =	ssyncadd.s32 $0xFFFFD800  }
0x50: {  	_ =	swait.ge [sflag:s28], $0x2800  }
0x51: {  	[sflag:s28] =	ssyncset.done $0x0  }
0x52: {  	p0 =	por $0x1, $0x1;
	[sflag:s28] =	ssyncadd.s32 $0xFFFFD800  }
0x53: {  	s5 =	simm.s32 @!p0 $0x1;
	[bflag:$0x0] =	sbarrier.arrive $0xFFFF  }
0x54: {  	[spmem:s2] =	stream.indirect.scatter.add.f32 [tilespmem:s26], [sflag:$0x1], $0x1, s4, s29, $0xb8;
	[tilespmem:$0x5600] =	vst v63  }
0x55: {  	_ =	swait.ge @!p0 [sflag:s5], $0x80  }
0x56: {  	s0 =	simm.s32 $0x1;
	s21 =	simm.s32 $0x0;
	[sflag:s5] =	ssyncset.done @!p0 $0x0  }
.LBB2_2:
0x57: {  	[sflag:s5] =	ssyncadd.s32 @!p0 $0xFFFFFF80  }
0x58: {  	s21 =	sadd.s32 $0x80, s21;
	s5 =	smov.u32 s0;
	s0 =	sadd.s32 $0x1, s0  }
0x59: {  	p1 =	sne.s32 s0, $0x50  }
0x5a: {  	[spmem:s2] =	stream.indirect.scatter.add.f32 [tilespmem:s26], [sflag:$0x1], $0x1, s21, s29, $0xb8;
	[tilespmem:$0x5600] =	vst v63  }
.Ltmp0:
0x5b: {  	_ = 	snop;
	(pc) =	sbr.rel @p1 .LBB2_2-.Ltmp0, $4  }
0x5c: {  	p0 =	slt.u32 s5, $0x10  }
0x5d: {  	s5 =	simm.s32 @!p0 $0x1  }
0x5e: {  	_ =	swait.ge @!p0 [sflag:s5], $0x80  }
0x5f: {  	[sflag:s5] =	ssyncset.done @!p0 $0x0  }
0x60: {  	[sflag:s5] =	ssyncadd.s32 @!p0 $0xFFFFFF80  }
0x61: {  	_ =	swait.ge [sflag:s28], $0x80  }
0x62: {  	[sflag:s28] =	ssyncset.done $0x0  }
0x63: {  	[sflag:s28] =	ssyncadd.s32 $0xFFFFFF80  }
0x64: {  	_ =	swait.ge [sflag:s28], $0x80  }
0x65: {  	[sflag:s28] =	ssyncset.done $0x0  }
0x66: {  	[sflag:s28] =	ssyncadd.s32 $0xFFFFFF80  }
0x67: {  	_ =	swait.ge [sflag:s28], $0x80  }
0x68: {  	[sflag:s28] =	ssyncset.done $0x0  }
0x69: {  	[sflag:s28] =	ssyncadd.s32 $0xFFFFFF80  }
0x6a: {  	_ =	swait.ge [sflag:s28], $0x80  }
0x6b: {  	[sflag:s28] =	ssyncset.done $0x0  }
0x6c: {  	[sflag:s28] =	ssyncadd.s32 $0xFFFFFF80  }
0x6d: {  	_ =	swait.ge [sflag:s28], $0x80  }
0x6e: {  	[sflag:s28] =	ssyncset.done $0x0  }
0x6f: {  	[sflag:s28] =	ssyncadd.s32 $0xFFFFFF80  }
0x70: {  	_ =	swait.ge [sflag:s28], $0x80  }
0x71: {  	[sflag:s28] =	ssyncset.done $0x0  }
0x72: {  	[sflag:s28] =	ssyncadd.s32 $0xFFFFFF80  }
0x73: {  	_ =	swait.ge [sflag:s28], $0x80  }
0x74: {  	[sflag:s28] =	ssyncset.done $0x0  }
0x75: {  	[sflag:s28] =	ssyncadd.s32 $0xFFFFFF80  }
0x76: {  	_ =	swait.ge [sflag:s28], $0x80  }
0x77: {  	[sflag:s28] =	ssyncset.done $0x0  }
0x78: {  	[sflag:s28] =	ssyncadd.s32 $0xFFFFFF80  }
0x79: {  	_ =	swait.ge [sflag:s28], $0x80  }
0x7a: {  	[sflag:s28] =	ssyncset.done $0x0  }
0x7b: {  	[sflag:s28] =	ssyncadd.s32 $0xFFFFFF80  }
0x7c: {  	_ =	swait.ge [sflag:s28], $0x80  }
0x7d: {  	[sflag:s28] =	ssyncset.done $0x0  }
0x7e: {  	[sflag:s28] =	ssyncadd.s32 $0xFFFFFF80  }
0x7f: {  	_ =	swait.ge [sflag:s28], $0x80  }
0x80: {  	[sflag:s28] =	ssyncset.done $0x0  }
0x81: {  	[sflag:s28] =	ssyncadd.s32 $0xFFFFFF80  }
0x82: {  	_ =	swait.ge [sflag:s28], $0x80  }
0x83: {  	[sflag:s28] =	ssyncset.done $0x0  }
0x84: {  	[sflag:s28] =	ssyncadd.s32 $0xFFFFFF80  }
0x85: {  	_ =	swait.ge [sflag:s28], $0x80  }
0x86: {  	[sflag:s28] =	ssyncset.done $0x0  }
0x87: {  	[sflag:s28] =	ssyncadd.s32 $0xFFFFFF80  }
0x88: {  	_ =	swait.ge [sflag:s28], $0x80  }
0x89: {  	[sflag:s28] =	ssyncset.done $0x0  }
0x8a: {  	[sflag:s28] =	ssyncadd.s32 $0xFFFFFF80  }
0x8b: {  	_ =	swait.ge [sflag:s28], $0x80  }
0x8c: {  	[sflag:s28] =	ssyncset.done $0x0  }
0x8d: {  	[sflag:s28] =	ssyncadd.s32 $0xFFFFFF80  }
0x8e: {  	_ =	swait.ge [sflag:s28], $0x80  }
0x8f: {  	p0 =	por $0x1, $0x1;
	[sflag:s28] =	ssyncset.done $0x0  }
0x90: {  	s0 =	simm.s32 $0x2800;
	s5 =	simm.s32 @!p0 $0x1;
	[sflag:s28] =	ssyncadd.s32 $0xFFFFFF80  }
0x91: {  	[spmem:s3] =	stream.indirect.scatter.add.f32 [tilespmem:s26], [sflag:$0x1], $0x1, s0, s29, $0xb8;
	[tilespmem:$0x5600] =	vst v63  }
0x92: {  	_ =	swait.ge @!p0 [sflag:s5], $0x80  }
0x93: {  	s21 =	simm.s32 $0x1;
	[sflag:s5] =	ssyncset.done @!p0 $0x0  }
.LBB2_4:
0x94: {  	[sflag:s5] =	ssyncadd.s32 @!p0 $0xFFFFFF80  }
0x95: {  	s0 =	sadd.s32 $0x80, s0;
	s5 =	smov.u32 s21;
	s21 =	sadd.s32 $0x1, s21  }
0x96: {  	p1 =	sne.s32 s21, $0x50  }
0x97: {  	[spmem:s3] =	stream.indirect.scatter.add.f32 [tilespmem:s26], [sflag:$0x1], $0x1, s0, s29, $0xb8;
	[tilespmem:$0x5600] =	vst v63  }
.Ltmp1:
0x98: {  	_ = 	snop;
	(pc) =	sbr.rel @p1 .LBB2_4-.Ltmp1, $4  }
0x99: {  	p0 =	slt.u32 s5, $0x10  }
0x9a: {  	s5 =	simm.s32 @!p0 $0x1  }
0x9b: {  	_ =	swait.ge @!p0 [sflag:s5], $0x80  }
0x9c: {  	[sflag:s5] =	ssyncset.done @!p0 $0x0  }
0x9d: {  	[sflag:s5] =	ssyncadd.s32 @!p0 $0xFFFFFF80  }
0x9e: {  	_ =	swait.ge [sflag:s28], $0x80  }
0x9f: {  	[sflag:s28] =	ssyncset.done $0x0  }
0xa0: {  	[sflag:s28] =	ssyncadd.s32 $0xFFFFFF80  }
0xa1: {  	_ =	swait.ge [sflag:s28], $0x80  }
0xa2: {  	[sflag:s28] =	ssyncset.done $0x0  }
0xa3: {  	[sflag:s28] =	ssyncadd.s32 $0xFFFFFF80  }
0xa4: {  	_ =	swait.ge [sflag:s28], $0x80  }
0xa5: {  	[sflag:s28] =	ssyncset.done $0x0  }
0xa6: {  	[sflag:s28] =	ssyncadd.s32 $0xFFFFFF80  }
0xa7: {  	_ =	swait.ge [sflag:s28], $0x80  }
0xa8: {  	[sflag:s28] =	ssyncset.done $0x0  }
0xa9: {  	[sflag:s28] =	ssyncadd.s32 $0xFFFFFF80  }
0xaa: {  	_ =	swait.ge [sflag:s28], $0x80  }
0xab: {  	[sflag:s28] =	ssyncset.done $0x0  }
0xac: {  	[sflag:s28] =	ssyncadd.s32 $0xFFFFFF80  }
0xad: {  	_ =	swait.ge [sflag:s28], $0x80  }
0xae: {  	[sflag:s28] =	ssyncset.done $0x0  }
0xaf: {  	[sflag:s28] =	ssyncadd.s32 $0xFFFFFF80  }
0xb0: {  	_ =	swait.ge [sflag:s28], $0x80  }
0xb1: {  	[sflag:s28] =	ssyncset.done $0x0  }
0xb2: {  	[sflag:s28] =	ssyncadd.s32 $0xFFFFFF80  }
0xb3: {  	_ =	swait.ge [sflag:s28], $0x80  }
0xb4: {  	[sflag:s28] =	ssyncset.done $0x0  }
0xb5: {  	[sflag:s28] =	ssyncadd.s32 $0xFFFFFF80  }
0xb6: {  	_ =	swait.ge [sflag:s28], $0x80  }
0xb7: {  	[sflag:s28] =	ssyncset.done $0x0  }
0xb8: {  	[sflag:s28] =	ssyncadd.s32 $0xFFFFFF80  }
0xb9: {  	_ =	swait.ge [sflag:s28], $0x80  }
0xba: {  	[sflag:s28] =	ssyncset.done $0x0  }
0xbb: {  	[sflag:s28] =	ssyncadd.s32 $0xFFFFFF80  }
0xbc: {  	_ =	swait.ge [sflag:s28], $0x80  }
0xbd: {  	[sflag:s28] =	ssyncset.done $0x0  }
0xbe: {  	[sflag:s28] =	ssyncadd.s32 $0xFFFFFF80  }
0xbf: {  	_ =	swait.ge [sflag:s28], $0x80  }
0xc0: {  	[sflag:s28] =	ssyncset.done $0x0  }
0xc1: {  	[sflag:s28] =	ssyncadd.s32 $0xFFFFFF80  }
0xc2: {  	_ =	swait.ge [sflag:s28], $0x80  }
0xc3: {  	[sflag:s28] =	ssyncset.done $0x0  }
0xc4: {  	[sflag:s28] =	ssyncadd.s32 $0xFFFFFF80  }
0xc5: {  	_ =	swait.ge [sflag:s28], $0x80  }
0xc6: {  	[sflag:s28] =	ssyncset.done $0x0  }
0xc7: {  	[sflag:s28] =	ssyncadd.s32 $0xFFFFFF80  }
0xc8: {  	_ =	swait.ge [sflag:s28], $0x80  }
0xc9: {  	[sflag:s28] =	ssyncset.done $0x0  }
0xca: {  	[sflag:s28] =	ssyncadd.s32 $0xFFFFFF80  }
0xcb: {  	_ =	swait.ge [sflag:s28], $0x80  }
0xcc: {  	s0 =	stileid.u32;
	[sflag:s28] =	ssyncset.done $0x0  }
0xcd: {  	s0 =	sshll.u32 s0, $0x6;
	[sflag:s28] =	ssyncadd.s32 $0xFFFFFF80  }
0xce: {  	s0 =	sor.u32 $0x1C02, s0;
	[bflag:$0x0] =	sbarrier.arrive $0xFFFF  }
0xcf: {  	[hbm:s8@s30], [sflag:s0] =	dma.strided [spmem:s24@s31], $0x50, s28, $0x10   }
0xd0: {  	s1 =	sadd.s32 $0x1, s1;
	_ =	swait.ge [sflag:s23], $0x50  }
0xd1: {  	p0 =	sne.s32 s1, s10;
	[sflag:s23] =	ssyncset.done $0x0  }
.Ltmp2:
0xd2: {  	[sflag:s23] =	ssyncadd.s32 $0xFFFFFFB0;
	(pc) =	sbr.rel @p0 .LBB2_1-.Ltmp2, $4  }
0xd3: {  	[hbm:s9@s30], [sflag:s0] =	dma.strided [spmem:s25@s31], $0x50, s28, $0x10   }
0xd4: {  	_ =	swait.ge [sflag:s23], $0x50  }
0xd5: {  	[sflag:s23] =	ssyncset.done $0x0  }
0xd6: {  	[sflag:s23] =	ssyncadd.s32 $0xFFFFFFB0  }
0xd7: {  	_ =	sfence.sel $0x180000  }
0xd8: {  	[bflag:$0x0] =	sbarrier.arrive $0xFFFF  }
0xd9: {  	_ =	strace $0x90000047  }
0xda: {  	s0 =	stileid.u32;
	[bflag:$0x2] =	sbarrier.arrive $0xFFFF  }
0xdb: {  	p0 =	sne.s32 s0, $0x0;
	s0 =	rddreg [dreg:$0x4]  }
0xdc: {  	s0 =	sadd.s32 @!p0 $0x100000, s0  }
0xdd: {  	[sflag:s0] =	ssyncadd.tile.s32 @!p0 $0x1;
	_ =	shalt  }
.Lfunc_end2:
_tile_overlayer_lowered:
.L_overlay_start_2:
0xde: {  	(tag) =	ssettag $0x2  }
0xdf: {  	s0 =	rddreg [dreg:$0x0];
	s2 =	stileid.u32  }
0xe0: {  	s1 =	rddreg [dreg:$0x1];
	p0 =	sne.s32 s2, $0x0  }
0xe1: {  	s3 =	rddreg [dreg:$0x2];
	[bflag:$0x3] =	sbarrier.arrive $0xFFFF;
	s2 =	simm.s32 @!p0 $0x1C02  }
0xe2: {  	[timem:s3], [sflag:s2] =	dma.local @!p0 [hbm:s0], s1  }
0xe3: {  	s0 =	simm.s32 @!p0 $0x2  }
0xe4: {  	_ =	swait.ge @!p0 [sflag:s0], s1  }
0xe5: {  	s1 =	ssub.s32 @!p0 $0x0, s1;
	[sflag:s0] =	ssyncset.done @!p0 $0x0  }
0xe6: {  	[sflag:s0] =	ssyncadd.s32 @!p0 s1  }
0xe7: {  	[bflag:$0x3] =	sbarrier.arrive $0xFFFF  }
0xe8: {  	_ =	shalt  }

</sc_bundles>
